<compile_context>
chip_gen: v7x
topology: tpu7x:2x2x1
jax: 0.10.2.dev20260603
libtpu: 0.0.44.dev20260713+nightly
codegen_flags: <defaults>
</compile_context>

<pallas_src>
import functools

import jax
import jax.numpy as jnp
from jax import lax
from jax.experimental import pallas as pl
from jax.experimental.pallas import tpu as pltpu
from jax.experimental.pallas import tpu_sc as plsc

_CONF = 0.01
_NMS_THR = 0.5
_TOP_K = 10
_LEN_THR = 3.0
_LO, _HI = 0.0, 416.0

_B = 16
_N = 20000
_CH = 4000
_NCH = _N // _CH
_CAP = _N + 32
_QUADS = _CH // 64
_REM_GROUPS = (_CH - _QUADS * 64) // 16


def _vf(x):
    return jnp.full((16,), x, jnp.float32)


def _vi(x):
    return jnp.full((16,), x, jnp.int32)


def _nms_body(s_hbm, reg_hbm, box_hbm, out_hbm,
              bs0, brg0, bbx0, bs1, brg1, bbx1,
              cs, c1, c2, det, sem0, sem1):
    sid = lax.axis_index("s")
    b = sid

    bufs = ((bs0, brg0, bbx0), (bs1, brg1, bbx1))
    sems = (sem0, sem1)

    lanes = lax.iota(jnp.int32, 16)
    lanes2 = lanes * _vi(2)
    lanes2p1 = lanes2 + _vi(1)
    neg1 = _vf(-1.0)
    det[pl.ds(0, 16)] = neg1
    det[pl.ds(16, 16)] = neg1

    def issue(ch, slot):
        off = b * _N + ch * _CH
        return [
            pltpu.async_copy(s_hbm.at[pl.ds(off, _CH)], bufs[slot][0],
                             sems[slot]),
            pltpu.async_copy(reg_hbm.at[pl.ds(2 * off, 2 * _CH)],
                             bufs[slot][1], sems[slot]),
            pltpu.async_copy(box_hbm.at[pl.ds(2 * off, 2 * _CH)],
                             bufs[slot][2], sems[slot]),
        ]

    def groups_body(bufset, base, cntm1, n):
        bsb, brgb, bbxb = bufset
        svs = [bsb[pl.ds(base + u * 16, 16)] for u in range(n)]
        idx0s = [_vi(2 * base + 32 * u) + lanes2 for u in range(n)]
        idx1s = [_vi(2 * base + 32 * u) + lanes2p1 for u in range(n)]
        dxs = [plsc.load_gather(brgb, [i0]) for i0 in idx0s]
        dws = [plsc.load_gather(brgb, [i1]) for i1 in idx1s]
        p1s = [plsc.load_gather(bbxb, [i0]) for i0 in idx0s]
        p2s = [plsc.load_gather(bbxb, [i1]) for i1 in idx1s]
        es = [jnp.exp(dw) for dw in dws]
        ws = [p2 - p1 for p1, p2 in zip(p1s, p2s)]
        ctrs = [p1 + _vf(0.5) * w for p1, w in zip(p1s, ws)]
        pcs = [ctr + dx * w for ctr, dx, w in zip(ctrs, dxs, ws)]
        hws = [_vf(0.5) * (e * w) for e, w in zip(es, ws)]
        x1s = [jnp.minimum(jnp.maximum(pc - hw, _vf(_LO)), _vf(_HI))
               for pc, hw in zip(pcs, hws)]
        x2s = [jnp.minimum(jnp.maximum(pc + hw, _vf(_LO)), _vf(_HI))
               for pc, hw in zip(pcs, hws)]
        ms = [(sv > _vf(_CONF)) & ((x2 - x1) > _vf(_LEN_THR))
              for sv, x1, x2 in zip(svs, x1s, x2s)]
        csums = [plsc.cumsum(m.astype(jnp.int32)) for m in ms]
        pops = [plsc.all_reduce_population_count(m) for m in ms]
        cnts = [cntm1]
        for u in range(n - 1):
            cnts.append(cnts[u] + pops[u])
        idxs = [cnts[u] + csums[u] for u in range(n)]
        for u in range(n):
            plsc.store_scatter(cs, [idxs[u]], svs[u], mask=ms[u])
            plsc.store_scatter(c1, [idxs[u]], x1s[u], mask=ms[u])
            plsc.store_scatter(c2, [idxs[u]], x2s[u], mask=ms[u])
        return cnts[n - 1] + pops[n - 1]

    cntm1 = _vi(-1)
    descs = issue(0, 0)
    for ch in range(_NCH):
        slot = ch % 2
        nxt = issue(ch + 1, 1 - slot) if ch + 1 < _NCH else None
        for d in descs:
            d.wait()
        bufset = bufs[slot]

        def quad(q, cntm1, bufset=bufset):
            return groups_body(bufset, q * 64, cntm1, 4)

        cntm1 = lax.fori_loop(0, _QUADS, quad, cntm1)
        for u in range(_REM_GROUPS):
            cntm1 = groups_body(bufset, _QUADS * 64 + u * 16, cntm1, 1)
        descs = nxt

    cnt = jnp.max(cntm1) + 1
    plsc.store_scatter(cs, [_vi(cnt) + lanes], neg1)
    nsteps = (cnt + 15) // 16

    def pick(t, carry):
        kprev, x1p, x2p = carry
        kpv = _vi(kprev)
        x1pv = _vf(x1p)
        x2pv = _vf(x2p)
        lpv = x2pv - x1pv

        def fused(j, st):
            bv, bi = st
            sl = pl.ds(j * 16, 16)
            sv = cs[sl]
            a1 = c1[sl]
            a2 = c2[sl]
            inter = jnp.maximum(
                jnp.minimum(x2pv, a2) - jnp.maximum(x1pv, a1), _vf(0.0))
            union = lpv + (a2 - a1) - inter
            iou = inter / jnp.maximum(union, _vf(1e-12))
            iv = _vi(j * 16) + lanes
            kill = (iou > _vf(_NMS_THR)) | (iv == kpv)
            sv = jnp.where(kill, neg1, sv)
            cs[sl] = sv
            upd = sv > bv
            return jnp.where(upd, sv, bv), jnp.where(upd, iv, bi)

        bv, bi = lax.fori_loop(0, nsteps, fused, (neg1, _vi(0)))
        mx = jnp.max(bv)
        cand = jnp.where(bv == _vf(mx), bi, _vi(2 ** 30))
        k = jnp.min(cand)

        def emit():
            kv = _vi(k)
            x1kv = plsc.load_gather(c1, [kv])
            x2kv = plsc.load_gather(c2, [kv])
            skv = plsc.load_gather(cs, [kv])
            val = jnp.where(lanes == _vi(0), x1kv,
                            jnp.where(lanes == _vi(1), x2kv, skv))
            plsc.store_scatter(det, [_vi(3 * t) + lanes], val,
                               mask=lanes < _vi(3))
            return k, jnp.max(x1kv), jnp.max(x2kv)

        def skip():
            return jnp.int32(-1), jnp.float32(0.0), jnp.float32(0.0)

        return lax.cond(mx > 0.0, emit, skip)

    lax.fori_loop(0, _TOP_K, pick,
                  (jnp.int32(-1), jnp.float32(0.0), jnp.float32(0.0)))
    pltpu.sync_copy(det, out_hbm.at[pl.ds(b * 32, 32)])


_sc_nms = functools.partial(
    pl.kernel,
    out_type=jax.ShapeDtypeStruct((_B * 32,), jnp.float32),
    mesh=plsc.VectorSubcoreMesh(core_axis_name="c", subcore_axis_name="s",
                                num_cores=1, num_subcores=16),
    scratch_types=[
        pltpu.VMEM((_CH,), jnp.float32),
        pltpu.VMEM((2 * _CH,), jnp.float32),
        pltpu.VMEM((2 * _CH,), jnp.float32),
        pltpu.VMEM((_CH,), jnp.float32),
        pltpu.VMEM((2 * _CH,), jnp.float32),
        pltpu.VMEM((2 * _CH,), jnp.float32),
        pltpu.VMEM((_CAP,), jnp.float32),
        pltpu.VMEM((_CAP,), jnp.float32),
        pltpu.VMEM((_CAP,), jnp.float32),
        pltpu.VMEM((32,), jnp.float32),
        pltpu.SemaphoreType.DMA,
        pltpu.SemaphoreType.DMA,
    ],
    compiler_params=pltpu.CompilerParams(needs_layout_passes=False),
)(_nms_body)


@jax.jit
def kernel(clf_proba, reg_preds_all, all_proposal_boxes, device):
    del device
    scores = clf_proba.reshape(-1)
    reg = reg_preds_all.reshape(-1)
    box = all_proposal_boxes.reshape(-1)
    out = _sc_nms(scores, reg, box)
    return out.reshape(_B, 32)[:, :_TOP_K * 3].reshape(_B, _TOP_K, 3)

# --- scband reference (transcript-rebuilt; emitter-appended) ---
"""Pipeline reference for scband-detection1-d-87376814670262 (READ-ONLY COPY).

The authoritative reference and input builder live on the scoring server;
editing this copy changes nothing except your own understanding.
"""

import jax, jax.numpy as jnp
import numpy as np

CONF_THRESHOLD = 0.01
NMS_THRESHOLD = 0.5
TOP_K = 10
LENGTH_THRESH = 3.0
BOUND_LO, BOUND_HI = 0.0, 416.0


def _bbox_transform_1d(boxes, deltas):
    widths = boxes[..., 1] - boxes[..., 0]
    ctr = boxes[..., 0] + 0.5 * widths
    dx = deltas[..., 0]
    dw = deltas[..., 1]
    pred_ctr = ctr + dx * widths
    pred_w = jnp.exp(dw) * widths
    x1 = pred_ctr - 0.5 * pred_w
    x2 = pred_ctr + 0.5 * pred_w
    return jnp.stack([x1, x2], axis=-1)


def _nms_1d_np(boxes, scores, thr, top_k):
    # greedy 1D interval NMS, highest score first, keep at most top_k
    order = np.argsort(-scores, kind="stable")
    x1 = boxes[:, 0]
    x2 = boxes[:, 1]
    lengths = x2 - x1
    keep = []
    while order.size > 0 and len(keep) < top_k:
        i = int(order[0])
        keep.append(i)
        rest = order[1:]
        if rest.size == 0:
            break
        inter = np.clip(np.minimum(x2[i], x2[rest]) - np.maximum(x1[i], x1[rest]), 0.0, None)
        union = lengths[i] + lengths[rest] - inter
        iou = inter / np.maximum(union, 1e-12)
        order = rest[iou <= thr]
    return np.asarray(keep, dtype=np.int64), len(keep)


def setup_inputs(seed: int = 0):
    key = jax.random.key(seed)
    k1, k2, k3 = jax.random.split(key, 3)
    clf_proba = jax.random.uniform(k1, (16, 20000, 1), dtype=jnp.float32)
    reg_preds_all = jax.random.normal(k2, (16, 20000, 2), dtype=jnp.float32)
    all_proposal_boxes = jax.random.uniform(k3, (16, 20000, 2), dtype=jnp.float32)
    return {"clf_proba": clf_proba, "reg_preds_all": reg_preds_all,
            "all_proposal_boxes": all_proposal_boxes, "device": 0}


def reference(clf_proba, reg_preds_all, all_proposal_boxes, device):
    del device  # placement hint only; ignored in JAX
    pred_boxes = _bbox_transform_1d(all_proposal_boxes, reg_preds_all)
    pred_boxes = jnp.clip(pred_boxes, BOUND_LO, BOUND_HI)
    B, N, C = clf_proba.shape
    det = jnp.full((B, TOP_K, 3), -1.0, dtype=jnp.float32)
    idx = jnp.arange(N)
    for cl in range(C):
        for i in range(B):
            scores_all = clf_proba[i, :, cl]
            x1 = pred_boxes[i, :, 0]
            x2 = pred_boxes[i, :, 1]
            lengths = x2 - x1
            valid0 = (scores_all > CONF_THRESHOLD) & (lengths > LENGTH_THRESH)

            def body(c, state):
                valid, row = state
                has = jnp.any(valid)
                masked = jnp.where(valid, scores_all, -jnp.inf)
                k = jnp.argmax(masked)
                inter = jnp.maximum(jnp.minimum(x2[k], x2) - jnp.maximum(x1[k], x1), 0.0)
                union = lengths[k] + lengths - inter
                iou = inter / jnp.maximum(union, 1e-12)
                new_valid = valid & ~(iou > NMS_THRESHOLD) & (idx != k)
                new_valid = jnp.where(has, new_valid, valid)
                entry = jnp.stack([x1[k], x2[k], scores_all[k]])
                row = jnp.where(has, row.at[c].set(entry), row)
                return (new_valid, row)

            _, row = jax.lax.fori_loop(0, TOP_K, body, (valid0, det[i]))
            det = det.at[i].set(row)
    return det

if __name__ == "__main__":
    import jax
    _d = setup_inputs()
    print(jax.jit(kernel)(*tuple(_d.values())))

</pallas_src>

<mosaic_0001>
#map = affine_map<(d0, d1) -> (0)>
module attributes {stable_mosaic.version = 14 : i64} {
  func.func @_nms_body(%arg0: i32, %arg1: i32, %arg2: memref<320000xf32, #tpu.memory_space<hbm>>, %arg3: memref<640000xf32, #tpu.memory_space<hbm>>, %arg4: memref<640000xf32, #tpu.memory_space<hbm>>, %arg5: memref<512xf32, #tpu.memory_space<hbm>>, %arg6: memref<4000xf32, #tpu.memory_space<vmem>>, %arg7: memref<8000xf32, #tpu.memory_space<vmem>>, %arg8: memref<8000xf32, #tpu.memory_space<vmem>>, %arg9: memref<4000xf32, #tpu.memory_space<vmem>>, %arg10: memref<8000xf32, #tpu.memory_space<vmem>>, %arg11: memref<8000xf32, #tpu.memory_space<vmem>>, %arg12: memref<20032xf32, #tpu.memory_space<vmem>>, %arg13: memref<20032xf32, #tpu.memory_space<vmem>>, %arg14: memref<20032xf32, #tpu.memory_space<vmem>>, %arg15: memref<32xf32, #tpu.memory_space<vmem>>, %arg16: memref<!tpu.dma_semaphore, #tpu.memory_space<semaphore_mem>>, %arg17: memref<!tpu.dma_semaphore, #tpu.memory_space<semaphore_mem>>) attributes {dimension_semantics = [#tpu.dimension_semantics<core_parallel>, #tpu.dimension_semantics<subcore_parallel>], iteration_bounds = array<i64: 1, 16>, scalar_prefetch = 0 : i64, scratch_operands = 12 : i64, tpu.core_type = #tpu.core_type<sc_vector_subcore>, window_params = [{transform_indices = #map}, {transform_indices = #map}, {transform_indices = #map}, {transform_indices = #map}]} {
    %iota3A = tpu.iota {dimensions = array<i32: 0>} : vector<16xi32>
    %broadcast_in_dim3A = arith.constant 2 : i32
    %broadcast_in_dim3A_0 = vector.broadcast %broadcast_in_dim3A : i32 to vector<16xi32>
    %mul3A = arith.muli %iota3A, %broadcast_in_dim3A_0 : vector<16xi32>
    %broadcast_in_dim3A_1 = arith.constant 1 : i32
    %broadcast_in_dim3A_2 = vector.broadcast %broadcast_in_dim3A_1 : i32 to vector<16xi32>
    %add3A = arith.addi %mul3A, %broadcast_in_dim3A_2 : vector<16xi32>
    %broadcast_in_dim3A_3 = arith.constant -1.000000e+00 : f32
    %broadcast_in_dim3A_4 = vector.broadcast %broadcast_in_dim3A_3 : f32 to vector<16xf32>
    %swap3A = arith.constant 0 : index
    %swap3A_5 = tpu.vector_load %arg15[%swap3A] {strides = array<i32>} : memref<32xf32, #tpu.memory_space<vmem>>, vector<16xf32>,
    tpu.vector_store %arg15[%swap3A], %broadcast_in_dim3A_4 {strides = array<i32>} : memref<32xf32, #tpu.memory_space<vmem>>, vector<16xf32>,
    %swap3A_6 = arith.constant 16 : index
    %swap3A_7 = tpu.vector_load %arg15[%swap3A_6] {strides = array<i32>} : memref<32xf32, #tpu.memory_space<vmem>>, vector<16xf32>,
    tpu.vector_store %arg15[%swap3A_6], %broadcast_in_dim3A_4 {strides = array<i32>} : memref<32xf32, #tpu.memory_space<vmem>>, vector<16xf32>,
    %broadcast_in_dim3A_8 = arith.constant -1 : i32
    %broadcast_in_dim3A_9 = vector.broadcast %broadcast_in_dim3A_8 : i32 to vector<16xi32>
    %mul3A_10 = arith.constant 20000 : i32
    %mul3A_11 = arith.muli %arg1, %mul3A_10 : i32
    %add3A_12 = arith.constant 0 : i32
    %add3A_13 = arith.addi %mul3A_11, %add3A_12 : i32
    %dma_start3A = tpu.memref_slice %arg2[%add3A_13] : memref<320000xf32, #tpu.memory_space<hbm>> -> memref<4000xf32, #tpu.memory_space<hbm>>
    %dma_start3A_14 = tpu.memref_slice %arg2[%add3A_13] : memref<320000xf32, #tpu.memory_space<hbm>> -> memref<4000xf32, #tpu.memory_space<hbm>>
    tpu.enqueue_dma source(%dma_start3A_14 : memref<4000xf32, #tpu.memory_space<hbm>>) target(%arg6 : memref<4000xf32, #tpu.memory_space<vmem>>) target_semaphore(%arg16 : memref<!tpu.dma_semaphore, #tpu.memory_space<semaphore_mem>>)
    %mul3A_15 = arith.constant 2 : i32
    %mul3A_16 = arith.muli %mul3A_15, %add3A_13 : i32
    %dma_start3A_17 = tpu.memref_slice %arg3[%mul3A_16] : memref<640000xf32, #tpu.memory_space<hbm>> -> memref<8000xf32, #tpu.memory_space<hbm>>
    %dma_start3A_18 = tpu.memref_slice %arg3[%mul3A_16] : memref<640000xf32, #tpu.memory_space<hbm>> -> memref<8000xf32, #tpu.memory_space<hbm>>
    tpu.enqueue_dma source(%dma_start3A_18 : memref<8000xf32, #tpu.memory_space<hbm>>) target(%arg7 : memref<8000xf32, #tpu.memory_space<vmem>>) target_semaphore(%arg16 : memref<!tpu.dma_semaphore, #tpu.memory_space<semaphore_mem>>)
    %mul3A_19 = arith.constant 2 : i32
    %mul3A_20 = arith.muli %mul3A_19, %add3A_13 : i32
    %dma_start3A_21 = tpu.memref_slice %arg4[%mul3A_20] : memref<640000xf32, #tpu.memory_space<hbm>> -> memref<8000xf32, #tpu.memory_space<hbm>>
    %dma_start3A_22 = tpu.memref_slice %arg4[%mul3A_20] : memref<640000xf32, #tpu.memory_space<hbm>> -> memref<8000xf32, #tpu.memory_space<hbm>>
    tpu.enqueue_dma source(%dma_start3A_22 : memref<8000xf32, #tpu.memory_space<hbm>>) target(%arg8 : memref<8000xf32, #tpu.memory_space<vmem>>) target_semaphore(%arg16 : memref<!tpu.dma_semaphore, #tpu.memory_space<semaphore_mem>>)
    %mul3A_23 = arith.constant 20000 : i32
    %mul3A_24 = arith.muli %arg1, %mul3A_23 : i32
    %add3A_25 = arith.constant 4000 : i32
    %add3A_26 = arith.addi %mul3A_24, %add3A_25 : i32
    %dma_start3A_27 = tpu.memref_slice %arg2[%add3A_26] : memref<320000xf32, #tpu.memory_space<hbm>> -> memref<4000xf32, #tpu.memory_space<hbm>>
    %dma_start3A_28 = tpu.memref_slice %arg2[%add3A_26] : memref<320000xf32, #tpu.memory_space<hbm>> -> memref<4000xf32, #tpu.memory_space<hbm>>
    tpu.enqueue_dma source(%dma_start3A_28 : memref<4000xf32, #tpu.memory_space<hbm>>) target(%arg9 : memref<4000xf32, #tpu.memory_space<vmem>>) target_semaphore(%arg17 : memref<!tpu.dma_semaphore, #tpu.memory_space<semaphore_mem>>)
    %mul3A_29 = arith.constant 2 : i32
    %mul3A_30 = arith.muli %mul3A_29, %add3A_26 : i32
    %dma_start3A_31 = tpu.memref_slice %arg3[%mul3A_30] : memref<640000xf32, #tpu.memory_space<hbm>> -> memref<8000xf32, #tpu.memory_space<hbm>>
    %dma_start3A_32 = tpu.memref_slice %arg3[%mul3A_30] : memref<640000xf32, #tpu.memory_space<hbm>> -> memref<8000xf32, #tpu.memory_space<hbm>>
    tpu.enqueue_dma source(%dma_start3A_32 : memref<8000xf32, #tpu.memory_space<hbm>>) target(%arg10 : memref<8000xf32, #tpu.memory_space<vmem>>) target_semaphore(%arg17 : memref<!tpu.dma_semaphore, #tpu.memory_space<semaphore_mem>>)
    %mul3A_33 = arith.constant 2 : i32
    %mul3A_34 = arith.muli %mul3A_33, %add3A_26 : i32
    %dma_start3A_35 = tpu.memref_slice %arg4[%mul3A_34] : memref<640000xf32, #tpu.memory_space<hbm>> -> memref<8000xf32, #tpu.memory_space<hbm>>
    %dma_start3A_36 = tpu.memref_slice %arg4[%mul3A_34] : memref<640000xf32, #tpu.memory_space<hbm>> -> memref<8000xf32, #tpu.memory_space<hbm>>
    tpu.enqueue_dma source(%dma_start3A_36 : memref<8000xf32, #tpu.memory_space<hbm>>) target(%arg11 : memref<8000xf32, #tpu.memory_space<vmem>>) target_semaphore(%arg17 : memref<!tpu.dma_semaphore, #tpu.memory_space<semaphore_mem>>)
    %dma_wait3A = tpu.memref_slice %arg2[%add3A_13] : memref<320000xf32, #tpu.memory_space<hbm>> -> memref<4000xf32, #tpu.memory_space<hbm>>
    %dma_wait3A_37 = tpu.memref_slice %arg2[%add3A_13] : memref<320000xf32, #tpu.memory_space<hbm>> -> memref<4000xf32, #tpu.memory_space<hbm>>
    tpu.wait_dma2 semaphore(%arg16 : memref<!tpu.dma_semaphore, #tpu.memory_space<semaphore_mem>>) src(%dma_wait3A_37 : memref<4000xf32, #tpu.memory_space<hbm>>) dst(%arg6 : memref<4000xf32, #tpu.memory_space<vmem>>)
    %dma_wait3A_38 = tpu.memref_slice %arg3[%mul3A_16] : memref<640000xf32, #tpu.memory_space<hbm>> -> memref<8000xf32, #tpu.memory_space<hbm>>
    %dma_wait3A_39 = tpu.memref_slice %arg3[%mul3A_16] : memref<640000xf32, #tpu.memory_space<hbm>> -> memref<8000xf32, #tpu.memory_space<hbm>>
    tpu.wait_dma2 semaphore(%arg16 : memref<!tpu.dma_semaphore, #tpu.memory_space<semaphore_mem>>) src(%dma_wait3A_39 : memref<8000xf32, #tpu.memory_space<hbm>>) dst(%arg7 : memref<8000xf32, #tpu.memory_space<vmem>>)
    %dma_wait3A_40 = tpu.memref_slice %arg4[%mul3A_20] : memref<640000xf32, #tpu.memory_space<hbm>> -> memref<8000xf32, #tpu.memory_space<hbm>>
    %dma_wait3A_41 = tpu.memref_slice %arg4[%mul3A_20] : memref<640000xf32, #tpu.memory_space<hbm>> -> memref<8000xf32, #tpu.memory_space<hbm>>
    tpu.wait_dma2 semaphore(%arg16 : memref<!tpu.dma_semaphore, #tpu.memory_space<semaphore_mem>>) src(%dma_wait3A_41 : memref<8000xf32, #tpu.memory_space<hbm>>) dst(%arg8 : memref<8000xf32, #tpu.memory_space<vmem>>)
    %scan3A = arith.constant 0 : i32
    %scan3A_42 = arith.constant 62 : i32
    %scan3A_43 = arith.addi %scan3A, %scan3A_42 : i32
    %scan3A_44 = arith.constant 1 : i32
    %scan3A_45 = scf.for %scan3A_698 = %scan3A to %scan3A_43 step %scan3A_44 iter_args(%scan3A_699 = %broadcast_in_dim3A_9) -> (vector<16xi32>)  : i32 {
      %mul3A_700 = arith.constant 64 : i32
      %mul3A_701 = arith.muli %scan3A_698, %mul3A_700 : i32
      %add3A_702 = arith.constant 0 : i32
      %add3A_703 = arith.addi %mul3A_701, %add3A_702 : i32
      %get3A_704 = arith.index_cast %add3A_703 : i32 to index
      %get3A_705 = tpu.vector_load %arg6[%get3A_704] {strides = array<i32>} : memref<4000xf32, #tpu.memory_space<vmem>>, vector<16xf32>,
      %add3A_706 = arith.constant 16 : i32
      %add3A_707 = arith.addi %mul3A_701, %add3A_706 : i32
      %get3A_708 = arith.index_cast %add3A_707 : i32 to index
      %get3A_709 = tpu.vector_load %arg6[%get3A_708] {strides = array<i32>} : memref<4000xf32, #tpu.memory_space<vmem>>, vector<16xf32>,
      %add3A_710 = arith.constant 32 : i32
      %add3A_711 = arith.addi %mul3A_701, %add3A_710 : i32
      %get3A_712 = arith.index_cast %add3A_711 : i32 to index
      %get3A_713 = tpu.vector_load %arg6[%get3A_712] {strides = array<i32>} : memref<4000xf32, #tpu.memory_space<vmem>>, vector<16xf32>,
      %add3A_714 = arith.constant 48 : i32
      %add3A_715 = arith.addi %mul3A_701, %add3A_714 : i32
      %get3A_716 = arith.index_cast %add3A_715 : i32 to index
      %get3A_717 = tpu.vector_load %arg6[%get3A_716] {strides = array<i32>} : memref<4000xf32, #tpu.memory_space<vmem>>, vector<16xf32>,
      %mul3A_718 = arith.constant 2 : i32
      %mul3A_719 = arith.muli %mul3A_718, %mul3A_701 : i32
      %add3A_720 = arith.constant 0 : i32
      %add3A_721 = arith.addi %mul3A_719, %add3A_720 : i32
      %broadcast_in_dim3A_722 = vector.broadcast %add3A_721 : i32 to vector<16xi32>
      %add3A_723 = arith.addi %broadcast_in_dim3A_722, %mul3A : vector<16xi32>
      %mul3A_724 = arith.constant 2 : i32
      %mul3A_725 = arith.muli %mul3A_724, %mul3A_701 : i32
      %add3A_726 = arith.constant 32 : i32
      %add3A_727 = arith.addi %mul3A_725, %add3A_726 : i32
      %broadcast_in_dim3A_728 = vector.broadcast %add3A_727 : i32 to vector<16xi32>
      %add3A_729 = arith.addi %broadcast_in_dim3A_728, %mul3A : vector<16xi32>
      %mul3A_730 = arith.constant 2 : i32
      %mul3A_731 = arith.muli %mul3A_730, %mul3A_701 : i32
      %add3A_732 = arith.constant 64 : i32
      %add3A_733 = arith.addi %mul3A_731, %add3A_732 : i32
      %broadcast_in_dim3A_734 = vector.broadcast %add3A_733 : i32 to vector<16xi32>
      %add3A_735 = arith.addi %broadcast_in_dim3A_734, %mul3A : vector<16xi32>
      %mul3A_736 = arith.constant 2 : i32
      %mul3A_737 = arith.muli %mul3A_736, %mul3A_701 : i32
      %add3A_738 = arith.constant 96 : i32
      %add3A_739 = arith.addi %mul3A_737, %add3A_738 : i32
      %broadcast_in_dim3A_740 = vector.broadcast %add3A_739 : i32 to vector<16xi32>
      %add3A_741 = arith.addi %broadcast_in_dim3A_740, %mul3A : vector<16xi32>
      %mul3A_742 = arith.constant 2 : i32
      %mul3A_743 = arith.muli %mul3A_742, %mul3A_701 : i32
      %add3A_744 = arith.constant 0 : i32
      %add3A_745 = arith.addi %mul3A_743, %add3A_744 : i32
      %broadcast_in_dim3A_746 = vector.broadcast %add3A_745 : i32 to vector<16xi32>
      %add3A_747 = arith.addi %broadcast_in_dim3A_746, %add3A : vector<16xi32>
      %mul3A_748 = arith.constant 2 : i32
      %mul3A_749 = arith.muli %mul3A_748, %mul3A_701 : i32
      %add3A_750 = arith.constant 32 : i32
      %add3A_751 = arith.addi %mul3A_749, %add3A_750 : i32
      %broadcast_in_dim3A_752 = vector.broadcast %add3A_751 : i32 to vector<16xi32>
      %add3A_753 = arith.addi %broadcast_in_dim3A_752, %add3A : vector<16xi32>
      %mul3A_754 = arith.constant 2 : i32
      %mul3A_755 = arith.muli %mul3A_754, %mul3A_701 : i32
      %add3A_756 = arith.constant 64 : i32
      %add3A_757 = arith.addi %mul3A_755, %add3A_756 : i32
      %broadcast_in_dim3A_758 = vector.broadcast %add3A_757 : i32 to vector<16xi32>
      %add3A_759 = arith.addi %broadcast_in_dim3A_758, %add3A : vector<16xi32>
      %mul3A_760 = arith.constant 2 : i32
      %mul3A_761 = arith.muli %mul3A_760, %mul3A_701 : i32
      %add3A_762 = arith.constant 96 : i32
      %add3A_763 = arith.addi %mul3A_761, %add3A_762 : i32
      %broadcast_in_dim3A_764 = vector.broadcast %add3A_763 : i32 to vector<16xi32>
      %add3A_765 = arith.addi %broadcast_in_dim3A_764, %add3A : vector<16xi32>
      %gather3A_766 = tpu.vector_load_idx %arg7[%add3A_723] : memref<8000xf32, #tpu.memory_space<vmem>>[vector<16xi32>], vector<16xf32>,
      %gather3A_767 = tpu.vector_load_idx %arg7[%add3A_729] : memref<8000xf32, #tpu.memory_space<vmem>>[vector<16xi32>], vector<16xf32>,
      %gather3A_768 = tpu.vector_load_idx %arg7[%add3A_735] : memref<8000xf32, #tpu.memory_space<vmem>>[vector<16xi32>], vector<16xf32>,
      %gather3A_769 = tpu.vector_load_idx %arg7[%add3A_741] : memref<8000xf32, #tpu.memory_space<vmem>>[vector<16xi32>], vector<16xf32>,
      %gather3A_770 = tpu.vector_load_idx %arg7[%add3A_747] : memref<8000xf32, #tpu.memory_space<vmem>>[vector<16xi32>], vector<16xf32>,
      %gather3A_771 = tpu.vector_load_idx %arg7[%add3A_753] : memref<8000xf32, #tpu.memory_space<vmem>>[vector<16xi32>], vector<16xf32>,
      %gather3A_772 = tpu.vector_load_idx %arg7[%add3A_759] : memref<8000xf32, #tpu.memory_space<vmem>>[vector<16xi32>], vector<16xf32>,
      %gather3A_773 = tpu.vector_load_idx %arg7[%add3A_765] : memref<8000xf32, #tpu.memory_space<vmem>>[vector<16xi32>], vector<16xf32>,
      %gather3A_774 = tpu.vector_load_idx %arg8[%add3A_723] : memref<8000xf32, #tpu.memory_space<vmem>>[vector<16xi32>], vector<16xf32>,
      %gather3A_775 = tpu.vector_load_idx %arg8[%add3A_729] : memref<8000xf32, #tpu.memory_space<vmem>>[vector<16xi32>], vector<16xf32>,
      %gather3A_776 = tpu.vector_load_idx %arg8[%add3A_735] : memref<8000xf32, #tpu.memory_space<vmem>>[vector<16xi32>], vector<16xf32>,
      %gather3A_777 = tpu.vector_load_idx %arg8[%add3A_741] : memref<8000xf32, #tpu.memory_space<vmem>>[vector<16xi32>], vector<16xf32>,
      %gather3A_778 = tpu.vector_load_idx %arg8[%add3A_747] : memref<8000xf32, #tpu.memory_space<vmem>>[vector<16xi32>], vector<16xf32>,
      %gather3A_779 = tpu.vector_load_idx %arg8[%add3A_753] : memref<8000xf32, #tpu.memory_space<vmem>>[vector<16xi32>], vector<16xf32>,
      %gather3A_780 = tpu.vector_load_idx %arg8[%add3A_759] : memref<8000xf32, #tpu.memory_space<vmem>>[vector<16xi32>], vector<16xf32>,
      %gather3A_781 = tpu.vector_load_idx %arg8[%add3A_765] : memref<8000xf32, #tpu.memory_space<vmem>>[vector<16xi32>], vector<16xf32>,
      %exp3A_782 = math.exp %gather3A_770 : vector<16xf32>
      %exp3A_783 = math.exp %gather3A_771 : vector<16xf32>
      %exp3A_784 = math.exp %gather3A_772 : vector<16xf32>
      %exp3A_785 = math.exp %gather3A_773 : vector<16xf32>
      %sub3A_786 = arith.subf %gather3A_778, %gather3A_774 : vector<16xf32>
      %sub3A_787 = arith.subf %gather3A_779, %gather3A_775 : vector<16xf32>
      %sub3A_788 = arith.subf %gather3A_780, %gather3A_776 : vector<16xf32>
      %sub3A_789 = arith.subf %gather3A_781, %gather3A_777 : vector<16xf32>
      %broadcast_in_dim3A_790 = arith.constant 5.000000e-01 : f32
      %broadcast_in_dim3A_791 = vector.broadcast %broadcast_in_dim3A_790 : f32 to vector<16xf32>
      %mul3A_792 = arith.mulf %broadcast_in_dim3A_791, %sub3A_786 : vector<16xf32>
      %add3A_793 = arith.addf %gather3A_774, %mul3A_792 : vector<16xf32>
      %broadcast_in_dim3A_794 = arith.constant 5.000000e-01 : f32
      %broadcast_in_dim3A_795 = vector.broadcast %broadcast_in_dim3A_794 : f32 to vector<16xf32>
      %mul3A_796 = arith.mulf %broadcast_in_dim3A_795, %sub3A_787 : vector<16xf32>
      %add3A_797 = arith.addf %gather3A_775, %mul3A_796 : vector<16xf32>
      %broadcast_in_dim3A_798 = arith.constant 5.000000e-01 : f32
      %broadcast_in_dim3A_799 = vector.broadcast %broadcast_in_dim3A_798 : f32 to vector<16xf32>
      %mul3A_800 = arith.mulf %broadcast_in_dim3A_799, %sub3A_788 : vector<16xf32>
      %add3A_801 = arith.addf %gather3A_776, %mul3A_800 : vector<16xf32>
      %broadcast_in_dim3A_802 = arith.constant 5.000000e-01 : f32
      %broadcast_in_dim3A_803 = vector.broadcast %broadcast_in_dim3A_802 : f32 to vector<16xf32>
      %mul3A_804 = arith.mulf %broadcast_in_dim3A_803, %sub3A_789 : vector<16xf32>
      %add3A_805 = arith.addf %gather3A_777, %mul3A_804 : vector<16xf32>
      %mul3A_806 = arith.mulf %gather3A_766, %sub3A_786 : vector<16xf32>
      %add3A_807 = arith.addf %add3A_793, %mul3A_806 : vector<16xf32>
      %mul3A_808 = arith.mulf %gather3A_767, %sub3A_787 : vector<16xf32>
      %add3A_809 = arith.addf %add3A_797, %mul3A_808 : vector<16xf32>
      %mul3A_810 = arith.mulf %gather3A_768, %sub3A_788 : vector<16xf32>
      %add3A_811 = arith.addf %add3A_801, %mul3A_810 : vector<16xf32>
      %mul3A_812 = arith.mulf %gather3A_769, %sub3A_789 : vector<16xf32>
      %add3A_813 = arith.addf %add3A_805, %mul3A_812 : vector<16xf32>
      %broadcast_in_dim3A_814 = arith.constant 5.000000e-01 : f32
      %broadcast_in_dim3A_815 = vector.broadcast %broadcast_in_dim3A_814 : f32 to vector<16xf32>
      %mul3A_816 = arith.mulf %exp3A_782, %sub3A_786 : vector<16xf32>
      %mul3A_817 = arith.mulf %broadcast_in_dim3A_815, %mul3A_816 : vector<16xf32>
      %broadcast_in_dim3A_818 = arith.constant 5.000000e-01 : f32
      %broadcast_in_dim3A_819 = vector.broadcast %broadcast_in_dim3A_818 : f32 to vector<16xf32>
      %mul3A_820 = arith.mulf %exp3A_783, %sub3A_787 : vector<16xf32>
      %mul3A_821 = arith.mulf %broadcast_in_dim3A_819, %mul3A_820 : vector<16xf32>
      %broadcast_in_dim3A_822 = arith.constant 5.000000e-01 : f32
      %broadcast_in_dim3A_823 = vector.broadcast %broadcast_in_dim3A_822 : f32 to vector<16xf32>
      %mul3A_824 = arith.mulf %exp3A_784, %sub3A_788 : vector<16xf32>
      %mul3A_825 = arith.mulf %broadcast_in_dim3A_823, %mul3A_824 : vector<16xf32>
      %broadcast_in_dim3A_826 = arith.constant 5.000000e-01 : f32
      %broadcast_in_dim3A_827 = vector.broadcast %broadcast_in_dim3A_826 : f32 to vector<16xf32>
      %mul3A_828 = arith.mulf %exp3A_785, %sub3A_789 : vector<16xf32>
      %mul3A_829 = arith.mulf %broadcast_in_dim3A_827, %mul3A_828 : vector<16xf32>
      %sub3A_830 = arith.subf %add3A_807, %mul3A_817 : vector<16xf32>
      %broadcast_in_dim3A_831 = arith.constant 0.000000e+00 : f32
      %broadcast_in_dim3A_832 = vector.broadcast %broadcast_in_dim3A_831 : f32 to vector<16xf32>
      %max3A_833 = arith.maximumf %sub3A_830, %broadcast_in_dim3A_832 : vector<16xf32>
      %broadcast_in_dim3A_834 = arith.constant 4.160000e+02 : f32
      %broadcast_in_dim3A_835 = vector.broadcast %broadcast_in_dim3A_834 : f32 to vector<16xf32>
      %min3A_836 = arith.minimumf %max3A_833, %broadcast_in_dim3A_835 : vector<16xf32>
      %sub3A_837 = arith.subf %add3A_809, %mul3A_821 : vector<16xf32>
      %broadcast_in_dim3A_838 = arith.constant 0.000000e+00 : f32
      %broadcast_in_dim3A_839 = vector.broadcast %broadcast_in_dim3A_838 : f32 to vector<16xf32>
      %max3A_840 = arith.maximumf %sub3A_837, %broadcast_in_dim3A_839 : vector<16xf32>
      %broadcast_in_dim3A_841 = arith.constant 4.160000e+02 : f32
      %broadcast_in_dim3A_842 = vector.broadcast %broadcast_in_dim3A_841 : f32 to vector<16xf32>
      %min3A_843 = arith.minimumf %max3A_840, %broadcast_in_dim3A_842 : vector<16xf32>
      %sub3A_844 = arith.subf %add3A_811, %mul3A_825 : vector<16xf32>
      %broadcast_in_dim3A_845 = arith.constant 0.000000e+00 : f32
      %broadcast_in_dim3A_846 = vector.broadcast %broadcast_in_dim3A_845 : f32 to vector<16xf32>
      %max3A_847 = arith.maximumf %sub3A_844, %broadcast_in_dim3A_846 : vector<16xf32>
      %broadcast_in_dim3A_848 = arith.constant 4.160000e+02 : f32
      %broadcast_in_dim3A_849 = vector.broadcast %broadcast_in_dim3A_848 : f32 to vector<16xf32>
      %min3A_850 = arith.minimumf %max3A_847, %broadcast_in_dim3A_849 : vector<16xf32>
      %sub3A_851 = arith.subf %add3A_813, %mul3A_829 : vector<16xf32>
      %broadcast_in_dim3A_852 = arith.constant 0.000000e+00 : f32
      %broadcast_in_dim3A_853 = vector.broadcast %broadcast_in_dim3A_852 : f32 to vector<16xf32>
      %max3A_854 = arith.maximumf %sub3A_851, %broadcast_in_dim3A_853 : vector<16xf32>
      %broadcast_in_dim3A_855 = arith.constant 4.160000e+02 : f32
      %broadcast_in_dim3A_856 = vector.broadcast %broadcast_in_dim3A_855 : f32 to vector<16xf32>
      %min3A_857 = arith.minimumf %max3A_854, %broadcast_in_dim3A_856 : vector<16xf32>
      %add3A_858 = arith.addf %add3A_807, %mul3A_817 : vector<16xf32>
      %broadcast_in_dim3A_859 = arith.constant 0.000000e+00 : f32
      %broadcast_in_dim3A_860 = vector.broadcast %broadcast_in_dim3A_859 : f32 to vector<16xf32>
      %max3A_861 = arith.maximumf %add3A_858, %broadcast_in_dim3A_860 : vector<16xf32>
      %broadcast_in_dim3A_862 = arith.constant 4.160000e+02 : f32
      %broadcast_in_dim3A_863 = vector.broadcast %broadcast_in_dim3A_862 : f32 to vector<16xf32>
      %min3A_864 = arith.minimumf %max3A_861, %broadcast_in_dim3A_863 : vector<16xf32>
      %add3A_865 = arith.addf %add3A_809, %mul3A_821 : vector<16xf32>
      %broadcast_in_dim3A_866 = arith.constant 0.000000e+00 : f32
      %broadcast_in_dim3A_867 = vector.broadcast %broadcast_in_dim3A_866 : f32 to vector<16xf32>
      %max3A_868 = arith.maximumf %add3A_865, %broadcast_in_dim3A_867 : vector<16xf32>
      %broadcast_in_dim3A_869 = arith.constant 4.160000e+02 : f32
      %broadcast_in_dim3A_870 = vector.broadcast %broadcast_in_dim3A_869 : f32 to vector<16xf32>
      %min3A_871 = arith.minimumf %max3A_868, %broadcast_in_dim3A_870 : vector<16xf32>
      %add3A_872 = arith.addf %add3A_811, %mul3A_825 : vector<16xf32>
      %broadcast_in_dim3A_873 = arith.constant 0.000000e+00 : f32
      %broadcast_in_dim3A_874 = vector.broadcast %broadcast_in_dim3A_873 : f32 to vector<16xf32>
      %max3A_875 = arith.maximumf %add3A_872, %broadcast_in_dim3A_874 : vector<16xf32>
      %broadcast_in_dim3A_876 = arith.constant 4.160000e+02 : f32
      %broadcast_in_dim3A_877 = vector.broadcast %broadcast_in_dim3A_876 : f32 to vector<16xf32>
      %min3A_878 = arith.minimumf %max3A_875, %broadcast_in_dim3A_877 : vector<16xf32>
      %add3A_879 = arith.addf %add3A_813, %mul3A_829 : vector<16xf32>
      %broadcast_in_dim3A_880 = arith.constant 0.000000e+00 : f32
      %broadcast_in_dim3A_881 = vector.broadcast %broadcast_in_dim3A_880 : f32 to vector<16xf32>
      %max3A_882 = arith.maximumf %add3A_879, %broadcast_in_dim3A_881 : vector<16xf32>
      %broadcast_in_dim3A_883 = arith.constant 4.160000e+02 : f32
      %broadcast_in_dim3A_884 = vector.broadcast %broadcast_in_dim3A_883 : f32 to vector<16xf32>
      %min3A_885 = arith.minimumf %max3A_882, %broadcast_in_dim3A_884 : vector<16xf32>
      %broadcast_in_dim3A_886 = arith.constant 0.00999999977 : f32
      %broadcast_in_dim3A_887 = vector.broadcast %broadcast_in_dim3A_886 : f32 to vector<16xf32>
      %gt3A_888 = arith.cmpf ogt, %get3A_705, %broadcast_in_dim3A_887 : vector<16xf32>
      %sub3A_889 = arith.subf %min3A_864, %min3A_836 : vector<16xf32>
      %broadcast_in_dim3A_890 = arith.constant 3.000000e+00 : f32
      %broadcast_in_dim3A_891 = vector.broadcast %broadcast_in_dim3A_890 : f32 to vector<16xf32>
      %gt3A_892 = arith.cmpf ogt, %sub3A_889, %broadcast_in_dim3A_891 : vector<16xf32>
      %and3A_893 = arith.andi %gt3A_888, %gt3A_892 : vector<16xi1>
      %broadcast_in_dim3A_894 = arith.constant 0.00999999977 : f32
      %broadcast_in_dim3A_895 = vector.broadcast %broadcast_in_dim3A_894 : f32 to vector<16xf32>
      %gt3A_896 = arith.cmpf ogt, %get3A_709, %broadcast_in_dim3A_895 : vector<16xf32>
      %sub3A_897 = arith.subf %min3A_871, %min3A_843 : vector<16xf32>
      %broadcast_in_dim3A_898 = arith.constant 3.000000e+00 : f32
      %broadcast_in_dim3A_899 = vector.broadcast %broadcast_in_dim3A_898 : f32 to vector<16xf32>
      %gt3A_900 = arith.cmpf ogt, %sub3A_897, %broadcast_in_dim3A_899 : vector<16xf32>
      %and3A_901 = arith.andi %gt3A_896, %gt3A_900 : vector<16xi1>
      %broadcast_in_dim3A_902 = arith.constant 0.00999999977 : f32
      %broadcast_in_dim3A_903 = vector.broadcast %broadcast_in_dim3A_902 : f32 to vector<16xf32>
      %gt3A_904 = arith.cmpf ogt, %get3A_713, %broadcast_in_dim3A_903 : vector<16xf32>
      %sub3A_905 = arith.subf %min3A_878, %min3A_850 : vector<16xf32>
      %broadcast_in_dim3A_906 = arith.constant 3.000000e+00 : f32
      %broadcast_in_dim3A_907 = vector.broadcast %broadcast_in_dim3A_906 : f32 to vector<16xf32>
      %gt3A_908 = arith.cmpf ogt, %sub3A_905, %broadcast_in_dim3A_907 : vector<16xf32>
      %and3A_909 = arith.andi %gt3A_904, %gt3A_908 : vector<16xi1>
      %broadcast_in_dim3A_910 = arith.constant 0.00999999977 : f32
      %broadcast_in_dim3A_911 = vector.broadcast %broadcast_in_dim3A_910 : f32 to vector<16xf32>
      %gt3A_912 = arith.cmpf ogt, %get3A_717, %broadcast_in_dim3A_911 : vector<16xf32>
      %sub3A_913 = arith.subf %min3A_885, %min3A_857 : vector<16xf32>
      %broadcast_in_dim3A_914 = arith.constant 3.000000e+00 : f32
      %broadcast_in_dim3A_915 = vector.broadcast %broadcast_in_dim3A_914 : f32 to vector<16xf32>
      %gt3A_916 = arith.cmpf ogt, %sub3A_913, %broadcast_in_dim3A_915 : vector<16xf32>
      %and3A_917 = arith.andi %gt3A_912, %gt3A_916 : vector<16xi1>
      %convert_element_type3A_918 = arith.extui %and3A_893 : vector<16xi1> to vector<16xi32>
      %broadcast_in_dim3A_919 = arith.constant true
      %broadcast_in_dim3A_920 = vector.broadcast %broadcast_in_dim3A_919 : i1 to vector<16xi1>
      %masked_cumsum3A_921 = tpu.scan <sum>, %convert_element_type3A_918 masked %broadcast_in_dim3A_920 : vector<16xi32>, vector<16xi1> -> vector<16xi32>
      %convert_element_type3A_922 = arith.extui %and3A_901 : vector<16xi1> to vector<16xi32>
      %broadcast_in_dim3A_923 = arith.constant true
      %broadcast_in_dim3A_924 = vector.broadcast %broadcast_in_dim3A_923 : i1 to vector<16xi1>
      %masked_cumsum3A_925 = tpu.scan <sum>, %convert_element_type3A_922 masked %broadcast_in_dim3A_924 : vector<16xi32>, vector<16xi1> -> vector<16xi32>
      %convert_element_type3A_926 = arith.extui %and3A_909 : vector<16xi1> to vector<16xi32>
      %broadcast_in_dim3A_927 = arith.constant true
      %broadcast_in_dim3A_928 = vector.broadcast %broadcast_in_dim3A_927 : i1 to vector<16xi1>
      %masked_cumsum3A_929 = tpu.scan <sum>, %convert_element_type3A_926 masked %broadcast_in_dim3A_928 : vector<16xi32>, vector<16xi1> -> vector<16xi32>
      %convert_element_type3A_930 = arith.extui %and3A_917 : vector<16xi1> to vector<16xi32>
      %broadcast_in_dim3A_931 = arith.constant true
      %broadcast_in_dim3A_932 = vector.broadcast %broadcast_in_dim3A_931 : i1 to vector<16xi1>
      %masked_cumsum3A_933 = tpu.scan <sum>, %convert_element_type3A_930 masked %broadcast_in_dim3A_932 : vector<16xi32>, vector<16xi1> -> vector<16xi32>
      %all_reduce_population_count3A_934 = tpu.all_reduce %and3A_893 {dim = 0 : i64, kind = #tpu.reduction_kind<sum>} : vector<16xi1> -> vector<16xi32>
      %all_reduce_population_count3A_935 = tpu.all_reduce %and3A_901 {dim = 0 : i64, kind = #tpu.reduction_kind<sum>} : vector<16xi1> -> vector<16xi32>
      %all_reduce_population_count3A_936 = tpu.all_reduce %and3A_909 {dim = 0 : i64, kind = #tpu.reduction_kind<sum>} : vector<16xi1> -> vector<16xi32>
      %all_reduce_population_count3A_937 = tpu.all_reduce %and3A_917 {dim = 0 : i64, kind = #tpu.reduction_kind<sum>} : vector<16xi1> -> vector<16xi32>
      %add3A_938 = arith.addi %scan3A_699, %all_reduce_population_count3A_934 : vector<16xi32>
      %add3A_939 = arith.addi %add3A_938, %all_reduce_population_count3A_935 : vector<16xi32>
      %add3A_940 = arith.addi %add3A_939, %all_reduce_population_count3A_936 : vector<16xi32>
      %add3A_941 = arith.addi %scan3A_699, %masked_cumsum3A_921 : vector<16xi32>
      %add3A_942 = arith.addi %add3A_938, %masked_cumsum3A_925 : vector<16xi32>
      %add3A_943 = arith.addi %add3A_939, %masked_cumsum3A_929 : vector<16xi32>
      %add3A_944 = arith.addi %add3A_940, %masked_cumsum3A_933 : vector<16xi32>
      tpu.vector_store_idx %arg12[%add3A_941], %get3A_705 masked %and3A_893 : memref<20032xf32, #tpu.memory_space<vmem>>[vector<16xi32>], vector<16xf32>, vector<16xi1>
      tpu.vector_store_idx %arg13[%add3A_941], %min3A_836 masked %and3A_893 : memref<20032xf32, #tpu.memory_space<vmem>>[vector<16xi32>], vector<16xf32>, vector<16xi1>
      tpu.vector_store_idx %arg14[%add3A_941], %min3A_864 masked %and3A_893 : memref<20032xf32, #tpu.memory_space<vmem>>[vector<16xi32>], vector<16xf32>, vector<16xi1>
      tpu.vector_store_idx %arg12[%add3A_942], %get3A_709 masked %and3A_901 : memref<20032xf32, #tpu.memory_space<vmem>>[vector<16xi32>], vector<16xf32>, vector<16xi1>
      tpu.vector_store_idx %arg13[%add3A_942], %min3A_843 masked %and3A_901 : memref<20032xf32, #tpu.memory_space<vmem>>[vector<16xi32>], vector<16xf32>, vector<16xi1>
      tpu.vector_store_idx %arg14[%add3A_942], %min3A_871 masked %and3A_901 : memref<20032xf32, #tpu.memory_space<vmem>>[vector<16xi32>], vector<16xf32>, vector<16xi1>
      tpu.vector_store_idx %arg12[%add3A_943], %get3A_713 masked %and3A_909 : memref<20032xf32, #tpu.memory_space<vmem>>[vector<16xi32>], vector<16xf32>, vector<16xi1>
      tpu.vector_store_idx %arg13[%add3A_943], %min3A_850 masked %and3A_909 : memref<20032xf32, #tpu.memory_space<vmem>>[vector<16xi32>], vector<16xf32>, vector<16xi1>
      tpu.vector_store_idx %arg14[%add3A_943], %min3A_878 masked %and3A_909 : memref<20032xf32, #tpu.memory_space<vmem>>[vector<16xi32>], vector<16xf32>, vector<16xi1>
      tpu.vector_store_idx %arg12[%add3A_944], %get3A_717 masked %and3A_917 : memref<20032xf32, #tpu.memory_space<vmem>>[vector<16xi32>], vector<16xf32>, vector<16xi1>
      tpu.vector_store_idx %arg13[%add3A_944], %min3A_857 masked %and3A_917 : memref<20032xf32, #tpu.memory_space<vmem>>[vector<16xi32>], vector<16xf32>, vector<16xi1>
      tpu.vector_store_idx %arg14[%add3A_944], %min3A_885 masked %and3A_917 : memref<20032xf32, #tpu.memory_space<vmem>>[vector<16xi32>], vector<16xf32>, vector<16xi1>
      %add3A_945 = arith.addi %add3A_940, %all_reduce_population_count3A_937 : vector<16xi32>
      scf.yield %add3A_945 : vector<16xi32>
    }
    %scan3A_46 = arith.constant 62 : i32
    %get3A = arith.constant 3968 : index
    %get3A_47 = tpu.vector_load %arg6[%get3A] {strides = array<i32>} : memref<4000xf32, #tpu.memory_space<vmem>>, vector<16xf32>,
    %broadcast_in_dim3A_48 = arith.constant 7936 : i32
    %broadcast_in_dim3A_49 = vector.broadcast %broadcast_in_dim3A_48 : i32 to vector<16xi32>
    %add3A_50 = arith.addi %broadcast_in_dim3A_49, %mul3A : vector<16xi32>
    %broadcast_in_dim3A_51 = arith.constant 7936 : i32
    %broadcast_in_dim3A_52 = vector.broadcast %broadcast_in_dim3A_51 : i32 to vector<16xi32>
    %add3A_53 = arith.addi %broadcast_in_dim3A_52, %add3A : vector<16xi32>
    %gather3A = tpu.vector_load_idx %arg7[%add3A_50] : memref<8000xf32, #tpu.memory_space<vmem>>[vector<16xi32>], vector<16xf32>,
    %gather3A_54 = tpu.vector_load_idx %arg7[%add3A_53] : memref<8000xf32, #tpu.memory_space<vmem>>[vector<16xi32>], vector<16xf32>,
    %gather3A_55 = tpu.vector_load_idx %arg8[%add3A_50] : memref<8000xf32, #tpu.memory_space<vmem>>[vector<16xi32>], vector<16xf32>,
    %gather3A_56 = tpu.vector_load_idx %arg8[%add3A_53] : memref<8000xf32, #tpu.memory_space<vmem>>[vector<16xi32>], vector<16xf32>,
    %exp3A = math.exp %gather3A_54 : vector<16xf32>
    %sub3A = arith.subf %gather3A_56, %gather3A_55 : vector<16xf32>
    %broadcast_in_dim3A_57 = arith.constant 5.000000e-01 : f32
    %broadcast_in_dim3A_58 = vector.broadcast %broadcast_in_dim3A_57 : f32 to vector<16xf32>
    %mul3A_59 = arith.mulf %broadcast_in_dim3A_58, %sub3A : vector<16xf32>
    %add3A_60 = arith.addf %gather3A_55, %mul3A_59 : vector<16xf32>
    %mul3A_61 = arith.mulf %gather3A, %sub3A : vector<16xf32>
    %add3A_62 = arith.addf %add3A_60, %mul3A_61 : vector<16xf32>
    %broadcast_in_dim3A_63 = arith.constant 5.000000e-01 : f32
    %broadcast_in_dim3A_64 = vector.broadcast %broadcast_in_dim3A_63 : f32 to vector<16xf32>
    %mul3A_65 = arith.mulf %exp3A, %sub3A : vector<16xf32>
    %mul3A_66 = arith.mulf %broadcast_in_dim3A_64, %mul3A_65 : vector<16xf32>
    %sub3A_67 = arith.subf %add3A_62, %mul3A_66 : vector<16xf32>
    %broadcast_in_dim3A_68 = arith.constant 0.000000e+00 : f32
    %broadcast_in_dim3A_69 = vector.broadcast %broadcast_in_dim3A_68 : f32 to vector<16xf32>
    %max3A = arith.maximumf %sub3A_67, %broadcast_in_dim3A_69 : vector<16xf32>
    %broadcast_in_dim3A_70 = arith.constant 4.160000e+02 : f32
    %broadcast_in_dim3A_71 = vector.broadcast %broadcast_in_dim3A_70 : f32 to vector<16xf32>
    %min3A = arith.minimumf %max3A, %broadcast_in_dim3A_71 : vector<16xf32>
    %add3A_72 = arith.addf %add3A_62, %mul3A_66 : vector<16xf32>
    %broadcast_in_dim3A_73 = arith.constant 0.000000e+00 : f32
    %broadcast_in_dim3A_74 = vector.broadcast %broadcast_in_dim3A_73 : f32 to vector<16xf32>
    %max3A_75 = arith.maximumf %add3A_72, %broadcast_in_dim3A_74 : vector<16xf32>
    %broadcast_in_dim3A_76 = arith.constant 4.160000e+02 : f32
    %broadcast_in_dim3A_77 = vector.broadcast %broadcast_in_dim3A_76 : f32 to vector<16xf32>
    %min3A_78 = arith.minimumf %max3A_75, %broadcast_in_dim3A_77 : vector<16xf32>
    %broadcast_in_dim3A_79 = arith.constant 0.00999999977 : f32
    %broadcast_in_dim3A_80 = vector.broadcast %broadcast_in_dim3A_79 : f32 to vector<16xf32>
    %gt3A = arith.cmpf ogt, %get3A_47, %broadcast_in_dim3A_80 : vector<16xf32>
    %sub3A_81 = arith.subf %min3A_78, %min3A : vector<16xf32>
    %broadcast_in_dim3A_82 = arith.constant 3.000000e+00 : f32
    %broadcast_in_dim3A_83 = vector.broadcast %broadcast_in_dim3A_82 : f32 to vector<16xf32>
    %gt3A_84 = arith.cmpf ogt, %sub3A_81, %broadcast_in_dim3A_83 : vector<16xf32>
    %and3A = arith.andi %gt3A, %gt3A_84 : vector<16xi1>
    %convert_element_type3A = arith.extui %and3A : vector<16xi1> to vector<16xi32>
    %broadcast_in_dim3A_85 = arith.constant true
    %broadcast_in_dim3A_86 = vector.broadcast %broadcast_in_dim3A_85 : i1 to vector<16xi1>
    %masked_cumsum3A = tpu.scan <sum>, %convert_element_type3A masked %broadcast_in_dim3A_86 : vector<16xi32>, vector<16xi1> -> vector<16xi32>
    %all_reduce_population_count3A = tpu.all_reduce %and3A {dim = 0 : i64, kind = #tpu.reduction_kind<sum>} : vector<16xi1> -> vector<16xi32>
    %add3A_87 = arith.addi %scan3A_45, %masked_cumsum3A : vector<16xi32>
    tpu.vector_store_idx %arg12[%add3A_87], %get3A_47 masked %and3A : memref<20032xf32, #tpu.memory_space<vmem>>[vector<16xi32>], vector<16xf32>, vector<16xi1>
    tpu.vector_store_idx %arg13[%add3A_87], %min3A masked %and3A : memref<20032xf32, #tpu.memory_space<vmem>>[vector<16xi32>], vector<16xf32>, vector<16xi1>
    tpu.vector_store_idx %arg14[%add3A_87], %min3A_78 masked %and3A : memref<20032xf32, #tpu.memory_space<vmem>>[vector<16xi32>], vector<16xf32>, vector<16xi1>
    %add3A_88 = arith.addi %scan3A_45, %all_reduce_population_count3A : vector<16xi32>
    %get3A_89 = arith.constant 3984 : index
    %get3A_90 = tpu.vector_load %arg6[%get3A_89] {strides = array<i32>} : memref<4000xf32, #tpu.memory_space<vmem>>, vector<16xf32>,
    %broadcast_in_dim3A_91 = arith.constant 7968 : i32
    %broadcast_in_dim3A_92 = vector.broadcast %broadcast_in_dim3A_91 : i32 to vector<16xi32>
    %add3A_93 = arith.addi %broadcast_in_dim3A_92, %mul3A : vector<16xi32>
    %broadcast_in_dim3A_94 = arith.constant 7968 : i32
    %broadcast_in_dim3A_95 = vector.broadcast %broadcast_in_dim3A_94 : i32 to vector<16xi32>
    %add3A_96 = arith.addi %broadcast_in_dim3A_95, %add3A : vector<16xi32>
    %gather3A_97 = tpu.vector_load_idx %arg7[%add3A_93] : memref<8000xf32, #tpu.memory_space<vmem>>[vector<16xi32>], vector<16xf32>,
    %gather3A_98 = tpu.vector_load_idx %arg7[%add3A_96] : memref<8000xf32, #tpu.memory_space<vmem>>[vector<16xi32>], vector<16xf32>,
    %gather3A_99 = tpu.vector_load_idx %arg8[%add3A_93] : memref<8000xf32, #tpu.memory_space<vmem>>[vector<16xi32>], vector<16xf32>,
    %gather3A_100 = tpu.vector_load_idx %arg8[%add3A_96] : memref<8000xf32, #tpu.memory_space<vmem>>[vector<16xi32>], vector<16xf32>,
    %exp3A_101 = math.exp %gather3A_98 : vector<16xf32>
    %sub3A_102 = arith.subf %gather3A_100, %gather3A_99 : vector<16xf32>
    %broadcast_in_dim3A_103 = arith.constant 5.000000e-01 : f32
    %broadcast_in_dim3A_104 = vector.broadcast %broadcast_in_dim3A_103 : f32 to vector<16xf32>
    %mul3A_105 = arith.mulf %broadcast_in_dim3A_104, %sub3A_102 : vector<16xf32>
    %add3A_106 = arith.addf %gather3A_99, %mul3A_105 : vector<16xf32>
    %mul3A_107 = arith.mulf %gather3A_97, %sub3A_102 : vector<16xf32>
    %add3A_108 = arith.addf %add3A_106, %mul3A_107 : vector<16xf32>
    %broadcast_in_dim3A_109 = arith.constant 5.000000e-01 : f32
    %broadcast_in_dim3A_110 = vector.broadcast %broadcast_in_dim3A_109 : f32 to vector<16xf32>
    %mul3A_111 = arith.mulf %exp3A_101, %sub3A_102 : vector<16xf32>
    %mul3A_112 = arith.mulf %broadcast_in_dim3A_110, %mul3A_111 : vector<16xf32>
    %sub3A_113 = arith.subf %add3A_108, %mul3A_112 : vector<16xf32>
    %broadcast_in_dim3A_114 = arith.constant 0.000000e+00 : f32
    %broadcast_in_dim3A_115 = vector.broadcast %broadcast_in_dim3A_114 : f32 to vector<16xf32>
    %max3A_116 = arith.maximumf %sub3A_113, %broadcast_in_dim3A_115 : vector<16xf32>
    %broadcast_in_dim3A_117 = arith.constant 4.160000e+02 : f32
    %broadcast_in_dim3A_118 = vector.broadcast %broadcast_in_dim3A_117 : f32 to vector<16xf32>
    %min3A_119 = arith.minimumf %max3A_116, %broadcast_in_dim3A_118 : vector<16xf32>
    %add3A_120 = arith.addf %add3A_108, %mul3A_112 : vector<16xf32>
    %broadcast_in_dim3A_121 = arith.constant 0.000000e+00 : f32
    %broadcast_in_dim3A_122 = vector.broadcast %broadcast_in_dim3A_121 : f32 to vector<16xf32>
    %max3A_123 = arith.maximumf %add3A_120, %broadcast_in_dim3A_122 : vector<16xf32>
    %broadcast_in_dim3A_124 = arith.constant 4.160000e+02 : f32
    %broadcast_in_dim3A_125 = vector.broadcast %broadcast_in_dim3A_124 : f32 to vector<16xf32>
    %min3A_126 = arith.minimumf %max3A_123, %broadcast_in_dim3A_125 : vector<16xf32>
    %broadcast_in_dim3A_127 = arith.constant 0.00999999977 : f32
    %broadcast_in_dim3A_128 = vector.broadcast %broadcast_in_dim3A_127 : f32 to vector<16xf32>
    %gt3A_129 = arith.cmpf ogt, %get3A_90, %broadcast_in_dim3A_128 : vector<16xf32>
    %sub3A_130 = arith.subf %min3A_126, %min3A_119 : vector<16xf32>
    %broadcast_in_dim3A_131 = arith.constant 3.000000e+00 : f32
    %broadcast_in_dim3A_132 = vector.broadcast %broadcast_in_dim3A_131 : f32 to vector<16xf32>
    %gt3A_133 = arith.cmpf ogt, %sub3A_130, %broadcast_in_dim3A_132 : vector<16xf32>
    %and3A_134 = arith.andi %gt3A_129, %gt3A_133 : vector<16xi1>
    %convert_element_type3A_135 = arith.extui %and3A_134 : vector<16xi1> to vector<16xi32>
    %broadcast_in_dim3A_136 = arith.constant true
    %broadcast_in_dim3A_137 = vector.broadcast %broadcast_in_dim3A_136 : i1 to vector<16xi1>
    %masked_cumsum3A_138 = tpu.scan <sum>, %convert_element_type3A_135 masked %broadcast_in_dim3A_137 : vector<16xi32>, vector<16xi1> -> vector<16xi32>
    %all_reduce_population_count3A_139 = tpu.all_reduce %and3A_134 {dim = 0 : i64, kind = #tpu.reduction_kind<sum>} : vector<16xi1> -> vector<16xi32>
    %add3A_140 = arith.addi %add3A_88, %masked_cumsum3A_138 : vector<16xi32>
    tpu.vector_store_idx %arg12[%add3A_140], %get3A_90 masked %and3A_134 : memref<20032xf32, #tpu.memory_space<vmem>>[vector<16xi32>], vector<16xf32>, vector<16xi1>
    tpu.vector_store_idx %arg13[%add3A_140], %min3A_119 masked %and3A_134 : memref<20032xf32, #tpu.memory_space<vmem>>[vector<16xi32>], vector<16xf32>, vector<16xi1>
    tpu.vector_store_idx %arg14[%add3A_140], %min3A_126 masked %and3A_134 : memref<20032xf32, #tpu.memory_space<vmem>>[vector<16xi32>], vector<16xf32>, vector<16xi1>
    %add3A_141 = arith.addi %add3A_88, %all_reduce_population_count3A_139 : vector<16xi32>
    %mul3A_142 = arith.constant 20000 : i32
    %mul3A_143 = arith.muli %arg1, %mul3A_142 : i32
    %add3A_144 = arith.constant 8000 : i32
    %add3A_145 = arith.addi %mul3A_143, %add3A_144 : i32
    %dma_start3A_146 = tpu.memref_slice %arg2[%add3A_145] : memref<320000xf32, #tpu.memory_space<hbm>> -> memref<4000xf32, #tpu.memory_space<hbm>>
    %dma_start3A_147 = tpu.memref_slice %arg2[%add3A_145] : memref<320000xf32, #tpu.memory_space<hbm>> -> memref<4000xf32, #tpu.memory_space<hbm>>
    tpu.enqueue_dma source(%dma_start3A_147 : memref<4000xf32, #tpu.memory_space<hbm>>) target(%arg6 : memref<4000xf32, #tpu.memory_space<vmem>>) target_semaphore(%arg16 : memref<!tpu.dma_semaphore, #tpu.memory_space<semaphore_mem>>)
    %mul3A_148 = arith.constant 2 : i32
    %mul3A_149 = arith.muli %mul3A_148, %add3A_145 : i32
    %dma_start3A_150 = tpu.memref_slice %arg3[%mul3A_149] : memref<640000xf32, #tpu.memory_space<hbm>> -> memref<8000xf32, #tpu.memory_space<hbm>>
    %dma_start3A_151 = tpu.memref_slice %arg3[%mul3A_149] : memref<640000xf32, #tpu.memory_space<hbm>> -> memref<8000xf32, #tpu.memory_space<hbm>>
    tpu.enqueue_dma source(%dma_start3A_151 : memref<8000xf32, #tpu.memory_space<hbm>>) target(%arg7 : memref<8000xf32, #tpu.memory_space<vmem>>) target_semaphore(%arg16 : memref<!tpu.dma_semaphore, #tpu.memory_space<semaphore_mem>>)
    %mul3A_152 = arith.constant 2 : i32
    %mul3A_153 = arith.muli %mul3A_152, %add3A_145 : i32
    %dma_start3A_154 = tpu.memref_slice %arg4[%mul3A_153] : memref<640000xf32, #tpu.memory_space<hbm>> -> memref<8000xf32, #tpu.memory_space<hbm>>
    %dma_start3A_155 = tpu.memref_slice %arg4[%mul3A_153] : memref<640000xf32, #tpu.memory_space<hbm>> -> memref<8000xf32, #tpu.memory_space<hbm>>
    tpu.enqueue_dma source(%dma_start3A_155 : memref<8000xf32, #tpu.memory_space<hbm>>) target(%arg8 : memref<8000xf32, #tpu.memory_space<vmem>>) target_semaphore(%arg16 : memref<!tpu.dma_semaphore, #tpu.memory_space<semaphore_mem>>)
    %dma_wait3A_156 = tpu.memref_slice %arg2[%add3A_26] : memref<320000xf32, #tpu.memory_space<hbm>> -> memref<4000xf32, #tpu.memory_space<hbm>>
    %dma_wait3A_157 = tpu.memref_slice %arg2[%add3A_26] : memref<320000xf32, #tpu.memory_space<hbm>> -> memref<4000xf32, #tpu.memory_space<hbm>>
    tpu.wait_dma2 semaphore(%arg17 : memref<!tpu.dma_semaphore, #tpu.memory_space<semaphore_mem>>) src(%dma_wait3A_157 : memref<4000xf32, #tpu.memory_space<hbm>>) dst(%arg9 : memref<4000xf32, #tpu.memory_space<vmem>>)
    %dma_wait3A_158 = tpu.memref_slice %arg3[%mul3A_30] : memref<640000xf32, #tpu.memory_space<hbm>> -> memref<8000xf32, #tpu.memory_space<hbm>>
    %dma_wait3A_159 = tpu.memref_slice %arg3[%mul3A_30] : memref<640000xf32, #tpu.memory_space<hbm>> -> memref<8000xf32, #tpu.memory_space<hbm>>
    tpu.wait_dma2 semaphore(%arg17 : memref<!tpu.dma_semaphore, #tpu.memory_space<semaphore_mem>>) src(%dma_wait3A_159 : memref<8000xf32, #tpu.memory_space<hbm>>) dst(%arg10 : memref<8000xf32, #tpu.memory_space<vmem>>)
    %dma_wait3A_160 = tpu.memref_slice %arg4[%mul3A_34] : memref<640000xf32, #tpu.memory_space<hbm>> -> memref<8000xf32, #tpu.memory_space<hbm>>
    %dma_wait3A_161 = tpu.memref_slice %arg4[%mul3A_34] : memref<640000xf32, #tpu.memory_space<hbm>> -> memref<8000xf32, #tpu.memory_space<hbm>>
    tpu.wait_dma2 semaphore(%arg17 : memref<!tpu.dma_semaphore, #tpu.memory_space<semaphore_mem>>) src(%dma_wait3A_161 : memref<8000xf32, #tpu.memory_space<hbm>>) dst(%arg11 : memref<8000xf32, #tpu.memory_space<vmem>>)
    %scan3A_162 = arith.constant 0 : i32
    %scan3A_163 = arith.constant 62 : i32
    %scan3A_164 = arith.addi %scan3A_162, %scan3A_163 : i32
    %scan3A_165 = arith.constant 1 : i32
    %scan3A_166 = scf.for %scan3A_698 = %scan3A_162 to %scan3A_164 step %scan3A_165 iter_args(%scan3A_699 = %add3A_141) -> (vector<16xi32>)  : i32 {
      %mul3A_700 = arith.constant 64 : i32
      %mul3A_701 = arith.muli %scan3A_698, %mul3A_700 : i32
      %add3A_702 = arith.constant 0 : i32
      %add3A_703 = arith.addi %mul3A_701, %add3A_702 : i32
      %get3A_704 = arith.index_cast %add3A_703 : i32 to index
      %get3A_705 = tpu.vector_load %arg9[%get3A_704] {strides = array<i32>} : memref<4000xf32, #tpu.memory_space<vmem>>, vector<16xf32>,
      %add3A_706 = arith.constant 16 : i32
      %add3A_707 = arith.addi %mul3A_701, %add3A_706 : i32
      %get3A_708 = arith.index_cast %add3A_707 : i32 to index
      %get3A_709 = tpu.vector_load %arg9[%get3A_708] {strides = array<i32>} : memref<4000xf32, #tpu.memory_space<vmem>>, vector<16xf32>,
      %add3A_710 = arith.constant 32 : i32
      %add3A_711 = arith.addi %mul3A_701, %add3A_710 : i32
      %get3A_712 = arith.index_cast %add3A_711 : i32 to index
      %get3A_713 = tpu.vector_load %arg9[%get3A_712] {strides = array<i32>} : memref<4000xf32, #tpu.memory_space<vmem>>, vector<16xf32>,
      %add3A_714 = arith.constant 48 : i32
      %add3A_715 = arith.addi %mul3A_701, %add3A_714 : i32
      %get3A_716 = arith.index_cast %add3A_715 : i32 to index
      %get3A_717 = tpu.vector_load %arg9[%get3A_716] {strides = array<i32>} : memref<4000xf32, #tpu.memory_space<vmem>>, vector<16xf32>,
      %mul3A_718 = arith.constant 2 : i32
      %mul3A_719 = arith.muli %mul3A_718, %mul3A_701 : i32
      %add3A_720 = arith.constant 0 : i32
      %add3A_721 = arith.addi %mul3A_719, %add3A_720 : i32
      %broadcast_in_dim3A_722 = vector.broadcast %add3A_721 : i32 to vector<16xi32>
      %add3A_723 = arith.addi %broadcast_in_dim3A_722, %mul3A : vector<16xi32>
      %mul3A_724 = arith.constant 2 : i32
      %mul3A_725 = arith.muli %mul3A_724, %mul3A_701 : i32
      %add3A_726 = arith.constant 32 : i32
      %add3A_727 = arith.addi %mul3A_725, %add3A_726 : i32
      %broadcast_in_dim3A_728 = vector.broadcast %add3A_727 : i32 to vector<16xi32>
      %add3A_729 = arith.addi %broadcast_in_dim3A_728, %mul3A : vector<16xi32>
      %mul3A_730 = arith.constant 2 : i32
      %mul3A_731 = arith.muli %mul3A_730, %mul3A_701 : i32
      %add3A_732 = arith.constant 64 : i32
      %add3A_733 = arith.addi %mul3A_731, %add3A_732 : i32
      %broadcast_in_dim3A_734 = vector.broadcast %add3A_733 : i32 to vector<16xi32>
      %add3A_735 = arith.addi %broadcast_in_dim3A_734, %mul3A : vector<16xi32>
      %mul3A_736 = arith.constant 2 : i32
      %mul3A_737 = arith.muli %mul3A_736, %mul3A_701 : i32
      %add3A_738 = arith.constant 96 : i32
      %add3A_739 = arith.addi %mul3A_737, %add3A_738 : i32
      %broadcast_in_dim3A_740 = vector.broadcast %add3A_739 : i32 to vector<16xi32>
      %add3A_741 = arith.addi %broadcast_in_dim3A_740, %mul3A : vector<16xi32>
      %mul3A_742 = arith.constant 2 : i32
      %mul3A_743 = arith.muli %mul3A_742, %mul3A_701 : i32
      %add3A_744 = arith.constant 0 : i32
      %add3A_745 = arith.addi %mul3A_743, %add3A_744 : i32
      %broadcast_in_dim3A_746 = vector.broadcast %add3A_745 : i32 to vector<16xi32>
      %add3A_747 = arith.addi %broadcast_in_dim3A_746, %add3A : vector<16xi32>
      %mul3A_748 = arith.constant 2 : i32
      %mul3A_749 = arith.muli %mul3A_748, %mul3A_701 : i32
      %add3A_750 = arith.constant 32 : i32
      %add3A_751 = arith.addi %mul3A_749, %add3A_750 : i32
      %broadcast_in_dim3A_752 = vector.broadcast %add3A_751 : i32 to vector<16xi32>
      %add3A_753 = arith.addi %broadcast_in_dim3A_752, %add3A : vector<16xi32>
      %mul3A_754 = arith.constant 2 : i32
      %mul3A_755 = arith.muli %mul3A_754, %mul3A_701 : i32
      %add3A_756 = arith.constant 64 : i32
      %add3A_757 = arith.addi %mul3A_755, %add3A_756 : i32
      %broadcast_in_dim3A_758 = vector.broadcast %add3A_757 : i32 to vector<16xi32>
      %add3A_759 = arith.addi %broadcast_in_dim3A_758, %add3A : vector<16xi32>
      %mul3A_760 = arith.constant 2 : i32
      %mul3A_761 = arith.muli %mul3A_760, %mul3A_701 : i32
      %add3A_762 = arith.constant 96 : i32
      %add3A_763 = arith.addi %mul3A_761, %add3A_762 : i32
      %broadcast_in_dim3A_764 = vector.broadcast %add3A_763 : i32 to vector<16xi32>
      %add3A_765 = arith.addi %broadcast_in_dim3A_764, %add3A : vector<16xi32>
      %gather3A_766 = tpu.vector_load_idx %arg10[%add3A_723] : memref<8000xf32, #tpu.memory_space<vmem>>[vector<16xi32>], vector<16xf32>,
      %gather3A_767 = tpu.vector_load_idx %arg10[%add3A_729] : memref<8000xf32, #tpu.memory_space<vmem>>[vector<16xi32>], vector<16xf32>,
      %gather3A_768 = tpu.vector_load_idx %arg10[%add3A_735] : memref<8000xf32, #tpu.memory_space<vmem>>[vector<16xi32>], vector<16xf32>,
      %gather3A_769 = tpu.vector_load_idx %arg10[%add3A_741] : memref<8000xf32, #tpu.memory_space<vmem>>[vector<16xi32>], vector<16xf32>,
      %gather3A_770 = tpu.vector_load_idx %arg10[%add3A_747] : memref<8000xf32, #tpu.memory_space<vmem>>[vector<16xi32>], vector<16xf32>,
      %gather3A_771 = tpu.vector_load_idx %arg10[%add3A_753] : memref<8000xf32, #tpu.memory_space<vmem>>[vector<16xi32>], vector<16xf32>,
      %gather3A_772 = tpu.vector_load_idx %arg10[%add3A_759] : memref<8000xf32, #tpu.memory_space<vmem>>[vector<16xi32>], vector<16xf32>,
      %gather3A_773 = tpu.vector_load_idx %arg10[%add3A_765] : memref<8000xf32, #tpu.memory_space<vmem>>[vector<16xi32>], vector<16xf32>,
      %gather3A_774 = tpu.vector_load_idx %arg11[%add3A_723] : memref<8000xf32, #tpu.memory_space<vmem>>[vector<16xi32>], vector<16xf32>,
      %gather3A_775 = tpu.vector_load_idx %arg11[%add3A_729] : memref<8000xf32, #tpu.memory_space<vmem>>[vector<16xi32>], vector<16xf32>,
      %gather3A_776 = tpu.vector_load_idx %arg11[%add3A_735] : memref<8000xf32, #tpu.memory_space<vmem>>[vector<16xi32>], vector<16xf32>,
      %gather3A_777 = tpu.vector_load_idx %arg11[%add3A_741] : memref<8000xf32, #tpu.memory_space<vmem>>[vector<16xi32>], vector<16xf32>,
      %gather3A_778 = tpu.vector_load_idx %arg11[%add3A_747] : memref<8000xf32, #tpu.memory_space<vmem>>[vector<16xi32>], vector<16xf32>,
      %gather3A_779 = tpu.vector_load_idx %arg11[%add3A_753] : memref<8000xf32, #tpu.memory_space<vmem>>[vector<16xi32>], vector<16xf32>,
      %gather3A_780 = tpu.vector_load_idx %arg11[%add3A_759] : memref<8000xf32, #tpu.memory_space<vmem>>[vector<16xi32>], vector<16xf32>,
      %gather3A_781 = tpu.vector_load_idx %arg11[%add3A_765] : memref<8000xf32, #tpu.memory_space<vmem>>[vector<16xi32>], vector<16xf32>,
      %exp3A_782 = math.exp %gather3A_770 : vector<16xf32>
      %exp3A_783 = math.exp %gather3A_771 : vector<16xf32>
      %exp3A_784 = math.exp %gather3A_772 : vector<16xf32>
      %exp3A_785 = math.exp %gather3A_773 : vector<16xf32>
      %sub3A_786 = arith.subf %gather3A_778, %gather3A_774 : vector<16xf32>
      %sub3A_787 = arith.subf %gather3A_779, %gather3A_775 : vector<16xf32>
      %sub3A_788 = arith.subf %gather3A_780, %gather3A_776 : vector<16xf32>
      %sub3A_789 = arith.subf %gather3A_781, %gather3A_777 : vector<16xf32>
      %broadcast_in_dim3A_790 = arith.constant 5.000000e-01 : f32
      %broadcast_in_dim3A_791 = vector.broadcast %broadcast_in_dim3A_790 : f32 to vector<16xf32>
      %mul3A_792 = arith.mulf %broadcast_in_dim3A_791, %sub3A_786 : vector<16xf32>
      %add3A_793 = arith.addf %gather3A_774, %mul3A_792 : vector<16xf32>
      %broadcast_in_dim3A_794 = arith.constant 5.000000e-01 : f32
      %broadcast_in_dim3A_795 = vector.broadcast %broadcast_in_dim3A_794 : f32 to vector<16xf32>
      %mul3A_796 = arith.mulf %broadcast_in_dim3A_795, %sub3A_787 : vector<16xf32>
      %add3A_797 = arith.addf %gather3A_775, %mul3A_796 : vector<16xf32>
      %broadcast_in_dim3A_798 = arith.constant 5.000000e-01 : f32
      %broadcast_in_dim3A_799 = vector.broadcast %broadcast_in_dim3A_798 : f32 to vector<16xf32>
      %mul3A_800 = arith.mulf %broadcast_in_dim3A_799, %sub3A_788 : vector<16xf32>
      %add3A_801 = arith.addf %gather3A_776, %mul3A_800 : vector<16xf32>
      %broadcast_in_dim3A_802 = arith.constant 5.000000e-01 : f32
      %broadcast_in_dim3A_803 = vector.broadcast %broadcast_in_dim3A_802 : f32 to vector<16xf32>
      %mul3A_804 = arith.mulf %broadcast_in_dim3A_803, %sub3A_789 : vector<16xf32>
      %add3A_805 = arith.addf %gather3A_777, %mul3A_804 : vector<16xf32>
      %mul3A_806 = arith.mulf %gather3A_766, %sub3A_786 : vector<16xf32>
      %add3A_807 = arith.addf %add3A_793, %mul3A_806 : vector<16xf32>
      %mul3A_808 = arith.mulf %gather3A_767, %sub3A_787 : vector<16xf32>
      %add3A_809 = arith.addf %add3A_797, %mul3A_808 : vector<16xf32>
      %mul3A_810 = arith.mulf %gather3A_768, %sub3A_788 : vector<16xf32>
      %add3A_811 = arith.addf %add3A_801, %mul3A_810 : vector<16xf32>
      %mul3A_812 = arith.mulf %gather3A_769, %sub3A_789 : vector<16xf32>
      %add3A_813 = arith.addf %add3A_805, %mul3A_812 : vector<16xf32>
      %broadcast_in_dim3A_814 = arith.constant 5.000000e-01 : f32
      %broadcast_in_dim3A_815 = vector.broadcast %broadcast_in_dim3A_814 : f32 to vector<16xf32>
      %mul3A_816 = arith.mulf %exp3A_782, %sub3A_786 : vector<16xf32>
      %mul3A_817 = arith.mulf %broadcast_in_dim3A_815, %mul3A_816 : vector<16xf32>
      %broadcast_in_dim3A_818 = arith.constant 5.000000e-01 : f32
      %broadcast_in_dim3A_819 = vector.broadcast %broadcast_in_dim3A_818 : f32 to vector<16xf32>
      %mul3A_820 = arith.mulf %exp3A_783, %sub3A_787 : vector<16xf32>
      %mul3A_821 = arith.mulf %broadcast_in_dim3A_819, %mul3A_820 : vector<16xf32>
      %broadcast_in_dim3A_822 = arith.constant 5.000000e-01 : f32
      %broadcast_in_dim3A_823 = vector.broadcast %broadcast_in_dim3A_822 : f32 to vector<16xf32>
      %mul3A_824 = arith.mulf %exp3A_784, %sub3A_788 : vector<16xf32>
      %mul3A_825 = arith.mulf %broadcast_in_dim3A_823, %mul3A_824 : vector<16xf32>
      %broadcast_in_dim3A_826 = arith.constant 5.000000e-01 : f32
      %broadcast_in_dim3A_827 = vector.broadcast %broadcast_in_dim3A_826 : f32 to vector<16xf32>
      %mul3A_828 = arith.mulf %exp3A_785, %sub3A_789 : vector<16xf32>
      %mul3A_829 = arith.mulf %broadcast_in_dim3A_827, %mul3A_828 : vector<16xf32>
      %sub3A_830 = arith.subf %add3A_807, %mul3A_817 : vector<16xf32>
      %broadcast_in_dim3A_831 = arith.constant 0.000000e+00 : f32
      %broadcast_in_dim3A_832 = vector.broadcast %broadcast_in_dim3A_831 : f32 to vector<16xf32>
      %max3A_833 = arith.maximumf %sub3A_830, %broadcast_in_dim3A_832 : vector<16xf32>
      %broadcast_in_dim3A_834 = arith.constant 4.160000e+02 : f32
      %broadcast_in_dim3A_835 = vector.broadcast %broadcast_in_dim3A_834 : f32 to vector<16xf32>
      %min3A_836 = arith.minimumf %max3A_833, %broadcast_in_dim3A_835 : vector<16xf32>
      %sub3A_837 = arith.subf %add3A_809, %mul3A_821 : vector<16xf32>
      %broadcast_in_dim3A_838 = arith.constant 0.000000e+00 : f32
      %broadcast_in_dim3A_839 = vector.broadcast %broadcast_in_dim3A_838 : f32 to vector<16xf32>
      %max3A_840 = arith.maximumf %sub3A_837, %broadcast_in_dim3A_839 : vector<16xf32>
      %broadcast_in_dim3A_841 = arith.constant 4.160000e+02 : f32
      %broadcast_in_dim3A_842 = vector.broadcast %broadcast_in_dim3A_841 : f32 to vector<16xf32>
      %min3A_843 = arith.minimumf %max3A_840, %broadcast_in_dim3A_842 : vector<16xf32>
      %sub3A_844 = arith.subf %add3A_811, %mul3A_825 : vector<16xf32>
      %broadcast_in_dim3A_845 = arith.constant 0.000000e+00 : f32
      %broadcast_in_dim3A_846 = vector.broadcast %broadcast_in_dim3A_845 : f32 to vector<16xf32>
      %max3A_847 = arith.maximumf %sub3A_844, %broadcast_in_dim3A_846 : vector<16xf32>
      %broadcast_in_dim3A_848 = arith.constant 4.160000e+02 : f32
      %broadcast_in_dim3A_849 = vector.broadcast %broadcast_in_dim3A_848 : f32 to vector<16xf32>
      %min3A_850 = arith.minimumf %max3A_847, %broadcast_in_dim3A_849 : vector<16xf32>
      %sub3A_851 = arith.subf %add3A_813, %mul3A_829 : vector<16xf32>
      %broadcast_in_dim3A_852 = arith.constant 0.000000e+00 : f32
      %broadcast_in_dim3A_853 = vector.broadcast %broadcast_in_dim3A_852 : f32 to vector<16xf32>
      %max3A_854 = arith.maximumf %sub3A_851, %broadcast_in_dim3A_853 : vector<16xf32>
      %broadcast_in_dim3A_855 = arith.constant 4.160000e+02 : f32
      %broadcast_in_dim3A_856 = vector.broadcast %broadcast_in_dim3A_855 : f32 to vector<16xf32>
      %min3A_857 = arith.minimumf %max3A_854, %broadcast_in_dim3A_856 : vector<16xf32>
      %add3A_858 = arith.addf %add3A_807, %mul3A_817 : vector<16xf32>
      %broadcast_in_dim3A_859 = arith.constant 0.000000e+00 : f32
      %broadcast_in_dim3A_860 = vector.broadcast %broadcast_in_dim3A_859 : f32 to vector<16xf32>
      %max3A_861 = arith.maximumf %add3A_858, %broadcast_in_dim3A_860 : vector<16xf32>
      %broadcast_in_dim3A_862 = arith.constant 4.160000e+02 : f32
      %broadcast_in_dim3A_863 = vector.broadcast %broadcast_in_dim3A_862 : f32 to vector<16xf32>
      %min3A_864 = arith.minimumf %max3A_861, %broadcast_in_dim3A_863 : vector<16xf32>
      %add3A_865 = arith.addf %add3A_809, %mul3A_821 : vector<16xf32>
      %broadcast_in_dim3A_866 = arith.constant 0.000000e+00 : f32
      %broadcast_in_dim3A_867 = vector.broadcast %broadcast_in_dim3A_866 : f32 to vector<16xf32>
      %max3A_868 = arith.maximumf %add3A_865, %broadcast_in_dim3A_867 : vector<16xf32>
      %broadcast_in_dim3A_869 = arith.constant 4.160000e+02 : f32
      %broadcast_in_dim3A_870 = vector.broadcast %broadcast_in_dim3A_869 : f32 to vector<16xf32>
      %min3A_871 = arith.minimumf %max3A_868, %broadcast_in_dim3A_870 : vector<16xf32>
      %add3A_872 = arith.addf %add3A_811, %mul3A_825 : vector<16xf32>
      %broadcast_in_dim3A_873 = arith.constant 0.000000e+00 : f32
      %broadcast_in_dim3A_874 = vector.broadcast %broadcast_in_dim3A_873 : f32 to vector<16xf32>
      %max3A_875 = arith.maximumf %add3A_872, %broadcast_in_dim3A_874 : vector<16xf32>
      %broadcast_in_dim3A_876 = arith.constant 4.160000e+02 : f32
      %broadcast_in_dim3A_877 = vector.broadcast %broadcast_in_dim3A_876 : f32 to vector<16xf32>
      %min3A_878 = arith.minimumf %max3A_875, %broadcast_in_dim3A_877 : vector<16xf32>
      %add3A_879 = arith.addf %add3A_813, %mul3A_829 : vector<16xf32>
      %broadcast_in_dim3A_880 = arith.constant 0.000000e+00 : f32
      %broadcast_in_dim3A_881 = vector.broadcast %broadcast_in_dim3A_880 : f32 to vector<16xf32>
      %max3A_882 = arith.maximumf %add3A_879, %broadcast_in_dim3A_881 : vector<16xf32>
      %broadcast_in_dim3A_883 = arith.constant 4.160000e+02 : f32
      %broadcast_in_dim3A_884 = vector.broadcast %broadcast_in_dim3A_883 : f32 to vector<16xf32>
      %min3A_885 = arith.minimumf %max3A_882, %broadcast_in_dim3A_884 : vector<16xf32>
      %broadcast_in_dim3A_886 = arith.constant 0.00999999977 : f32
      %broadcast_in_dim3A_887 = vector.broadcast %broadcast_in_dim3A_886 : f32 to vector<16xf32>
      %gt3A_888 = arith.cmpf ogt, %get3A_705, %broadcast_in_dim3A_887 : vector<16xf32>
      %sub3A_889 = arith.subf %min3A_864, %min3A_836 : vector<16xf32>
      %broadcast_in_dim3A_890 = arith.constant 3.000000e+00 : f32
      %broadcast_in_dim3A_891 = vector.broadcast %broadcast_in_dim3A_890 : f32 to vector<16xf32>
      %gt3A_892 = arith.cmpf ogt, %sub3A_889, %broadcast_in_dim3A_891 : vector<16xf32>
      %and3A_893 = arith.andi %gt3A_888, %gt3A_892 : vector<16xi1>
      %broadcast_in_dim3A_894 = arith.constant 0.00999999977 : f32
      %broadcast_in_dim3A_895 = vector.broadcast %broadcast_in_dim3A_894 : f32 to vector<16xf32>
      %gt3A_896 = arith.cmpf ogt, %get3A_709, %broadcast_in_dim3A_895 : vector<16xf32>
      %sub3A_897 = arith.subf %min3A_871, %min3A_843 : vector<16xf32>
      %broadcast_in_dim3A_898 = arith.constant 3.000000e+00 : f32
      %broadcast_in_dim3A_899 = vector.broadcast %broadcast_in_dim3A_898 : f32 to vector<16xf32>
      %gt3A_900 = arith.cmpf ogt, %sub3A_897, %broadcast_in_dim3A_899 : vector<16xf32>
      %and3A_901 = arith.andi %gt3A_896, %gt3A_900 : vector<16xi1>
      %broadcast_in_dim3A_902 = arith.constant 0.00999999977 : f32
      %broadcast_in_dim3A_903 = vector.broadcast %broadcast_in_dim3A_902 : f32 to vector<16xf32>
      %gt3A_904 = arith.cmpf ogt, %get3A_713, %broadcast_in_dim3A_903 : vector<16xf32>
      %sub3A_905 = arith.subf %min3A_878, %min3A_850 : vector<16xf32>
      %broadcast_in_dim3A_906 = arith.constant 3.000000e+00 : f32
      %broadcast_in_dim3A_907 = vector.broadcast %broadcast_in_dim3A_906 : f32 to vector<16xf32>
      %gt3A_908 = arith.cmpf ogt, %sub3A_905, %broadcast_in_dim3A_907 : vector<16xf32>
      %and3A_909 = arith.andi %gt3A_904, %gt3A_908 : vector<16xi1>
      %broadcast_in_dim3A_910 = arith.constant 0.00999999977 : f32
      %broadcast_in_dim3A_911 = vector.broadcast %broadcast_in_dim3A_910 : f32 to vector<16xf32>
      %gt3A_912 = arith.cmpf ogt, %get3A_717, %broadcast_in_dim3A_911 : vector<16xf32>
      %sub3A_913 = arith.subf %min3A_885, %min3A_857 : vector<16xf32>
      %broadcast_in_dim3A_914 = arith.constant 3.000000e+00 : f32
      %broadcast_in_dim3A_915 = vector.broadcast %broadcast_in_dim3A_914 : f32 to vector<16xf32>
      %gt3A_916 = arith.cmpf ogt, %sub3A_913, %broadcast_in_dim3A_915 : vector<16xf32>
      %and3A_917 = arith.andi %gt3A_912, %gt3A_916 : vector<16xi1>
      %convert_element_type3A_918 = arith.extui %and3A_893 : vector<16xi1> to vector<16xi32>
      %broadcast_in_dim3A_919 = arith.constant true
      %broadcast_in_dim3A_920 = vector.broadcast %broadcast_in_dim3A_919 : i1 to vector<16xi1>
      %masked_cumsum3A_921 = tpu.scan <sum>, %convert_element_type3A_918 masked %broadcast_in_dim3A_920 : vector<16xi32>, vector<16xi1> -> vector<16xi32>
      %convert_element_type3A_922 = arith.extui %and3A_901 : vector<16xi1> to vector<16xi32>
      %broadcast_in_dim3A_923 = arith.constant true
      %broadcast_in_dim3A_924 = vector.broadcast %broadcast_in_dim3A_923 : i1 to vector<16xi1>
      %masked_cumsum3A_925 = tpu.scan <sum>, %convert_element_type3A_922 masked %broadcast_in_dim3A_924 : vector<16xi32>, vector<16xi1> -> vector<16xi32>
      %convert_element_type3A_926 = arith.extui %and3A_909 : vector<16xi1> to vector<16xi32>
      %broadcast_in_dim3A_927 = arith.constant true
      %broadcast_in_dim3A_928 = vector.broadcast %broadcast_in_dim3A_927 : i1 to vector<16xi1>
      %masked_cumsum3A_929 = tpu.scan <sum>, %convert_element_type3A_926 masked %broadcast_in_dim3A_928 : vector<16xi32>, vector<16xi1> -> vector<16xi32>
      %convert_element_type3A_930 = arith.extui %and3A_917 : vector<16xi1> to vector<16xi32>
      %broadcast_in_dim3A_931 = arith.constant true
      %broadcast_in_dim3A_932 = vector.broadcast %broadcast_in_dim3A_931 : i1 to vector<16xi1>
      %masked_cumsum3A_933 = tpu.scan <sum>, %convert_element_type3A_930 masked %broadcast_in_dim3A_932 : vector<16xi32>, vector<16xi1> -> vector<16xi32>
      %all_reduce_population_count3A_934 = tpu.all_reduce %and3A_893 {dim = 0 : i64, kind = #tpu.reduction_kind<sum>} : vector<16xi1> -> vector<16xi32>
      %all_reduce_population_count3A_935 = tpu.all_reduce %and3A_901 {dim = 0 : i64, kind = #tpu.reduction_kind<sum>} : vector<16xi1> -> vector<16xi32>
      %all_reduce_population_count3A_936 = tpu.all_reduce %and3A_909 {dim = 0 : i64, kind = #tpu.reduction_kind<sum>} : vector<16xi1> -> vector<16xi32>
      %all_reduce_population_count3A_937 = tpu.all_reduce %and3A_917 {dim = 0 : i64, kind = #tpu.reduction_kind<sum>} : vector<16xi1> -> vector<16xi32>
      %add3A_938 = arith.addi %scan3A_699, %all_reduce_population_count3A_934 : vector<16xi32>
      %add3A_939 = arith.addi %add3A_938, %all_reduce_population_count3A_935 : vector<16xi32>
      %add3A_940 = arith.addi %add3A_939, %all_reduce_population_count3A_936 : vector<16xi32>
      %add3A_941 = arith.addi %scan3A_699, %masked_cumsum3A_921 : vector<16xi32>
      %add3A_942 = arith.addi %add3A_938, %masked_cumsum3A_925 : vector<16xi32>
      %add3A_943 = arith.addi %add3A_939, %masked_cumsum3A_929 : vector<16xi32>
      %add3A_944 = arith.addi %add3A_940, %masked_cumsum3A_933 : vector<16xi32>
      tpu.vector_store_idx %arg12[%add3A_941], %get3A_705 masked %and3A_893 : memref<20032xf32, #tpu.memory_space<vmem>>[vector<16xi32>], vector<16xf32>, vector<16xi1>
      tpu.vector_store_idx %arg13[%add3A_941], %min3A_836 masked %and3A_893 : memref<20032xf32, #tpu.memory_space<vmem>>[vector<16xi32>], vector<16xf32>, vector<16xi1>
      tpu.vector_store_idx %arg14[%add3A_941], %min3A_864 masked %and3A_893 : memref<20032xf32, #tpu.memory_space<vmem>>[vector<16xi32>], vector<16xf32>, vector<16xi1>
      tpu.vector_store_idx %arg12[%add3A_942], %get3A_709 masked %and3A_901 : memref<20032xf32, #tpu.memory_space<vmem>>[vector<16xi32>], vector<16xf32>, vector<16xi1>
      tpu.vector_store_idx %arg13[%add3A_942], %min3A_843 masked %and3A_901 : memref<20032xf32, #tpu.memory_space<vmem>>[vector<16xi32>], vector<16xf32>, vector<16xi1>
      tpu.vector_store_idx %arg14[%add3A_942], %min3A_871 masked %and3A_901 : memref<20032xf32, #tpu.memory_space<vmem>>[vector<16xi32>], vector<16xf32>, vector<16xi1>
      tpu.vector_store_idx %arg12[%add3A_943], %get3A_713 masked %and3A_909 : memref<20032xf32, #tpu.memory_space<vmem>>[vector<16xi32>], vector<16xf32>, vector<16xi1>
      tpu.vector_store_idx %arg13[%add3A_943], %min3A_850 masked %and3A_909 : memref<20032xf32, #tpu.memory_space<vmem>>[vector<16xi32>], vector<16xf32>, vector<16xi1>
      tpu.vector_store_idx %arg14[%add3A_943], %min3A_878 masked %and3A_909 : memref<20032xf32, #tpu.memory_space<vmem>>[vector<16xi32>], vector<16xf32>, vector<16xi1>
      tpu.vector_store_idx %arg12[%add3A_944], %get3A_717 masked %and3A_917 : memref<20032xf32, #tpu.memory_space<vmem>>[vector<16xi32>], vector<16xf32>, vector<16xi1>
      tpu.vector_store_idx %arg13[%add3A_944], %min3A_857 masked %and3A_917 : memref<20032xf32, #tpu.memory_space<vmem>>[vector<16xi32>], vector<16xf32>, vector<16xi1>
      tpu.vector_store_idx %arg14[%add3A_944], %min3A_885 masked %and3A_917 : memref<20032xf32, #tpu.memory_space<vmem>>[vector<16xi32>], vector<16xf32>, vector<16xi1>
      %add3A_945 = arith.addi %add3A_940, %all_reduce_population_count3A_937 : vector<16xi32>
      scf.yield %add3A_945 : vector<16xi32>
    }
    %scan3A_167 = arith.constant 62 : i32
    %get3A_168 = arith.constant 3968 : index
    %get3A_169 = tpu.vector_load %arg9[%get3A_168] {strides = array<i32>} : memref<4000xf32, #tpu.memory_space<vmem>>, vector<16xf32>,
    %broadcast_in_dim3A_170 = arith.constant 7936 : i32
    %broadcast_in_dim3A_171 = vector.broadcast %broadcast_in_dim3A_170 : i32 to vector<16xi32>
    %add3A_172 = arith.addi %broadcast_in_dim3A_171, %mul3A : vector<16xi32>
    %broadcast_in_dim3A_173 = arith.constant 7936 : i32
    %broadcast_in_dim3A_174 = vector.broadcast %broadcast_in_dim3A_173 : i32 to vector<16xi32>
    %add3A_175 = arith.addi %broadcast_in_dim3A_174, %add3A : vector<16xi32>
    %gather3A_176 = tpu.vector_load_idx %arg10[%add3A_172] : memref<8000xf32, #tpu.memory_space<vmem>>[vector<16xi32>], vector<16xf32>,
    %gather3A_177 = tpu.vector_load_idx %arg10[%add3A_175] : memref<8000xf32, #tpu.memory_space<vmem>>[vector<16xi32>], vector<16xf32>,
    %gather3A_178 = tpu.vector_load_idx %arg11[%add3A_172] : memref<8000xf32, #tpu.memory_space<vmem>>[vector<16xi32>], vector<16xf32>,
    %gather3A_179 = tpu.vector_load_idx %arg11[%add3A_175] : memref<8000xf32, #tpu.memory_space<vmem>>[vector<16xi32>], vector<16xf32>,
    %exp3A_180 = math.exp %gather3A_177 : vector<16xf32>
    %sub3A_181 = arith.subf %gather3A_179, %gather3A_178 : vector<16xf32>
    %broadcast_in_dim3A_182 = arith.constant 5.000000e-01 : f32
    %broadcast_in_dim3A_183 = vector.broadcast %broadcast_in_dim3A_182 : f32 to vector<16xf32>
    %mul3A_184 = arith.mulf %broadcast_in_dim3A_183, %sub3A_181 : vector<16xf32>
    %add3A_185 = arith.addf %gather3A_178, %mul3A_184 : vector<16xf32>
    %mul3A_186 = arith.mulf %gather3A_176, %sub3A_181 : vector<16xf32>
    %add3A_187 = arith.addf %add3A_185, %mul3A_186 : vector<16xf32>
    %broadcast_in_dim3A_188 = arith.constant 5.000000e-01 : f32
    %broadcast_in_dim3A_189 = vector.broadcast %broadcast_in_dim3A_188 : f32 to vector<16xf32>
    %mul3A_190 = arith.mulf %exp3A_180, %sub3A_181 : vector<16xf32>
    %mul3A_191 = arith.mulf %broadcast_in_dim3A_189, %mul3A_190 : vector<16xf32>
    %sub3A_192 = arith.subf %add3A_187, %mul3A_191 : vector<16xf32>
    %broadcast_in_dim3A_193 = arith.constant 0.000000e+00 : f32
    %broadcast_in_dim3A_194 = vector.broadcast %broadcast_in_dim3A_193 : f32 to vector<16xf32>
    %max3A_195 = arith.maximumf %sub3A_192, %broadcast_in_dim3A_194 : vector<16xf32>
    %broadcast_in_dim3A_196 = arith.constant 4.160000e+02 : f32
    %broadcast_in_dim3A_197 = vector.broadcast %broadcast_in_dim3A_196 : f32 to vector<16xf32>
    %min3A_198 = arith.minimumf %max3A_195, %broadcast_in_dim3A_197 : vector<16xf32>
    %add3A_199 = arith.addf %add3A_187, %mul3A_191 : vector<16xf32>
    %broadcast_in_dim3A_200 = arith.constant 0.000000e+00 : f32
    %broadcast_in_dim3A_201 = vector.broadcast %broadcast_in_dim3A_200 : f32 to vector<16xf32>
    %max3A_202 = arith.maximumf %add3A_199, %broadcast_in_dim3A_201 : vector<16xf32>
    %broadcast_in_dim3A_203 = arith.constant 4.160000e+02 : f32
    %broadcast_in_dim3A_204 = vector.broadcast %broadcast_in_dim3A_203 : f32 to vector<16xf32>
    %min3A_205 = arith.minimumf %max3A_202, %broadcast_in_dim3A_204 : vector<16xf32>
    %broadcast_in_dim3A_206 = arith.constant 0.00999999977 : f32
    %broadcast_in_dim3A_207 = vector.broadcast %broadcast_in_dim3A_206 : f32 to vector<16xf32>
    %gt3A_208 = arith.cmpf ogt, %get3A_169, %broadcast_in_dim3A_207 : vector<16xf32>
    %sub3A_209 = arith.subf %min3A_205, %min3A_198 : vector<16xf32>
    %broadcast_in_dim3A_210 = arith.constant 3.000000e+00 : f32
    %broadcast_in_dim3A_211 = vector.broadcast %broadcast_in_dim3A_210 : f32 to vector<16xf32>
    %gt3A_212 = arith.cmpf ogt, %sub3A_209, %broadcast_in_dim3A_211 : vector<16xf32>
    %and3A_213 = arith.andi %gt3A_208, %gt3A_212 : vector<16xi1>
    %convert_element_type3A_214 = arith.extui %and3A_213 : vector<16xi1> to vector<16xi32>
    %broadcast_in_dim3A_215 = arith.constant true
    %broadcast_in_dim3A_216 = vector.broadcast %broadcast_in_dim3A_215 : i1 to vector<16xi1>
    %masked_cumsum3A_217 = tpu.scan <sum>, %convert_element_type3A_214 masked %broadcast_in_dim3A_216 : vector<16xi32>, vector<16xi1> -> vector<16xi32>
    %all_reduce_population_count3A_218 = tpu.all_reduce %and3A_213 {dim = 0 : i64, kind = #tpu.reduction_kind<sum>} : vector<16xi1> -> vector<16xi32>
    %add3A_219 = arith.addi %scan3A_166, %masked_cumsum3A_217 : vector<16xi32>
    tpu.vector_store_idx %arg12[%add3A_219], %get3A_169 masked %and3A_213 : memref<20032xf32, #tpu.memory_space<vmem>>[vector<16xi32>], vector<16xf32>, vector<16xi1>
    tpu.vector_store_idx %arg13[%add3A_219], %min3A_198 masked %and3A_213 : memref<20032xf32, #tpu.memory_space<vmem>>[vector<16xi32>], vector<16xf32>, vector<16xi1>
    tpu.vector_store_idx %arg14[%add3A_219], %min3A_205 masked %and3A_213 : memref<20032xf32, #tpu.memory_space<vmem>>[vector<16xi32>], vector<16xf32>, vector<16xi1>
    %add3A_220 = arith.addi %scan3A_166, %all_reduce_population_count3A_218 : vector<16xi32>
    %get3A_221 = arith.constant 3984 : index
    %get3A_222 = tpu.vector_load %arg9[%get3A_221] {strides = array<i32>} : memref<4000xf32, #tpu.memory_space<vmem>>, vector<16xf32>,
    %broadcast_in_dim3A_223 = arith.constant 7968 : i32
    %broadcast_in_dim3A_224 = vector.broadcast %broadcast_in_dim3A_223 : i32 to vector<16xi32>
    %add3A_225 = arith.addi %broadcast_in_dim3A_224, %mul3A : vector<16xi32>
    %broadcast_in_dim3A_226 = arith.constant 7968 : i32
    %broadcast_in_dim3A_227 = vector.broadcast %broadcast_in_dim3A_226 : i32 to vector<16xi32>
    %add3A_228 = arith.addi %broadcast_in_dim3A_227, %add3A : vector<16xi32>
    %gather3A_229 = tpu.vector_load_idx %arg10[%add3A_225] : memref<8000xf32, #tpu.memory_space<vmem>>[vector<16xi32>], vector<16xf32>,
    %gather3A_230 = tpu.vector_load_idx %arg10[%add3A_228] : memref<8000xf32, #tpu.memory_space<vmem>>[vector<16xi32>], vector<16xf32>,
    %gather3A_231 = tpu.vector_load_idx %arg11[%add3A_225] : memref<8000xf32, #tpu.memory_space<vmem>>[vector<16xi32>], vector<16xf32>,
    %gather3A_232 = tpu.vector_load_idx %arg11[%add3A_228] : memref<8000xf32, #tpu.memory_space<vmem>>[vector<16xi32>], vector<16xf32>,
    %exp3A_233 = math.exp %gather3A_230 : vector<16xf32>
    %sub3A_234 = arith.subf %gather3A_232, %gather3A_231 : vector<16xf32>
    %broadcast_in_dim3A_235 = arith.constant 5.000000e-01 : f32
    %broadcast_in_dim3A_236 = vector.broadcast %broadcast_in_dim3A_235 : f32 to vector<16xf32>
    %mul3A_237 = arith.mulf %broadcast_in_dim3A_236, %sub3A_234 : vector<16xf32>
    %add3A_238 = arith.addf %gather3A_231, %mul3A_237 : vector<16xf32>
    %mul3A_239 = arith.mulf %gather3A_229, %sub3A_234 : vector<16xf32>
    %add3A_240 = arith.addf %add3A_238, %mul3A_239 : vector<16xf32>
    %broadcast_in_dim3A_241 = arith.constant 5.000000e-01 : f32
    %broadcast_in_dim3A_242 = vector.broadcast %broadcast_in_dim3A_241 : f32 to vector<16xf32>
    %mul3A_243 = arith.mulf %exp3A_233, %sub3A_234 : vector<16xf32>
    %mul3A_244 = arith.mulf %broadcast_in_dim3A_242, %mul3A_243 : vector<16xf32>
    %sub3A_245 = arith.subf %add3A_240, %mul3A_244 : vector<16xf32>
    %broadcast_in_dim3A_246 = arith.constant 0.000000e+00 : f32
    %broadcast_in_dim3A_247 = vector.broadcast %broadcast_in_dim3A_246 : f32 to vector<16xf32>
    %max3A_248 = arith.maximumf %sub3A_245, %broadcast_in_dim3A_247 : vector<16xf32>
    %broadcast_in_dim3A_249 = arith.constant 4.160000e+02 : f32
    %broadcast_in_dim3A_250 = vector.broadcast %broadcast_in_dim3A_249 : f32 to vector<16xf32>
    %min3A_251 = arith.minimumf %max3A_248, %broadcast_in_dim3A_250 : vector<16xf32>
    %add3A_252 = arith.addf %add3A_240, %mul3A_244 : vector<16xf32>
    %broadcast_in_dim3A_253 = arith.constant 0.000000e+00 : f32
    %broadcast_in_dim3A_254 = vector.broadcast %broadcast_in_dim3A_253 : f32 to vector<16xf32>
    %max3A_255 = arith.maximumf %add3A_252, %broadcast_in_dim3A_254 : vector<16xf32>
    %broadcast_in_dim3A_256 = arith.constant 4.160000e+02 : f32
    %broadcast_in_dim3A_257 = vector.broadcast %broadcast_in_dim3A_256 : f32 to vector<16xf32>
    %min3A_258 = arith.minimumf %max3A_255, %broadcast_in_dim3A_257 : vector<16xf32>
    %broadcast_in_dim3A_259 = arith.constant 0.00999999977 : f32
    %broadcast_in_dim3A_260 = vector.broadcast %broadcast_in_dim3A_259 : f32 to vector<16xf32>
    %gt3A_261 = arith.cmpf ogt, %get3A_222, %broadcast_in_dim3A_260 : vector<16xf32>
    %sub3A_262 = arith.subf %min3A_258, %min3A_251 : vector<16xf32>
    %broadcast_in_dim3A_263 = arith.constant 3.000000e+00 : f32
    %broadcast_in_dim3A_264 = vector.broadcast %broadcast_in_dim3A_263 : f32 to vector<16xf32>
    %gt3A_265 = arith.cmpf ogt, %sub3A_262, %broadcast_in_dim3A_264 : vector<16xf32>
    %and3A_266 = arith.andi %gt3A_261, %gt3A_265 : vector<16xi1>
    %convert_element_type3A_267 = arith.extui %and3A_266 : vector<16xi1> to vector<16xi32>
    %broadcast_in_dim3A_268 = arith.constant true
    %broadcast_in_dim3A_269 = vector.broadcast %broadcast_in_dim3A_268 : i1 to vector<16xi1>
    %masked_cumsum3A_270 = tpu.scan <sum>, %convert_element_type3A_267 masked %broadcast_in_dim3A_269 : vector<16xi32>, vector<16xi1> -> vector<16xi32>
    %all_reduce_population_count3A_271 = tpu.all_reduce %and3A_266 {dim = 0 : i64, kind = #tpu.reduction_kind<sum>} : vector<16xi1> -> vector<16xi32>
    %add3A_272 = arith.addi %add3A_220, %masked_cumsum3A_270 : vector<16xi32>
    tpu.vector_store_idx %arg12[%add3A_272], %get3A_222 masked %and3A_266 : memref<20032xf32, #tpu.memory_space<vmem>>[vector<16xi32>], vector<16xf32>, vector<16xi1>
    tpu.vector_store_idx %arg13[%add3A_272], %min3A_251 masked %and3A_266 : memref<20032xf32, #tpu.memory_space<vmem>>[vector<16xi32>], vector<16xf32>, vector<16xi1>
    tpu.vector_store_idx %arg14[%add3A_272], %min3A_258 masked %and3A_266 : memref<20032xf32, #tpu.memory_space<vmem>>[vector<16xi32>], vector<16xf32>, vector<16xi1>
    %add3A_273 = arith.addi %add3A_220, %all_reduce_population_count3A_271 : vector<16xi32>
    %mul3A_274 = arith.constant 20000 : i32
    %mul3A_275 = arith.muli %arg1, %mul3A_274 : i32
    %add3A_276 = arith.constant 12000 : i32
    %add3A_277 = arith.addi %mul3A_275, %add3A_276 : i32
    %dma_start3A_278 = tpu.memref_slice %arg2[%add3A_277] : memref<320000xf32, #tpu.memory_space<hbm>> -> memref<4000xf32, #tpu.memory_space<hbm>>
    %dma_start3A_279 = tpu.memref_slice %arg2[%add3A_277] : memref<320000xf32, #tpu.memory_space<hbm>> -> memref<4000xf32, #tpu.memory_space<hbm>>
    tpu.enqueue_dma source(%dma_start3A_279 : memref<4000xf32, #tpu.memory_space<hbm>>) target(%arg9 : memref<4000xf32, #tpu.memory_space<vmem>>) target_semaphore(%arg17 : memref<!tpu.dma_semaphore, #tpu.memory_space<semaphore_mem>>)
    %mul3A_280 = arith.constant 2 : i32
    %mul3A_281 = arith.muli %mul3A_280, %add3A_277 : i32
    %dma_start3A_282 = tpu.memref_slice %arg3[%mul3A_281] : memref<640000xf32, #tpu.memory_space<hbm>> -> memref<8000xf32, #tpu.memory_space<hbm>>
    %dma_start3A_283 = tpu.memref_slice %arg3[%mul3A_281] : memref<640000xf32, #tpu.memory_space<hbm>> -> memref<8000xf32, #tpu.memory_space<hbm>>
    tpu.enqueue_dma source(%dma_start3A_283 : memref<8000xf32, #tpu.memory_space<hbm>>) target(%arg10 : memref<8000xf32, #tpu.memory_space<vmem>>) target_semaphore(%arg17 : memref<!tpu.dma_semaphore, #tpu.memory_space<semaphore_mem>>)
    %mul3A_284 = arith.constant 2 : i32
    %mul3A_285 = arith.muli %mul3A_284, %add3A_277 : i32
    %dma_start3A_286 = tpu.memref_slice %arg4[%mul3A_285] : memref<640000xf32, #tpu.memory_space<hbm>> -> memref<8000xf32, #tpu.memory_space<hbm>>
    %dma_start3A_287 = tpu.memref_slice %arg4[%mul3A_285] : memref<640000xf32, #tpu.memory_space<hbm>> -> memref<8000xf32, #tpu.memory_space<hbm>>
    tpu.enqueue_dma source(%dma_start3A_287 : memref<8000xf32, #tpu.memory_space<hbm>>) target(%arg11 : memref<8000xf32, #tpu.memory_space<vmem>>) target_semaphore(%arg17 : memref<!tpu.dma_semaphore, #tpu.memory_space<semaphore_mem>>)
    %dma_wait3A_288 = tpu.memref_slice %arg2[%add3A_145] : memref<320000xf32, #tpu.memory_space<hbm>> -> memref<4000xf32, #tpu.memory_space<hbm>>
    %dma_wait3A_289 = tpu.memref_slice %arg2[%add3A_145] : memref<320000xf32, #tpu.memory_space<hbm>> -> memref<4000xf32, #tpu.memory_space<hbm>>
    tpu.wait_dma2 semaphore(%arg16 : memref<!tpu.dma_semaphore, #tpu.memory_space<semaphore_mem>>) src(%dma_wait3A_289 : memref<4000xf32, #tpu.memory_space<hbm>>) dst(%arg6 : memref<4000xf32, #tpu.memory_space<vmem>>)
    %dma_wait3A_290 = tpu.memref_slice %arg3[%mul3A_149] : memref<640000xf32, #tpu.memory_space<hbm>> -> memref<8000xf32, #tpu.memory_space<hbm>>
    %dma_wait3A_291 = tpu.memref_slice %arg3[%mul3A_149] : memref<640000xf32, #tpu.memory_space<hbm>> -> memref<8000xf32, #tpu.memory_space<hbm>>
    tpu.wait_dma2 semaphore(%arg16 : memref<!tpu.dma_semaphore, #tpu.memory_space<semaphore_mem>>) src(%dma_wait3A_291 : memref<8000xf32, #tpu.memory_space<hbm>>) dst(%arg7 : memref<8000xf32, #tpu.memory_space<vmem>>)
    %dma_wait3A_292 = tpu.memref_slice %arg4[%mul3A_153] : memref<640000xf32, #tpu.memory_space<hbm>> -> memref<8000xf32, #tpu.memory_space<hbm>>
    %dma_wait3A_293 = tpu.memref_slice %arg4[%mul3A_153] : memref<640000xf32, #tpu.memory_space<hbm>> -> memref<8000xf32, #tpu.memory_space<hbm>>
    tpu.wait_dma2 semaphore(%arg16 : memref<!tpu.dma_semaphore, #tpu.memory_space<semaphore_mem>>) src(%dma_wait3A_293 : memref<8000xf32, #tpu.memory_space<hbm>>) dst(%arg8 : memref<8000xf32, #tpu.memory_space<vmem>>)
    %scan3A_294 = arith.constant 0 : i32
    %scan3A_295 = arith.constant 62 : i32
    %scan3A_296 = arith.addi %scan3A_294, %scan3A_295 : i32
    %scan3A_297 = arith.constant 1 : i32
    %scan3A_298 = scf.for %scan3A_698 = %scan3A_294 to %scan3A_296 step %scan3A_297 iter_args(%scan3A_699 = %add3A_273) -> (vector<16xi32>)  : i32 {
      %mul3A_700 = arith.constant 64 : i32
      %mul3A_701 = arith.muli %scan3A_698, %mul3A_700 : i32
      %add3A_702 = arith.constant 0 : i32
      %add3A_703 = arith.addi %mul3A_701, %add3A_702 : i32
      %get3A_704 = arith.index_cast %add3A_703 : i32 to index
      %get3A_705 = tpu.vector_load %arg6[%get3A_704] {strides = array<i32>} : memref<4000xf32, #tpu.memory_space<vmem>>, vector<16xf32>,
      %add3A_706 = arith.constant 16 : i32
      %add3A_707 = arith.addi %mul3A_701, %add3A_706 : i32
      %get3A_708 = arith.index_cast %add3A_707 : i32 to index
      %get3A_709 = tpu.vector_load %arg6[%get3A_708] {strides = array<i32>} : memref<4000xf32, #tpu.memory_space<vmem>>, vector<16xf32>,
      %add3A_710 = arith.constant 32 : i32
      %add3A_711 = arith.addi %mul3A_701, %add3A_710 : i32
      %get3A_712 = arith.index_cast %add3A_711 : i32 to index
      %get3A_713 = tpu.vector_load %arg6[%get3A_712] {strides = array<i32>} : memref<4000xf32, #tpu.memory_space<vmem>>, vector<16xf32>,
      %add3A_714 = arith.constant 48 : i32
      %add3A_715 = arith.addi %mul3A_701, %add3A_714 : i32
      %get3A_716 = arith.index_cast %add3A_715 : i32 to index
      %get3A_717 = tpu.vector_load %arg6[%get3A_716] {strides = array<i32>} : memref<4000xf32, #tpu.memory_space<vmem>>, vector<16xf32>,
      %mul3A_718 = arith.constant 2 : i32
      %mul3A_719 = arith.muli %mul3A_718, %mul3A_701 : i32
      %add3A_720 = arith.constant 0 : i32
      %add3A_721 = arith.addi %mul3A_719, %add3A_720 : i32
      %broadcast_in_dim3A_722 = vector.broadcast %add3A_721 : i32 to vector<16xi32>
      %add3A_723 = arith.addi %broadcast_in_dim3A_722, %mul3A : vector<16xi32>
      %mul3A_724 = arith.constant 2 : i32
      %mul3A_725 = arith.muli %mul3A_724, %mul3A_701 : i32
      %add3A_726 = arith.constant 32 : i32
      %add3A_727 = arith.addi %mul3A_725, %add3A_726 : i32
      %broadcast_in_dim3A_728 = vector.broadcast %add3A_727 : i32 to vector<16xi32>
      %add3A_729 = arith.addi %broadcast_in_dim3A_728, %mul3A : vector<16xi32>
      %mul3A_730 = arith.constant 2 : i32
      %mul3A_731 = arith.muli %mul3A_730, %mul3A_701 : i32
      %add3A_732 = arith.constant 64 : i32
      %add3A_733 = arith.addi %mul3A_731, %add3A_732 : i32
      %broadcast_in_dim3A_734 = vector.broadcast %add3A_733 : i32 to vector<16xi32>
      %add3A_735 = arith.addi %broadcast_in_dim3A_734, %mul3A : vector<16xi32>
      %mul3A_736 = arith.constant 2 : i32
      %mul3A_737 = arith.muli %mul3A_736, %mul3A_701 : i32
      %add3A_738 = arith.constant 96 : i32
      %add3A_739 = arith.addi %mul3A_737, %add3A_738 : i32
      %broadcast_in_dim3A_740 = vector.broadcast %add3A_739 : i32 to vector<16xi32>
      %add3A_741 = arith.addi %broadcast_in_dim3A_740, %mul3A : vector<16xi32>
      %mul3A_742 = arith.constant 2 : i32
      %mul3A_743 = arith.muli %mul3A_742, %mul3A_701 : i32
      %add3A_744 = arith.constant 0 : i32
      %add3A_745 = arith.addi %mul3A_743, %add3A_744 : i32
      %broadcast_in_dim3A_746 = vector.broadcast %add3A_745 : i32 to vector<16xi32>
      %add3A_747 = arith.addi %broadcast_in_dim3A_746, %add3A : vector<16xi32>
      %mul3A_748 = arith.constant 2 : i32
      %mul3A_749 = arith.muli %mul3A_748, %mul3A_701 : i32
      %add3A_750 = arith.constant 32 : i32
      %add3A_751 = arith.addi %mul3A_749, %add3A_750 : i32
      %broadcast_in_dim3A_752 = vector.broadcast %add3A_751 : i32 to vector<16xi32>
      %add3A_753 = arith.addi %broadcast_in_dim3A_752, %add3A : vector<16xi32>
      %mul3A_754 = arith.constant 2 : i32
      %mul3A_755 = arith.muli %mul3A_754, %mul3A_701 : i32
      %add3A_756 = arith.constant 64 : i32
      %add3A_757 = arith.addi %mul3A_755, %add3A_756 : i32
      %broadcast_in_dim3A_758 = vector.broadcast %add3A_757 : i32 to vector<16xi32>
      %add3A_759 = arith.addi %broadcast_in_dim3A_758, %add3A : vector<16xi32>
      %mul3A_760 = arith.constant 2 : i32
      %mul3A_761 = arith.muli %mul3A_760, %mul3A_701 : i32
      %add3A_762 = arith.constant 96 : i32
      %add3A_763 = arith.addi %mul3A_761, %add3A_762 : i32
      %broadcast_in_dim3A_764 = vector.broadcast %add3A_763 : i32 to vector<16xi32>
      %add3A_765 = arith.addi %broadcast_in_dim3A_764, %add3A : vector<16xi32>
      %gather3A_766 = tpu.vector_load_idx %arg7[%add3A_723] : memref<8000xf32, #tpu.memory_space<vmem>>[vector<16xi32>], vector<16xf32>,
      %gather3A_767 = tpu.vector_load_idx %arg7[%add3A_729] : memref<8000xf32, #tpu.memory_space<vmem>>[vector<16xi32>], vector<16xf32>,
      %gather3A_768 = tpu.vector_load_idx %arg7[%add3A_735] : memref<8000xf32, #tpu.memory_space<vmem>>[vector<16xi32>], vector<16xf32>,
      %gather3A_769 = tpu.vector_load_idx %arg7[%add3A_741] : memref<8000xf32, #tpu.memory_space<vmem>>[vector<16xi32>], vector<16xf32>,
      %gather3A_770 = tpu.vector_load_idx %arg7[%add3A_747] : memref<8000xf32, #tpu.memory_space<vmem>>[vector<16xi32>], vector<16xf32>,
      %gather3A_771 = tpu.vector_load_idx %arg7[%add3A_753] : memref<8000xf32, #tpu.memory_space<vmem>>[vector<16xi32>], vector<16xf32>,
      %gather3A_772 = tpu.vector_load_idx %arg7[%add3A_759] : memref<8000xf32, #tpu.memory_space<vmem>>[vector<16xi32>], vector<16xf32>,
      %gather3A_773 = tpu.vector_load_idx %arg7[%add3A_765] : memref<8000xf32, #tpu.memory_space<vmem>>[vector<16xi32>], vector<16xf32>,
      %gather3A_774 = tpu.vector_load_idx %arg8[%add3A_723] : memref<8000xf32, #tpu.memory_space<vmem>>[vector<16xi32>], vector<16xf32>,
      %gather3A_775 = tpu.vector_load_idx %arg8[%add3A_729] : memref<8000xf32, #tpu.memory_space<vmem>>[vector<16xi32>], vector<16xf32>,
      %gather3A_776 = tpu.vector_load_idx %arg8[%add3A_735] : memref<8000xf32, #tpu.memory_space<vmem>>[vector<16xi32>], vector<16xf32>,
      %gather3A_777 = tpu.vector_load_idx %arg8[%add3A_741] : memref<8000xf32, #tpu.memory_space<vmem>>[vector<16xi32>], vector<16xf32>,
      %gather3A_778 = tpu.vector_load_idx %arg8[%add3A_747] : memref<8000xf32, #tpu.memory_space<vmem>>[vector<16xi32>], vector<16xf32>,
      %gather3A_779 = tpu.vector_load_idx %arg8[%add3A_753] : memref<8000xf32, #tpu.memory_space<vmem>>[vector<16xi32>], vector<16xf32>,
      %gather3A_780 = tpu.vector_load_idx %arg8[%add3A_759] : memref<8000xf32, #tpu.memory_space<vmem>>[vector<16xi32>], vector<16xf32>,
      %gather3A_781 = tpu.vector_load_idx %arg8[%add3A_765] : memref<8000xf32, #tpu.memory_space<vmem>>[vector<16xi32>], vector<16xf32>,
      %exp3A_782 = math.exp %gather3A_770 : vector<16xf32>
      %exp3A_783 = math.exp %gather3A_771 : vector<16xf32>
      %exp3A_784 = math.exp %gather3A_772 : vector<16xf32>
      %exp3A_785 = math.exp %gather3A_773 : vector<16xf32>
      %sub3A_786 = arith.subf %gather3A_778, %gather3A_774 : vector<16xf32>
      %sub3A_787 = arith.subf %gather3A_779, %gather3A_775 : vector<16xf32>
      %sub3A_788 = arith.subf %gather3A_780, %gather3A_776 : vector<16xf32>
      %sub3A_789 = arith.subf %gather3A_781, %gather3A_777 : vector<16xf32>
      %broadcast_in_dim3A_790 = arith.constant 5.000000e-01 : f32
      %broadcast_in_dim3A_791 = vector.broadcast %broadcast_in_dim3A_790 : f32 to vector<16xf32>
      %mul3A_792 = arith.mulf %broadcast_in_dim3A_791, %sub3A_786 : vector<16xf32>
      %add3A_793 = arith.addf %gather3A_774, %mul3A_792 : vector<16xf32>
      %broadcast_in_dim3A_794 = arith.constant 5.000000e-01 : f32
      %broadcast_in_dim3A_795 = vector.broadcast %broadcast_in_dim3A_794 : f32 to vector<16xf32>
      %mul3A_796 = arith.mulf %broadcast_in_dim3A_795, %sub3A_787 : vector<16xf32>
      %add3A_797 = arith.addf %gather3A_775, %mul3A_796 : vector<16xf32>
      %broadcast_in_dim3A_798 = arith.constant 5.000000e-01 : f32
      %broadcast_in_dim3A_799 = vector.broadcast %broadcast_in_dim3A_798 : f32 to vector<16xf32>
      %mul3A_800 = arith.mulf %broadcast_in_dim3A_799, %sub3A_788 : vector<16xf32>
      %add3A_801 = arith.addf %gather3A_776, %mul3A_800 : vector<16xf32>
      %broadcast_in_dim3A_802 = arith.constant 5.000000e-01 : f32
      %broadcast_in_dim3A_803 = vector.broadcast %broadcast_in_dim3A_802 : f32 to vector<16xf32>
      %mul3A_804 = arith.mulf %broadcast_in_dim3A_803, %sub3A_789 : vector<16xf32>
      %add3A_805 = arith.addf %gather3A_777, %mul3A_804 : vector<16xf32>
      %mul3A_806 = arith.mulf %gather3A_766, %sub3A_786 : vector<16xf32>
      %add3A_807 = arith.addf %add3A_793, %mul3A_806 : vector<16xf32>
      %mul3A_808 = arith.mulf %gather3A_767, %sub3A_787 : vector<16xf32>
      %add3A_809 = arith.addf %add3A_797, %mul3A_808 : vector<16xf32>
      %mul3A_810 = arith.mulf %gather3A_768, %sub3A_788 : vector<16xf32>
      %add3A_811 = arith.addf %add3A_801, %mul3A_810 : vector<16xf32>
      %mul3A_812 = arith.mulf %gather3A_769, %sub3A_789 : vector<16xf32>
      %add3A_813 = arith.addf %add3A_805, %mul3A_812 : vector<16xf32>
      %broadcast_in_dim3A_814 = arith.constant 5.000000e-01 : f32
      %broadcast_in_dim3A_815 = vector.broadcast %broadcast_in_dim3A_814 : f32 to vector<16xf32>
      %mul3A_816 = arith.mulf %exp3A_782, %sub3A_786 : vector<16xf32>
      %mul3A_817 = arith.mulf %broadcast_in_dim3A_815, %mul3A_816 : vector<16xf32>
      %broadcast_in_dim3A_818 = arith.constant 5.000000e-01 : f32
      %broadcast_in_dim3A_819 = vector.broadcast %broadcast_in_dim3A_818 : f32 to vector<16xf32>
      %mul3A_820 = arith.mulf %exp3A_783, %sub3A_787 : vector<16xf32>
      %mul3A_821 = arith.mulf %broadcast_in_dim3A_819, %mul3A_820 : vector<16xf32>
      %broadcast_in_dim3A_822 = arith.constant 5.000000e-01 : f32
      %broadcast_in_dim3A_823 = vector.broadcast %broadcast_in_dim3A_822 : f32 to vector<16xf32>
      %mul3A_824 = arith.mulf %exp3A_784, %sub3A_788 : vector<16xf32>
      %mul3A_825 = arith.mulf %broadcast_in_dim3A_823, %mul3A_824 : vector<16xf32>
      %broadcast_in_dim3A_826 = arith.constant 5.000000e-01 : f32
      %broadcast_in_dim3A_827 = vector.broadcast %broadcast_in_dim3A_826 : f32 to vector<16xf32>
      %mul3A_828 = arith.mulf %exp3A_785, %sub3A_789 : vector<16xf32>
      %mul3A_829 = arith.mulf %broadcast_in_dim3A_827, %mul3A_828 : vector<16xf32>
      %sub3A_830 = arith.subf %add3A_807, %mul3A_817 : vector<16xf32>
      %broadcast_in_dim3A_831 = arith.constant 0.000000e+00 : f32
      %broadcast_in_dim3A_832 = vector.broadcast %broadcast_in_dim3A_831 : f32 to vector<16xf32>
      %max3A_833 = arith.maximumf %sub3A_830, %broadcast_in_dim3A_832 : vector<16xf32>
      %broadcast_in_dim3A_834 = arith.constant 4.160000e+02 : f32
      %broadcast_in_dim3A_835 = vector.broadcast %broadcast_in_dim3A_834 : f32 to vector<16xf32>
      %min3A_836 = arith.minimumf %max3A_833, %broadcast_in_dim3A_835 : vector<16xf32>
      %sub3A_837 = arith.subf %add3A_809, %mul3A_821 : vector<16xf32>
      %broadcast_in_dim3A_838 = arith.constant 0.000000e+00 : f32
      %broadcast_in_dim3A_839 = vector.broadcast %broadcast_in_dim3A_838 : f32 to vector<16xf32>
      %max3A_840 = arith.maximumf %sub3A_837, %broadcast_in_dim3A_839 : vector<16xf32>
      %broadcast_in_dim3A_841 = arith.constant 4.160000e+02 : f32
      %broadcast_in_dim3A_842 = vector.broadcast %broadcast_in_dim3A_841 : f32 to vector<16xf32>
      %min3A_843 = arith.minimumf %max3A_840, %broadcast_in_dim3A_842 : vector<16xf32>
      %sub3A_844 = arith.subf %add3A_811, %mul3A_825 : vector<16xf32>
      %broadcast_in_dim3A_845 = arith.constant 0.000000e+00 : f32
      %broadcast_in_dim3A_846 = vector.broadcast %broadcast_in_dim3A_845 : f32 to vector<16xf32>
      %max3A_847 = arith.maximumf %sub3A_844, %broadcast_in_dim3A_846 : vector<16xf32>
      %broadcast_in_dim3A_848 = arith.constant 4.160000e+02 : f32
      %broadcast_in_dim3A_849 = vector.broadcast %broadcast_in_dim3A_848 : f32 to vector<16xf32>
      %min3A_850 = arith.minimumf %max3A_847, %broadcast_in_dim3A_849 : vector<16xf32>
      %sub3A_851 = arith.subf %add3A_813, %mul3A_829 : vector<16xf32>
      %broadcast_in_dim3A_852 = arith.constant 0.000000e+00 : f32
      %broadcast_in_dim3A_853 = vector.broadcast %broadcast_in_dim3A_852 : f32 to vector<16xf32>
      %max3A_854 = arith.maximumf %sub3A_851, %broadcast_in_dim3A_853 : vector<16xf32>
      %broadcast_in_dim3A_855 = arith.constant 4.160000e+02 : f32
      %broadcast_in_dim3A_856 = vector.broadcast %broadcast_in_dim3A_855 : f32 to vector<16xf32>
      %min3A_857 = arith.minimumf %max3A_854, %broadcast_in_dim3A_856 : vector<16xf32>
      %add3A_858 = arith.addf %add3A_807, %mul3A_817 : vector<16xf32>
      %broadcast_in_dim3A_859 = arith.constant 0.000000e+00 : f32
      %broadcast_in_dim3A_860 = vector.broadcast %broadcast_in_dim3A_859 : f32 to vector<16xf32>
      %max3A_861 = arith.maximumf %add3A_858, %broadcast_in_dim3A_860 : vector<16xf32>
      %broadcast_in_dim3A_862 = arith.constant 4.160000e+02 : f32
      %broadcast_in_dim3A_863 = vector.broadcast %broadcast_in_dim3A_862 : f32 to vector<16xf32>
      %min3A_864 = arith.minimumf %max3A_861, %broadcast_in_dim3A_863 : vector<16xf32>
      %add3A_865 = arith.addf %add3A_809, %mul3A_821 : vector<16xf32>
      %broadcast_in_dim3A_866 = arith.constant 0.000000e+00 : f32
      %broadcast_in_dim3A_867 = vector.broadcast %broadcast_in_dim3A_866 : f32 to vector<16xf32>
      %max3A_868 = arith.maximumf %add3A_865, %broadcast_in_dim3A_867 : vector<16xf32>
      %broadcast_in_dim3A_869 = arith.constant 4.160000e+02 : f32
      %broadcast_in_dim3A_870 = vector.broadcast %broadcast_in_dim3A_869 : f32 to vector<16xf32>
      %min3A_871 = arith.minimumf %max3A_868, %broadcast_in_dim3A_870 : vector<16xf32>
      %add3A_872 = arith.addf %add3A_811, %mul3A_825 : vector<16xf32>
      %broadcast_in_dim3A_873 = arith.constant 0.000000e+00 : f32
      %broadcast_in_dim3A_874 = vector.broadcast %broadcast_in_dim3A_873 : f32 to vector<16xf32>
      %max3A_875 = arith.maximumf %add3A_872, %broadcast_in_dim3A_874 : vector<16xf32>
      %broadcast_in_dim3A_876 = arith.constant 4.160000e+02 : f32
      %broadcast_in_dim3A_877 = vector.broadcast %broadcast_in_dim3A_876 : f32 to vector<16xf32>
      %min3A_878 = arith.minimumf %max3A_875, %broadcast_in_dim3A_877 : vector<16xf32>
      %add3A_879 = arith.addf %add3A_813, %mul3A_829 : vector<16xf32>
      %broadcast_in_dim3A_880 = arith.constant 0.000000e+00 : f32
      %broadcast_in_dim3A_881 = vector.broadcast %broadcast_in_dim3A_880 : f32 to vector<16xf32>
      %max3A_882 = arith.maximumf %add3A_879, %broadcast_in_dim3A_881 : vector<16xf32>
      %broadcast_in_dim3A_883 = arith.constant 4.160000e+02 : f32
      %broadcast_in_dim3A_884 = vector.broadcast %broadcast_in_dim3A_883 : f32 to vector<16xf32>
      %min3A_885 = arith.minimumf %max3A_882, %broadcast_in_dim3A_884 : vector<16xf32>
      %broadcast_in_dim3A_886 = arith.constant 0.00999999977 : f32
      %broadcast_in_dim3A_887 = vector.broadcast %broadcast_in_dim3A_886 : f32 to vector<16xf32>
      %gt3A_888 = arith.cmpf ogt, %get3A_705, %broadcast_in_dim3A_887 : vector<16xf32>
      %sub3A_889 = arith.subf %min3A_864, %min3A_836 : vector<16xf32>
      %broadcast_in_dim3A_890 = arith.constant 3.000000e+00 : f32
      %broadcast_in_dim3A_891 = vector.broadcast %broadcast_in_dim3A_890 : f32 to vector<16xf32>
      %gt3A_892 = arith.cmpf ogt, %sub3A_889, %broadcast_in_dim3A_891 : vector<16xf32>
      %and3A_893 = arith.andi %gt3A_888, %gt3A_892 : vector<16xi1>
      %broadcast_in_dim3A_894 = arith.constant 0.00999999977 : f32
      %broadcast_in_dim3A_895 = vector.broadcast %broadcast_in_dim3A_894 : f32 to vector<16xf32>
      %gt3A_896 = arith.cmpf ogt, %get3A_709, %broadcast_in_dim3A_895 : vector<16xf32>
      %sub3A_897 = arith.subf %min3A_871, %min3A_843 : vector<16xf32>
      %broadcast_in_dim3A_898 = arith.constant 3.000000e+00 : f32
      %broadcast_in_dim3A_899 = vector.broadcast %broadcast_in_dim3A_898 : f32 to vector<16xf32>
      %gt3A_900 = arith.cmpf ogt, %sub3A_897, %broadcast_in_dim3A_899 : vector<16xf32>
      %and3A_901 = arith.andi %gt3A_896, %gt3A_900 : vector<16xi1>
      %broadcast_in_dim3A_902 = arith.constant 0.00999999977 : f32
      %broadcast_in_dim3A_903 = vector.broadcast %broadcast_in_dim3A_902 : f32 to vector<16xf32>
      %gt3A_904 = arith.cmpf ogt, %get3A_713, %broadcast_in_dim3A_903 : vector<16xf32>
      %sub3A_905 = arith.subf %min3A_878, %min3A_850 : vector<16xf32>
      %broadcast_in_dim3A_906 = arith.constant 3.000000e+00 : f32
      %broadcast_in_dim3A_907 = vector.broadcast %broadcast_in_dim3A_906 : f32 to vector<16xf32>
      %gt3A_908 = arith.cmpf ogt, %sub3A_905, %broadcast_in_dim3A_907 : vector<16xf32>
      %and3A_909 = arith.andi %gt3A_904, %gt3A_908 : vector<16xi1>
      %broadcast_in_dim3A_910 = arith.constant 0.00999999977 : f32
      %broadcast_in_dim3A_911 = vector.broadcast %broadcast_in_dim3A_910 : f32 to vector<16xf32>
      %gt3A_912 = arith.cmpf ogt, %get3A_717, %broadcast_in_dim3A_911 : vector<16xf32>
      %sub3A_913 = arith.subf %min3A_885, %min3A_857 : vector<16xf32>
      %broadcast_in_dim3A_914 = arith.constant 3.000000e+00 : f32
      %broadcast_in_dim3A_915 = vector.broadcast %broadcast_in_dim3A_914 : f32 to vector<16xf32>
      %gt3A_916 = arith.cmpf ogt, %sub3A_913, %broadcast_in_dim3A_915 : vector<16xf32>
      %and3A_917 = arith.andi %gt3A_912, %gt3A_916 : vector<16xi1>
      %convert_element_type3A_918 = arith.extui %and3A_893 : vector<16xi1> to vector<16xi32>
      %broadcast_in_dim3A_919 = arith.constant true
      %broadcast_in_dim3A_920 = vector.broadcast %broadcast_in_dim3A_919 : i1 to vector<16xi1>
      %masked_cumsum3A_921 = tpu.scan <sum>, %convert_element_type3A_918 masked %broadcast_in_dim3A_920 : vector<16xi32>, vector<16xi1> -> vector<16xi32>
      %convert_element_type3A_922 = arith.extui %and3A_901 : vector<16xi1> to vector<16xi32>
      %broadcast_in_dim3A_923 = arith.constant true
      %broadcast_in_dim3A_924 = vector.broadcast %broadcast_in_dim3A_923 : i1 to vector<16xi1>
      %masked_cumsum3A_925 = tpu.scan <sum>, %convert_element_type3A_922 masked %broadcast_in_dim3A_924 : vector<16xi32>, vector<16xi1> -> vector<16xi32>
      %convert_element_type3A_926 = arith.extui %and3A_909 : vector<16xi1> to vector<16xi32>
      %broadcast_in_dim3A_927 = arith.constant true
      %broadcast_in_dim3A_928 = vector.broadcast %broadcast_in_dim3A_927 : i1 to vector<16xi1>
      %masked_cumsum3A_929 = tpu.scan <sum>, %convert_element_type3A_926 masked %broadcast_in_dim3A_928 : vector<16xi32>, vector<16xi1> -> vector<16xi32>
      %convert_element_type3A_930 = arith.extui %and3A_917 : vector<16xi1> to vector<16xi32>
      %broadcast_in_dim3A_931 = arith.constant true
      %broadcast_in_dim3A_932 = vector.broadcast %broadcast_in_dim3A_931 : i1 to vector<16xi1>
      %masked_cumsum3A_933 = tpu.scan <sum>, %convert_element_type3A_930 masked %broadcast_in_dim3A_932 : vector<16xi32>, vector<16xi1> -> vector<16xi32>
      %all_reduce_population_count3A_934 = tpu.all_reduce %and3A_893 {dim = 0 : i64, kind = #tpu.reduction_kind<sum>} : vector<16xi1> -> vector<16xi32>
      %all_reduce_population_count3A_935 = tpu.all_reduce %and3A_901 {dim = 0 : i64, kind = #tpu.reduction_kind<sum>} : vector<16xi1> -> vector<16xi32>
      %all_reduce_population_count3A_936 = tpu.all_reduce %and3A_909 {dim = 0 : i64, kind = #tpu.reduction_kind<sum>} : vector<16xi1> -> vector<16xi32>
      %all_reduce_population_count3A_937 = tpu.all_reduce %and3A_917 {dim = 0 : i64, kind = #tpu.reduction_kind<sum>} : vector<16xi1> -> vector<16xi32>
      %add3A_938 = arith.addi %scan3A_699, %all_reduce_population_count3A_934 : vector<16xi32>
      %add3A_939 = arith.addi %add3A_938, %all_reduce_population_count3A_935 : vector<16xi32>
      %add3A_940 = arith.addi %add3A_939, %all_reduce_population_count3A_936 : vector<16xi32>
      %add3A_941 = arith.addi %scan3A_699, %masked_cumsum3A_921 : vector<16xi32>
      %add3A_942 = arith.addi %add3A_938, %masked_cumsum3A_925 : vector<16xi32>
      %add3A_943 = arith.addi %add3A_939, %masked_cumsum3A_929 : vector<16xi32>
      %add3A_944 = arith.addi %add3A_940, %masked_cumsum3A_933 : vector<16xi32>
      tpu.vector_store_idx %arg12[%add3A_941], %get3A_705 masked %and3A_893 : memref<20032xf32, #tpu.memory_space<vmem>>[vector<16xi32>], vector<16xf32>, vector<16xi1>
      tpu.vector_store_idx %arg13[%add3A_941], %min3A_836 masked %and3A_893 : memref<20032xf32, #tpu.memory_space<vmem>>[vector<16xi32>], vector<16xf32>, vector<16xi1>
      tpu.vector_store_idx %arg14[%add3A_941], %min3A_864 masked %and3A_893 : memref<20032xf32, #tpu.memory_space<vmem>>[vector<16xi32>], vector<16xf32>, vector<16xi1>
      tpu.vector_store_idx %arg12[%add3A_942], %get3A_709 masked %and3A_901 : memref<20032xf32, #tpu.memory_space<vmem>>[vector<16xi32>], vector<16xf32>, vector<16xi1>
      tpu.vector_store_idx %arg13[%add3A_942], %min3A_843 masked %and3A_901 : memref<20032xf32, #tpu.memory_space<vmem>>[vector<16xi32>], vector<16xf32>, vector<16xi1>
      tpu.vector_store_idx %arg14[%add3A_942], %min3A_871 masked %and3A_901 : memref<20032xf32, #tpu.memory_space<vmem>>[vector<16xi32>], vector<16xf32>, vector<16xi1>
      tpu.vector_store_idx %arg12[%add3A_943], %get3A_713 masked %and3A_909 : memref<20032xf32, #tpu.memory_space<vmem>>[vector<16xi32>], vector<16xf32>, vector<16xi1>
      tpu.vector_store_idx %arg13[%add3A_943], %min3A_850 masked %and3A_909 : memref<20032xf32, #tpu.memory_space<vmem>>[vector<16xi32>], vector<16xf32>, vector<16xi1>
      tpu.vector_store_idx %arg14[%add3A_943], %min3A_878 masked %and3A_909 : memref<20032xf32, #tpu.memory_space<vmem>>[vector<16xi32>], vector<16xf32>, vector<16xi1>
      tpu.vector_store_idx %arg12[%add3A_944], %get3A_717 masked %and3A_917 : memref<20032xf32, #tpu.memory_space<vmem>>[vector<16xi32>], vector<16xf32>, vector<16xi1>
      tpu.vector_store_idx %arg13[%add3A_944], %min3A_857 masked %and3A_917 : memref<20032xf32, #tpu.memory_space<vmem>>[vector<16xi32>], vector<16xf32>, vector<16xi1>
      tpu.vector_store_idx %arg14[%add3A_944], %min3A_885 masked %and3A_917 : memref<20032xf32, #tpu.memory_space<vmem>>[vector<16xi32>], vector<16xf32>, vector<16xi1>
      %add3A_945 = arith.addi %add3A_940, %all_reduce_population_count3A_937 : vector<16xi32>
      scf.yield %add3A_945 : vector<16xi32>
    }
    %scan3A_299 = arith.constant 62 : i32
    %get3A_300 = arith.constant 3968 : index
    %get3A_301 = tpu.vector_load %arg6[%get3A_300] {strides = array<i32>} : memref<4000xf32, #tpu.memory_space<vmem>>, vector<16xf32>,
    %broadcast_in_dim3A_302 = arith.constant 7936 : i32
    %broadcast_in_dim3A_303 = vector.broadcast %broadcast_in_dim3A_302 : i32 to vector<16xi32>
    %add3A_304 = arith.addi %broadcast_in_dim3A_303, %mul3A : vector<16xi32>
    %broadcast_in_dim3A_305 = arith.constant 7936 : i32
    %broadcast_in_dim3A_306 = vector.broadcast %broadcast_in_dim3A_305 : i32 to vector<16xi32>
    %add3A_307 = arith.addi %broadcast_in_dim3A_306, %add3A : vector<16xi32>
    %gather3A_308 = tpu.vector_load_idx %arg7[%add3A_304] : memref<8000xf32, #tpu.memory_space<vmem>>[vector<16xi32>], vector<16xf32>,
    %gather3A_309 = tpu.vector_load_idx %arg7[%add3A_307] : memref<8000xf32, #tpu.memory_space<vmem>>[vector<16xi32>], vector<16xf32>,
    %gather3A_310 = tpu.vector_load_idx %arg8[%add3A_304] : memref<8000xf32, #tpu.memory_space<vmem>>[vector<16xi32>], vector<16xf32>,
    %gather3A_311 = tpu.vector_load_idx %arg8[%add3A_307] : memref<8000xf32, #tpu.memory_space<vmem>>[vector<16xi32>], vector<16xf32>,
    %exp3A_312 = math.exp %gather3A_309 : vector<16xf32>
    %sub3A_313 = arith.subf %gather3A_311, %gather3A_310 : vector<16xf32>
    %broadcast_in_dim3A_314 = arith.constant 5.000000e-01 : f32
    %broadcast_in_dim3A_315 = vector.broadcast %broadcast_in_dim3A_314 : f32 to vector<16xf32>
    %mul3A_316 = arith.mulf %broadcast_in_dim3A_315, %sub3A_313 : vector<16xf32>
    %add3A_317 = arith.addf %gather3A_310, %mul3A_316 : vector<16xf32>
    %mul3A_318 = arith.mulf %gather3A_308, %sub3A_313 : vector<16xf32>
    %add3A_319 = arith.addf %add3A_317, %mul3A_318 : vector<16xf32>
    %broadcast_in_dim3A_320 = arith.constant 5.000000e-01 : f32
    %broadcast_in_dim3A_321 = vector.broadcast %broadcast_in_dim3A_320 : f32 to vector<16xf32>
    %mul3A_322 = arith.mulf %exp3A_312, %sub3A_313 : vector<16xf32>
    %mul3A_323 = arith.mulf %broadcast_in_dim3A_321, %mul3A_322 : vector<16xf32>
    %sub3A_324 = arith.subf %add3A_319, %mul3A_323 : vector<16xf32>
    %broadcast_in_dim3A_325 = arith.constant 0.000000e+00 : f32
    %broadcast_in_dim3A_326 = vector.broadcast %broadcast_in_dim3A_325 : f32 to vector<16xf32>
    %max3A_327 = arith.maximumf %sub3A_324, %broadcast_in_dim3A_326 : vector<16xf32>
    %broadcast_in_dim3A_328 = arith.constant 4.160000e+02 : f32
    %broadcast_in_dim3A_329 = vector.broadcast %broadcast_in_dim3A_328 : f32 to vector<16xf32>
    %min3A_330 = arith.minimumf %max3A_327, %broadcast_in_dim3A_329 : vector<16xf32>
    %add3A_331 = arith.addf %add3A_319, %mul3A_323 : vector<16xf32>
    %broadcast_in_dim3A_332 = arith.constant 0.000000e+00 : f32
    %broadcast_in_dim3A_333 = vector.broadcast %broadcast_in_dim3A_332 : f32 to vector<16xf32>
    %max3A_334 = arith.maximumf %add3A_331, %broadcast_in_dim3A_333 : vector<16xf32>
    %broadcast_in_dim3A_335 = arith.constant 4.160000e+02 : f32
    %broadcast_in_dim3A_336 = vector.broadcast %broadcast_in_dim3A_335 : f32 to vector<16xf32>
    %min3A_337 = arith.minimumf %max3A_334, %broadcast_in_dim3A_336 : vector<16xf32>
    %broadcast_in_dim3A_338 = arith.constant 0.00999999977 : f32
    %broadcast_in_dim3A_339 = vector.broadcast %broadcast_in_dim3A_338 : f32 to vector<16xf32>
    %gt3A_340 = arith.cmpf ogt, %get3A_301, %broadcast_in_dim3A_339 : vector<16xf32>
    %sub3A_341 = arith.subf %min3A_337, %min3A_330 : vector<16xf32>
    %broadcast_in_dim3A_342 = arith.constant 3.000000e+00 : f32
    %broadcast_in_dim3A_343 = vector.broadcast %broadcast_in_dim3A_342 : f32 to vector<16xf32>
    %gt3A_344 = arith.cmpf ogt, %sub3A_341, %broadcast_in_dim3A_343 : vector<16xf32>
    %and3A_345 = arith.andi %gt3A_340, %gt3A_344 : vector<16xi1>
    %convert_element_type3A_346 = arith.extui %and3A_345 : vector<16xi1> to vector<16xi32>
    %broadcast_in_dim3A_347 = arith.constant true
    %broadcast_in_dim3A_348 = vector.broadcast %broadcast_in_dim3A_347 : i1 to vector<16xi1>
    %masked_cumsum3A_349 = tpu.scan <sum>, %convert_element_type3A_346 masked %broadcast_in_dim3A_348 : vector<16xi32>, vector<16xi1> -> vector<16xi32>
    %all_reduce_population_count3A_350 = tpu.all_reduce %and3A_345 {dim = 0 : i64, kind = #tpu.reduction_kind<sum>} : vector<16xi1> -> vector<16xi32>
    %add3A_351 = arith.addi %scan3A_298, %masked_cumsum3A_349 : vector<16xi32>
    tpu.vector_store_idx %arg12[%add3A_351], %get3A_301 masked %and3A_345 : memref<20032xf32, #tpu.memory_space<vmem>>[vector<16xi32>], vector<16xf32>, vector<16xi1>
    tpu.vector_store_idx %arg13[%add3A_351], %min3A_330 masked %and3A_345 : memref<20032xf32, #tpu.memory_space<vmem>>[vector<16xi32>], vector<16xf32>, vector<16xi1>
    tpu.vector_store_idx %arg14[%add3A_351], %min3A_337 masked %and3A_345 : memref<20032xf32, #tpu.memory_space<vmem>>[vector<16xi32>], vector<16xf32>, vector<16xi1>
    %add3A_352 = arith.addi %scan3A_298, %all_reduce_population_count3A_350 : vector<16xi32>
    %get3A_353 = arith.constant 3984 : index
    %get3A_354 = tpu.vector_load %arg6[%get3A_353] {strides = array<i32>} : memref<4000xf32, #tpu.memory_space<vmem>>, vector<16xf32>,
    %broadcast_in_dim3A_355 = arith.constant 7968 : i32
    %broadcast_in_dim3A_356 = vector.broadcast %broadcast_in_dim3A_355 : i32 to vector<16xi32>
    %add3A_357 = arith.addi %broadcast_in_dim3A_356, %mul3A : vector<16xi32>
    %broadcast_in_dim3A_358 = arith.constant 7968 : i32
    %broadcast_in_dim3A_359 = vector.broadcast %broadcast_in_dim3A_358 : i32 to vector<16xi32>
    %add3A_360 = arith.addi %broadcast_in_dim3A_359, %add3A : vector<16xi32>
    %gather3A_361 = tpu.vector_load_idx %arg7[%add3A_357] : memref<8000xf32, #tpu.memory_space<vmem>>[vector<16xi32>], vector<16xf32>,
    %gather3A_362 = tpu.vector_load_idx %arg7[%add3A_360] : memref<8000xf32, #tpu.memory_space<vmem>>[vector<16xi32>], vector<16xf32>,
    %gather3A_363 = tpu.vector_load_idx %arg8[%add3A_357] : memref<8000xf32, #tpu.memory_space<vmem>>[vector<16xi32>], vector<16xf32>,
    %gather3A_364 = tpu.vector_load_idx %arg8[%add3A_360] : memref<8000xf32, #tpu.memory_space<vmem>>[vector<16xi32>], vector<16xf32>,
    %exp3A_365 = math.exp %gather3A_362 : vector<16xf32>
    %sub3A_366 = arith.subf %gather3A_364, %gather3A_363 : vector<16xf32>
    %broadcast_in_dim3A_367 = arith.constant 5.000000e-01 : f32
    %broadcast_in_dim3A_368 = vector.broadcast %broadcast_in_dim3A_367 : f32 to vector<16xf32>
    %mul3A_369 = arith.mulf %broadcast_in_dim3A_368, %sub3A_366 : vector<16xf32>
    %add3A_370 = arith.addf %gather3A_363, %mul3A_369 : vector<16xf32>
    %mul3A_371 = arith.mulf %gather3A_361, %sub3A_366 : vector<16xf32>
    %add3A_372 = arith.addf %add3A_370, %mul3A_371 : vector<16xf32>
    %broadcast_in_dim3A_373 = arith.constant 5.000000e-01 : f32
    %broadcast_in_dim3A_374 = vector.broadcast %broadcast_in_dim3A_373 : f32 to vector<16xf32>
    %mul3A_375 = arith.mulf %exp3A_365, %sub3A_366 : vector<16xf32>
    %mul3A_376 = arith.mulf %broadcast_in_dim3A_374, %mul3A_375 : vector<16xf32>
    %sub3A_377 = arith.subf %add3A_372, %mul3A_376 : vector<16xf32>
    %broadcast_in_dim3A_378 = arith.constant 0.000000e+00 : f32
    %broadcast_in_dim3A_379 = vector.broadcast %broadcast_in_dim3A_378 : f32 to vector<16xf32>
    %max3A_380 = arith.maximumf %sub3A_377, %broadcast_in_dim3A_379 : vector<16xf32>
    %broadcast_in_dim3A_381 = arith.constant 4.160000e+02 : f32
    %broadcast_in_dim3A_382 = vector.broadcast %broadcast_in_dim3A_381 : f32 to vector<16xf32>
    %min3A_383 = arith.minimumf %max3A_380, %broadcast_in_dim3A_382 : vector<16xf32>
    %add3A_384 = arith.addf %add3A_372, %mul3A_376 : vector<16xf32>
    %broadcast_in_dim3A_385 = arith.constant 0.000000e+00 : f32
    %broadcast_in_dim3A_386 = vector.broadcast %broadcast_in_dim3A_385 : f32 to vector<16xf32>
    %max3A_387 = arith.maximumf %add3A_384, %broadcast_in_dim3A_386 : vector<16xf32>
    %broadcast_in_dim3A_388 = arith.constant 4.160000e+02 : f32
    %broadcast_in_dim3A_389 = vector.broadcast %broadcast_in_dim3A_388 : f32 to vector<16xf32>
    %min3A_390 = arith.minimumf %max3A_387, %broadcast_in_dim3A_389 : vector<16xf32>
    %broadcast_in_dim3A_391 = arith.constant 0.00999999977 : f32
    %broadcast_in_dim3A_392 = vector.broadcast %broadcast_in_dim3A_391 : f32 to vector<16xf32>
    %gt3A_393 = arith.cmpf ogt, %get3A_354, %broadcast_in_dim3A_392 : vector<16xf32>
    %sub3A_394 = arith.subf %min3A_390, %min3A_383 : vector<16xf32>
    %broadcast_in_dim3A_395 = arith.constant 3.000000e+00 : f32
    %broadcast_in_dim3A_396 = vector.broadcast %broadcast_in_dim3A_395 : f32 to vector<16xf32>
    %gt3A_397 = arith.cmpf ogt, %sub3A_394, %broadcast_in_dim3A_396 : vector<16xf32>
    %and3A_398 = arith.andi %gt3A_393, %gt3A_397 : vector<16xi1>
    %convert_element_type3A_399 = arith.extui %and3A_398 : vector<16xi1> to vector<16xi32>
    %broadcast_in_dim3A_400 = arith.constant true
    %broadcast_in_dim3A_401 = vector.broadcast %broadcast_in_dim3A_400 : i1 to vector<16xi1>
    %masked_cumsum3A_402 = tpu.scan <sum>, %convert_element_type3A_399 masked %broadcast_in_dim3A_401 : vector<16xi32>, vector<16xi1> -> vector<16xi32>
    %all_reduce_population_count3A_403 = tpu.all_reduce %and3A_398 {dim = 0 : i64, kind = #tpu.reduction_kind<sum>} : vector<16xi1> -> vector<16xi32>
    %add3A_404 = arith.addi %add3A_352, %masked_cumsum3A_402 : vector<16xi32>
    tpu.vector_store_idx %arg12[%add3A_404], %get3A_354 masked %and3A_398 : memref<20032xf32, #tpu.memory_space<vmem>>[vector<16xi32>], vector<16xf32>, vector<16xi1>
    tpu.vector_store_idx %arg13[%add3A_404], %min3A_383 masked %and3A_398 : memref<20032xf32, #tpu.memory_space<vmem>>[vector<16xi32>], vector<16xf32>, vector<16xi1>
    tpu.vector_store_idx %arg14[%add3A_404], %min3A_390 masked %and3A_398 : memref<20032xf32, #tpu.memory_space<vmem>>[vector<16xi32>], vector<16xf32>, vector<16xi1>
    %add3A_405 = arith.addi %add3A_352, %all_reduce_population_count3A_403 : vector<16xi32>
    %mul3A_406 = arith.constant 20000 : i32
    %mul3A_407 = arith.muli %arg1, %mul3A_406 : i32
    %add3A_408 = arith.constant 16000 : i32
    %add3A_409 = arith.addi %mul3A_407, %add3A_408 : i32
    %dma_start3A_410 = tpu.memref_slice %arg2[%add3A_409] : memref<320000xf32, #tpu.memory_space<hbm>> -> memref<4000xf32, #tpu.memory_space<hbm>>
    %dma_start3A_411 = tpu.memref_slice %arg2[%add3A_409] : memref<320000xf32, #tpu.memory_space<hbm>> -> memref<4000xf32, #tpu.memory_space<hbm>>
    tpu.enqueue_dma source(%dma_start3A_411 : memref<4000xf32, #tpu.memory_space<hbm>>) target(%arg6 : memref<4000xf32, #tpu.memory_space<vmem>>) target_semaphore(%arg16 : memref<!tpu.dma_semaphore, #tpu.memory_space<semaphore_mem>>)
    %mul3A_412 = arith.constant 2 : i32
    %mul3A_413 = arith.muli %mul3A_412, %add3A_409 : i32
    %dma_start3A_414 = tpu.memref_slice %arg3[%mul3A_413] : memref<640000xf32, #tpu.memory_space<hbm>> -> memref<8000xf32, #tpu.memory_space<hbm>>
    %dma_start3A_415 = tpu.memref_slice %arg3[%mul3A_413] : memref<640000xf32, #tpu.memory_space<hbm>> -> memref<8000xf32, #tpu.memory_space<hbm>>
    tpu.enqueue_dma source(%dma_start3A_415 : memref<8000xf32, #tpu.memory_space<hbm>>) target(%arg7 : memref<8000xf32, #tpu.memory_space<vmem>>) target_semaphore(%arg16 : memref<!tpu.dma_semaphore, #tpu.memory_space<semaphore_mem>>)
    %mul3A_416 = arith.constant 2 : i32
    %mul3A_417 = arith.muli %mul3A_416, %add3A_409 : i32
    %dma_start3A_418 = tpu.memref_slice %arg4[%mul3A_417] : memref<640000xf32, #tpu.memory_space<hbm>> -> memref<8000xf32, #tpu.memory_space<hbm>>
    %dma_start3A_419 = tpu.memref_slice %arg4[%mul3A_417] : memref<640000xf32, #tpu.memory_space<hbm>> -> memref<8000xf32, #tpu.memory_space<hbm>>
    tpu.enqueue_dma source(%dma_start3A_419 : memref<8000xf32, #tpu.memory_space<hbm>>) target(%arg8 : memref<8000xf32, #tpu.memory_space<vmem>>) target_semaphore(%arg16 : memref<!tpu.dma_semaphore, #tpu.memory_space<semaphore_mem>>)
    %dma_wait3A_420 = tpu.memref_slice %arg2[%add3A_277] : memref<320000xf32, #tpu.memory_space<hbm>> -> memref<4000xf32, #tpu.memory_space<hbm>>
    %dma_wait3A_421 = tpu.memref_slice %arg2[%add3A_277] : memref<320000xf32, #tpu.memory_space<hbm>> -> memref<4000xf32, #tpu.memory_space<hbm>>
    tpu.wait_dma2 semaphore(%arg17 : memref<!tpu.dma_semaphore, #tpu.memory_space<semaphore_mem>>) src(%dma_wait3A_421 : memref<4000xf32, #tpu.memory_space<hbm>>) dst(%arg9 : memref<4000xf32, #tpu.memory_space<vmem>>)
    %dma_wait3A_422 = tpu.memref_slice %arg3[%mul3A_281] : memref<640000xf32, #tpu.memory_space<hbm>> -> memref<8000xf32, #tpu.memory_space<hbm>>
    %dma_wait3A_423 = tpu.memref_slice %arg3[%mul3A_281] : memref<640000xf32, #tpu.memory_space<hbm>> -> memref<8000xf32, #tpu.memory_space<hbm>>
    tpu.wait_dma2 semaphore(%arg17 : memref<!tpu.dma_semaphore, #tpu.memory_space<semaphore_mem>>) src(%dma_wait3A_423 : memref<8000xf32, #tpu.memory_space<hbm>>) dst(%arg10 : memref<8000xf32, #tpu.memory_space<vmem>>)
    %dma_wait3A_424 = tpu.memref_slice %arg4[%mul3A_285] : memref<640000xf32, #tpu.memory_space<hbm>> -> memref<8000xf32, #tpu.memory_space<hbm>>
    %dma_wait3A_425 = tpu.memref_slice %arg4[%mul3A_285] : memref<640000xf32, #tpu.memory_space<hbm>> -> memref<8000xf32, #tpu.memory_space<hbm>>
    tpu.wait_dma2 semaphore(%arg17 : memref<!tpu.dma_semaphore, #tpu.memory_space<semaphore_mem>>) src(%dma_wait3A_425 : memref<8000xf32, #tpu.memory_space<hbm>>) dst(%arg11 : memref<8000xf32, #tpu.memory_space<vmem>>)
    %scan3A_426 = arith.constant 0 : i32
    %scan3A_427 = arith.constant 62 : i32
    %scan3A_428 = arith.addi %scan3A_426, %scan3A_427 : i32
    %scan3A_429 = arith.constant 1 : i32
    %scan3A_430 = scf.for %scan3A_698 = %scan3A_426 to %scan3A_428 step %scan3A_429 iter_args(%scan3A_699 = %add3A_405) -> (vector<16xi32>)  : i32 {
      %mul3A_700 = arith.constant 64 : i32
      %mul3A_701 = arith.muli %scan3A_698, %mul3A_700 : i32
      %add3A_702 = arith.constant 0 : i32
      %add3A_703 = arith.addi %mul3A_701, %add3A_702 : i32
      %get3A_704 = arith.index_cast %add3A_703 : i32 to index
      %get3A_705 = tpu.vector_load %arg9[%get3A_704] {strides = array<i32>} : memref<4000xf32, #tpu.memory_space<vmem>>, vector<16xf32>,
      %add3A_706 = arith.constant 16 : i32
      %add3A_707 = arith.addi %mul3A_701, %add3A_706 : i32
      %get3A_708 = arith.index_cast %add3A_707 : i32 to index
      %get3A_709 = tpu.vector_load %arg9[%get3A_708] {strides = array<i32>} : memref<4000xf32, #tpu.memory_space<vmem>>, vector<16xf32>,
      %add3A_710 = arith.constant 32 : i32
      %add3A_711 = arith.addi %mul3A_701, %add3A_710 : i32
      %get3A_712 = arith.index_cast %add3A_711 : i32 to index
      %get3A_713 = tpu.vector_load %arg9[%get3A_712] {strides = array<i32>} : memref<4000xf32, #tpu.memory_space<vmem>>, vector<16xf32>,
      %add3A_714 = arith.constant 48 : i32
      %add3A_715 = arith.addi %mul3A_701, %add3A_714 : i32
      %get3A_716 = arith.index_cast %add3A_715 : i32 to index
      %get3A_717 = tpu.vector_load %arg9[%get3A_716] {strides = array<i32>} : memref<4000xf32, #tpu.memory_space<vmem>>, vector<16xf32>,
      %mul3A_718 = arith.constant 2 : i32
      %mul3A_719 = arith.muli %mul3A_718, %mul3A_701 : i32
      %add3A_720 = arith.constant 0 : i32
      %add3A_721 = arith.addi %mul3A_719, %add3A_720 : i32
      %broadcast_in_dim3A_722 = vector.broadcast %add3A_721 : i32 to vector<16xi32>
      %add3A_723 = arith.addi %broadcast_in_dim3A_722, %mul3A : vector<16xi32>
      %mul3A_724 = arith.constant 2 : i32
      %mul3A_725 = arith.muli %mul3A_724, %mul3A_701 : i32
      %add3A_726 = arith.constant 32 : i32
      %add3A_727 = arith.addi %mul3A_725, %add3A_726 : i32
      %broadcast_in_dim3A_728 = vector.broadcast %add3A_727 : i32 to vector<16xi32>
      %add3A_729 = arith.addi %broadcast_in_dim3A_728, %mul3A : vector<16xi32>
      %mul3A_730 = arith.constant 2 : i32
      %mul3A_731 = arith.muli %mul3A_730, %mul3A_701 : i32
      %add3A_732 = arith.constant 64 : i32
      %add3A_733 = arith.addi %mul3A_731, %add3A_732 : i32
      %broadcast_in_dim3A_734 = vector.broadcast %add3A_733 : i32 to vector<16xi32>
      %add3A_735 = arith.addi %broadcast_in_dim3A_734, %mul3A : vector<16xi32>
      %mul3A_736 = arith.constant 2 : i32
      %mul3A_737 = arith.muli %mul3A_736, %mul3A_701 : i32
      %add3A_738 = arith.constant 96 : i32
      %add3A_739 = arith.addi %mul3A_737, %add3A_738 : i32
      %broadcast_in_dim3A_740 = vector.broadcast %add3A_739 : i32 to vector<16xi32>
      %add3A_741 = arith.addi %broadcast_in_dim3A_740, %mul3A : vector<16xi32>
      %mul3A_742 = arith.constant 2 : i32
      %mul3A_743 = arith.muli %mul3A_742, %mul3A_701 : i32
      %add3A_744 = arith.constant 0 : i32
      %add3A_745 = arith.addi %mul3A_743, %add3A_744 : i32
      %broadcast_in_dim3A_746 = vector.broadcast %add3A_745 : i32 to vector<16xi32>
      %add3A_747 = arith.addi %broadcast_in_dim3A_746, %add3A : vector<16xi32>
      %mul3A_748 = arith.constant 2 : i32
      %mul3A_749 = arith.muli %mul3A_748, %mul3A_701 : i32
      %add3A_750 = arith.constant 32 : i32
      %add3A_751 = arith.addi %mul3A_749, %add3A_750 : i32
      %broadcast_in_dim3A_752 = vector.broadcast %add3A_751 : i32 to vector<16xi32>
      %add3A_753 = arith.addi %broadcast_in_dim3A_752, %add3A : vector<16xi32>
      %mul3A_754 = arith.constant 2 : i32
      %mul3A_755 = arith.muli %mul3A_754, %mul3A_701 : i32
      %add3A_756 = arith.constant 64 : i32
      %add3A_757 = arith.addi %mul3A_755, %add3A_756 : i32
      %broadcast_in_dim3A_758 = vector.broadcast %add3A_757 : i32 to vector<16xi32>
      %add3A_759 = arith.addi %broadcast_in_dim3A_758, %add3A : vector<16xi32>
      %mul3A_760 = arith.constant 2 : i32
      %mul3A_761 = arith.muli %mul3A_760, %mul3A_701 : i32
      %add3A_762 = arith.constant 96 : i32
      %add3A_763 = arith.addi %mul3A_761, %add3A_762 : i32
      %broadcast_in_dim3A_764 = vector.broadcast %add3A_763 : i32 to vector<16xi32>
      %add3A_765 = arith.addi %broadcast_in_dim3A_764, %add3A : vector<16xi32>
      %gather3A_766 = tpu.vector_load_idx %arg10[%add3A_723] : memref<8000xf32, #tpu.memory_space<vmem>>[vector<16xi32>], vector<16xf32>,
      %gather3A_767 = tpu.vector_load_idx %arg10[%add3A_729] : memref<8000xf32, #tpu.memory_space<vmem>>[vector<16xi32>], vector<16xf32>,
      %gather3A_768 = tpu.vector_load_idx %arg10[%add3A_735] : memref<8000xf32, #tpu.memory_space<vmem>>[vector<16xi32>], vector<16xf32>,
      %gather3A_769 = tpu.vector_load_idx %arg10[%add3A_741] : memref<8000xf32, #tpu.memory_space<vmem>>[vector<16xi32>], vector<16xf32>,
      %gather3A_770 = tpu.vector_load_idx %arg10[%add3A_747] : memref<8000xf32, #tpu.memory_space<vmem>>[vector<16xi32>], vector<16xf32>,
      %gather3A_771 = tpu.vector_load_idx %arg10[%add3A_753] : memref<8000xf32, #tpu.memory_space<vmem>>[vector<16xi32>], vector<16xf32>,
      %gather3A_772 = tpu.vector_load_idx %arg10[%add3A_759] : memref<8000xf32, #tpu.memory_space<vmem>>[vector<16xi32>], vector<16xf32>,
      %gather3A_773 = tpu.vector_load_idx %arg10[%add3A_765] : memref<8000xf32, #tpu.memory_space<vmem>>[vector<16xi32>], vector<16xf32>,
      %gather3A_774 = tpu.vector_load_idx %arg11[%add3A_723] : memref<8000xf32, #tpu.memory_space<vmem>>[vector<16xi32>], vector<16xf32>,
      %gather3A_775 = tpu.vector_load_idx %arg11[%add3A_729] : memref<8000xf32, #tpu.memory_space<vmem>>[vector<16xi32>], vector<16xf32>,
      %gather3A_776 = tpu.vector_load_idx %arg11[%add3A_735] : memref<8000xf32, #tpu.memory_space<vmem>>[vector<16xi32>], vector<16xf32>,
      %gather3A_777 = tpu.vector_load_idx %arg11[%add3A_741] : memref<8000xf32, #tpu.memory_space<vmem>>[vector<16xi32>], vector<16xf32>,
      %gather3A_778 = tpu.vector_load_idx %arg11[%add3A_747] : memref<8000xf32, #tpu.memory_space<vmem>>[vector<16xi32>], vector<16xf32>,
      %gather3A_779 = tpu.vector_load_idx %arg11[%add3A_753] : memref<8000xf32, #tpu.memory_space<vmem>>[vector<16xi32>], vector<16xf32>,
      %gather3A_780 = tpu.vector_load_idx %arg11[%add3A_759] : memref<8000xf32, #tpu.memory_space<vmem>>[vector<16xi32>], vector<16xf32>,
      %gather3A_781 = tpu.vector_load_idx %arg11[%add3A_765] : memref<8000xf32, #tpu.memory_space<vmem>>[vector<16xi32>], vector<16xf32>,
      %exp3A_782 = math.exp %gather3A_770 : vector<16xf32>
      %exp3A_783 = math.exp %gather3A_771 : vector<16xf32>
      %exp3A_784 = math.exp %gather3A_772 : vector<16xf32>
      %exp3A_785 = math.exp %gather3A_773 : vector<16xf32>
      %sub3A_786 = arith.subf %gather3A_778, %gather3A_774 : vector<16xf32>
      %sub3A_787 = arith.subf %gather3A_779, %gather3A_775 : vector<16xf32>
      %sub3A_788 = arith.subf %gather3A_780, %gather3A_776 : vector<16xf32>
      %sub3A_789 = arith.subf %gather3A_781, %gather3A_777 : vector<16xf32>
      %broadcast_in_dim3A_790 = arith.constant 5.000000e-01 : f32
      %broadcast_in_dim3A_791 = vector.broadcast %broadcast_in_dim3A_790 : f32 to vector<16xf32>
      %mul3A_792 = arith.mulf %broadcast_in_dim3A_791, %sub3A_786 : vector<16xf32>
      %add3A_793 = arith.addf %gather3A_774, %mul3A_792 : vector<16xf32>
      %broadcast_in_dim3A_794 = arith.constant 5.000000e-01 : f32
      %broadcast_in_dim3A_795 = vector.broadcast %broadcast_in_dim3A_794 : f32 to vector<16xf32>
      %mul3A_796 = arith.mulf %broadcast_in_dim3A_795, %sub3A_787 : vector<16xf32>
      %add3A_797 = arith.addf %gather3A_775, %mul3A_796 : vector<16xf32>
      %broadcast_in_dim3A_798 = arith.constant 5.000000e-01 : f32
      %broadcast_in_dim3A_799 = vector.broadcast %broadcast_in_dim3A_798 : f32 to vector<16xf32>
      %mul3A_800 = arith.mulf %broadcast_in_dim3A_799, %sub3A_788 : vector<16xf32>
      %add3A_801 = arith.addf %gather3A_776, %mul3A_800 : vector<16xf32>
      %broadcast_in_dim3A_802 = arith.constant 5.000000e-01 : f32
      %broadcast_in_dim3A_803 = vector.broadcast %broadcast_in_dim3A_802 : f32 to vector<16xf32>
      %mul3A_804 = arith.mulf %broadcast_in_dim3A_803, %sub3A_789 : vector<16xf32>
      %add3A_805 = arith.addf %gather3A_777, %mul3A_804 : vector<16xf32>
      %mul3A_806 = arith.mulf %gather3A_766, %sub3A_786 : vector<16xf32>
      %add3A_807 = arith.addf %add3A_793, %mul3A_806 : vector<16xf32>
      %mul3A_808 = arith.mulf %gather3A_767, %sub3A_787 : vector<16xf32>
      %add3A_809 = arith.addf %add3A_797, %mul3A_808 : vector<16xf32>
      %mul3A_810 = arith.mulf %gather3A_768, %sub3A_788 : vector<16xf32>
      %add3A_811 = arith.addf %add3A_801, %mul3A_810 : vector<16xf32>
      %mul3A_812 = arith.mulf %gather3A_769, %sub3A_789 : vector<16xf32>
      %add3A_813 = arith.addf %add3A_805, %mul3A_812 : vector<16xf32>
      %broadcast_in_dim3A_814 = arith.constant 5.000000e-01 : f32
      %broadcast_in_dim3A_815 = vector.broadcast %broadcast_in_dim3A_814 : f32 to vector<16xf32>
      %mul3A_816 = arith.mulf %exp3A_782, %sub3A_786 : vector<16xf32>
      %mul3A_817 = arith.mulf %broadcast_in_dim3A_815, %mul3A_816 : vector<16xf32>
      %broadcast_in_dim3A_818 = arith.constant 5.000000e-01 : f32
      %broadcast_in_dim3A_819 = vector.broadcast %broadcast_in_dim3A_818 : f32 to vector<16xf32>
      %mul3A_820 = arith.mulf %exp3A_783, %sub3A_787 : vector<16xf32>
      %mul3A_821 = arith.mulf %broadcast_in_dim3A_819, %mul3A_820 : vector<16xf32>
      %broadcast_in_dim3A_822 = arith.constant 5.000000e-01 : f32
      %broadcast_in_dim3A_823 = vector.broadcast %broadcast_in_dim3A_822 : f32 to vector<16xf32>
      %mul3A_824 = arith.mulf %exp3A_784, %sub3A_788 : vector<16xf32>
      %mul3A_825 = arith.mulf %broadcast_in_dim3A_823, %mul3A_824 : vector<16xf32>
      %broadcast_in_dim3A_826 = arith.constant 5.000000e-01 : f32
      %broadcast_in_dim3A_827 = vector.broadcast %broadcast_in_dim3A_826 : f32 to vector<16xf32>
      %mul3A_828 = arith.mulf %exp3A_785, %sub3A_789 : vector<16xf32>
      %mul3A_829 = arith.mulf %broadcast_in_dim3A_827, %mul3A_828 : vector<16xf32>
      %sub3A_830 = arith.subf %add3A_807, %mul3A_817 : vector<16xf32>
      %broadcast_in_dim3A_831 = arith.constant 0.000000e+00 : f32
      %broadcast_in_dim3A_832 = vector.broadcast %broadcast_in_dim3A_831 : f32 to vector<16xf32>
      %max3A_833 = arith.maximumf %sub3A_830, %broadcast_in_dim3A_832 : vector<16xf32>
      %broadcast_in_dim3A_834 = arith.constant 4.160000e+02 : f32
      %broadcast_in_dim3A_835 = vector.broadcast %broadcast_in_dim3A_834 : f32 to vector<16xf32>
      %min3A_836 = arith.minimumf %max3A_833, %broadcast_in_dim3A_835 : vector<16xf32>
      %sub3A_837 = arith.subf %add3A_809, %mul3A_821 : vector<16xf32>
      %broadcast_in_dim3A_838 = arith.constant 0.000000e+00 : f32
      %broadcast_in_dim3A_839 = vector.broadcast %broadcast_in_dim3A_838 : f32 to vector<16xf32>
      %max3A_840 = arith.maximumf %sub3A_837, %broadcast_in_dim3A_839 : vector<16xf32>
      %broadcast_in_dim3A_841 = arith.constant 4.160000e+02 : f32
      %broadcast_in_dim3A_842 = vector.broadcast %broadcast_in_dim3A_841 : f32 to vector<16xf32>
      %min3A_843 = arith.minimumf %max3A_840, %broadcast_in_dim3A_842 : vector<16xf32>
      %sub3A_844 = arith.subf %add3A_811, %mul3A_825 : vector<16xf32>
      %broadcast_in_dim3A_845 = arith.constant 0.000000e+00 : f32
      %broadcast_in_dim3A_846 = vector.broadcast %broadcast_in_dim3A_845 : f32 to vector<16xf32>
      %max3A_847 = arith.maximumf %sub3A_844, %broadcast_in_dim3A_846 : vector<16xf32>
      %broadcast_in_dim3A_848 = arith.constant 4.160000e+02 : f32
      %broadcast_in_dim3A_849 = vector.broadcast %broadcast_in_dim3A_848 : f32 to vector<16xf32>
      %min3A_850 = arith.minimumf %max3A_847, %broadcast_in_dim3A_849 : vector<16xf32>
      %sub3A_851 = arith.subf %add3A_813, %mul3A_829 : vector<16xf32>
      %broadcast_in_dim3A_852 = arith.constant 0.000000e+00 : f32
      %broadcast_in_dim3A_853 = vector.broadcast %broadcast_in_dim3A_852 : f32 to vector<16xf32>
      %max3A_854 = arith.maximumf %sub3A_851, %broadcast_in_dim3A_853 : vector<16xf32>
      %broadcast_in_dim3A_855 = arith.constant 4.160000e+02 : f32
      %broadcast_in_dim3A_856 = vector.broadcast %broadcast_in_dim3A_855 : f32 to vector<16xf32>
      %min3A_857 = arith.minimumf %max3A_854, %broadcast_in_dim3A_856 : vector<16xf32>
      %add3A_858 = arith.addf %add3A_807, %mul3A_817 : vector<16xf32>
      %broadcast_in_dim3A_859 = arith.constant 0.000000e+00 : f32
      %broadcast_in_dim3A_860 = vector.broadcast %broadcast_in_dim3A_859 : f32 to vector<16xf32>
      %max3A_861 = arith.maximumf %add3A_858, %broadcast_in_dim3A_860 : vector<16xf32>
      %broadcast_in_dim3A_862 = arith.constant 4.160000e+02 : f32
      %broadcast_in_dim3A_863 = vector.broadcast %broadcast_in_dim3A_862 : f32 to vector<16xf32>
      %min3A_864 = arith.minimumf %max3A_861, %broadcast_in_dim3A_863 : vector<16xf32>
      %add3A_865 = arith.addf %add3A_809, %mul3A_821 : vector<16xf32>
      %broadcast_in_dim3A_866 = arith.constant 0.000000e+00 : f32
      %broadcast_in_dim3A_867 = vector.broadcast %broadcast_in_dim3A_866 : f32 to vector<16xf32>
      %max3A_868 = arith.maximumf %add3A_865, %broadcast_in_dim3A_867 : vector<16xf32>
      %broadcast_in_dim3A_869 = arith.constant 4.160000e+02 : f32
      %broadcast_in_dim3A_870 = vector.broadcast %broadcast_in_dim3A_869 : f32 to vector<16xf32>
      %min3A_871 = arith.minimumf %max3A_868, %broadcast_in_dim3A_870 : vector<16xf32>
      %add3A_872 = arith.addf %add3A_811, %mul3A_825 : vector<16xf32>
      %broadcast_in_dim3A_873 = arith.constant 0.000000e+00 : f32
      %broadcast_in_dim3A_874 = vector.broadcast %broadcast_in_dim3A_873 : f32 to vector<16xf32>
      %max3A_875 = arith.maximumf %add3A_872, %broadcast_in_dim3A_874 : vector<16xf32>
      %broadcast_in_dim3A_876 = arith.constant 4.160000e+02 : f32
      %broadcast_in_dim3A_877 = vector.broadcast %broadcast_in_dim3A_876 : f32 to vector<16xf32>
      %min3A_878 = arith.minimumf %max3A_875, %broadcast_in_dim3A_877 : vector<16xf32>
      %add3A_879 = arith.addf %add3A_813, %mul3A_829 : vector<16xf32>
      %broadcast_in_dim3A_880 = arith.constant 0.000000e+00 : f32
      %broadcast_in_dim3A_881 = vector.broadcast %broadcast_in_dim3A_880 : f32 to vector<16xf32>
      %max3A_882 = arith.maximumf %add3A_879, %broadcast_in_dim3A_881 : vector<16xf32>
      %broadcast_in_dim3A_883 = arith.constant 4.160000e+02 : f32
      %broadcast_in_dim3A_884 = vector.broadcast %broadcast_in_dim3A_883 : f32 to vector<16xf32>
      %min3A_885 = arith.minimumf %max3A_882, %broadcast_in_dim3A_884 : vector<16xf32>
      %broadcast_in_dim3A_886 = arith.constant 0.00999999977 : f32
      %broadcast_in_dim3A_887 = vector.broadcast %broadcast_in_dim3A_886 : f32 to vector<16xf32>
      %gt3A_888 = arith.cmpf ogt, %get3A_705, %broadcast_in_dim3A_887 : vector<16xf32>
      %sub3A_889 = arith.subf %min3A_864, %min3A_836 : vector<16xf32>
      %broadcast_in_dim3A_890 = arith.constant 3.000000e+00 : f32
      %broadcast_in_dim3A_891 = vector.broadcast %broadcast_in_dim3A_890 : f32 to vector<16xf32>
      %gt3A_892 = arith.cmpf ogt, %sub3A_889, %broadcast_in_dim3A_891 : vector<16xf32>
      %and3A_893 = arith.andi %gt3A_888, %gt3A_892 : vector<16xi1>
      %broadcast_in_dim3A_894 = arith.constant 0.00999999977 : f32
      %broadcast_in_dim3A_895 = vector.broadcast %broadcast_in_dim3A_894 : f32 to vector<16xf32>
      %gt3A_896 = arith.cmpf ogt, %get3A_709, %broadcast_in_dim3A_895 : vector<16xf32>
      %sub3A_897 = arith.subf %min3A_871, %min3A_843 : vector<16xf32>
      %broadcast_in_dim3A_898 = arith.constant 3.000000e+00 : f32
      %broadcast_in_dim3A_899 = vector.broadcast %broadcast_in_dim3A_898 : f32 to vector<16xf32>
      %gt3A_900 = arith.cmpf ogt, %sub3A_897, %broadcast_in_dim3A_899 : vector<16xf32>
      %and3A_901 = arith.andi %gt3A_896, %gt3A_900 : vector<16xi1>
      %broadcast_in_dim3A_902 = arith.constant 0.00999999977 : f32
      %broadcast_in_dim3A_903 = vector.broadcast %broadcast_in_dim3A_902 : f32 to vector<16xf32>
      %gt3A_904 = arith.cmpf ogt, %get3A_713, %broadcast_in_dim3A_903 : vector<16xf32>
      %sub3A_905 = arith.subf %min3A_878, %min3A_850 : vector<16xf32>
      %broadcast_in_dim3A_906 = arith.constant 3.000000e+00 : f32
      %broadcast_in_dim3A_907 = vector.broadcast %broadcast_in_dim3A_906 : f32 to vector<16xf32>
      %gt3A_908 = arith.cmpf ogt, %sub3A_905, %broadcast_in_dim3A_907 : vector<16xf32>
      %and3A_909 = arith.andi %gt3A_904, %gt3A_908 : vector<16xi1>
      %broadcast_in_dim3A_910 = arith.constant 0.00999999977 : f32
      %broadcast_in_dim3A_911 = vector.broadcast %broadcast_in_dim3A_910 : f32 to vector<16xf32>
      %gt3A_912 = arith.cmpf ogt, %get3A_717, %broadcast_in_dim3A_911 : vector<16xf32>
      %sub3A_913 = arith.subf %min3A_885, %min3A_857 : vector<16xf32>
      %broadcast_in_dim3A_914 = arith.constant 3.000000e+00 : f32
      %broadcast_in_dim3A_915 = vector.broadcast %broadcast_in_dim3A_914 : f32 to vector<16xf32>
      %gt3A_916 = arith.cmpf ogt, %sub3A_913, %broadcast_in_dim3A_915 : vector<16xf32>
      %and3A_917 = arith.andi %gt3A_912, %gt3A_916 : vector<16xi1>
      %convert_element_type3A_918 = arith.extui %and3A_893 : vector<16xi1> to vector<16xi32>
      %broadcast_in_dim3A_919 = arith.constant true
      %broadcast_in_dim3A_920 = vector.broadcast %broadcast_in_dim3A_919 : i1 to vector<16xi1>
      %masked_cumsum3A_921 = tpu.scan <sum>, %convert_element_type3A_918 masked %broadcast_in_dim3A_920 : vector<16xi32>, vector<16xi1> -> vector<16xi32>
      %convert_element_type3A_922 = arith.extui %and3A_901 : vector<16xi1> to vector<16xi32>
      %broadcast_in_dim3A_923 = arith.constant true
      %broadcast_in_dim3A_924 = vector.broadcast %broadcast_in_dim3A_923 : i1 to vector<16xi1>
      %masked_cumsum3A_925 = tpu.scan <sum>, %convert_element_type3A_922 masked %broadcast_in_dim3A_924 : vector<16xi32>, vector<16xi1> -> vector<16xi32>
      %convert_element_type3A_926 = arith.extui %and3A_909 : vector<16xi1> to vector<16xi32>
      %broadcast_in_dim3A_927 = arith.constant true
      %broadcast_in_dim3A_928 = vector.broadcast %broadcast_in_dim3A_927 : i1 to vector<16xi1>
      %masked_cumsum3A_929 = tpu.scan <sum>, %convert_element_type3A_926 masked %broadcast_in_dim3A_928 : vector<16xi32>, vector<16xi1> -> vector<16xi32>
      %convert_element_type3A_930 = arith.extui %and3A_917 : vector<16xi1> to vector<16xi32>
      %broadcast_in_dim3A_931 = arith.constant true
      %broadcast_in_dim3A_932 = vector.broadcast %broadcast_in_dim3A_931 : i1 to vector<16xi1>
      %masked_cumsum3A_933 = tpu.scan <sum>, %convert_element_type3A_930 masked %broadcast_in_dim3A_932 : vector<16xi32>, vector<16xi1> -> vector<16xi32>
      %all_reduce_population_count3A_934 = tpu.all_reduce %and3A_893 {dim = 0 : i64, kind = #tpu.reduction_kind<sum>} : vector<16xi1> -> vector<16xi32>
      %all_reduce_population_count3A_935 = tpu.all_reduce %and3A_901 {dim = 0 : i64, kind = #tpu.reduction_kind<sum>} : vector<16xi1> -> vector<16xi32>
      %all_reduce_population_count3A_936 = tpu.all_reduce %and3A_909 {dim = 0 : i64, kind = #tpu.reduction_kind<sum>} : vector<16xi1> -> vector<16xi32>
      %all_reduce_population_count3A_937 = tpu.all_reduce %and3A_917 {dim = 0 : i64, kind = #tpu.reduction_kind<sum>} : vector<16xi1> -> vector<16xi32>
      %add3A_938 = arith.addi %scan3A_699, %all_reduce_population_count3A_934 : vector<16xi32>
      %add3A_939 = arith.addi %add3A_938, %all_reduce_population_count3A_935 : vector<16xi32>
      %add3A_940 = arith.addi %add3A_939, %all_reduce_population_count3A_936 : vector<16xi32>
      %add3A_941 = arith.addi %scan3A_699, %masked_cumsum3A_921 : vector<16xi32>
      %add3A_942 = arith.addi %add3A_938, %masked_cumsum3A_925 : vector<16xi32>
      %add3A_943 = arith.addi %add3A_939, %masked_cumsum3A_929 : vector<16xi32>
      %add3A_944 = arith.addi %add3A_940, %masked_cumsum3A_933 : vector<16xi32>
      tpu.vector_store_idx %arg12[%add3A_941], %get3A_705 masked %and3A_893 : memref<20032xf32, #tpu.memory_space<vmem>>[vector<16xi32>], vector<16xf32>, vector<16xi1>
      tpu.vector_store_idx %arg13[%add3A_941], %min3A_836 masked %and3A_893 : memref<20032xf32, #tpu.memory_space<vmem>>[vector<16xi32>], vector<16xf32>, vector<16xi1>
      tpu.vector_store_idx %arg14[%add3A_941], %min3A_864 masked %and3A_893 : memref<20032xf32, #tpu.memory_space<vmem>>[vector<16xi32>], vector<16xf32>, vector<16xi1>
      tpu.vector_store_idx %arg12[%add3A_942], %get3A_709 masked %and3A_901 : memref<20032xf32, #tpu.memory_space<vmem>>[vector<16xi32>], vector<16xf32>, vector<16xi1>
      tpu.vector_store_idx %arg13[%add3A_942], %min3A_843 masked %and3A_901 : memref<20032xf32, #tpu.memory_space<vmem>>[vector<16xi32>], vector<16xf32>, vector<16xi1>
      tpu.vector_store_idx %arg14[%add3A_942], %min3A_871 masked %and3A_901 : memref<20032xf32, #tpu.memory_space<vmem>>[vector<16xi32>], vector<16xf32>, vector<16xi1>
      tpu.vector_store_idx %arg12[%add3A_943], %get3A_713 masked %and3A_909 : memref<20032xf32, #tpu.memory_space<vmem>>[vector<16xi32>], vector<16xf32>, vector<16xi1>
      tpu.vector_store_idx %arg13[%add3A_943], %min3A_850 masked %and3A_909 : memref<20032xf32, #tpu.memory_space<vmem>>[vector<16xi32>], vector<16xf32>, vector<16xi1>
      tpu.vector_store_idx %arg14[%add3A_943], %min3A_878 masked %and3A_909 : memref<20032xf32, #tpu.memory_space<vmem>>[vector<16xi32>], vector<16xf32>, vector<16xi1>
      tpu.vector_store_idx %arg12[%add3A_944], %get3A_717 masked %and3A_917 : memref<20032xf32, #tpu.memory_space<vmem>>[vector<16xi32>], vector<16xf32>, vector<16xi1>
      tpu.vector_store_idx %arg13[%add3A_944], %min3A_857 masked %and3A_917 : memref<20032xf32, #tpu.memory_space<vmem>>[vector<16xi32>], vector<16xf32>, vector<16xi1>
      tpu.vector_store_idx %arg14[%add3A_944], %min3A_885 masked %and3A_917 : memref<20032xf32, #tpu.memory_space<vmem>>[vector<16xi32>], vector<16xf32>, vector<16xi1>
      %add3A_945 = arith.addi %add3A_940, %all_reduce_population_count3A_937 : vector<16xi32>
      scf.yield %add3A_945 : vector<16xi32>
    }
    %scan3A_431 = arith.constant 62 : i32
    %get3A_432 = arith.constant 3968 : index
    %get3A_433 = tpu.vector_load %arg9[%get3A_432] {strides = array<i32>} : memref<4000xf32, #tpu.memory_space<vmem>>, vector<16xf32>,
    %broadcast_in_dim3A_434 = arith.constant 7936 : i32
    %broadcast_in_dim3A_435 = vector.broadcast %broadcast_in_dim3A_434 : i32 to vector<16xi32>
    %add3A_436 = arith.addi %broadcast_in_dim3A_435, %mul3A : vector<16xi32>
    %broadcast_in_dim3A_437 = arith.constant 7936 : i32
    %broadcast_in_dim3A_438 = vector.broadcast %broadcast_in_dim3A_437 : i32 to vector<16xi32>
    %add3A_439 = arith.addi %broadcast_in_dim3A_438, %add3A : vector<16xi32>
    %gather3A_440 = tpu.vector_load_idx %arg10[%add3A_436] : memref<8000xf32, #tpu.memory_space<vmem>>[vector<16xi32>], vector<16xf32>,
    %gather3A_441 = tpu.vector_load_idx %arg10[%add3A_439] : memref<8000xf32, #tpu.memory_space<vmem>>[vector<16xi32>], vector<16xf32>,
    %gather3A_442 = tpu.vector_load_idx %arg11[%add3A_436] : memref<8000xf32, #tpu.memory_space<vmem>>[vector<16xi32>], vector<16xf32>,
    %gather3A_443 = tpu.vector_load_idx %arg11[%add3A_439] : memref<8000xf32, #tpu.memory_space<vmem>>[vector<16xi32>], vector<16xf32>,
    %exp3A_444 = math.exp %gather3A_441 : vector<16xf32>
    %sub3A_445 = arith.subf %gather3A_443, %gather3A_442 : vector<16xf32>
    %broadcast_in_dim3A_446 = arith.constant 5.000000e-01 : f32
    %broadcast_in_dim3A_447 = vector.broadcast %broadcast_in_dim3A_446 : f32 to vector<16xf32>
    %mul3A_448 = arith.mulf %broadcast_in_dim3A_447, %sub3A_445 : vector<16xf32>
    %add3A_449 = arith.addf %gather3A_442, %mul3A_448 : vector<16xf32>
    %mul3A_450 = arith.mulf %gather3A_440, %sub3A_445 : vector<16xf32>
    %add3A_451 = arith.addf %add3A_449, %mul3A_450 : vector<16xf32>
    %broadcast_in_dim3A_452 = arith.constant 5.000000e-01 : f32
    %broadcast_in_dim3A_453 = vector.broadcast %broadcast_in_dim3A_452 : f32 to vector<16xf32>
    %mul3A_454 = arith.mulf %exp3A_444, %sub3A_445 : vector<16xf32>
    %mul3A_455 = arith.mulf %broadcast_in_dim3A_453, %mul3A_454 : vector<16xf32>
    %sub3A_456 = arith.subf %add3A_451, %mul3A_455 : vector<16xf32>
    %broadcast_in_dim3A_457 = arith.constant 0.000000e+00 : f32
    %broadcast_in_dim3A_458 = vector.broadcast %broadcast_in_dim3A_457 : f32 to vector<16xf32>
    %max3A_459 = arith.maximumf %sub3A_456, %broadcast_in_dim3A_458 : vector<16xf32>
    %broadcast_in_dim3A_460 = arith.constant 4.160000e+02 : f32
    %broadcast_in_dim3A_461 = vector.broadcast %broadcast_in_dim3A_460 : f32 to vector<16xf32>
    %min3A_462 = arith.minimumf %max3A_459, %broadcast_in_dim3A_461 : vector<16xf32>
    %add3A_463 = arith.addf %add3A_451, %mul3A_455 : vector<16xf32>
    %broadcast_in_dim3A_464 = arith.constant 0.000000e+00 : f32
    %broadcast_in_dim3A_465 = vector.broadcast %broadcast_in_dim3A_464 : f32 to vector<16xf32>
    %max3A_466 = arith.maximumf %add3A_463, %broadcast_in_dim3A_465 : vector<16xf32>
    %broadcast_in_dim3A_467 = arith.constant 4.160000e+02 : f32
    %broadcast_in_dim3A_468 = vector.broadcast %broadcast_in_dim3A_467 : f32 to vector<16xf32>
    %min3A_469 = arith.minimumf %max3A_466, %broadcast_in_dim3A_468 : vector<16xf32>
    %broadcast_in_dim3A_470 = arith.constant 0.00999999977 : f32
    %broadcast_in_dim3A_471 = vector.broadcast %broadcast_in_dim3A_470 : f32 to vector<16xf32>
    %gt3A_472 = arith.cmpf ogt, %get3A_433, %broadcast_in_dim3A_471 : vector<16xf32>
    %sub3A_473 = arith.subf %min3A_469, %min3A_462 : vector<16xf32>
    %broadcast_in_dim3A_474 = arith.constant 3.000000e+00 : f32
    %broadcast_in_dim3A_475 = vector.broadcast %broadcast_in_dim3A_474 : f32 to vector<16xf32>
    %gt3A_476 = arith.cmpf ogt, %sub3A_473, %broadcast_in_dim3A_475 : vector<16xf32>
    %and3A_477 = arith.andi %gt3A_472, %gt3A_476 : vector<16xi1>
    %convert_element_type3A_478 = arith.extui %and3A_477 : vector<16xi1> to vector<16xi32>
    %broadcast_in_dim3A_479 = arith.constant true
    %broadcast_in_dim3A_480 = vector.broadcast %broadcast_in_dim3A_479 : i1 to vector<16xi1>
    %masked_cumsum3A_481 = tpu.scan <sum>, %convert_element_type3A_478 masked %broadcast_in_dim3A_480 : vector<16xi32>, vector<16xi1> -> vector<16xi32>
    %all_reduce_population_count3A_482 = tpu.all_reduce %and3A_477 {dim = 0 : i64, kind = #tpu.reduction_kind<sum>} : vector<16xi1> -> vector<16xi32>
    %add3A_483 = arith.addi %scan3A_430, %masked_cumsum3A_481 : vector<16xi32>
    tpu.vector_store_idx %arg12[%add3A_483], %get3A_433 masked %and3A_477 : memref<20032xf32, #tpu.memory_space<vmem>>[vector<16xi32>], vector<16xf32>, vector<16xi1>
    tpu.vector_store_idx %arg13[%add3A_483], %min3A_462 masked %and3A_477 : memref<20032xf32, #tpu.memory_space<vmem>>[vector<16xi32>], vector<16xf32>, vector<16xi1>
    tpu.vector_store_idx %arg14[%add3A_483], %min3A_469 masked %and3A_477 : memref<20032xf32, #tpu.memory_space<vmem>>[vector<16xi32>], vector<16xf32>, vector<16xi1>
    %add3A_484 = arith.addi %scan3A_430, %all_reduce_population_count3A_482 : vector<16xi32>
    %get3A_485 = arith.constant 3984 : index
    %get3A_486 = tpu.vector_load %arg9[%get3A_485] {strides = array<i32>} : memref<4000xf32, #tpu.memory_space<vmem>>, vector<16xf32>,
    %broadcast_in_dim3A_487 = arith.constant 7968 : i32
    %broadcast_in_dim3A_488 = vector.broadcast %broadcast_in_dim3A_487 : i32 to vector<16xi32>
    %add3A_489 = arith.addi %broadcast_in_dim3A_488, %mul3A : vector<16xi32>
    %broadcast_in_dim3A_490 = arith.constant 7968 : i32
    %broadcast_in_dim3A_491 = vector.broadcast %broadcast_in_dim3A_490 : i32 to vector<16xi32>
    %add3A_492 = arith.addi %broadcast_in_dim3A_491, %add3A : vector<16xi32>
    %gather3A_493 = tpu.vector_load_idx %arg10[%add3A_489] : memref<8000xf32, #tpu.memory_space<vmem>>[vector<16xi32>], vector<16xf32>,
    %gather3A_494 = tpu.vector_load_idx %arg10[%add3A_492] : memref<8000xf32, #tpu.memory_space<vmem>>[vector<16xi32>], vector<16xf32>,
    %gather3A_495 = tpu.vector_load_idx %arg11[%add3A_489] : memref<8000xf32, #tpu.memory_space<vmem>>[vector<16xi32>], vector<16xf32>,
    %gather3A_496 = tpu.vector_load_idx %arg11[%add3A_492] : memref<8000xf32, #tpu.memory_space<vmem>>[vector<16xi32>], vector<16xf32>,
    %exp3A_497 = math.exp %gather3A_494 : vector<16xf32>
    %sub3A_498 = arith.subf %gather3A_496, %gather3A_495 : vector<16xf32>
    %broadcast_in_dim3A_499 = arith.constant 5.000000e-01 : f32
    %broadcast_in_dim3A_500 = vector.broadcast %broadcast_in_dim3A_499 : f32 to vector<16xf32>
    %mul3A_501 = arith.mulf %broadcast_in_dim3A_500, %sub3A_498 : vector<16xf32>
    %add3A_502 = arith.addf %gather3A_495, %mul3A_501 : vector<16xf32>
    %mul3A_503 = arith.mulf %gather3A_493, %sub3A_498 : vector<16xf32>
    %add3A_504 = arith.addf %add3A_502, %mul3A_503 : vector<16xf32>
    %broadcast_in_dim3A_505 = arith.constant 5.000000e-01 : f32
    %broadcast_in_dim3A_506 = vector.broadcast %broadcast_in_dim3A_505 : f32 to vector<16xf32>
    %mul3A_507 = arith.mulf %exp3A_497, %sub3A_498 : vector<16xf32>
    %mul3A_508 = arith.mulf %broadcast_in_dim3A_506, %mul3A_507 : vector<16xf32>
    %sub3A_509 = arith.subf %add3A_504, %mul3A_508 : vector<16xf32>
    %broadcast_in_dim3A_510 = arith.constant 0.000000e+00 : f32
    %broadcast_in_dim3A_511 = vector.broadcast %broadcast_in_dim3A_510 : f32 to vector<16xf32>
    %max3A_512 = arith.maximumf %sub3A_509, %broadcast_in_dim3A_511 : vector<16xf32>
    %broadcast_in_dim3A_513 = arith.constant 4.160000e+02 : f32
    %broadcast_in_dim3A_514 = vector.broadcast %broadcast_in_dim3A_513 : f32 to vector<16xf32>
    %min3A_515 = arith.minimumf %max3A_512, %broadcast_in_dim3A_514 : vector<16xf32>
    %add3A_516 = arith.addf %add3A_504, %mul3A_508 : vector<16xf32>
    %broadcast_in_dim3A_517 = arith.constant 0.000000e+00 : f32
    %broadcast_in_dim3A_518 = vector.broadcast %broadcast_in_dim3A_517 : f32 to vector<16xf32>
    %max3A_519 = arith.maximumf %add3A_516, %broadcast_in_dim3A_518 : vector<16xf32>
    %broadcast_in_dim3A_520 = arith.constant 4.160000e+02 : f32
    %broadcast_in_dim3A_521 = vector.broadcast %broadcast_in_dim3A_520 : f32 to vector<16xf32>
    %min3A_522 = arith.minimumf %max3A_519, %broadcast_in_dim3A_521 : vector<16xf32>
    %broadcast_in_dim3A_523 = arith.constant 0.00999999977 : f32
    %broadcast_in_dim3A_524 = vector.broadcast %broadcast_in_dim3A_523 : f32 to vector<16xf32>
    %gt3A_525 = arith.cmpf ogt, %get3A_486, %broadcast_in_dim3A_524 : vector<16xf32>
    %sub3A_526 = arith.subf %min3A_522, %min3A_515 : vector<16xf32>
    %broadcast_in_dim3A_527 = arith.constant 3.000000e+00 : f32
    %broadcast_in_dim3A_528 = vector.broadcast %broadcast_in_dim3A_527 : f32 to vector<16xf32>
    %gt3A_529 = arith.cmpf ogt, %sub3A_526, %broadcast_in_dim3A_528 : vector<16xf32>
    %and3A_530 = arith.andi %gt3A_525, %gt3A_529 : vector<16xi1>
    %convert_element_type3A_531 = arith.extui %and3A_530 : vector<16xi1> to vector<16xi32>
    %broadcast_in_dim3A_532 = arith.constant true
    %broadcast_in_dim3A_533 = vector.broadcast %broadcast_in_dim3A_532 : i1 to vector<16xi1>
    %masked_cumsum3A_534 = tpu.scan <sum>, %convert_element_type3A_531 masked %broadcast_in_dim3A_533 : vector<16xi32>, vector<16xi1> -> vector<16xi32>
    %all_reduce_population_count3A_535 = tpu.all_reduce %and3A_530 {dim = 0 : i64, kind = #tpu.reduction_kind<sum>} : vector<16xi1> -> vector<16xi32>
    %add3A_536 = arith.addi %add3A_484, %masked_cumsum3A_534 : vector<16xi32>
    tpu.vector_store_idx %arg12[%add3A_536], %get3A_486 masked %and3A_530 : memref<20032xf32, #tpu.memory_space<vmem>>[vector<16xi32>], vector<16xf32>, vector<16xi1>
    tpu.vector_store_idx %arg13[%add3A_536], %min3A_515 masked %and3A_530 : memref<20032xf32, #tpu.memory_space<vmem>>[vector<16xi32>], vector<16xf32>, vector<16xi1>
    tpu.vector_store_idx %arg14[%add3A_536], %min3A_522 masked %and3A_530 : memref<20032xf32, #tpu.memory_space<vmem>>[vector<16xi32>], vector<16xf32>, vector<16xi1>
    %add3A_537 = arith.addi %add3A_484, %all_reduce_population_count3A_535 : vector<16xi32>
    %dma_wait3A_538 = tpu.memref_slice %arg2[%add3A_409] : memref<320000xf32, #tpu.memory_space<hbm>> -> memref<4000xf32, #tpu.memory_space<hbm>>
    %dma_wait3A_539 = tpu.memref_slice %arg2[%add3A_409] : memref<320000xf32, #tpu.memory_space<hbm>> -> memref<4000xf32, #tpu.memory_space<hbm>>
    tpu.wait_dma2 semaphore(%arg16 : memref<!tpu.dma_semaphore, #tpu.memory_space<semaphore_mem>>) src(%dma_wait3A_539 : memref<4000xf32, #tpu.memory_space<hbm>>) dst(%arg6 : memref<4000xf32, #tpu.memory_space<vmem>>)
    %dma_wait3A_540 = tpu.memref_slice %arg3[%mul3A_413] : memref<640000xf32, #tpu.memory_space<hbm>> -> memref<8000xf32, #tpu.memory_space<hbm>>
    %dma_wait3A_541 = tpu.memref_slice %arg3[%mul3A_413] : memref<640000xf32, #tpu.memory_space<hbm>> -> memref<8000xf32, #tpu.memory_space<hbm>>
    tpu.wait_dma2 semaphore(%arg16 : memref<!tpu.dma_semaphore, #tpu.memory_space<semaphore_mem>>) src(%dma_wait3A_541 : memref<8000xf32, #tpu.memory_space<hbm>>) dst(%arg7 : memref<8000xf32, #tpu.memory_space<vmem>>)
    %dma_wait3A_542 = tpu.memref_slice %arg4[%mul3A_417] : memref<640000xf32, #tpu.memory_space<hbm>> -> memref<8000xf32, #tpu.memory_space<hbm>>
    %dma_wait3A_543 = tpu.memref_slice %arg4[%mul3A_417] : memref<640000xf32, #tpu.memory_space<hbm>> -> memref<8000xf32, #tpu.memory_space<hbm>>
    tpu.wait_dma2 semaphore(%arg16 : memref<!tpu.dma_semaphore, #tpu.memory_space<semaphore_mem>>) src(%dma_wait3A_543 : memref<8000xf32, #tpu.memory_space<hbm>>) dst(%arg8 : memref<8000xf32, #tpu.memory_space<vmem>>)
    %scan3A_544 = arith.constant 0 : i32
    %scan3A_545 = arith.constant 62 : i32
    %scan3A_546 = arith.addi %scan3A_544, %scan3A_545 : i32
    %scan3A_547 = arith.constant 1 : i32
    %scan3A_548 = scf.for %scan3A_698 = %scan3A_544 to %scan3A_546 step %scan3A_547 iter_args(%scan3A_699 = %add3A_537) -> (vector<16xi32>)  : i32 {
      %mul3A_700 = arith.constant 64 : i32
      %mul3A_701 = arith.muli %scan3A_698, %mul3A_700 : i32
      %add3A_702 = arith.constant 0 : i32
      %add3A_703 = arith.addi %mul3A_701, %add3A_702 : i32
      %get3A_704 = arith.index_cast %add3A_703 : i32 to index
      %get3A_705 = tpu.vector_load %arg6[%get3A_704] {strides = array<i32>} : memref<4000xf32, #tpu.memory_space<vmem>>, vector<16xf32>,
      %add3A_706 = arith.constant 16 : i32
      %add3A_707 = arith.addi %mul3A_701, %add3A_706 : i32
      %get3A_708 = arith.index_cast %add3A_707 : i32 to index
      %get3A_709 = tpu.vector_load %arg6[%get3A_708] {strides = array<i32>} : memref<4000xf32, #tpu.memory_space<vmem>>, vector<16xf32>,
      %add3A_710 = arith.constant 32 : i32
      %add3A_711 = arith.addi %mul3A_701, %add3A_710 : i32
      %get3A_712 = arith.index_cast %add3A_711 : i32 to index
      %get3A_713 = tpu.vector_load %arg6[%get3A_712] {strides = array<i32>} : memref<4000xf32, #tpu.memory_space<vmem>>, vector<16xf32>,
      %add3A_714 = arith.constant 48 : i32
      %add3A_715 = arith.addi %mul3A_701, %add3A_714 : i32
      %get3A_716 = arith.index_cast %add3A_715 : i32 to index
      %get3A_717 = tpu.vector_load %arg6[%get3A_716] {strides = array<i32>} : memref<4000xf32, #tpu.memory_space<vmem>>, vector<16xf32>,
      %mul3A_718 = arith.constant 2 : i32
      %mul3A_719 = arith.muli %mul3A_718, %mul3A_701 : i32
      %add3A_720 = arith.constant 0 : i32
      %add3A_721 = arith.addi %mul3A_719, %add3A_720 : i32
      %broadcast_in_dim3A_722 = vector.broadcast %add3A_721 : i32 to vector<16xi32>
      %add3A_723 = arith.addi %broadcast_in_dim3A_722, %mul3A : vector<16xi32>
      %mul3A_724 = arith.constant 2 : i32
      %mul3A_725 = arith.muli %mul3A_724, %mul3A_701 : i32
      %add3A_726 = arith.constant 32 : i32
      %add3A_727 = arith.addi %mul3A_725, %add3A_726 : i32
      %broadcast_in_dim3A_728 = vector.broadcast %add3A_727 : i32 to vector<16xi32>
      %add3A_729 = arith.addi %broadcast_in_dim3A_728, %mul3A : vector<16xi32>
      %mul3A_730 = arith.constant 2 : i32
      %mul3A_731 = arith.muli %mul3A_730, %mul3A_701 : i32
      %add3A_732 = arith.constant 64 : i32
      %add3A_733 = arith.addi %mul3A_731, %add3A_732 : i32
      %broadcast_in_dim3A_734 = vector.broadcast %add3A_733 : i32 to vector<16xi32>
      %add3A_735 = arith.addi %broadcast_in_dim3A_734, %mul3A : vector<16xi32>
      %mul3A_736 = arith.constant 2 : i32
      %mul3A_737 = arith.muli %mul3A_736, %mul3A_701 : i32
      %add3A_738 = arith.constant 96 : i32
      %add3A_739 = arith.addi %mul3A_737, %add3A_738 : i32
      %broadcast_in_dim3A_740 = vector.broadcast %add3A_739 : i32 to vector<16xi32>
      %add3A_741 = arith.addi %broadcast_in_dim3A_740, %mul3A : vector<16xi32>
      %mul3A_742 = arith.constant 2 : i32
      %mul3A_743 = arith.muli %mul3A_742, %mul3A_701 : i32
      %add3A_744 = arith.constant 0 : i32
      %add3A_745 = arith.addi %mul3A_743, %add3A_744 : i32
      %broadcast_in_dim3A_746 = vector.broadcast %add3A_745 : i32 to vector<16xi32>
      %add3A_747 = arith.addi %broadcast_in_dim3A_746, %add3A : vector<16xi32>
      %mul3A_748 = arith.constant 2 : i32
      %mul3A_749 = arith.muli %mul3A_748, %mul3A_701 : i32
      %add3A_750 = arith.constant 32 : i32
      %add3A_751 = arith.addi %mul3A_749, %add3A_750 : i32
      %broadcast_in_dim3A_752 = vector.broadcast %add3A_751 : i32 to vector<16xi32>
      %add3A_753 = arith.addi %broadcast_in_dim3A_752, %add3A : vector<16xi32>
      %mul3A_754 = arith.constant 2 : i32
      %mul3A_755 = arith.muli %mul3A_754, %mul3A_701 : i32
      %add3A_756 = arith.constant 64 : i32
      %add3A_757 = arith.addi %mul3A_755, %add3A_756 : i32
      %broadcast_in_dim3A_758 = vector.broadcast %add3A_757 : i32 to vector<16xi32>
      %add3A_759 = arith.addi %broadcast_in_dim3A_758, %add3A : vector<16xi32>
      %mul3A_760 = arith.constant 2 : i32
      %mul3A_761 = arith.muli %mul3A_760, %mul3A_701 : i32
      %add3A_762 = arith.constant 96 : i32
      %add3A_763 = arith.addi %mul3A_761, %add3A_762 : i32
      %broadcast_in_dim3A_764 = vector.broadcast %add3A_763 : i32 to vector<16xi32>
      %add3A_765 = arith.addi %broadcast_in_dim3A_764, %add3A : vector<16xi32>
      %gather3A_766 = tpu.vector_load_idx %arg7[%add3A_723] : memref<8000xf32, #tpu.memory_space<vmem>>[vector<16xi32>], vector<16xf32>,
      %gather3A_767 = tpu.vector_load_idx %arg7[%add3A_729] : memref<8000xf32, #tpu.memory_space<vmem>>[vector<16xi32>], vector<16xf32>,
      %gather3A_768 = tpu.vector_load_idx %arg7[%add3A_735] : memref<8000xf32, #tpu.memory_space<vmem>>[vector<16xi32>], vector<16xf32>,
      %gather3A_769 = tpu.vector_load_idx %arg7[%add3A_741] : memref<8000xf32, #tpu.memory_space<vmem>>[vector<16xi32>], vector<16xf32>,
      %gather3A_770 = tpu.vector_load_idx %arg7[%add3A_747] : memref<8000xf32, #tpu.memory_space<vmem>>[vector<16xi32>], vector<16xf32>,
      %gather3A_771 = tpu.vector_load_idx %arg7[%add3A_753] : memref<8000xf32, #tpu.memory_space<vmem>>[vector<16xi32>], vector<16xf32>,
      %gather3A_772 = tpu.vector_load_idx %arg7[%add3A_759] : memref<8000xf32, #tpu.memory_space<vmem>>[vector<16xi32>], vector<16xf32>,
      %gather3A_773 = tpu.vector_load_idx %arg7[%add3A_765] : memref<8000xf32, #tpu.memory_space<vmem>>[vector<16xi32>], vector<16xf32>,
      %gather3A_774 = tpu.vector_load_idx %arg8[%add3A_723] : memref<8000xf32, #tpu.memory_space<vmem>>[vector<16xi32>], vector<16xf32>,
      %gather3A_775 = tpu.vector_load_idx %arg8[%add3A_729] : memref<8000xf32, #tpu.memory_space<vmem>>[vector<16xi32>], vector<16xf32>,
      %gather3A_776 = tpu.vector_load_idx %arg8[%add3A_735] : memref<8000xf32, #tpu.memory_space<vmem>>[vector<16xi32>], vector<16xf32>,
      %gather3A_777 = tpu.vector_load_idx %arg8[%add3A_741] : memref<8000xf32, #tpu.memory_space<vmem>>[vector<16xi32>], vector<16xf32>,
      %gather3A_778 = tpu.vector_load_idx %arg8[%add3A_747] : memref<8000xf32, #tpu.memory_space<vmem>>[vector<16xi32>], vector<16xf32>,
      %gather3A_779 = tpu.vector_load_idx %arg8[%add3A_753] : memref<8000xf32, #tpu.memory_space<vmem>>[vector<16xi32>], vector<16xf32>,
      %gather3A_780 = tpu.vector_load_idx %arg8[%add3A_759] : memref<8000xf32, #tpu.memory_space<vmem>>[vector<16xi32>], vector<16xf32>,
      %gather3A_781 = tpu.vector_load_idx %arg8[%add3A_765] : memref<8000xf32, #tpu.memory_space<vmem>>[vector<16xi32>], vector<16xf32>,
      %exp3A_782 = math.exp %gather3A_770 : vector<16xf32>
      %exp3A_783 = math.exp %gather3A_771 : vector<16xf32>
      %exp3A_784 = math.exp %gather3A_772 : vector<16xf32>
      %exp3A_785 = math.exp %gather3A_773 : vector<16xf32>
      %sub3A_786 = arith.subf %gather3A_778, %gather3A_774 : vector<16xf32>
      %sub3A_787 = arith.subf %gather3A_779, %gather3A_775 : vector<16xf32>
      %sub3A_788 = arith.subf %gather3A_780, %gather3A_776 : vector<16xf32>
      %sub3A_789 = arith.subf %gather3A_781, %gather3A_777 : vector<16xf32>
      %broadcast_in_dim3A_790 = arith.constant 5.000000e-01 : f32
      %broadcast_in_dim3A_791 = vector.broadcast %broadcast_in_dim3A_790 : f32 to vector<16xf32>
      %mul3A_792 = arith.mulf %broadcast_in_dim3A_791, %sub3A_786 : vector<16xf32>
      %add3A_793 = arith.addf %gather3A_774, %mul3A_792 : vector<16xf32>
      %broadcast_in_dim3A_794 = arith.constant 5.000000e-01 : f32
      %broadcast_in_dim3A_795 = vector.broadcast %broadcast_in_dim3A_794 : f32 to vector<16xf32>
      %mul3A_796 = arith.mulf %broadcast_in_dim3A_795, %sub3A_787 : vector<16xf32>
      %add3A_797 = arith.addf %gather3A_775, %mul3A_796 : vector<16xf32>
      %broadcast_in_dim3A_798 = arith.constant 5.000000e-01 : f32
      %broadcast_in_dim3A_799 = vector.broadcast %broadcast_in_dim3A_798 : f32 to vector<16xf32>
      %mul3A_800 = arith.mulf %broadcast_in_dim3A_799, %sub3A_788 : vector<16xf32>
      %add3A_801 = arith.addf %gather3A_776, %mul3A_800 : vector<16xf32>
      %broadcast_in_dim3A_802 = arith.constant 5.000000e-01 : f32
      %broadcast_in_dim3A_803 = vector.broadcast %broadcast_in_dim3A_802 : f32 to vector<16xf32>
      %mul3A_804 = arith.mulf %broadcast_in_dim3A_803, %sub3A_789 : vector<16xf32>
      %add3A_805 = arith.addf %gather3A_777, %mul3A_804 : vector<16xf32>
      %mul3A_806 = arith.mulf %gather3A_766, %sub3A_786 : vector<16xf32>
      %add3A_807 = arith.addf %add3A_793, %mul3A_806 : vector<16xf32>
      %mul3A_808 = arith.mulf %gather3A_767, %sub3A_787 : vector<16xf32>
      %add3A_809 = arith.addf %add3A_797, %mul3A_808 : vector<16xf32>
      %mul3A_810 = arith.mulf %gather3A_768, %sub3A_788 : vector<16xf32>
      %add3A_811 = arith.addf %add3A_801, %mul3A_810 : vector<16xf32>
      %mul3A_812 = arith.mulf %gather3A_769, %sub3A_789 : vector<16xf32>
      %add3A_813 = arith.addf %add3A_805, %mul3A_812 : vector<16xf32>
      %broadcast_in_dim3A_814 = arith.constant 5.000000e-01 : f32
      %broadcast_in_dim3A_815 = vector.broadcast %broadcast_in_dim3A_814 : f32 to vector<16xf32>
      %mul3A_816 = arith.mulf %exp3A_782, %sub3A_786 : vector<16xf32>
      %mul3A_817 = arith.mulf %broadcast_in_dim3A_815, %mul3A_816 : vector<16xf32>
      %broadcast_in_dim3A_818 = arith.constant 5.000000e-01 : f32
      %broadcast_in_dim3A_819 = vector.broadcast %broadcast_in_dim3A_818 : f32 to vector<16xf32>
      %mul3A_820 = arith.mulf %exp3A_783, %sub3A_787 : vector<16xf32>
      %mul3A_821 = arith.mulf %broadcast_in_dim3A_819, %mul3A_820 : vector<16xf32>
      %broadcast_in_dim3A_822 = arith.constant 5.000000e-01 : f32
      %broadcast_in_dim3A_823 = vector.broadcast %broadcast_in_dim3A_822 : f32 to vector<16xf32>
      %mul3A_824 = arith.mulf %exp3A_784, %sub3A_788 : vector<16xf32>
      %mul3A_825 = arith.mulf %broadcast_in_dim3A_823, %mul3A_824 : vector<16xf32>
      %broadcast_in_dim3A_826 = arith.constant 5.000000e-01 : f32
      %broadcast_in_dim3A_827 = vector.broadcast %broadcast_in_dim3A_826 : f32 to vector<16xf32>
      %mul3A_828 = arith.mulf %exp3A_785, %sub3A_789 : vector<16xf32>
      %mul3A_829 = arith.mulf %broadcast_in_dim3A_827, %mul3A_828 : vector<16xf32>
      %sub3A_830 = arith.subf %add3A_807, %mul3A_817 : vector<16xf32>
      %broadcast_in_dim3A_831 = arith.constant 0.000000e+00 : f32
      %broadcast_in_dim3A_832 = vector.broadcast %broadcast_in_dim3A_831 : f32 to vector<16xf32>
      %max3A_833 = arith.maximumf %sub3A_830, %broadcast_in_dim3A_832 : vector<16xf32>
      %broadcast_in_dim3A_834 = arith.constant 4.160000e+02 : f32
      %broadcast_in_dim3A_835 = vector.broadcast %broadcast_in_dim3A_834 : f32 to vector<16xf32>
      %min3A_836 = arith.minimumf %max3A_833, %broadcast_in_dim3A_835 : vector<16xf32>
      %sub3A_837 = arith.subf %add3A_809, %mul3A_821 : vector<16xf32>
      %broadcast_in_dim3A_838 = arith.constant 0.000000e+00 : f32
      %broadcast_in_dim3A_839 = vector.broadcast %broadcast_in_dim3A_838 : f32 to vector<16xf32>
      %max3A_840 = arith.maximumf %sub3A_837, %broadcast_in_dim3A_839 : vector<16xf32>
      %broadcast_in_dim3A_841 = arith.constant 4.160000e+02 : f32
      %broadcast_in_dim3A_842 = vector.broadcast %broadcast_in_dim3A_841 : f32 to vector<16xf32>
      %min3A_843 = arith.minimumf %max3A_840, %broadcast_in_dim3A_842 : vector<16xf32>
      %sub3A_844 = arith.subf %add3A_811, %mul3A_825 : vector<16xf32>
      %broadcast_in_dim3A_845 = arith.constant 0.000000e+00 : f32
      %broadcast_in_dim3A_846 = vector.broadcast %broadcast_in_dim3A_845 : f32 to vector<16xf32>
      %max3A_847 = arith.maximumf %sub3A_844, %broadcast_in_dim3A_846 : vector<16xf32>
      %broadcast_in_dim3A_848 = arith.constant 4.160000e+02 : f32
      %broadcast_in_dim3A_849 = vector.broadcast %broadcast_in_dim3A_848 : f32 to vector<16xf32>
      %min3A_850 = arith.minimumf %max3A_847, %broadcast_in_dim3A_849 : vector<16xf32>
      %sub3A_851 = arith.subf %add3A_813, %mul3A_829 : vector<16xf32>
      %broadcast_in_dim3A_852 = arith.constant 0.000000e+00 : f32
      %broadcast_in_dim3A_853 = vector.broadcast %broadcast_in_dim3A_852 : f32 to vector<16xf32>
      %max3A_854 = arith.maximumf %sub3A_851, %broadcast_in_dim3A_853 : vector<16xf32>
      %broadcast_in_dim3A_855 = arith.constant 4.160000e+02 : f32
      %broadcast_in_dim3A_856 = vector.broadcast %broadcast_in_dim3A_855 : f32 to vector<16xf32>
      %min3A_857 = arith.minimumf %max3A_854, %broadcast_in_dim3A_856 : vector<16xf32>
      %add3A_858 = arith.addf %add3A_807, %mul3A_817 : vector<16xf32>
      %broadcast_in_dim3A_859 = arith.constant 0.000000e+00 : f32
      %broadcast_in_dim3A_860 = vector.broadcast %broadcast_in_dim3A_859 : f32 to vector<16xf32>
      %max3A_861 = arith.maximumf %add3A_858, %broadcast_in_dim3A_860 : vector<16xf32>
      %broadcast_in_dim3A_862 = arith.constant 4.160000e+02 : f32
      %broadcast_in_dim3A_863 = vector.broadcast %broadcast_in_dim3A_862 : f32 to vector<16xf32>
      %min3A_864 = arith.minimumf %max3A_861, %broadcast_in_dim3A_863 : vector<16xf32>
      %add3A_865 = arith.addf %add3A_809, %mul3A_821 : vector<16xf32>
      %broadcast_in_dim3A_866 = arith.constant 0.000000e+00 : f32
      %broadcast_in_dim3A_867 = vector.broadcast %broadcast_in_dim3A_866 : f32 to vector<16xf32>
      %max3A_868 = arith.maximumf %add3A_865, %broadcast_in_dim3A_867 : vector<16xf32>
      %broadcast_in_dim3A_869 = arith.constant 4.160000e+02 : f32
      %broadcast_in_dim3A_870 = vector.broadcast %broadcast_in_dim3A_869 : f32 to vector<16xf32>
      %min3A_871 = arith.minimumf %max3A_868, %broadcast_in_dim3A_870 : vector<16xf32>
      %add3A_872 = arith.addf %add3A_811, %mul3A_825 : vector<16xf32>
      %broadcast_in_dim3A_873 = arith.constant 0.000000e+00 : f32
      %broadcast_in_dim3A_874 = vector.broadcast %broadcast_in_dim3A_873 : f32 to vector<16xf32>
      %max3A_875 = arith.maximumf %add3A_872, %broadcast_in_dim3A_874 : vector<16xf32>
      %broadcast_in_dim3A_876 = arith.constant 4.160000e+02 : f32
      %broadcast_in_dim3A_877 = vector.broadcast %broadcast_in_dim3A_876 : f32 to vector<16xf32>
      %min3A_878 = arith.minimumf %max3A_875, %broadcast_in_dim3A_877 : vector<16xf32>
      %add3A_879 = arith.addf %add3A_813, %mul3A_829 : vector<16xf32>
      %broadcast_in_dim3A_880 = arith.constant 0.000000e+00 : f32
      %broadcast_in_dim3A_881 = vector.broadcast %broadcast_in_dim3A_880 : f32 to vector<16xf32>
      %max3A_882 = arith.maximumf %add3A_879, %broadcast_in_dim3A_881 : vector<16xf32>
      %broadcast_in_dim3A_883 = arith.constant 4.160000e+02 : f32
      %broadcast_in_dim3A_884 = vector.broadcast %broadcast_in_dim3A_883 : f32 to vector<16xf32>
      %min3A_885 = arith.minimumf %max3A_882, %broadcast_in_dim3A_884 : vector<16xf32>
      %broadcast_in_dim3A_886 = arith.constant 0.00999999977 : f32
      %broadcast_in_dim3A_887 = vector.broadcast %broadcast_in_dim3A_886 : f32 to vector<16xf32>
      %gt3A_888 = arith.cmpf ogt, %get3A_705, %broadcast_in_dim3A_887 : vector<16xf32>
      %sub3A_889 = arith.subf %min3A_864, %min3A_836 : vector<16xf32>
      %broadcast_in_dim3A_890 = arith.constant 3.000000e+00 : f32
      %broadcast_in_dim3A_891 = vector.broadcast %broadcast_in_dim3A_890 : f32 to vector<16xf32>
      %gt3A_892 = arith.cmpf ogt, %sub3A_889, %broadcast_in_dim3A_891 : vector<16xf32>
      %and3A_893 = arith.andi %gt3A_888, %gt3A_892 : vector<16xi1>
      %broadcast_in_dim3A_894 = arith.constant 0.00999999977 : f32
      %broadcast_in_dim3A_895 = vector.broadcast %broadcast_in_dim3A_894 : f32 to vector<16xf32>
      %gt3A_896 = arith.cmpf ogt, %get3A_709, %broadcast_in_dim3A_895 : vector<16xf32>
      %sub3A_897 = arith.subf %min3A_871, %min3A_843 : vector<16xf32>
      %broadcast_in_dim3A_898 = arith.constant 3.000000e+00 : f32
      %broadcast_in_dim3A_899 = vector.broadcast %broadcast_in_dim3A_898 : f32 to vector<16xf32>
      %gt3A_900 = arith.cmpf ogt, %sub3A_897, %broadcast_in_dim3A_899 : vector<16xf32>
      %and3A_901 = arith.andi %gt3A_896, %gt3A_900 : vector<16xi1>
      %broadcast_in_dim3A_902 = arith.constant 0.00999999977 : f32
      %broadcast_in_dim3A_903 = vector.broadcast %broadcast_in_dim3A_902 : f32 to vector<16xf32>
      %gt3A_904 = arith.cmpf ogt, %get3A_713, %broadcast_in_dim3A_903 : vector<16xf32>
      %sub3A_905 = arith.subf %min3A_878, %min3A_850 : vector<16xf32>
      %broadcast_in_dim3A_906 = arith.constant 3.000000e+00 : f32
      %broadcast_in_dim3A_907 = vector.broadcast %broadcast_in_dim3A_906 : f32 to vector<16xf32>
      %gt3A_908 = arith.cmpf ogt, %sub3A_905, %broadcast_in_dim3A_907 : vector<16xf32>
      %and3A_909 = arith.andi %gt3A_904, %gt3A_908 : vector<16xi1>
      %broadcast_in_dim3A_910 = arith.constant 0.00999999977 : f32
      %broadcast_in_dim3A_911 = vector.broadcast %broadcast_in_dim3A_910 : f32 to vector<16xf32>
      %gt3A_912 = arith.cmpf ogt, %get3A_717, %broadcast_in_dim3A_911 : vector<16xf32>
      %sub3A_913 = arith.subf %min3A_885, %min3A_857 : vector<16xf32>
      %broadcast_in_dim3A_914 = arith.constant 3.000000e+00 : f32
      %broadcast_in_dim3A_915 = vector.broadcast %broadcast_in_dim3A_914 : f32 to vector<16xf32>
      %gt3A_916 = arith.cmpf ogt, %sub3A_913, %broadcast_in_dim3A_915 : vector<16xf32>
      %and3A_917 = arith.andi %gt3A_912, %gt3A_916 : vector<16xi1>
      %convert_element_type3A_918 = arith.extui %and3A_893 : vector<16xi1> to vector<16xi32>
      %broadcast_in_dim3A_919 = arith.constant true
      %broadcast_in_dim3A_920 = vector.broadcast %broadcast_in_dim3A_919 : i1 to vector<16xi1>
      %masked_cumsum3A_921 = tpu.scan <sum>, %convert_element_type3A_918 masked %broadcast_in_dim3A_920 : vector<16xi32>, vector<16xi1> -> vector<16xi32>
      %convert_element_type3A_922 = arith.extui %and3A_901 : vector<16xi1> to vector<16xi32>
      %broadcast_in_dim3A_923 = arith.constant true
      %broadcast_in_dim3A_924 = vector.broadcast %broadcast_in_dim3A_923 : i1 to vector<16xi1>
      %masked_cumsum3A_925 = tpu.scan <sum>, %convert_element_type3A_922 masked %broadcast_in_dim3A_924 : vector<16xi32>, vector<16xi1> -> vector<16xi32>
      %convert_element_type3A_926 = arith.extui %and3A_909 : vector<16xi1> to vector<16xi32>
      %broadcast_in_dim3A_927 = arith.constant true
      %broadcast_in_dim3A_928 = vector.broadcast %broadcast_in_dim3A_927 : i1 to vector<16xi1>
      %masked_cumsum3A_929 = tpu.scan <sum>, %convert_element_type3A_926 masked %broadcast_in_dim3A_928 : vector<16xi32>, vector<16xi1> -> vector<16xi32>
      %convert_element_type3A_930 = arith.extui %and3A_917 : vector<16xi1> to vector<16xi32>
      %broadcast_in_dim3A_931 = arith.constant true
      %broadcast_in_dim3A_932 = vector.broadcast %broadcast_in_dim3A_931 : i1 to vector<16xi1>
      %masked_cumsum3A_933 = tpu.scan <sum>, %convert_element_type3A_930 masked %broadcast_in_dim3A_932 : vector<16xi32>, vector<16xi1> -> vector<16xi32>
      %all_reduce_population_count3A_934 = tpu.all_reduce %and3A_893 {dim = 0 : i64, kind = #tpu.reduction_kind<sum>} : vector<16xi1> -> vector<16xi32>
      %all_reduce_population_count3A_935 = tpu.all_reduce %and3A_901 {dim = 0 : i64, kind = #tpu.reduction_kind<sum>} : vector<16xi1> -> vector<16xi32>
      %all_reduce_population_count3A_936 = tpu.all_reduce %and3A_909 {dim = 0 : i64, kind = #tpu.reduction_kind<sum>} : vector<16xi1> -> vector<16xi32>
      %all_reduce_population_count3A_937 = tpu.all_reduce %and3A_917 {dim = 0 : i64, kind = #tpu.reduction_kind<sum>} : vector<16xi1> -> vector<16xi32>
      %add3A_938 = arith.addi %scan3A_699, %all_reduce_population_count3A_934 : vector<16xi32>
      %add3A_939 = arith.addi %add3A_938, %all_reduce_population_count3A_935 : vector<16xi32>
      %add3A_940 = arith.addi %add3A_939, %all_reduce_population_count3A_936 : vector<16xi32>
      %add3A_941 = arith.addi %scan3A_699, %masked_cumsum3A_921 : vector<16xi32>
      %add3A_942 = arith.addi %add3A_938, %masked_cumsum3A_925 : vector<16xi32>
      %add3A_943 = arith.addi %add3A_939, %masked_cumsum3A_929 : vector<16xi32>
      %add3A_944 = arith.addi %add3A_940, %masked_cumsum3A_933 : vector<16xi32>
      tpu.vector_store_idx %arg12[%add3A_941], %get3A_705 masked %and3A_893 : memref<20032xf32, #tpu.memory_space<vmem>>[vector<16xi32>], vector<16xf32>, vector<16xi1>
      tpu.vector_store_idx %arg13[%add3A_941], %min3A_836 masked %and3A_893 : memref<20032xf32, #tpu.memory_space<vmem>>[vector<16xi32>], vector<16xf32>, vector<16xi1>
      tpu.vector_store_idx %arg14[%add3A_941], %min3A_864 masked %and3A_893 : memref<20032xf32, #tpu.memory_space<vmem>>[vector<16xi32>], vector<16xf32>, vector<16xi1>
      tpu.vector_store_idx %arg12[%add3A_942], %get3A_709 masked %and3A_901 : memref<20032xf32, #tpu.memory_space<vmem>>[vector<16xi32>], vector<16xf32>, vector<16xi1>
      tpu.vector_store_idx %arg13[%add3A_942], %min3A_843 masked %and3A_901 : memref<20032xf32, #tpu.memory_space<vmem>>[vector<16xi32>], vector<16xf32>, vector<16xi1>
      tpu.vector_store_idx %arg14[%add3A_942], %min3A_871 masked %and3A_901 : memref<20032xf32, #tpu.memory_space<vmem>>[vector<16xi32>], vector<16xf32>, vector<16xi1>
      tpu.vector_store_idx %arg12[%add3A_943], %get3A_713 masked %and3A_909 : memref<20032xf32, #tpu.memory_space<vmem>>[vector<16xi32>], vector<16xf32>, vector<16xi1>
      tpu.vector_store_idx %arg13[%add3A_943], %min3A_850 masked %and3A_909 : memref<20032xf32, #tpu.memory_space<vmem>>[vector<16xi32>], vector<16xf32>, vector<16xi1>
      tpu.vector_store_idx %arg14[%add3A_943], %min3A_878 masked %and3A_909 : memref<20032xf32, #tpu.memory_space<vmem>>[vector<16xi32>], vector<16xf32>, vector<16xi1>
      tpu.vector_store_idx %arg12[%add3A_944], %get3A_717 masked %and3A_917 : memref<20032xf32, #tpu.memory_space<vmem>>[vector<16xi32>], vector<16xf32>, vector<16xi1>
      tpu.vector_store_idx %arg13[%add3A_944], %min3A_857 masked %and3A_917 : memref<20032xf32, #tpu.memory_space<vmem>>[vector<16xi32>], vector<16xf32>, vector<16xi1>
      tpu.vector_store_idx %arg14[%add3A_944], %min3A_885 masked %and3A_917 : memref<20032xf32, #tpu.memory_space<vmem>>[vector<16xi32>], vector<16xf32>, vector<16xi1>
      %add3A_945 = arith.addi %add3A_940, %all_reduce_population_count3A_937 : vector<16xi32>
      scf.yield %add3A_945 : vector<16xi32>
    }
    %scan3A_549 = arith.constant 62 : i32
    %get3A_550 = arith.constant 3968 : index
    %get3A_551 = tpu.vector_load %arg6[%get3A_550] {strides = array<i32>} : memref<4000xf32, #tpu.memory_space<vmem>>, vector<16xf32>,
    %broadcast_in_dim3A_552 = arith.constant 7936 : i32
    %broadcast_in_dim3A_553 = vector.broadcast %broadcast_in_dim3A_552 : i32 to vector<16xi32>
    %add3A_554 = arith.addi %broadcast_in_dim3A_553, %mul3A : vector<16xi32>
    %broadcast_in_dim3A_555 = arith.constant 7936 : i32
    %broadcast_in_dim3A_556 = vector.broadcast %broadcast_in_dim3A_555 : i32 to vector<16xi32>
    %add3A_557 = arith.addi %broadcast_in_dim3A_556, %add3A : vector<16xi32>
    %gather3A_558 = tpu.vector_load_idx %arg7[%add3A_554] : memref<8000xf32, #tpu.memory_space<vmem>>[vector<16xi32>], vector<16xf32>,
    %gather3A_559 = tpu.vector_load_idx %arg7[%add3A_557] : memref<8000xf32, #tpu.memory_space<vmem>>[vector<16xi32>], vector<16xf32>,
    %gather3A_560 = tpu.vector_load_idx %arg8[%add3A_554] : memref<8000xf32, #tpu.memory_space<vmem>>[vector<16xi32>], vector<16xf32>,
    %gather3A_561 = tpu.vector_load_idx %arg8[%add3A_557] : memref<8000xf32, #tpu.memory_space<vmem>>[vector<16xi32>], vector<16xf32>,
    %exp3A_562 = math.exp %gather3A_559 : vector<16xf32>
    %sub3A_563 = arith.subf %gather3A_561, %gather3A_560 : vector<16xf32>
    %broadcast_in_dim3A_564 = arith.constant 5.000000e-01 : f32
    %broadcast_in_dim3A_565 = vector.broadcast %broadcast_in_dim3A_564 : f32 to vector<16xf32>
    %mul3A_566 = arith.mulf %broadcast_in_dim3A_565, %sub3A_563 : vector<16xf32>
    %add3A_567 = arith.addf %gather3A_560, %mul3A_566 : vector<16xf32>
    %mul3A_568 = arith.mulf %gather3A_558, %sub3A_563 : vector<16xf32>
    %add3A_569 = arith.addf %add3A_567, %mul3A_568 : vector<16xf32>
    %broadcast_in_dim3A_570 = arith.constant 5.000000e-01 : f32
    %broadcast_in_dim3A_571 = vector.broadcast %broadcast_in_dim3A_570 : f32 to vector<16xf32>
    %mul3A_572 = arith.mulf %exp3A_562, %sub3A_563 : vector<16xf32>
    %mul3A_573 = arith.mulf %broadcast_in_dim3A_571, %mul3A_572 : vector<16xf32>
    %sub3A_574 = arith.subf %add3A_569, %mul3A_573 : vector<16xf32>
    %broadcast_in_dim3A_575 = arith.constant 0.000000e+00 : f32
    %broadcast_in_dim3A_576 = vector.broadcast %broadcast_in_dim3A_575 : f32 to vector<16xf32>
    %max3A_577 = arith.maximumf %sub3A_574, %broadcast_in_dim3A_576 : vector<16xf32>
    %broadcast_in_dim3A_578 = arith.constant 4.160000e+02 : f32
    %broadcast_in_dim3A_579 = vector.broadcast %broadcast_in_dim3A_578 : f32 to vector<16xf32>
    %min3A_580 = arith.minimumf %max3A_577, %broadcast_in_dim3A_579 : vector<16xf32>
    %add3A_581 = arith.addf %add3A_569, %mul3A_573 : vector<16xf32>
    %broadcast_in_dim3A_582 = arith.constant 0.000000e+00 : f32
    %broadcast_in_dim3A_583 = vector.broadcast %broadcast_in_dim3A_582 : f32 to vector<16xf32>
    %max3A_584 = arith.maximumf %add3A_581, %broadcast_in_dim3A_583 : vector<16xf32>
    %broadcast_in_dim3A_585 = arith.constant 4.160000e+02 : f32
    %broadcast_in_dim3A_586 = vector.broadcast %broadcast_in_dim3A_585 : f32 to vector<16xf32>
    %min3A_587 = arith.minimumf %max3A_584, %broadcast_in_dim3A_586 : vector<16xf32>
    %broadcast_in_dim3A_588 = arith.constant 0.00999999977 : f32
    %broadcast_in_dim3A_589 = vector.broadcast %broadcast_in_dim3A_588 : f32 to vector<16xf32>
    %gt3A_590 = arith.cmpf ogt, %get3A_551, %broadcast_in_dim3A_589 : vector<16xf32>
    %sub3A_591 = arith.subf %min3A_587, %min3A_580 : vector<16xf32>
    %broadcast_in_dim3A_592 = arith.constant 3.000000e+00 : f32
    %broadcast_in_dim3A_593 = vector.broadcast %broadcast_in_dim3A_592 : f32 to vector<16xf32>
    %gt3A_594 = arith.cmpf ogt, %sub3A_591, %broadcast_in_dim3A_593 : vector<16xf32>
    %and3A_595 = arith.andi %gt3A_590, %gt3A_594 : vector<16xi1>
    %convert_element_type3A_596 = arith.extui %and3A_595 : vector<16xi1> to vector<16xi32>
    %broadcast_in_dim3A_597 = arith.constant true
    %broadcast_in_dim3A_598 = vector.broadcast %broadcast_in_dim3A_597 : i1 to vector<16xi1>
    %masked_cumsum3A_599 = tpu.scan <sum>, %convert_element_type3A_596 masked %broadcast_in_dim3A_598 : vector<16xi32>, vector<16xi1> -> vector<16xi32>
    %all_reduce_population_count3A_600 = tpu.all_reduce %and3A_595 {dim = 0 : i64, kind = #tpu.reduction_kind<sum>} : vector<16xi1> -> vector<16xi32>
    %add3A_601 = arith.addi %scan3A_548, %masked_cumsum3A_599 : vector<16xi32>
    tpu.vector_store_idx %arg12[%add3A_601], %get3A_551 masked %and3A_595 : memref<20032xf32, #tpu.memory_space<vmem>>[vector<16xi32>], vector<16xf32>, vector<16xi1>
    tpu.vector_store_idx %arg13[%add3A_601], %min3A_580 masked %and3A_595 : memref<20032xf32, #tpu.memory_space<vmem>>[vector<16xi32>], vector<16xf32>, vector<16xi1>
    tpu.vector_store_idx %arg14[%add3A_601], %min3A_587 masked %and3A_595 : memref<20032xf32, #tpu.memory_space<vmem>>[vector<16xi32>], vector<16xf32>, vector<16xi1>
    %add3A_602 = arith.addi %scan3A_548, %all_reduce_population_count3A_600 : vector<16xi32>
    %get3A_603 = arith.constant 3984 : index
    %get3A_604 = tpu.vector_load %arg6[%get3A_603] {strides = array<i32>} : memref<4000xf32, #tpu.memory_space<vmem>>, vector<16xf32>,
    %broadcast_in_dim3A_605 = arith.constant 7968 : i32
    %broadcast_in_dim3A_606 = vector.broadcast %broadcast_in_dim3A_605 : i32 to vector<16xi32>
    %add3A_607 = arith.addi %broadcast_in_dim3A_606, %mul3A : vector<16xi32>
    %broadcast_in_dim3A_608 = arith.constant 7968 : i32
    %broadcast_in_dim3A_609 = vector.broadcast %broadcast_in_dim3A_608 : i32 to vector<16xi32>
    %add3A_610 = arith.addi %broadcast_in_dim3A_609, %add3A : vector<16xi32>
    %gather3A_611 = tpu.vector_load_idx %arg7[%add3A_607] : memref<8000xf32, #tpu.memory_space<vmem>>[vector<16xi32>], vector<16xf32>,
    %gather3A_612 = tpu.vector_load_idx %arg7[%add3A_610] : memref<8000xf32, #tpu.memory_space<vmem>>[vector<16xi32>], vector<16xf32>,
    %gather3A_613 = tpu.vector_load_idx %arg8[%add3A_607] : memref<8000xf32, #tpu.memory_space<vmem>>[vector<16xi32>], vector<16xf32>,
    %gather3A_614 = tpu.vector_load_idx %arg8[%add3A_610] : memref<8000xf32, #tpu.memory_space<vmem>>[vector<16xi32>], vector<16xf32>,
    %exp3A_615 = math.exp %gather3A_612 : vector<16xf32>
    %sub3A_616 = arith.subf %gather3A_614, %gather3A_613 : vector<16xf32>
    %broadcast_in_dim3A_617 = arith.constant 5.000000e-01 : f32
    %broadcast_in_dim3A_618 = vector.broadcast %broadcast_in_dim3A_617 : f32 to vector<16xf32>
    %mul3A_619 = arith.mulf %broadcast_in_dim3A_618, %sub3A_616 : vector<16xf32>
    %add3A_620 = arith.addf %gather3A_613, %mul3A_619 : vector<16xf32>
    %mul3A_621 = arith.mulf %gather3A_611, %sub3A_616 : vector<16xf32>
    %add3A_622 = arith.addf %add3A_620, %mul3A_621 : vector<16xf32>
    %broadcast_in_dim3A_623 = arith.constant 5.000000e-01 : f32
    %broadcast_in_dim3A_624 = vector.broadcast %broadcast_in_dim3A_623 : f32 to vector<16xf32>
    %mul3A_625 = arith.mulf %exp3A_615, %sub3A_616 : vector<16xf32>
    %mul3A_626 = arith.mulf %broadcast_in_dim3A_624, %mul3A_625 : vector<16xf32>
    %sub3A_627 = arith.subf %add3A_622, %mul3A_626 : vector<16xf32>
    %broadcast_in_dim3A_628 = arith.constant 0.000000e+00 : f32
    %broadcast_in_dim3A_629 = vector.broadcast %broadcast_in_dim3A_628 : f32 to vector<16xf32>
    %max3A_630 = arith.maximumf %sub3A_627, %broadcast_in_dim3A_629 : vector<16xf32>
    %broadcast_in_dim3A_631 = arith.constant 4.160000e+02 : f32
    %broadcast_in_dim3A_632 = vector.broadcast %broadcast_in_dim3A_631 : f32 to vector<16xf32>
    %min3A_633 = arith.minimumf %max3A_630, %broadcast_in_dim3A_632 : vector<16xf32>
    %add3A_634 = arith.addf %add3A_622, %mul3A_626 : vector<16xf32>
    %broadcast_in_dim3A_635 = arith.constant 0.000000e+00 : f32
    %broadcast_in_dim3A_636 = vector.broadcast %broadcast_in_dim3A_635 : f32 to vector<16xf32>
    %max3A_637 = arith.maximumf %add3A_634, %broadcast_in_dim3A_636 : vector<16xf32>
    %broadcast_in_dim3A_638 = arith.constant 4.160000e+02 : f32
    %broadcast_in_dim3A_639 = vector.broadcast %broadcast_in_dim3A_638 : f32 to vector<16xf32>
    %min3A_640 = arith.minimumf %max3A_637, %broadcast_in_dim3A_639 : vector<16xf32>
    %broadcast_in_dim3A_641 = arith.constant 0.00999999977 : f32
    %broadcast_in_dim3A_642 = vector.broadcast %broadcast_in_dim3A_641 : f32 to vector<16xf32>
    %gt3A_643 = arith.cmpf ogt, %get3A_604, %broadcast_in_dim3A_642 : vector<16xf32>
    %sub3A_644 = arith.subf %min3A_640, %min3A_633 : vector<16xf32>
    %broadcast_in_dim3A_645 = arith.constant 3.000000e+00 : f32
    %broadcast_in_dim3A_646 = vector.broadcast %broadcast_in_dim3A_645 : f32 to vector<16xf32>
    %gt3A_647 = arith.cmpf ogt, %sub3A_644, %broadcast_in_dim3A_646 : vector<16xf32>
    %and3A_648 = arith.andi %gt3A_643, %gt3A_647 : vector<16xi1>
    %convert_element_type3A_649 = arith.extui %and3A_648 : vector<16xi1> to vector<16xi32>
    %broadcast_in_dim3A_650 = arith.constant true
    %broadcast_in_dim3A_651 = vector.broadcast %broadcast_in_dim3A_650 : i1 to vector<16xi1>
    %masked_cumsum3A_652 = tpu.scan <sum>, %convert_element_type3A_649 masked %broadcast_in_dim3A_651 : vector<16xi32>, vector<16xi1> -> vector<16xi32>
    %all_reduce_population_count3A_653 = tpu.all_reduce %and3A_648 {dim = 0 : i64, kind = #tpu.reduction_kind<sum>} : vector<16xi1> -> vector<16xi32>
    %add3A_654 = arith.addi %add3A_602, %masked_cumsum3A_652 : vector<16xi32>
    tpu.vector_store_idx %arg12[%add3A_654], %get3A_604 masked %and3A_648 : memref<20032xf32, #tpu.memory_space<vmem>>[vector<16xi32>], vector<16xf32>, vector<16xi1>
    tpu.vector_store_idx %arg13[%add3A_654], %min3A_633 masked %and3A_648 : memref<20032xf32, #tpu.memory_space<vmem>>[vector<16xi32>], vector<16xf32>, vector<16xi1>
    tpu.vector_store_idx %arg14[%add3A_654], %min3A_640 masked %and3A_648 : memref<20032xf32, #tpu.memory_space<vmem>>[vector<16xi32>], vector<16xf32>, vector<16xi1>
    %add3A_655 = arith.addi %add3A_602, %all_reduce_population_count3A_653 : vector<16xi32>
    %reduce_max3A = arith.constant true
    %reduce_max3A_656 = vector.broadcast %reduce_max3A : i1 to vector<16xi1>
    %reduce_max3A_657 = arith.constant -2147483648 : i32
    %reduce_max3A_658 = vector.broadcast %reduce_max3A_657 : i32 to vector<16xi32>
    %reduce_max3A_659 = arith.xori %add3A_655, %reduce_max3A_658 : vector<16xi32>
    %reduce_max3A_660 = tpu.scan <max>, %reduce_max3A_659 masked %reduce_max3A_656 : vector<16xi32>, vector<16xi1> -> vector<16xi32>
    %reduce_max3A_661 = arith.xori %reduce_max3A_660, %reduce_max3A_658 : vector<16xi32>
    %reduce_max3A_662 = vector.extract %reduce_max3A_661[15] : i32 from vector<16xi32>
    %add3A_663 = arith.constant 1 : i32
    %add3A_664 = arith.addi %reduce_max3A_662, %add3A_663 : i32
    %broadcast_in_dim3A_665 = vector.broadcast %add3A_664 : i32 to vector<16xi32>
    %add3A_666 = arith.addi %broadcast_in_dim3A_665, %iota3A : vector<16xi32>
    tpu.vector_store_idx %arg12[%add3A_666], %broadcast_in_dim3A_4 : memref<20032xf32, #tpu.memory_space<vmem>>[vector<16xi32>], vector<16xf32>,
    %add3A_667 = arith.constant 15 : i32
    %add3A_668 = arith.addi %add3A_664, %add3A_667 : i32
    %jit3A = arith.constant 16 : i32
    %div3A = arith.divsi %add3A_668, %jit3A : i32
    %sign3A = arith.constant 0 : i32
    %sign3A_669 = arith.cmpi sgt, %add3A_668, %sign3A : i32
    %sign3A_670 = arith.extui %sign3A_669 : i1 to i32
    %sign3A_671 = arith.constant 0 : i32
    %sign3A_672 = arith.cmpi slt, %add3A_668, %sign3A_671 : i32
    %sign3A_673 = arith.extui %sign3A_672 : i1 to i32
    %sign3A_674 = arith.subi %sign3A_670, %sign3A_673 : i32
    %sign3A_675 = arith.constant 0 : i32
    %sign3A_676 = arith.cmpi sgt, %jit3A, %sign3A_675 : i32
    %sign3A_677 = arith.extui %sign3A_676 : i1 to i32
    %sign3A_678 = arith.constant 0 : i32
    %sign3A_679 = arith.cmpi slt, %jit3A, %sign3A_678 : i32
    %sign3A_680 = arith.extui %sign3A_679 : i1 to i32
    %sign3A_681 = arith.subi %sign3A_677, %sign3A_680 : i32
    %ne3A = arith.cmpi ne, %sign3A_674, %sign3A_681 : i32
    %rem3A = arith.remsi %add3A_668, %jit3A : i32
    %ne3A_682 = arith.constant 0 : i32
    %ne3A_683 = arith.cmpi ne, %rem3A, %ne3A_682 : i32
    %and3A_684 = arith.andi %ne3A, %ne3A_683 : i1
    %sub3A_685 = arith.constant 1 : i32
    %sub3A_686 = arith.subi %div3A, %sub3A_685 : i32
    %select_n3A = arith.select %and3A_684, %sub3A_686, %div3A : i32
    %scan3A_687 = arith.constant -1 : i32
    %scan3A_688 = arith.constant 0.000000e+00 : f32
    %scan3A_689 = arith.constant 0.000000e+00 : f32
    %scan3A_690 = arith.constant 0 : i32
    %scan3A_691 = arith.constant 10 : i32
    %scan3A_692 = arith.addi %scan3A_690, %scan3A_691 : i32
    %scan3A_693 = arith.constant 1 : i32
    %scan3A_694:3 = scf.for %scan3A_698 = %scan3A_690 to %scan3A_692 step %scan3A_693 iter_args(%scan3A_699 = %scan3A_687, %scan3A_700 = %scan3A_688, %scan3A_701 = %scan3A_689) -> (i32, f32, f32)  : i32 {
      %broadcast_in_dim3A_702 = vector.broadcast %scan3A_699 : i32 to vector<16xi32>
      %broadcast_in_dim3A_703 = vector.broadcast %scan3A_700 : f32 to vector<16xf32>
      %broadcast_in_dim3A_704 = vector.broadcast %scan3A_701 : f32 to vector<16xf32>
      %sub3A_705 = arith.subf %broadcast_in_dim3A_704, %broadcast_in_dim3A_703 : vector<16xf32>
      %broadcast_in_dim3A_706 = arith.constant 0 : i32
      %broadcast_in_dim3A_707 = vector.broadcast %broadcast_in_dim3A_706 : i32 to vector<16xi32>
      %while3A = arith.constant 0 : i32
      %while3A_708 = arith.subi %select_n3A, %while3A : i32
      %while3A_709 = arith.addi %while3A, %while3A_708 : i32
      %while3A_710 = arith.constant 1 : i32
      %while3A_711 = arith.divsi %while3A_708, %while3A_710 : i32
      %while3A_712 = arith.muli %while3A_711, %while3A_710 : i32
      %while3A_713 = arith.addi %while3A, %while3A_712 : i32
      %while3A_714 = arith.constant 1 : i32
      %while3A_715:2 = scf.for %while3A_738 = %while3A to %while3A_713 step %while3A_714 iter_args(%while3A_739 = %broadcast_in_dim3A_4, %while3A_740 = %broadcast_in_dim3A_707) -> (vector<16xf32>, vector<16xi32>)  : i32 {
        %mul3A_741 = arith.constant 16 : i32
        %mul3A_742 = arith.muli %while3A_738, %mul3A_741 : i32
        %get3A_743 = arith.index_cast %mul3A_742 : i32 to index
        %get3A_744 = tpu.vector_load %arg12[%get3A_743] {strides = array<i32>} : memref<20032xf32, #tpu.memory_space<vmem>>, vector<16xf32>,
        %get3A_745 = arith.index_cast %mul3A_742 : i32 to index
        %get3A_746 = tpu.vector_load %arg13[%get3A_745] {strides = array<i32>} : memref<20032xf32, #tpu.memory_space<vmem>>, vector<16xf32>,
        %get3A_747 = arith.index_cast %mul3A_742 : i32 to index
        %get3A_748 = tpu.vector_load %arg14[%get3A_747] {strides = array<i32>} : memref<20032xf32, #tpu.memory_space<vmem>>, vector<16xf32>,
        %min3A_749 = arith.minimumf %broadcast_in_dim3A_704, %get3A_748 : vector<16xf32>
        %max3A_750 = arith.maximumf %broadcast_in_dim3A_703, %get3A_746 : vector<16xf32>
        %sub3A_751 = arith.subf %min3A_749, %max3A_750 : vector<16xf32>
        %broadcast_in_dim3A_752 = arith.constant 0.000000e+00 : f32
        %broadcast_in_dim3A_753 = vector.broadcast %broadcast_in_dim3A_752 : f32 to vector<16xf32>
        %max3A_754 = arith.maximumf %sub3A_751, %broadcast_in_dim3A_753 : vector<16xf32>
        %sub3A_755 = arith.subf %get3A_748, %get3A_746 : vector<16xf32>
        %add3A_756 = arith.addf %sub3A_705, %sub3A_755 : vector<16xf32>
        %sub3A_757 = arith.subf %add3A_756, %max3A_754 : vector<16xf32>
        %broadcast_in_dim3A_758 = arith.constant 9.99999996E-13 : f32
        %broadcast_in_dim3A_759 = vector.broadcast %broadcast_in_dim3A_758 : f32 to vector<16xf32>
        %max3A_760 = arith.maximumf %sub3A_757, %broadcast_in_dim3A_759 : vector<16xf32>
        %div3A_761 = arith.divf %max3A_754, %max3A_760 : vector<16xf32>
        %mul3A_762 = arith.constant 16 : i32
        %mul3A_763 = arith.muli %while3A_738, %mul3A_762 : i32
        %broadcast_in_dim3A_764 = vector.broadcast %mul3A_763 : i32 to vector<16xi32>
        %add3A_765 = arith.addi %broadcast_in_dim3A_764, %iota3A : vector<16xi32>
        %broadcast_in_dim3A_766 = arith.constant 5.000000e-01 : f32
        %broadcast_in_dim3A_767 = vector.broadcast %broadcast_in_dim3A_766 : f32 to vector<16xf32>
        %gt3A_768 = arith.cmpf ogt, %div3A_761, %broadcast_in_dim3A_767 : vector<16xf32>
        %eq3A_769 = arith.cmpi eq, %add3A_765, %broadcast_in_dim3A_702 : vector<16xi32>
        %or3A = arith.ori %gt3A_768, %eq3A_769 : vector<16xi1>
        %select_n3A_770 = arith.select %or3A, %broadcast_in_dim3A_4, %get3A_744 : vector<16xi1>, vector<16xf32>
        %swap3A_771 = arith.index_cast %mul3A_742 : i32 to index
        %swap3A_772 = tpu.vector_load %arg12[%swap3A_771] {strides = array<i32>} : memref<20032xf32, #tpu.memory_space<vmem>>, vector<16xf32>,
        tpu.vector_store %arg12[%swap3A_771], %select_n3A_770 {strides = array<i32>} : memref<20032xf32, #tpu.memory_space<vmem>>, vector<16xf32>,
        %gt3A_773 = arith.cmpf ogt, %select_n3A_770, %while3A_739 : vector<16xf32>
        %select_n3A_774 = arith.select %gt3A_773, %select_n3A_770, %while3A_739 : vector<16xi1>, vector<16xf32>
        %select_n3A_775 = arith.select %gt3A_773, %add3A_765, %while3A_740 : vector<16xi1>, vector<16xi32>
        scf.yield %select_n3A_774, %select_n3A_775 : vector<16xf32>, vector<16xi32>
      }
      %while3A_716 = arith.constant 1 : i32
      %while3A_717:2 = scf.for %while3A_738 = %while3A_713 to %while3A_709 step %while3A_716 iter_args(%while3A_739 = %while3A_715#0, %while3A_740 = %while3A_715#1) -> (vector<16xf32>, vector<16xi32>)  : i32 {
        %mul3A_741 = arith.constant 16 : i32
        %mul3A_742 = arith.muli %while3A_738, %mul3A_741 : i32
        %get3A_743 = arith.index_cast %mul3A_742 : i32 to index
        %get3A_744 = tpu.vector_load %arg12[%get3A_743] {strides = array<i32>} : memref<20032xf32, #tpu.memory_space<vmem>>, vector<16xf32>,
        %get3A_745 = arith.index_cast %mul3A_742 : i32 to index
        %get3A_746 = tpu.vector_load %arg13[%get3A_745] {strides = array<i32>} : memref<20032xf32, #tpu.memory_space<vmem>>, vector<16xf32>,
        %get3A_747 = arith.index_cast %mul3A_742 : i32 to index
        %get3A_748 = tpu.vector_load %arg14[%get3A_747] {strides = array<i32>} : memref<20032xf32, #tpu.memory_space<vmem>>, vector<16xf32>,
        %min3A_749 = arith.minimumf %broadcast_in_dim3A_704, %get3A_748 : vector<16xf32>
        %max3A_750 = arith.maximumf %broadcast_in_dim3A_703, %get3A_746 : vector<16xf32>
        %sub3A_751 = arith.subf %min3A_749, %max3A_750 : vector<16xf32>
        %broadcast_in_dim3A_752 = arith.constant 0.000000e+00 : f32
        %broadcast_in_dim3A_753 = vector.broadcast %broadcast_in_dim3A_752 : f32 to vector<16xf32>
        %max3A_754 = arith.maximumf %sub3A_751, %broadcast_in_dim3A_753 : vector<16xf32>
        %sub3A_755 = arith.subf %get3A_748, %get3A_746 : vector<16xf32>
        %add3A_756 = arith.addf %sub3A_705, %sub3A_755 : vector<16xf32>
        %sub3A_757 = arith.subf %add3A_756, %max3A_754 : vector<16xf32>
        %broadcast_in_dim3A_758 = arith.constant 9.99999996E-13 : f32
        %broadcast_in_dim3A_759 = vector.broadcast %broadcast_in_dim3A_758 : f32 to vector<16xf32>
        %max3A_760 = arith.maximumf %sub3A_757, %broadcast_in_dim3A_759 : vector<16xf32>
        %div3A_761 = arith.divf %max3A_754, %max3A_760 : vector<16xf32>
        %mul3A_762 = arith.constant 16 : i32
        %mul3A_763 = arith.muli %while3A_738, %mul3A_762 : i32
        %broadcast_in_dim3A_764 = vector.broadcast %mul3A_763 : i32 to vector<16xi32>
        %add3A_765 = arith.addi %broadcast_in_dim3A_764, %iota3A : vector<16xi32>
        %broadcast_in_dim3A_766 = arith.constant 5.000000e-01 : f32
        %broadcast_in_dim3A_767 = vector.broadcast %broadcast_in_dim3A_766 : f32 to vector<16xf32>
        %gt3A_768 = arith.cmpf ogt, %div3A_761, %broadcast_in_dim3A_767 : vector<16xf32>
        %eq3A_769 = arith.cmpi eq, %add3A_765, %broadcast_in_dim3A_702 : vector<16xi32>
        %or3A = arith.ori %gt3A_768, %eq3A_769 : vector<16xi1>
        %select_n3A_770 = arith.select %or3A, %broadcast_in_dim3A_4, %get3A_744 : vector<16xi1>, vector<16xf32>
        %swap3A_771 = arith.index_cast %mul3A_742 : i32 to index
        %swap3A_772 = tpu.vector_load %arg12[%swap3A_771] {strides = array<i32>} : memref<20032xf32, #tpu.memory_space<vmem>>, vector<16xf32>,
        tpu.vector_store %arg12[%swap3A_771], %select_n3A_770 {strides = array<i32>} : memref<20032xf32, #tpu.memory_space<vmem>>, vector<16xf32>,
        %gt3A_773 = arith.cmpf ogt, %select_n3A_770, %while3A_739 : vector<16xf32>
        %select_n3A_774 = arith.select %gt3A_773, %select_n3A_770, %while3A_739 : vector<16xi1>, vector<16xf32>
        %select_n3A_775 = arith.select %gt3A_773, %add3A_765, %while3A_740 : vector<16xi1>, vector<16xi32>
        scf.yield %select_n3A_774, %select_n3A_775 : vector<16xf32>, vector<16xi32>
      }
      %reduce_max3A_718 = arith.constant true
      %reduce_max3A_719 = vector.broadcast %reduce_max3A_718 : i1 to vector<16xi1>
      %reduce_max3A_720 = tpu.scan <max>, %while3A_717#0 masked %reduce_max3A_719 : vector<16xf32>, vector<16xi1> -> vector<16xf32>
      %reduce_max3A_721 = vector.extract %reduce_max3A_720[15] : f32 from vector<16xf32>
      %broadcast_in_dim3A_722 = vector.broadcast %reduce_max3A_721 : f32 to vector<16xf32>
      %eq3A = arith.cmpf oeq, %while3A_717#0, %broadcast_in_dim3A_722 : vector<16xf32>
      %broadcast_in_dim3A_723 = arith.constant 1073741824 : i32
      %broadcast_in_dim3A_724 = vector.broadcast %broadcast_in_dim3A_723 : i32 to vector<16xi32>
      %select_n3A_725 = arith.select %eq3A, %while3A_717#1, %broadcast_in_dim3A_724 : vector<16xi1>, vector<16xi32>
      %reduce_min3A = arith.constant true
      %reduce_min3A_726 = vector.broadcast %reduce_min3A : i1 to vector<16xi1>
      %reduce_min3A_727 = arith.constant -2147483648 : i32
      %reduce_min3A_728 = vector.broadcast %reduce_min3A_727 : i32 to vector<16xi32>
      %reduce_min3A_729 = arith.xori %select_n3A_725, %reduce_min3A_728 : vector<16xi32>
      %reduce_min3A_730 = tpu.scan <min>, %reduce_min3A_729 masked %reduce_min3A_726 : vector<16xi32>, vector<16xi1> -> vector<16xi32>
      %reduce_min3A_731 = arith.xori %reduce_min3A_730, %reduce_min3A_728 : vector<16xi32>
      %reduce_min3A_732 = vector.extract %reduce_min3A_731[15] : i32 from vector<16xi32>
      %gt3A_733 = arith.constant 0.000000e+00 : f32
      %gt3A_734 = arith.cmpf ogt, %reduce_max3A_721, %gt3A_733 : f32
      %convert_element_type3A_735 = arith.extui %gt3A_734 : i1 to i32
      %cond3A = arith.constant 0 : i32
      %cond3A_736 = arith.cmpi ne, %convert_element_type3A_735, %cond3A : i32
      %cond3A_737:3 = scf.if %cond3A_736 -> (i32, f32, f32) {
        %broadcast_in_dim3A_738 = vector.broadcast %reduce_min3A_732 : i32 to vector<16xi32>
        %gather3A_739 = tpu.vector_load_idx %arg13[%broadcast_in_dim3A_738] : memref<20032xf32, #tpu.memory_space<vmem>>[vector<16xi32>], vector<16xf32>,
        %gather3A_740 = tpu.vector_load_idx %arg14[%broadcast_in_dim3A_738] : memref<20032xf32, #tpu.memory_space<vmem>>[vector<16xi32>], vector<16xf32>,
        %gather3A_741 = tpu.vector_load_idx %arg12[%broadcast_in_dim3A_738] : memref<20032xf32, #tpu.memory_space<vmem>>[vector<16xi32>], vector<16xf32>,
        %broadcast_in_dim3A_742 = arith.constant 0 : i32
        %broadcast_in_dim3A_743 = vector.broadcast %broadcast_in_dim3A_742 : i32 to vector<16xi32>
        %eq3A_744 = arith.cmpi eq, %iota3A, %broadcast_in_dim3A_743 : vector<16xi32>
        %broadcast_in_dim3A_745 = arith.constant 1 : i32
        %broadcast_in_dim3A_746 = vector.broadcast %broadcast_in_dim3A_745 : i32 to vector<16xi32>
        %eq3A_747 = arith.cmpi eq, %iota3A, %broadcast_in_dim3A_746 : vector<16xi32>
        %select_n3A_748 = arith.select %eq3A_747, %gather3A_740, %gather3A_741 : vector<16xi1>, vector<16xf32>
        %select_n3A_749 = arith.select %eq3A_744, %gather3A_739, %select_n3A_748 : vector<16xi1>, vector<16xf32>
        %mul3A_750 = arith.constant 3 : i32
        %mul3A_751 = arith.muli %mul3A_750, %scan3A_698 : i32
        %broadcast_in_dim3A_752 = vector.broadcast %mul3A_751 : i32 to vector<16xi32>
        %add3A_753 = arith.addi %broadcast_in_dim3A_752, %iota3A : vector<16xi32>
        %broadcast_in_dim3A_754 = arith.constant 3 : i32
        %broadcast_in_dim3A_755 = vector.broadcast %broadcast_in_dim3A_754 : i32 to vector<16xi32>
        %lt3A = arith.cmpi slt, %iota3A, %broadcast_in_dim3A_755 : vector<16xi32>
        tpu.vector_store_idx %arg15[%add3A_753], %select_n3A_749 masked %lt3A : memref<32xf32, #tpu.memory_space<vmem>>[vector<16xi32>], vector<16xf32>, vector<16xi1>
        %reduce_max3A_756 = arith.constant true
        %reduce_max3A_757 = vector.broadcast %reduce_max3A_756 : i1 to vector<16xi1>
        %reduce_max3A_758 = tpu.scan <max>, %gather3A_739 masked %reduce_max3A_757 : vector<16xf32>, vector<16xi1> -> vector<16xf32>
        %reduce_max3A_759 = vector.extract %reduce_max3A_758[15] : f32 from vector<16xf32>
        %reduce_max3A_760 = arith.constant true
        %reduce_max3A_761 = vector.broadcast %reduce_max3A_760 : i1 to vector<16xi1>
        %reduce_max3A_762 = tpu.scan <max>, %gather3A_740 masked %reduce_max3A_761 : vector<16xf32>, vector<16xi1> -> vector<16xf32>
        %reduce_max3A_763 = vector.extract %reduce_max3A_762[15] : f32 from vector<16xf32>
        scf.yield %reduce_min3A_732, %reduce_max3A_759, %reduce_max3A_763 : i32, f32, f32
      } else {
        %cond3A_738 = arith.constant -1 : i32
        %cond3A_739 = arith.constant 0.000000e+00 : f32
        %cond3A_740 = arith.constant 0.000000e+00 : f32
        scf.yield %cond3A_738, %cond3A_739, %cond3A_740 : i32, f32, f32
      }
      scf.yield %cond3A_737#0, %cond3A_737#1, %cond3A_737#2 : i32, f32, f32
    }
    %scan3A_695 = arith.constant 10 : i32
    %mul3A_696 = arith.constant 32 : i32
    %mul3A_697 = arith.muli %arg1, %mul3A_696 : i32
    "tpu.region"() ({
      %run_scoped3A = tpu.sem_alloc : memref<!tpu.dma_semaphore, #tpu.memory_space<semaphore_mem>>
      %dma_start3A_698 = tpu.memref_slice %arg5[%mul3A_697] : memref<512xf32, #tpu.memory_space<hbm>> -> memref<32xf32, #tpu.memory_space<hbm>>
      %dma_start3A_699 = tpu.memref_slice %arg5[%mul3A_697] : memref<512xf32, #tpu.memory_space<hbm>> -> memref<32xf32, #tpu.memory_space<hbm>>
      tpu.enqueue_dma source(%arg15 : memref<32xf32, #tpu.memory_space<vmem>>) target(%dma_start3A_699 : memref<32xf32, #tpu.memory_space<hbm>>) target_semaphore(%run_scoped3A : memref<!tpu.dma_semaphore, #tpu.memory_space<semaphore_mem>>)
      %dma_wait3A_700 = tpu.memref_slice %arg5[%mul3A_697] : memref<512xf32, #tpu.memory_space<hbm>> -> memref<32xf32, #tpu.memory_space<hbm>>
      %dma_wait3A_701 = tpu.memref_slice %arg5[%mul3A_697] : memref<512xf32, #tpu.memory_space<hbm>> -> memref<32xf32, #tpu.memory_space<hbm>>
      tpu.wait_dma2 semaphore(%run_scoped3A : memref<!tpu.dma_semaphore, #tpu.memory_space<semaphore_mem>>) src(%arg15 : memref<32xf32, #tpu.memory_space<vmem>>) dst(%dma_wait3A_701 : memref<32xf32, #tpu.memory_space<hbm>>)
      tpu.yield
    }) : () -> ()
    return
  }
}

</mosaic_0001>

<sc_bundles>
// kernel: kernel.3.cloned.1.call-start
scs
__scs_entry_jumppad:
0x0: {  	(pc) =	sbr.rel $0x88, $3  }
0x1: {  	(tag) =	ssettag $0x0;
	lr =	simm.s32 $0x1  }
0x2: {  	[smem:$0x3F9E] =	sst lr;
	_ =	strace $0xD0000000  }
0x3: {  	_ = 	snop  }
0x4: {  	_ = 	snop  }
0x5: {  	_ = 	snop  }
0x6: {  	_ = 	snop  }
0x7: {  	_ = 	snop  }
__scs_overlays_trampoline_lowered:
0x8: {  	[smem:$0x3FAD] =	sst s0  }
0x9: {  	[smem:$0x3FAE] =	sst s1  }
0xa: {  	[smem:$0x3FAF] =	sst s2  }
0xb: {  	[smem:$0x3FB0] =	sst s3  }
0xc: {  	[smem:$0x3FB1] =	sst s4  }
0xd: {  	[smem:$0x3FB2] =	sst s5  }
0xe: {  	[smem:$0x3FB3] =	sst s6  }
0xf: {  	[smem:$0x3FB4] =	sst s7  }
0x10: {  	[smem:$0x3FB5] =	sst s8  }
0x11: {  	[smem:$0x3FB6] =	sst s9;
	s0 =	simm.s32 @!p0 $0x0  }
0x12: {  	s1 =	sld [smem:$0x3F9C];
	s0 =	simm.s32 @p0 $0x1  }
0x13: {  	[smem:$0x3FB7] =	sst s0;
	s0 =	simm.s32 @!p1 $0x0  }
0x14: {  	s2 =	sld [smem:$0x3F9B];
	s0 =	simm.s32 @p1 $0x1  }
0x15: {  	[smem:$0x3FB8] =	sst s0;
	s0 =	simm.s32 @!p2 $0x0  }
0x16: {  	s3 =	sld [smem:$0x3FDB];
	s0 =	simm.s32 @p2 $0x1  }
0x17: {  	s4 =	simm.s32 $0x1BF5;
	[smem:$0x3FBA] =	sst s0  }
0x18: {  	s0 =	sld [smem:$0x3F9D];
	_ =	swait.ge [sflag:s4], $0x0  }
0x19: {  	s7 =	sld [smem:$0x3F9E]  }
0x1a: {  	s8 =	sadd.s32 $0xFFFFE003, lr  }
0x1b: {  	s9 =	sadd.s32 $0xFFFFFEF7, lr;
	s5 =	simm.s32 $0xFFFFFFFF;
	p2 =	slt.u32 s8, $0xFFFFF086  }
0x1c: {  	p1 =	slt.u32 s9, $0xF7A;
	s5 =	simm.s32 @!p2 $0x0  }
0x1d: {  	s5 =	simm.s32 @p1 $0x1;
	p0 =	seq.s32 s7, s2  }
0x1e: {  	s7 =	smul.u32 @!p0 $0xF7A, s2;
	p2 =	seq.s32 @!p0 s5, $0x0  }
0x1f: {  	s9 =	smul.u32 $0xF7A, s1;
	s8 =	simm.s32 @!p0 $0x1BF5;
	p2 =	por !p2, p0  }
0x20: {  	[sflag:s8] =	ssyncset.s32 @!p0 $0xFFFFF086;
	s6 =	sadd.s32 @!p0 s3, s7;
	s7 =	simm.s32 @!p0 $0x108  }
0x21: {  	s3 =	sadd.s32 s3, s9;
	s6 =	sadd.s32 @!p0 $0x88, s6;
	s7 =	simm.s32 @p2 $0x1082  }
0x22: {  	[simem:s7], [sflag:s8] =	dma.local @!p0 [hbm:s6], $0xF7A  }
0x23: {  	s9 =	sor.u32 $0xD0000000, s2;
	s6 =	simm.s32 $0x108;
	_ =	swait.ge @!p0 [sflag:s8], $0x0  }
0x24: {  	s3 =	sadd.s32 $0x88, s3;
	s6 =	simm.s32 @!p1 $0x1082;
	[sflag:s4] =	ssyncset.s32 $0xFFFFF086  }
0x25: {  	[simem:s6], [sflag:s4] =	dma.local [hbm:s3], $0xF7A  }
0x26: {  	[smem:$0x3F9E] =	sst s1;
	(tag) =	ssettag s2;
	_ =	strace s9  }
0x27: {  	s1 =	sld [smem:$0x3FAE]  }
0x28: {  	s2 =	sld [smem:$0x3FAF]  }
0x29: {  	s4 =	sld [smem:$0x3FB1]  }
0x2a: {  	p0 =	seq.s32 s5, $0x0;
	s5 =	sld [smem:$0x3FB2]  }
0x2b: {  	s6 =	sld [smem:$0x3FB3]  }
0x2c: {  	s7 =	sld [smem:$0x3FB4]  }
0x2d: {  	s3 =	simm.s32 $0x108;
	s8 =	sld [smem:$0x3FB5]  }
0x2e: {  	s3 =	simm.s32 @!p0 $0x1082;
	s9 =	sld [smem:$0x3FB6]  }
0x2f: {  	lr =	sadd.s32 s0, s3;
	s0 =	sld [smem:$0x3FAD]  }
0x30: {  	s3 =	sld [smem:$0x3FB0]  }
0x31: {  	[smem:$0x3FB9] =	sst s10  }
0x32: {  	s10 =	sld [smem:$0x3FB7];
	_ =	sdelay $0x3  }
0x33: {  	p0 =	seq.s32 s10, $0x1;
	s10 =	sld [smem:$0x3FB9];
	_ =	sdelay $0x3  }
0x34: {  	[smem:$0x3FB9] =	sst s10  }
0x35: {  	s10 =	sld [smem:$0x3FB8];
	_ =	sdelay $0x3  }
0x36: {  	p1 =	seq.s32 s10, $0x1;
	s10 =	sld [smem:$0x3FB9];
	_ =	sdelay $0x3  }
0x37: {  	[smem:$0x3FB9] =	sst s10  }
0x38: {  	s10 =	sld [smem:$0x3FBA]  }
0x39: {  	_ = 	snop;
	(pc) =	sbr.ind lr, $3  }
0x3a: {  	_ = 	snop  }
0x3b: {  	_ = 	snop  }
0x3c: {  	p2 =	seq.s32 s10, $0x1;
	s10 =	sld [smem:$0x3FB9]  }
0x3d: {  	_ =	shalt  }
0x3e: {  	_ =	shalt  }
0x3f: {  	_ =	shalt  }
0x40: {  	_ =	shalt  }
0x41: {  	_ =	shalt  }
0x42: {  	_ =	shalt  }
0x43: {  	_ =	shalt  }
0x44: {  	_ =	shalt  }
0x45: {  	_ =	shalt  }
0x46: {  	_ =	shalt  }
0x47: {  	_ =	shalt  }
0x48: {  	_ =	shalt  }
0x49: {  	_ =	shalt  }
0x4a: {  	_ =	shalt  }
0x4b: {  	_ =	shalt  }
0x4c: {  	_ =	shalt  }
0x4d: {  	_ =	shalt  }
0x4e: {  	_ =	shalt  }
0x4f: {  	_ =	shalt  }
0x50: {  	_ =	shalt  }
0x51: {  	_ =	shalt  }
0x52: {  	_ =	shalt  }
0x53: {  	_ =	shalt  }
0x54: {  	_ =	shalt  }
0x55: {  	_ =	shalt  }
0x56: {  	_ =	shalt  }
0x57: {  	_ =	shalt  }
0x58: {  	_ =	shalt  }
0x59: {  	_ =	shalt  }
0x5a: {  	_ =	shalt  }
0x5b: {  	_ =	shalt  }
0x5c: {  	_ =	shalt  }
0x5d: {  	_ =	shalt  }
0x5e: {  	_ =	shalt  }
0x5f: {  	_ =	shalt  }
0x60: {  	_ =	shalt  }
0x61: {  	_ =	shalt  }
0x62: {  	_ =	shalt  }
0x63: {  	_ =	shalt  }
0x64: {  	_ =	shalt  }
0x65: {  	_ =	shalt  }
0x66: {  	_ =	shalt  }
0x67: {  	_ =	shalt  }
0x68: {  	_ =	shalt  }
0x69: {  	_ =	shalt  }
0x6a: {  	_ =	shalt  }
0x6b: {  	_ =	shalt  }
0x6c: {  	_ =	shalt  }
0x6d: {  	_ =	shalt  }
0x6e: {  	_ =	shalt  }
0x6f: {  	_ =	shalt  }
0x70: {  	_ =	shalt  }
0x71: {  	_ =	shalt  }
0x72: {  	_ =	shalt  }
0x73: {  	_ =	shalt  }
0x74: {  	_ =	shalt  }
0x75: {  	_ =	shalt  }
0x76: {  	_ =	shalt  }
0x77: {  	_ =	shalt  }
0x78: {  	_ =	shalt  }
0x79: {  	_ =	shalt  }
0x7a: {  	_ =	shalt  }
0x7b: {  	_ =	shalt  }
0x7c: {  	_ =	shalt  }
0x7d: {  	_ =	shalt  }
0x7e: {  	_ =	shalt  }
0x7f: {  	_ =	shalt  }
0x80: {  	_ =	shalt  }
0x81: {  	_ =	shalt  }
0x82: {  	_ =	shalt  }
0x83: {  	_ =	shalt  }
0x84: {  	_ =	shalt  }
0x85: {  	_ =	shalt  }
0x86: {  	_ =	shalt  }
0x87: {  	_ =	shalt  }
.Lfunc_end0:
.L_simem_size_0:
called_computation_lowered:
.L_overlay_start_0:
0x88: {  	s0 =	sld [smem:$0x3FD9]  }
0x89: {  	s1 =	sld [smem:$0x3FFE];
	_ =	sdelay $0x3  }
0x8a: {  	s0 =	sadd.s32 s1, s0  }
0x8b: {  	[smem:$0x3FC5] =	sst s0  }
0x8c: {  	_ = 	snop  }
0x8d: {  	s0 =	sld [smem:$0x3FD0];
	(tm) =	ssettm $0x1  }
0x8e: {  	s16 =	sld [smem:$0x3FFB];
	_ =	sdelay $0x3  }
0x8f: {  	_ =	strace s16  }
0x90: {  	s1 =	sld [smem:$0x3FFC];
	_ =	sdelay $0x3  }
0x91: {  	_ =	strace s1  }
0x92: {  	s1 =	sld [smem:$0x3FFD];
	_ =	sdelay $0x3  }
0x93: {  	_ =	strace s1  }
0x94: {  	_ =	strace $0x8FFFFFFF  }
0x95: {  	s17 =	sld [smem:$0x3FDB];
	_ =	sdelay $0x1  }
0x96: {  	s2 =	simm.s32 $_scs_section_size  }
0x97: {  	s3 =	simm.s32 $_size__tile_overlayer_lowered;
	s4 =	simm.s32 $_tile_overlayer_lowered  }
0x98: {  	s20 =	simm.s32 $0x1BFF;
	s19 =	sshll.u32 s4, $0x1;
	s1 =	sadd.s32 s2, s17  }
0x99: {  	s5 =	simm.s32 $0x0;
	s18 =	sshll.u32 s3, $0x1;
	s3 =	sadd.s32 s19, s1  }
0x9a: {  	[timem:s5], [sflag:s20] =	dma.local [hbm:s3], s18  }
0x9b: {  	_ =	swait.ge [sflag:s20], s18  }
0x9c: {  	s2 =	ssub.s32 $0x0, s18;
	[sflag:s20] =	ssyncset.done $0x0  }
0x9d: {  	[sflag:s20] =	ssyncadd.s32 s2;
	_ =	sdelay $0x1  }
0x9e: {  	s21 =	simm.s32 $0x1B8B  }
0x9f: {  	_ =	swait.ge [sflag:s21], $0x1  }
0xa0: {  	[sflag:s21] =	ssyncset.done $0x0  }
0xa1: {  	s23 =	simm.s32 $0x1B8E;
	s22 =	sld [smem:$0x3FFE];
	[sflag:s21] =	ssyncadd.s32 $0xFFFFFFFF  }
0xa2: {  	s24 =	simm.s32 $execute0_lowered;
	[smem:$0x3FD2] =	sst s23  }
0xa3: {  	s3 =	sshll.u32 s24, $0x1;
	_ =	strace $0x80000046;
	[dreg:$0x1] =	wrdreg $0xFFFFFFFF  }
0xa4: {  	s25 =	simm.s32 $_size_execute0_lowered;
	s1 =	sadd.s32 s1, s3;
	[dreg:$0x0] =	wrdreg $0x0  }
0xa5: {  	s3 =	sshll.u32 s25, $0x1;
	[dreg:$0x2] =	wrdreg s1  }
0xa6: {  	[dreg:$0x3] =	wrdreg s3  }
0xa7: {  	[dreg:$0x4] =	wrdreg $0xC0  }
0xa8: {  	_ =	task [dreg:s5], $0x5FFFF  }
0xa9: {  	[dreg:$0x1] =	wrdreg $0xFFFFFFFF  }
0xaa: {  	[dreg:$0x0] =	wrdreg $0x60  }
0xab: {  	[dreg:$0x2] =	wrdreg s22  }
0xac: {  	[dreg:$0x3] =	wrdreg s0  }
0xad: {  	[dreg:$0x4] =	wrdreg $0x9  }
0xae: {  	_ =	task.clear_ibuf [dreg:s5], $0x5FFFF;
	_ =	strace $0x90000046  }
0xaf: {  	s26 =	simm.s32 $0x9;
	_ =	strace $0x80000048  }
0xb0: {  	_ =	swait.ge [sflag:s26], $0x1  }
0xb1: {  	[sflag:s26] =	ssyncadd.s32 $0xFFFFFFFF  }
0xb2: {  	_ =	strace $0x90000048  }
0xb3: {  	_ =	sfence  }
0xb4: {  	s28 =	sld [smem:$0x0];
	_ =	sdelay $0x1  }
0xb5: {  	s29 =	srdreg.scid  }
0xb6: {  	s30 =	sshll.u32 s29, $0xD;
	s31 =	sshrl.u32 s29, $0x2  }
0xb7: {  	s2 =	sand.u32 $0x4000, s30;
	s1 =	sand.u32 $0x1, s29;
	s0 =	sadd.s32 s31, s28  }
0xb8: {  	s1 =	sor.u32 s2, s1;
	s0 =	sshll.u32 s0, $0x11  }
0xb9: {  	s0 =	sor.u32 s0, s1  }
0xba: {  	s0 =	sadd.s32 $0x8F2B, s0  }
0xbb: {  	[sflag:s0] =	ssyncadd.remote.s32 $0x1  }
0xbc: {  	_ =	sfence.sel $0xFFFF  }
0xbd: {  	[dreg:$0x0] =	wrdreg $0xFFFFFFFF;
	(pc) =	sbr.abs _section_cstart, $3  }
0xbe: {  	[dreg:$0x1] =	wrdreg $0xFFFFFFFF  }
0xbf: {  	_ =	task.clear_ibuf [dreg:s5], $0x2FFFF;
	_ =	strace $0x9FFFFFFF  }
0xc0: {  	(tm) =	ssettm $0x7FFFFFFF  }
0xc1: {  	_ =	shalt  }
tec
execute0_lowered:
.L_overlay_start_1:
0x0: {  	(tag) =	ssettag $0x1  }
0x1: {  	s4 =	rddreg [dreg:$0x0]  }
0x2: {  	s2 =	rddreg [dreg:$0x1];
	s1 =	stileid.u32  }
0x3: {  	s0 =	rddreg [dreg:$0x2];
	s9 =	simm.s32 $0x0;
	s6 =	smul.u32 $0x4E20, s1  }
0x4: {  	v0 =	vimm.f32 $-1.000000000e+00;
	[smem:$0x7FF] =	sst s9;
	s5 =	sadd.s32 $0x400, s4  }
0x5: {  	s3 =	sadd.s32 $0x4E2400, s4;
	_ =	strace $0x80000047;
	[tilespmem:$0x18980] =	vst v0;
	s7 =	sshrl.u32 s6, $0x3  }
0x6: {  	s4 =	sadd.s32 $0x4F5E00, s4;
	s8 =	smul.u32 $0x1388, s1;
	[tilespmem:$0x18990] =	vst v0;
	s7 =	sadd.s32 s5, s7  }
0x7: {  	[tilespmem:s9], [sflag:$0x1] =	stream.linear.gather [hbm4b:s7+s9], $0xFA0, $0x38;
	[tilespmem:$0x18A00] =	vst v63  }
0x8: {  	s10 =	sadd.s32 s3, s8;
	s11 =	sadd.s32 $0xFA0, s6;
	s7 =	simm.s32 $0x1000  }
0x9: {  	[tilespmem:s7], [sflag:$0x1] =	stream.linear.gather [hbm4b:s10+s9], $0x1F40, $0x38;
	[tilespmem:$0x18A00] =	vst v63  }
0xa: {  	s23 =	sadd.s32 s4, s8;
	s8 =	simm.s32 $0x2F80;
	s12 =	sshrl.u32 s11, $0x3  }
0xb: {  	[tilespmem:s8], [sflag:$0x1] =	stream.linear.gather [hbm4b:s23+s9], $0x1F40, $0x38;
	[tilespmem:$0x18A00] =	vst v63  }
0xc: {  	s25 =	simm.s32 $0x4F00;
	s11 =	sshrl.u32 s11, $0x2;
	s24 =	sadd.s32 s5, s12  }
0xd: {  	[tilespmem:s25], [sflag:$0x2] =	stream.linear.gather [hbm4b:s24+s9], $0xFA0, $0x38;
	[tilespmem:$0x18A00] =	vst v63  }
0xe: {  	s28 =	simm.s32 $0x5F00;
	s26 =	sadd.s32 s3, s11  }
0xf: {  	[tilespmem:s28], [sflag:$0x2] =	stream.linear.gather [hbm4b:s26+s9], $0x1F40, $0x38;
	[tilespmem:$0x18A00] =	vst v63  }
0x10: {  	s30 =	simm.s32 $0x7E80;
	s31 =	simm.s32 $0x1;
	s29 =	sadd.s32 s4, s11  }
0x11: {  	[tilespmem:s30], [sflag:$0x2] =	stream.linear.gather [hbm4b:s29+s9], $0x1F40, $0x38;
	[tilespmem:$0x18A00] =	vst v63  }
0x12: {  	v0 =	vlaneseq.u32;
	_ =	swait.ge [sflag:s31], $0xFA0  }
0x13: {  	v1 =	vmul.u32 $0x2, v0;
	[sflag:s31] =	ssyncset.done $0x0  }
0x14: {  	[sflag:s31] =	ssyncadd.s32 $0xFFFFF060  }
0x15: {  	v3 =	vor.u32 $0x21, v1;
	_ =	swait.ge [sflag:s31], $0x1F40  }
0x16: {  	v0 =	vor.u32 s9, v3;
	[sflag:s31] =	ssyncset.done $0x0  }
0x17: {  	v2 =	vor.u32 $0x1, v1;
	[sflag:s31] =	ssyncadd.s32 $0xFFFFE0C0  }
0x18: {  	v7 =	vor.u32 s9, v2;
	_ =	swait.ge [sflag:s31], $0x1F40  }
0x19: {  	v6 =	vor.u32 $0x41, v1;
	[sflag:s31] =	ssyncset.done $0x0  }
0x1a: {  	v9 =	vor.u32 s9, v6;
	[sflag:s31] =	ssyncadd.s32 $0xFFFFE0C0  }
0x1b: {  	v4 =	vor.u32 $0x61, v1;
	v10 =	vor.u32 s9, v1;
	v11 =	vld.idx.msk [tilespmem:v0+s7+$0x0], $0xffff  }
0x1c: {  	v8 =	vor.u32 $0x20, v1;
	v13 =	vor.u32 s9, v4  }
0x1d: {  	v14 =	vor.u32 s9, v8;
	v12 =	vld.idx.msk [tilespmem:v7+s7+$0x0], $0xffff  }
0x1e: {  	v0 =	vld.idx.msk [tilespmem:v0+s8+$0x0], $0xffff  }
0x1f: {  	v15 =	vld.idx.msk [tilespmem:v9+s7+$0x0], $0xffff  }
0x20: {  	v5 =	vor.u32 $0x40, v1;
	v16 =	vld.idx.msk [tilespmem:v10+s8+$0x0], $0xffff;
	v11 =	vmul.f32 $1.442695020e+00, v11  }
0x21: {  	v17 =	vor.u32 s9, v5;
	v18 =	vld.idx.msk [tilespmem:v13+s7+$0x0], $0xffff  }
0x22: {  	v12 =	vmul.f32 $1.442695020e+00, v12;
	(erf) = vpow2.f32 v11;
	v11 =	vld.idx.msk [tilespmem:v14+s8+$0x0], $0xffff  }
0x23: {  	v19 =	vld.idx.msk [tilespmem:v7+s8+$0x0], $0xffff  }
0x24: {  	v7 =	vor.u32 $0x60, v1;
	v10 =	vld.idx.msk [tilespmem:v10+s7+$0x0], $0xffff;
	(erf) = vpow2.f32 v12  }
0x25: {  	v9 =	vld.idx.msk [tilespmem:v9+s8+$0x0], $0xffff;
	v12 =	vmul.f32 $1.442695020e+00, v15;
	v15 =	vor.u32 s9, v7  }
0x26: {  	v20 =	vld.idx.msk [tilespmem:v17+s8+$0x0], $0xffff  }
0x27: {  	v17 =	vld.idx.msk [tilespmem:v17+s7+$0x0], $0xffff;
	(erf) = vpow2.f32 v12;
	v12 =	vmul.f32 $1.442695020e+00, v18;
	v18 =	vsub.f32 v0, v11  }
0x28: {  	v14 =	vld.idx.msk [tilespmem:v14+s7+$0x0], $0xffff  }
0x29: {  	v13 =	vld.idx.msk [tilespmem:v13+s8+$0x0], $0xffff;
	v21 =	vmul.f32 $5.000000000e-01, v18  }
0x2a: {  	(erf) = vpow2.f32 v12;
	v12 =	vsub.f32 v19, v16;
	v19 =	vld.idx.msk [tilespmem:v15+s8+$0x0], $0xffff;
	_ =	sdelay $0x1  }
0x2b: {  	v9 =	vsub.f32 v9, v20;
	v15 =	vld.idx.msk [tilespmem:v15+s7+$0x0], $0xffff;
	v22 =	vmul.f32 $5.000000000e-01, v12;
	v10 =	vmul.f32 v12, v10;
	v23 =	vpop (erf)  }
0x2c: {  	v14 =	vmul.f32 v18, v14;
	v11 =	vadd.f32 v21, v11;
	v18 =	vmul.f32 v18, v23;
	v21 =	vpop (erf)  }
0x2d: {  	v16 =	vadd.f32 v22, v16;
	v22 =	vmul.f32 $5.000000000e-01, v9;
	v12 =	vmul.f32 v12, v21  }
0x2e: {  	v11 =	vadd.f32 v11, v14;
	v14 =	vmul.f32 v9, v17;
	v13 =	vsub.f32 v13, v19  }
0x2f: {  	v10 =	vadd.f32 v16, v10;
	v16 =	vadd.f32 v22, v20;
	v12 =	vmul.f32 $5.000000000e-01, v12  }
0x30: {  	v0 =	vimm.s32 $0x0;
	v17 =	vmul.f32 $5.000000000e-01, v18;
	v15 =	vmul.f32 v13, v15;
	v18 =	vpop (erf)  }
0x31: {  	v14 =	vadd.f32 v16, v14;
	v9 =	vmul.f32 v9, v18;
	v20 =	vsub.f32 v10, v12  }
0x32: {  	s12 =	simm.s32 $0x20;
	v18 =	vadd.f32 v11, v17;
	v21 =	vpop (erf);
	v10 =	vadd.f32 v10, v12;
	v12 =	vmul.f32 $5.000000000e-01, v13  }
0x33: {  	v11 =	vsub.f32 v11, v17;
	v13 =	vmul.f32 v13, v21;
	v17 =	vmax.f32 v20, $0.0e+00;
	v20 =	vld [tilespmem:s12+$0xFFFFFFE0]  }
0x34: {  	v9 =	vmul.f32 $5.000000000e-01, v9;
	v10 =	vmax.f32 v10, $0.0e+00;
	v12 =	vadd.f32 v12, v19  }
0x35: {  	v19 =	vmin.f32 v17, $4.160000000e+02;
	v21 =	vmin.f32 v10, $4.160000000e+02;
	v10 =	vmax.f32 v11, $0.0e+00  }
0x36: {  	v11 =	vmax.f32 v18, $0.0e+00;
	v15 =	vadd.f32 v12, v15;
	v12 =	vsub.f32 v21, v19  }
0x37: {  	v22 =	vld [tilespmem:s12+$0xFFFFFFF0];
	v16 =	vsub.f32 v14, v9;
	v9 =	vadd.f32 v14, v9;
	v10 =	vmin.f32 v10, $4.160000000e+02  }
0x38: {  	v11 =	vmin.f32 v11, $4.160000000e+02;
	vm1 =	vgt.f32 v12, $3.000000000e+00;
	vm0 =	vgt.f32 v20, $9.999999770e-03  }
0x39: {  	v13 =	vmul.f32 $5.000000000e-01, v13;
	v14 =	vsub.f32 v11, v10;
	vm3 =	vmand vm0, vm1  }
0x3a: {  	v16 =	vmax.f32 v16, $0.0e+00;
	v9 =	vmax.f32 v9, $0.0e+00;
	v18 =	vsel vm3, $0x1, v0  }
0x3b: {  	v17 =	vsub.f32 v15, v13;
	v12 =	vld [tilespmem:s12+$0x0];
	v23 =	vadd.f32 v15, v13;
	v13 =	vmin.f32 v16, $4.160000000e+02;
	(xrf0) =	vadd.scan.msk.s32 $0xffff, v18  }
0x3c: {  	v15 =	vmin.f32 v9, $4.160000000e+02;
	vm0 =	vgt.f32 v22, $9.999999770e-03;
	vm1 =	vgt.f32 v14, $3.000000000e+00;
	v14 =	vld [tilespmem:s12+$0x10]  }
0x3d: {  	v9 =	vmax.f32 v23, $0.0e+00;
	v23 =	vsub.f32 v15, v13;
	vm1 =	vmand vm0, vm1  }
0x3e: {  	v17 =	vmax.f32 v17, $0.0e+00;
	v18 =	vsel vm1, $0x1, v0  }
0x3f: {  	v17 =	vmin.f32 v17, $4.160000000e+02;
	v16 =	vmin.f32 v9, $4.160000000e+02;
	(xrf0) =	vadd.scan.msk.s32 $0xffff, v18  }
0x40: {  	vm2 =	vgt.f32 v23, $3.000000000e+00;
	v18 =	vsub.f32 v16, v17;
	vm0 =	vgt.f32 v12, $9.999999770e-03  }
0x41: {  	v9 =	vimm.s32 $0xFFFFFFFF;
	vm2 =	vmand vm0, vm2;
	vm0 =	vgt.f32 v14, $9.999999770e-03;
	v23, _, _ =	vpop (xrf0)  }
0x42: {  	vm4 =	vgt.f32 v18, $3.000000000e+00;
	v18 =	vsel vm2, $0x1, v0;
	v23 =	vadd.s32 v9, v23  }
0x43: {  	v24 =	vmpcnt.ones.xlane vm3;
	vm0 =	vmand vm0, vm4;
	(xrf0) =	vadd.scan.msk.s32 $0xffff, v18  }
0x44: {  	v18 =	vsel vm0, $0x1, v0  }
0x45: {  	v9 =	vadd.s32 v9, v24;
	v62, _, _ =	vpop (xrf0);
	(xrf0) =	vadd.scan.msk.s32 $0xffff, v18  }
0x46: {  	s9 =	simm.s32 $0x9E00;
	v18 =	vadd.s32 v9, v62  }
0x47: {  	v63 =	vmpcnt.ones.xlane vm1;
	[tilespmem:v23+s9+$0x0] =	vst.idx.msk vm3, v20;
	v20 =	vmpcnt.ones.xlane vm2  }
0x48: {  	s10 =	simm.s32 $0xEC80  }
0x49: {  	s11 =	simm.s32 $0x13B00;
	v9 =	vadd.s32 v63, v9;
	[tilespmem:v23+s10+$0x0] =	vst.idx.msk vm3, v19;
	v19, _, _ =	vpop (xrf0)  }
0x4a: {  	[tilespmem:v23+s11+$0x0] =	vst.idx.msk vm3, v21;
	v19 =	vadd.s32 v9, v19  }
0x4b: {  	s13 =	simm.s32 $0x80;
	s14 =	simm.s32 $0x100;
	v9 =	vadd.s32 v20, v9;
	[tilespmem:v18+s9+$0x0] =	vst.idx.msk vm1, v22;
	v20, _, _ =	vpop (xrf0)  }
.LBB2_1:
0x4c: {  	p0 =	sne.s32 s14, $0x1E80  }
0x4d: {  	v21 =	vor.u32 s13, v2;
	v20 =	vadd.s32 v9, v20;
	[tilespmem:v18+s10+$0x0] =	vst.idx.msk vm1, v10;
	s12 =	sadd.s32 $0x40, s12;
	s15 =	smov.u32 s14;
	s14 =	sadd.s32 $0x80, s14  }
0x4e: {  	[tilespmem:v18+s11+$0x0] =	vst.idx.msk vm1, v11  }
0x4f: {  	[tilespmem:v19+s9+$0x0] =	vst.idx.msk vm2, v12  }
0x50: {  	v10 =	vor.u32 s13, v3;
	[tilespmem:v19+s10+$0x0] =	vst.idx.msk vm2, v13  }
0x51: {  	v11 =	vmpcnt.ones.xlane vm0;
	[tilespmem:v19+s11+$0x0] =	vst.idx.msk vm2, v15  }
0x52: {  	[tilespmem:v20+s9+$0x0] =	vst.idx.msk vm0, v14  }
0x53: {  	v12 =	vor.u32 s13, v6;
	v9 =	vadd.s32 v11, v9;
	[tilespmem:v20+s10+$0x0] =	vst.idx.msk vm0, v17  }
0x54: {  	v11 =	vor.u32 s13, v1;
	[tilespmem:v20+s11+$0x0] =	vst.idx.msk vm0, v16  }
0x55: {  	v13 =	vld.idx.msk [tilespmem:v10+s7+$0x0], $0xffff  }
0x56: {  	v14 =	vor.u32 s13, v8;
	v15 =	vld.idx.msk [tilespmem:v21+s7+$0x0], $0xffff  }
0x57: {  	v16 =	vor.u32 s13, v4;
	v10 =	vld.idx.msk [tilespmem:v10+s8+$0x0], $0xffff  }
0x58: {  	v17 =	vld.idx.msk [tilespmem:v12+s7+$0x0], $0xffff  }
0x59: {  	v18 =	vld.idx.msk [tilespmem:v11+s8+$0x0], $0xffff  }
0x5a: {  	v19 =	vld.idx.msk [tilespmem:v21+s8+$0x0], $0xffff  }
0x5b: {  	v20 =	vor.u32 s13, v5;
	v13 =	vmul.f32 $1.442695020e+00, v13;
	v21 =	vld.idx.msk [tilespmem:v14+s8+$0x0], $0xffff  }
0x5c: {  	v15 =	vmul.f32 $1.442695020e+00, v15;
	v22 =	vld.idx.msk [tilespmem:v16+s7+$0x0], $0xffff  }
0x5d: {  	v11 =	vld.idx.msk [tilespmem:v11+s7+$0x0], $0xffff;
	(erf) = vpow2.f32 v13  }
0x5e: {  	v13 =	vmul.f32 $1.442695020e+00, v17;
	(erf) = vpow2.f32 v15  }
0x5f: {  	v12 =	vld.idx.msk [tilespmem:v12+s8+$0x0], $0xffff  }
0x60: {  	v15 =	vor.u32 s13, v7;
	s13 =	smov.u32 s15;
	v19 =	vsub.f32 v19, v18;
	v17 =	vld.idx.msk [tilespmem:v20+s8+$0x0], $0xffff;
	(erf) = vpow2.f32 v13  }
0x61: {  	v13 =	vld.idx.msk [tilespmem:v14+s7+$0x0], $0xffff  }
0x62: {  	v14 =	vmul.f32 $1.442695020e+00, v22;
	v22 =	vmul.f32 $5.000000000e-01, v19  }
0x63: {  	v10 =	vsub.f32 v10, v21;
	v11 =	vmul.f32 v19, v11;
	v20 =	vld.idx.msk [tilespmem:v20+s7+$0x0], $0xffff  }
0x64: {  	v18 =	vadd.f32 v22, v18;
	v16 =	vld.idx.msk [tilespmem:v16+s8+$0x0], $0xffff;
	(erf) = vpow2.f32 v14  }
0x65: {  	v24 =	vmul.f32 $5.000000000e-01, v10;
	v14 =	vld.idx.msk [tilespmem:v15+s8+$0x0], $0xffff  }
0x66: {  	v12 =	vsub.f32 v12, v17;
	v23 =	vpop (erf)  }
0x67: {  	v24 =	vadd.f32 v24, v21;
	v13 =	vmul.f32 v10, v13;
	v15 =	vld.idx.msk [tilespmem:v15+s7+$0x0], $0xffff;
	v10 =	vmul.f32 v10, v23;
	v22 =	vpop (erf)  }
0x68: {  	v23 =	vmul.f32 $5.000000000e-01, v12;
	v19 =	vmul.f32 v19, v22  }
0x69: {  	v13 =	vadd.f32 v24, v13;
	v20 =	vmul.f32 v12, v20;
	v10 =	vmul.f32 $5.000000000e-01, v10;
	v21 =	vpop (erf)  }
0x6a: {  	v11 =	vadd.f32 v18, v11;
	v17 =	vadd.f32 v23, v17;
	v18 =	vmul.f32 $5.000000000e-01, v19  }
0x6b: {  	v16 =	vsub.f32 v16, v14;
	v12 =	vmul.f32 v12, v21;
	v19 =	vadd.f32 v13, v10  }
0x6c: {  	v21 =	vsub.f32 v11, v18;
	v11 =	vadd.f32 v11, v18  }
0x6d: {  	v10 =	vsub.f32 v13, v10;
	v18 =	vmul.f32 $5.000000000e-01, v16;
	v15 =	vmul.f32 v16, v15;
	v13 =	vpop (erf)  }
0x6e: {  	v13 =	vmul.f32 v16, v13;
	v16 =	vmax.f32 v21, $0.0e+00;
	v11 =	vmax.f32 v11, $0.0e+00  }
0x6f: {  	v17 =	vadd.f32 v17, v20;
	v10 =	vmax.f32 v10, $0.0e+00;
	v14 =	vadd.f32 v18, v14;
	v21 =	vld [tilespmem:s12+$0xFFFFFFE0]  }
0x70: {  	v12 =	vmul.f32 $5.000000000e-01, v12;
	v18 =	vmul.f32 $5.000000000e-01, v13;
	v13 =	vmax.f32 v19, $0.0e+00  }
0x71: {  	v20 =	vmin.f32 v11, $4.160000000e+02;
	v14 =	vadd.f32 v14, v15;
	v19 =	vmin.f32 v16, $4.160000000e+02  }
0x72: {  	v10 =	vmin.f32 v10, $4.160000000e+02;
	v15 =	vsub.f32 v17, v12;
	v16 =	vsub.f32 v20, v19  }
0x73: {  	v12 =	vadd.f32 v17, v12;
	v11 =	vmin.f32 v13, $4.160000000e+02;
	v23 =	vsub.f32 v14, v18;
	v22 =	vld [tilespmem:s12+$0xFFFFFFF0]  }
0x74: {  	v13 =	vmax.f32 v15, $0.0e+00;
	vm1 =	vgt.f32 v16, $3.000000000e+00;
	vm0 =	vgt.f32 v21, $9.999999770e-03  }
0x75: {  	v15 =	vmax.f32 v12, $0.0e+00;
	v16 =	vmax.f32 v23, $0.0e+00;
	vm3 =	vmand vm0, vm1  }
0x76: {  	v17 =	vsub.f32 v11, v10;
	v12 =	vld [tilespmem:s12+$0x0];
	v23 =	vsel vm3, $0x1, v0;
	v24 =	vmpcnt.ones.xlane vm3  }
0x77: {  	v18 =	vadd.f32 v14, v18;
	v13 =	vmin.f32 v13, $4.160000000e+02;
	(xrf0) =	vadd.scan.msk.s32 $0xffff, v23  }
0x78: {  	v15 =	vmin.f32 v15, $4.160000000e+02;
	vm1 =	vgt.f32 v17, $3.000000000e+00;
	vm0 =	vgt.f32 v22, $9.999999770e-03  }
0x79: {  	v18 =	vmax.f32 v18, $0.0e+00;
	v23 =	vsub.f32 v15, v13;
	v14 =	vld [tilespmem:s12+$0x10];
	vm1 =	vmand vm0, vm1  }
0x7a: {  	v17 =	vmin.f32 v16, $4.160000000e+02;
	v25 =	vsel vm1, $0x1, v0;
	v26 =	vmpcnt.ones.xlane vm1  }
0x7b: {  	v16 =	vmin.f32 v18, $4.160000000e+02;
	vm2 =	vgt.f32 v23, $3.000000000e+00;
	vm0 =	vgt.f32 v12, $9.999999770e-03;
	(xrf0) =	vadd.scan.msk.s32 $0xffff, v25  }
0x7c: {  	v18 =	vsub.f32 v16, v17;
	vm2 =	vmand vm0, vm2  }
0x7d: {  	v23 =	vsel vm2, $0x1, v0;
	v25, _, _ =	vpop (xrf0)  }
0x7e: {  	vm4 =	vgt.f32 v18, $3.000000000e+00;
	vm0 =	vgt.f32 v14, $9.999999770e-03;
	v25 =	vadd.s32 v9, v25;
	(xrf0) =	vadd.scan.msk.s32 $0xffff, v23  }
0x7f: {  	vm0 =	vmand vm0, vm4  }
0x80: {  	v18 =	vsel vm0, $0x1, v0  }
0x81: {  	v9 =	vadd.s32 v9, v24;
	v23, _, _ =	vpop (xrf0);
	(xrf0) =	vadd.scan.msk.s32 $0xffff, v18  }
0x82: {  	v18 =	vadd.s32 v9, v23  }
.Ltmp0:
0x83: {  	[tilespmem:v25+s9+$0x0] =	vst.idx.msk vm3, v21;
	(pc) =	sbr.rel @p0 .LBB2_1-.Ltmp0, $3  }
0x84: {  	v9 =	vadd.s32 v26, v9;
	[tilespmem:v25+s10+$0x0] =	vst.idx.msk vm3, v19;
	v19, _, _ =	vpop (xrf0)  }
0x85: {  	v21 =	vmpcnt.ones.xlane vm2;
	v19 =	vadd.s32 v9, v19;
	[tilespmem:v25+s11+$0x0] =	vst.idx.msk vm3, v20;
	_ =	sdelay $0x1  }
0x86: {  	v9 =	vadd.s32 v21, v9;
	[tilespmem:v18+s9+$0x0] =	vst.idx.msk vm1, v22;
	v20, _, _ =	vpop (xrf0)  }
0x87: {  	_ =	sdelay $0x4  }
0x88: {  	v20 =	vadd.s32 v9, v20;
	[tilespmem:v18+s10+$0x0] =	vst.idx.msk vm1, v10  }
0x89: {  	[tilespmem:v18+s11+$0x0] =	vst.idx.msk vm1, v11  }
0x8a: {  	[tilespmem:v19+s9+$0x0] =	vst.idx.msk vm2, v12  }
0x8b: {  	v3 =	vor.u32 s13, v3;
	[tilespmem:v19+s10+$0x0] =	vst.idx.msk vm2, v13  }
0x8c: {  	v2 =	vor.u32 s13, v2;
	[tilespmem:v19+s11+$0x0] =	vst.idx.msk vm2, v15  }
0x8d: {  	[tilespmem:v20+s9+$0x0] =	vst.idx.msk vm0, v14  }
0x8e: {  	v6 =	vor.u32 s13, v6;
	[tilespmem:v20+s10+$0x0] =	vst.idx.msk vm0, v17  }
0x8f: {  	v1 =	vor.u32 s13, v1;
	[tilespmem:v20+s11+$0x0] =	vst.idx.msk vm0, v16  }
0x90: {  	v10 =	vld.idx.msk [tilespmem:v3+s7+$0x0], $0xffff  }
0x91: {  	v4 =	vor.u32 s13, v4;
	v11 =	vld.idx.msk [tilespmem:v2+s7+$0x0], $0xffff  }
0x92: {  	v8 =	vor.u32 s13, v8;
	v3 =	vld.idx.msk [tilespmem:v3+s8+$0x0], $0xffff  }
0x93: {  	v12 =	vld.idx.msk [tilespmem:v6+s7+$0x0], $0xffff  }
0x94: {  	v13 =	vld.idx.msk [tilespmem:v1+s8+$0x0], $0xffff  }
0x95: {  	v7 =	vor.u32 s13, v7;
	v2 =	vld.idx.msk [tilespmem:v2+s8+$0x0], $0xffff;
	v10 =	vmul.f32 $1.442695020e+00, v10  }
0x96: {  	v14 =	vld.idx.msk [tilespmem:v4+s7+$0x0], $0xffff  }
0x97: {  	v5 =	vor.u32 s13, v5;
	v11 =	vmul.f32 $1.442695020e+00, v11;
	(erf) = vpow2.f32 v10;
	v10 =	vld.idx.msk [tilespmem:v8+s8+$0x0], $0xffff  }
0x98: {  	v6 =	vld.idx.msk [tilespmem:v6+s8+$0x0], $0xffff  }
0x99: {  	v4 =	vld.idx.msk [tilespmem:v4+s8+$0x0], $0xffff;
	(erf) = vpow2.f32 v11  }
0x9a: {  	v15 =	vld.idx.msk [tilespmem:v7+s8+$0x0], $0xffff;
	v11 =	vmul.f32 $1.442695020e+00, v12  }
0x9b: {  	v8 =	vld.idx.msk [tilespmem:v8+s7+$0x0], $0xffff  }
0x9c: {  	v12 =	vld.idx.msk [tilespmem:v5+s8+$0x0], $0xffff;
	(erf) = vpow2.f32 v11;
	v11 =	vmul.f32 $1.442695020e+00, v14;
	v3 =	vsub.f32 v3, v10  }
0x9d: {  	v1 =	vld.idx.msk [tilespmem:v1+s7+$0x0], $0xffff  }
0x9e: {  	v2 =	vsub.f32 v2, v13;
	(erf) = vpow2.f32 v11;
	v11 =	vmul.f32 $5.000000000e-01, v3  }
0x9f: {  	v7 =	vld.idx.msk [tilespmem:v7+s7+$0x0], $0xffff  }
0xa0: {  	v4 =	vsub.f32 v4, v15;
	v5 =	vld.idx.msk [tilespmem:v5+s7+$0x0], $0xffff;
	v14 =	vmul.f32 $5.000000000e-01, v2  }
0xa1: {  	v6 =	vsub.f32 v6, v12;
	v8 =	vmul.f32 v3, v8;
	v16 =	vpop (erf);
	v10 =	vadd.f32 v11, v10  }
0xa2: {  	v1 =	vmul.f32 v2, v1;
	v13 =	vadd.f32 v14, v13;
	v3 =	vmul.f32 v3, v16;
	v11 =	vpop (erf)  }
0xa3: {  	v14 =	vmul.f32 $5.000000000e-01, v6;
	v8 =	vadd.f32 v10, v8;
	v2 =	vmul.f32 v2, v11  }
0xa4: {  	v7 =	vmul.f32 v4, v7;
	v1 =	vadd.f32 v13, v1;
	v3 =	vmul.f32 $5.000000000e-01, v3  }
0xa5: {  	v5 =	vmul.f32 v6, v5;
	v10 =	vadd.f32 v14, v12;
	v11 =	vpop (erf);
	v2 =	vmul.f32 $5.000000000e-01, v2  }
0xa6: {  	v6 =	vmul.f32 v6, v11;
	v12 =	vadd.f32 v8, v3;
	v3 =	vsub.f32 v8, v3  }
0xa7: {  	v8 =	vpop (erf);
	v11 =	vsub.f32 v1, v2;
	v1 =	vadd.f32 v1, v2;
	v2 =	vmul.f32 $5.000000000e-01, v4  }
0xa8: {  	v5 =	vadd.f32 v10, v5;
	v6 =	vmul.f32 $5.000000000e-01, v6;
	v4 =	vmul.f32 v4, v8  }
0xa9: {  	s23 =	sadd.s32 $0x40, s12;
	v3 =	vmax.f32 v3, $0.0e+00;
	v10 =	vmax.f32 v12, $0.0e+00;
	v2 =	vadd.f32 v2, v15  }
0xaa: {  	v3 =	vmin.f32 v3, $4.160000000e+02;
	v8 =	vmax.f32 v11, $0.0e+00;
	v1 =	vmax.f32 v1, $0.0e+00;
	v11 =	vld [tilespmem:s23+$0xFFFFFFE0]  }
0xab: {  	v4 =	vmul.f32 $5.000000000e-01, v4;
	v1 =	vmin.f32 v1, $4.160000000e+02;
	v2 =	vadd.f32 v2, v7  }
0xac: {  	v13 =	vld [tilespmem:s23+$0xFFFFFFF0];
	v7 =	vmin.f32 v8, $4.160000000e+02;
	v8 =	vsub.f32 v5, v6;
	v5 =	vadd.f32 v5, v6  }
0xad: {  	v10 =	vmin.f32 v10, $4.160000000e+02;
	v12 =	vsub.f32 v1, v7;
	v14 =	vsub.f32 v2, v4  }
0xae: {  	v6 =	vmax.f32 v8, $0.0e+00;
	v5 =	vmax.f32 v5, $0.0e+00;
	v2 =	vadd.f32 v2, v4  }
0xaf: {  	vm1 =	vgt.f32 v11, $9.999999770e-03;
	vm2 =	vgt.f32 v12, $3.000000000e+00;
	v12 =	vsub.f32 v10, v3  }
0xb0: {  	v8 =	vld [tilespmem:s23+$0x0];
	v6 =	vmin.f32 v6, $4.160000000e+02;
	v4 =	vmin.f32 v5, $4.160000000e+02;
	vm1 =	vmand vm1, vm2  }
0xb1: {  	vm2 =	vgt.f32 v13, $9.999999770e-03;
	v5 =	vmax.f32 v14, $0.0e+00;
	v15 =	vsel vm1, $0x1, v0  }
0xb2: {  	v14 =	vsub.f32 v4, v6;
	v2 =	vmax.f32 v2, $0.0e+00;
	vm3 =	vgt.f32 v12, $3.000000000e+00;
	(xrf0) =	vadd.scan.msk.s32 $0xffff, v15  }
0xb3: {  	v12 =	vld [tilespmem:s23+$0x10];
	v5 =	vmin.f32 v5, $4.160000000e+02;
	v2 =	vmin.f32 v2, $4.160000000e+02;
	vm2 =	vmand vm2, vm3  }
0xb4: {  	vm4 =	vgt.f32 v14, $3.000000000e+00;
	v14 =	vmpcnt.ones.xlane vm0;
	v15 =	vsel vm2, $0x1, v0  }
0xb5: {  	vm3 =	vgt.f32 v8, $9.999999770e-03;
	(xrf0) =	vadd.scan.msk.s32 $0xffff, v15;
	v15 =	vsub.f32 v2, v5  }
0xb6: {  	vm3 =	vmand vm3, vm4  }
0xb7: {  	v16 =	vsel vm3, $0x1, v0;
	vm14 =	vgt.f32 v15, $3.000000000e+00;
	v15 =	vmpcnt.ones.xlane vm1  }
0xb8: {  	v9 =	vadd.s32 v14, v9;
	vm0 =	vgt.f32 v12, $9.999999770e-03;
	v14, _, _ =	vpop (xrf0);
	(xrf0) =	vadd.scan.msk.s32 $0xffff, v16  }
0xb9: {  	vm0 =	vmand vm0, vm14;
	v14 =	vadd.s32 v9, v14  }
0xba: {  	v0 =	vsel vm0, $0x1, v0  }
0xbb: {  	v9 =	vadd.s32 v9, v15;
	v15, _, _ =	vpop (xrf0);
	(xrf0) =	vadd.scan.msk.s32 $0xffff, v0  }
0xbc: {  	v0 =	vmpcnt.ones.xlane vm2;
	v15 =	vadd.s32 v9, v15;
	_ =	sdelay $0x1  }
0xbd: {  	v0 =	vadd.s32 v0, v9;
	[tilespmem:v14+s9+$0x0] =	vst.idx.msk vm1, v11;
	v9, _, _ =	vpop (xrf0)  }
0xbe: {  	[tilespmem:v14+s10+$0x0] =	vst.idx.msk vm1, v7;
	v7 =	vmpcnt.ones.xlane vm3;
	v9 =	vadd.s32 v0, v9  }
0xbf: {  	[tilespmem:v14+s11+$0x0] =	vst.idx.msk vm1, v1  }
0xc0: {  	v7 =	vadd.s32 v7, v0;
	[tilespmem:v15+s9+$0x0] =	vst.idx.msk vm2, v13;
	v0, _, _ =	vpop (xrf0)  }
0xc1: {  	v1 =	vlaneseq.u32;
	v0 =	vadd.s32 v7, v0;
	[tilespmem:v15+s10+$0x0] =	vst.idx.msk vm2, v3  }
0xc2: {  	v1 =	vmul.u32 $0x2, v1;
	[tilespmem:v15+s11+$0x0] =	vst.idx.msk vm2, v10  }
0xc3: {  	[tilespmem:v9+s9+$0x0] =	vst.idx.msk vm3, v8  }
0xc4: {  	v3 =	vor.u32 $0x1F01, v1;
	[tilespmem:v9+s10+$0x0] =	vst.idx.msk vm3, v6  }
0xc5: {  	[tilespmem:v9+s11+$0x0] =	vst.idx.msk vm3, v4  }
0xc6: {  	[tilespmem:v0+s9+$0x0] =	vst.idx.msk vm0, v12  }
0xc7: {  	[tilespmem:v0+s10+$0x0] =	vst.idx.msk vm0, v5  }
0xc8: {  	s24 =	simm.s32 $0x1000;
	[tilespmem:v0+s11+$0x0] =	vst.idx.msk vm0, v2  }
0xc9: {  	v0 =	vld.idx.msk [tilespmem:v3+s24+$0x0], $0xffff;
	_ =	sdelay $0x1  }
0xca: {  	v2 =	vor.u32 $0x1F00, v1;
	_ =	sdelay $0x2  }
0xcb: {  	v0 =	vmul.f32 $1.442695020e+00, v0  }
0xcc: {  	s25 =	simm.s32 $0x2F80  }
0xcd: {  	v4 =	vld.idx.msk [tilespmem:v2+s25+$0x0], $0xffff;
	(erf) = vpow2.f32 v0  }
0xce: {  	v0 =	vld.idx.msk [tilespmem:v3+s25+$0x0], $0xffff;
	_ =	sdelay $0x3  }
0xcf: {  	v2 =	vld.idx.msk [tilespmem:v2+s24+$0x0], $0xffff  }
0xd0: {  	v0 =	vsub.f32 v0, v4;
	_ =	sdelay $0x1  }
0xd1: {  	v3 =	vmul.f32 $5.000000000e-01, v0  }
0xd2: {  	v5 =	vpop (erf)  }
0xd3: {  	v2 =	vmul.f32 v0, v2;
	v3 =	vadd.f32 v3, v4;
	v0 =	vmul.f32 v0, v5;
	_ =	sdelay $0x1  }
0xd4: {  	v2 =	vadd.f32 v3, v2;
	v0 =	vmul.f32 $5.000000000e-01, v0;
	_ =	sdelay $0x1  }
0xd5: {  	v3 =	vsub.f32 v2, v0;
	v0 =	vadd.f32 v2, v0  }
0xd6: {  	v2 =	vld [tilespmem:$0xF80]  }
0xd7: {  	v3 =	vmax.f32 v3, $0.0e+00;
	v0 =	vmax.f32 v0, $0.0e+00  }
0xd8: {  	v3 =	vmin.f32 v3, $4.160000000e+02;
	v4 =	vmin.f32 v0, $4.160000000e+02  }
0xd9: {  	v0 =	vsub.f32 v4, v3;
	_ =	sdelay $0x1  }
0xda: {  	vm1 =	vgt.f32 v2, $9.999999770e-03;
	vm2 =	vgt.f32 v0, $3.000000000e+00  }
0xdb: {  	v0 =	vimm.s32 $0x0;
	vm1 =	vmand vm1, vm2  }
0xdc: {  	v5 =	vsel vm1, $0x1, v0  }
0xdd: {  	(xrf0) =	vadd.scan.msk.s32 $0xffff, v5;
	_ =	sdelay $0x3  }
0xde: {  	v5 =	vmpcnt.ones.xlane vm0;
	_ =	sdelay $0x1  }
0xdf: {  	v5 =	vadd.s32 v5, v7;
	v6, _, _ =	vpop (xrf0)  }
0xe0: {  	v6 =	vadd.s32 v5, v6;
	_ =	sdelay $0x2  }
0xe1: {  	v7 =	vor.u32 $0x1F21, v1  }
0xe2: {  	s7 =	simm.s32 $0x9E00  }
0xe3: {  	s8 =	simm.s32 $0xEC80;
	[tilespmem:v6+s7+$0x0] =	vst.idx.msk vm1, v2  }
0xe4: {  	s9 =	simm.s32 $0x13B00;
	[tilespmem:v6+s8+$0x0] =	vst.idx.msk vm1, v3  }
0xe5: {  	[tilespmem:v6+s9+$0x0] =	vst.idx.msk vm1, v4  }
0xe6: {  	v2 =	vld.idx.msk [tilespmem:v7+s24+$0x0], $0xffff;
	_ =	sdelay $0x1  }
0xe7: {  	v3 =	vor.u32 $0x1F20, v1;
	_ =	sdelay $0x2  }
0xe8: {  	v2 =	vmul.f32 $1.442695020e+00, v2;
	_ =	sdelay $0x1  }
0xe9: {  	v4 =	vld.idx.msk [tilespmem:v3+s25+$0x0], $0xffff;
	(erf) = vpow2.f32 v2  }
0xea: {  	v2 =	vld.idx.msk [tilespmem:v7+s25+$0x0], $0xffff;
	_ =	sdelay $0x3  }
0xeb: {  	v3 =	vld.idx.msk [tilespmem:v3+s24+$0x0], $0xffff  }
0xec: {  	v2 =	vsub.f32 v2, v4;
	_ =	sdelay $0x1  }
0xed: {  	v6 =	vmul.f32 $5.000000000e-01, v2  }
0xee: {  	v7 =	vpop (erf)  }
0xef: {  	v3 =	vmul.f32 v2, v3;
	v4 =	vadd.f32 v6, v4;
	v2 =	vmul.f32 v2, v7;
	_ =	sdelay $0x1  }
0xf0: {  	v3 =	vadd.f32 v4, v3;
	v2 =	vmul.f32 $5.000000000e-01, v2;
	_ =	sdelay $0x1  }
0xf1: {  	v4 =	vsub.f32 v3, v2;
	v2 =	vadd.f32 v3, v2  }
0xf2: {  	v3 =	vld [tilespmem:$0xF90]  }
0xf3: {  	v4 =	vmax.f32 v4, $0.0e+00;
	v2 =	vmax.f32 v2, $0.0e+00  }
0xf4: {  	v4 =	vmin.f32 v4, $4.160000000e+02;
	v2 =	vmin.f32 v2, $4.160000000e+02  }
0xf5: {  	v6 =	vsub.f32 v2, v4;
	_ =	sdelay $0x1  }
0xf6: {  	vm0 =	vgt.f32 v3, $9.999999770e-03;
	vm2 =	vgt.f32 v6, $3.000000000e+00  }
0xf7: {  	vm0 =	vmand vm0, vm2  }
0xf8: {  	v6 =	vsel vm0, $0x1, v0  }
0xf9: {  	(xrf0) =	vadd.scan.msk.s32 $0xffff, v6;
	_ =	sdelay $0x3  }
0xfa: {  	v6 =	vmpcnt.ones.xlane vm1;
	_ =	sdelay $0x1  }
0xfb: {  	v9 =	vadd.s32 v5, v6;
	v5, _, _ =	vpop (xrf0)  }
0xfc: {  	v5 =	vadd.s32 v9, v5;
	_ =	sdelay $0x4  }
0xfd: {  	s26 =	sadd.s32 $0x1F40, s6;
	[tilespmem:v5+s7+$0x0] =	vst.idx.msk vm0, v3  }
0xfe: {  	s28 =	sshrl.u32 s26, $0x3;
	[tilespmem:v5+s8+$0x0] =	vst.idx.msk vm0, v4  }
0xff: {  	s14 =	simm.s32 $0x0;
	s12 =	sshrl.u32 s26, $0x2;
	s13 =	sadd.s32 s5, s28;
	[tilespmem:v5+s9+$0x0] =	vst.idx.msk vm0, v2  }
0x100: {  	[tilespmem:s14], [sflag:$0x1] =	stream.linear.gather [hbm4b:s13+s14], $0xFA0, $0x38;
	[tilespmem:$0x18A00] =	vst v63  }
0x101: {  	s29 =	sadd.s32 s3, s12  }
0x102: {  	[tilespmem:s24], [sflag:$0x1] =	stream.linear.gather [hbm4b:s29+s14], $0x1F40, $0x38;
	[tilespmem:$0x18A00] =	vst v63  }
0x103: {  	s31 =	simm.s32 $0x2;
	s30 =	sadd.s32 s4, s12  }
0x104: {  	[tilespmem:s25], [sflag:$0x1] =	stream.linear.gather [hbm4b:s30+s14], $0x1F40, $0x38;
	[tilespmem:$0x18A00] =	vst v63  }
0x105: {  	_ =	swait.ge [sflag:s31], $0xFA0  }
0x106: {  	[sflag:s31] =	ssyncset.done $0x0  }
0x107: {  	[sflag:s31] =	ssyncadd.s32 $0xFFFFF060  }
0x108: {  	v2 =	vor.u32 $0x21, v1;
	_ =	swait.ge [sflag:s31], $0x1F40  }
0x109: {  	v3 =	vor.u32 $0x1, v1;
	v8 =	vor.u32 s14, v2;
	[sflag:s31] =	ssyncset.done $0x0  }
0x10a: {  	v10 =	vor.u32 s14, v3;
	v4 =	vor.u32 $0x41, v1;
	[sflag:s31] =	ssyncadd.s32 $0xFFFFE0C0  }
0x10b: {  	v11 =	vor.u32 s14, v4;
	_ =	swait.ge [sflag:s31], $0x1F40  }
0x10c: {  	v12 =	vor.u32 s14, v1;
	[sflag:s31] =	ssyncset.done $0x0  }
0x10d: {  	s10 =	simm.s32 $0x5F00;
	v5 =	vor.u32 $0x61, v1;
	[sflag:s31] =	ssyncadd.s32 $0xFFFFE0C0  }
0x10e: {  	v14 =	vor.u32 s14, v5;
	v13 =	vld.idx.msk [tilespmem:v8+s10+$0x0], $0xffff  }
0x10f: {  	v6 =	vor.u32 $0x20, v1;
	v15 =	vld.idx.msk [tilespmem:v10+s10+$0x0], $0xffff  }
0x110: {  	s11 =	simm.s32 $0x7E80;
	v16 =	vor.u32 s14, v6;
	v17 =	vld.idx.msk [tilespmem:v11+s10+$0x0], $0xffff  }
0x111: {  	v18 =	vld.idx.msk [tilespmem:v12+s11+$0x0], $0xffff  }
0x112: {  	v10 =	vld.idx.msk [tilespmem:v10+s11+$0x0], $0xffff  }
0x113: {  	v7 =	vor.u32 $0x40, v1;
	v20 =	vld.idx.msk [tilespmem:v14+s10+$0x0], $0xffff;
	v13 =	vmul.f32 $1.442695020e+00, v13  }
0x114: {  	v19 =	vor.u32 s14, v7;
	v21 =	vld.idx.msk [tilespmem:v8+s11+$0x0], $0xffff;
	v15 =	vmul.f32 $1.442695020e+00, v15  }
0x115: {  	v22 =	vld.idx.msk [tilespmem:v16+s11+$0x0], $0xffff;
	(erf) = vpow2.f32 v13  }
0x116: {  	v12 =	vld.idx.msk [tilespmem:v12+s10+$0x0], $0xffff;
	v8 =	vor.u32 $0x60, v1;
	(erf) = vpow2.f32 v15  }
0x117: {  	v11 =	vld.idx.msk [tilespmem:v11+s11+$0x0], $0xffff;
	v13 =	vor.u32 s14, v8  }
0x118: {  	v16 =	vld.idx.msk [tilespmem:v16+s10+$0x0], $0xffff;
	v15 =	vmul.f32 $1.442695020e+00, v17  }
0x119: {  	v10 =	vsub.f32 v10, v18;
	v17 =	vld.idx.msk [tilespmem:v19+s11+$0x0], $0xffff  }
0x11a: {  	v14 =	vld.idx.msk [tilespmem:v14+s11+$0x0], $0xffff;
	(erf) = vpow2.f32 v15  }
0x11b: {  	v23 =	vmul.f32 $5.000000000e-01, v10;
	v15 =	vld.idx.msk [tilespmem:v19+s10+$0x0], $0xffff  }
0x11c: {  	v19 =	vmul.f32 $1.442695020e+00, v20;
	v20 =	vsub.f32 v21, v22;
	v21 =	vld.idx.msk [tilespmem:v13+s11+$0x0], $0xffff  }
0x11d: {  	v12 =	vmul.f32 v10, v12;
	v18 =	vadd.f32 v23, v18  }
0x11e: {  	(erf) = vpow2.f32 v19;
	v19 =	vmul.f32 $5.000000000e-01, v20;
	v11 =	vsub.f32 v11, v17;
	v24 =	vpop (erf)  }
0x11f: {  	v12 =	vadd.f32 v18, v12;
	v23 =	vpop (erf)  }
0x120: {  	v13 =	vld.idx.msk [tilespmem:v13+s10+$0x0], $0xffff;
	v19 =	vadd.f32 v19, v22;
	v22 =	vmul.f32 $5.000000000e-01, v11;
	v10 =	vmul.f32 v10, v23  }
0x121: {  	s12 =	simm.s32 $0x4F20;
	v16 =	vmul.f32 v20, v16;
	v20 =	vmul.f32 v20, v24;
	v14 =	vsub.f32 v14, v21  }
0x122: {  	v15 =	vmul.f32 v11, v15;
	v17 =	vadd.f32 v22, v17;
	v22 =	vld [tilespmem:s12+$0xFFFFFFE0];
	v10 =	vmul.f32 $5.000000000e-01, v10  }
0x123: {  	v16 =	vadd.f32 v19, v16;
	v18 =	vpop (erf);
	v19 =	vmul.f32 $5.000000000e-01, v20;
	v20 =	vmul.f32 $5.000000000e-01, v14  }
0x124: {  	v15 =	vadd.f32 v17, v15;
	v11 =	vmul.f32 v11, v18;
	v18 =	vadd.f32 v12, v10  }
0x125: {  	v13 =	vmul.f32 v14, v13;
	v17 =	vadd.f32 v20, v21;
	v10 =	vsub.f32 v12, v10  }
0x126: {  	v12 =	vsub.f32 v16, v19;
	v16 =	vadd.f32 v16, v19;
	v18 =	vmax.f32 v18, $0.0e+00  }
0x127: {  	vm2 =	vgt.f32 v22, $9.999999770e-03;
	v10 =	vmax.f32 v10, $0.0e+00;
	v19 =	vmin.f32 v18, $4.160000000e+02  }
0x128: {  	v20 =	vmin.f32 v10, $4.160000000e+02;
	v10 =	vmax.f32 v12, $0.0e+00;
	v12 =	vmul.f32 $5.000000000e-01, v11  }
0x129: {  	v17 =	vadd.f32 v17, v13;
	v11 =	vmax.f32 v16, $0.0e+00;
	v18 =	vsub.f32 v19, v20  }
0x12a: {  	v10 =	vmin.f32 v10, $4.160000000e+02;
	v11 =	vmin.f32 v11, $4.160000000e+02;
	v16 =	vsub.f32 v15, v12  }
0x12b: {  	v21 =	vld [tilespmem:s12+$0xFFFFFFF0];
	v13 =	vpop (erf);
	v15 =	vadd.f32 v15, v12;
	vm1 =	vgt.f32 v18, $3.000000000e+00;
	v18 =	vsub.f32 v11, v10  }
0x12c: {  	v13 =	vmul.f32 v14, v13;
	vm3 =	vmand vm2, vm1;
	v16 =	vmax.f32 v16, $0.0e+00  }
0x12d: {  	v12 =	vld [tilespmem:s12+$0x0];
	v15 =	vmax.f32 v15, $0.0e+00;
	v14 =	vsel vm3, $0x1, v0;
	vm1 =	vgt.f32 v18, $3.000000000e+00  }
0x12e: {  	v18 =	vmul.f32 $5.000000000e-01, v13;
	v13 =	vmin.f32 v15, $4.160000000e+02;
	(xrf0) =	vadd.scan.msk.s32 $0xffff, v14;
	v14 =	vmin.f32 v16, $4.160000000e+02  }
0x12f: {  	v23 =	vsub.f32 v13, v14  }
0x130: {  	vm2 =	vgt.f32 v21, $9.999999770e-03;
	v61 =	vsub.f32 v17, v18;
	v17 =	vadd.f32 v17, v18  }
0x131: {  	vm1 =	vmand vm2, vm1;
	v16 =	vmpcnt.ones.xlane vm0  }
0x132: {  	v15 =	vsel vm1, $0x1, v0;
	vm0 =	vgt.f32 v12, $9.999999770e-03;
	vm2 =	vgt.f32 v23, $3.000000000e+00  }
0x133: {  	(xrf0) =	vadd.scan.msk.s32 $0xffff, v15;
	v9 =	vadd.s32 v9, v16;
	v15 =	vld [tilespmem:s12+$0x10];
	vm0 =	vmand vm0, vm2  }
0x134: {  	v16 =	vmax.f32 v61, $0.0e+00;
	v18 =	vmax.f32 v17, $0.0e+00;
	v23 =	vsel vm0, $0x1, v0;
	v17, _, _ =	vpop (xrf0)  }
0x135: {  	(xrf0) =	vadd.scan.msk.s32 $0xffff, v23;
	v25 =	vadd.s32 v9, v17;
	v17 =	vmin.f32 v16, $4.160000000e+02;
	v16 =	vmin.f32 v18, $4.160000000e+02  }
0x136: {  	v23 =	vsub.f32 v16, v17  }
0x137: {  	v62 =	vmpcnt.ones.xlane vm3  }
0x138: {  	vm15 =	vgt.f32 v15, $9.999999770e-03;
	vm2 =	vgt.f32 v23, $3.000000000e+00;
	v23 =	vmpcnt.ones.xlane vm1  }
0x139: {  	v9 =	vadd.s32 v9, v62;
	v18, _, _ =	vpop (xrf0);
	vm2 =	vmand vm15, vm2  }
0x13a: {  	v18 =	vadd.s32 v9, v18;
	v9 =	vadd.s32 v23, v9;
	v23 =	vsel vm2, $0x1, v0  }
0x13b: {  	v26, _, _ =	vpop (xrf0);
	(xrf0) =	vadd.scan.msk.s32 $0xffff, v23  }
0x13c: {  	v63 =	vmpcnt.ones.xlane vm0;
	[tilespmem:v25+s7+$0x0] =	vst.idx.msk vm3, v22  }
0x13d: {  	v22 =	vmpcnt.ones.xlane vm2;
	[tilespmem:v25+s8+$0x0] =	vst.idx.msk vm3, v20  }
0x13e: {  	v20 =	vadd.s32 v63, v9;
	[tilespmem:v25+s9+$0x0] =	vst.idx.msk vm3, v19  }
0x13f: {  	s13 =	simm.s32 $0x80;
	s14 =	simm.s32 $0x100;
	v19 =	vadd.s32 v9, v26;
	v9 =	vadd.s32 v22, v20;
	[tilespmem:v18+s7+$0x0] =	vst.idx.msk vm1, v21  }
.LBB2_3:
0x140: {  	p0 =	sne.s32 s14, $0x1E80  }
0x141: {  	v21 =	vor.u32 s13, v3;
	s12 =	sadd.s32 $0x40, s12;
	v22, _, _ =	vpop (xrf0);
	s15 =	smov.u32 s14;
	s14 =	sadd.s32 $0x80, s14  }
0x142: {  	v20 =	vadd.s32 v20, v22;
	[tilespmem:v18+s8+$0x0] =	vst.idx.msk vm1, v10  }
0x143: {  	[tilespmem:v18+s9+$0x0] =	vst.idx.msk vm1, v11  }
0x144: {  	[tilespmem:v19+s7+$0x0] =	vst.idx.msk vm0, v12  }
0x145: {  	v10 =	vor.u32 s13, v2;
	[tilespmem:v19+s8+$0x0] =	vst.idx.msk vm0, v14  }
0x146: {  	[tilespmem:v19+s9+$0x0] =	vst.idx.msk vm0, v13  }
0x147: {  	v11 =	vor.u32 s13, v4;
	[tilespmem:v20+s7+$0x0] =	vst.idx.msk vm2, v15  }
0x148: {  	v12 =	vor.u32 s13, v1;
	[tilespmem:v20+s8+$0x0] =	vst.idx.msk vm2, v17  }
0x149: {  	[tilespmem:v20+s9+$0x0] =	vst.idx.msk vm2, v16  }
0x14a: {  	v14 =	vor.u32 s13, v5;
	v13 =	vld.idx.msk [tilespmem:v10+s10+$0x0], $0xffff  }
0x14b: {  	v15 =	vld.idx.msk [tilespmem:v21+s10+$0x0], $0xffff  }
0x14c: {  	v16 =	vor.u32 s13, v6;
	v17 =	vld.idx.msk [tilespmem:v11+s10+$0x0], $0xffff  }
0x14d: {  	v18 =	vld.idx.msk [tilespmem:v12+s11+$0x0], $0xffff  }
0x14e: {  	v19 =	vld.idx.msk [tilespmem:v21+s11+$0x0], $0xffff  }
0x14f: {  	v20 =	vor.u32 s13, v7;
	v21 =	vld.idx.msk [tilespmem:v14+s10+$0x0], $0xffff  }
0x150: {  	v13 =	vmul.f32 $1.442695020e+00, v13;
	v10 =	vld.idx.msk [tilespmem:v10+s11+$0x0], $0xffff  }
0x151: {  	v15 =	vmul.f32 $1.442695020e+00, v15;
	v22 =	vld.idx.msk [tilespmem:v16+s11+$0x0], $0xffff  }
0x152: {  	v17 =	vmul.f32 $1.442695020e+00, v17;
	v12 =	vld.idx.msk [tilespmem:v12+s10+$0x0], $0xffff;
	(erf) = vpow2.f32 v13  }
0x153: {  	v13 =	vor.u32 s13, v8;
	s13 =	smov.u32 s15;
	v11 =	vld.idx.msk [tilespmem:v11+s11+$0x0], $0xffff;
	(erf) = vpow2.f32 v15  }
0x154: {  	v19 =	vsub.f32 v19, v18;
	v15 =	vld.idx.msk [tilespmem:v20+s11+$0x0], $0xffff;
	(erf) = vpow2.f32 v17  }
0x155: {  	v17 =	vmul.f32 $1.442695020e+00, v21;
	v16 =	vld.idx.msk [tilespmem:v16+s10+$0x0], $0xffff  }
0x156: {  	v21 =	vmul.f32 $5.000000000e-01, v19;
	v14 =	vld.idx.msk [tilespmem:v14+s11+$0x0], $0xffff  }
0x157: {  	v10 =	vsub.f32 v10, v22;
	v20 =	vld.idx.msk [tilespmem:v20+s10+$0x0], $0xffff;
	(erf) = vpow2.f32 v17  }
0x158: {  	v18 =	vadd.f32 v21, v18;
	v12 =	vmul.f32 v19, v12;
	v17 =	vld.idx.msk [tilespmem:v13+s11+$0x0], $0xffff  }
0x159: {  	v21 =	vmul.f32 $5.000000000e-01, v10  }
0x15a: {  	v11 =	vsub.f32 v11, v15  }
0x15b: {  	v21 =	vadd.f32 v21, v22;
	v16 =	vmul.f32 v10, v16;
	v13 =	vld.idx.msk [tilespmem:v13+s10+$0x0], $0xffff;
	v22 =	vpop (erf)  }
0x15c: {  	v23 =	vmul.f32 $5.000000000e-01, v11;
	v10 =	vmul.f32 v10, v22;
	v22 =	vpop (erf)  }
0x15d: {  	v20 =	vmul.f32 v11, v20;
	v19 =	vmul.f32 v19, v22;
	v22 =	vpop (erf)  }
0x15e: {  	v16 =	vadd.f32 v21, v16;
	v14 =	vsub.f32 v14, v17;
	v10 =	vmul.f32 $5.000000000e-01, v10  }
0x15f: {  	v12 =	vadd.f32 v18, v12;
	v15 =	vadd.f32 v23, v15;
	v18 =	vmul.f32 $5.000000000e-01, v19  }
0x160: {  	v11 =	vmul.f32 v11, v22;
	v19 =	vmul.f32 $5.000000000e-01, v14;
	v21 =	vsub.f32 v16, v10;
	v22 =	vpop (erf)  }
0x161: {  	v15 =	vadd.f32 v15, v20;
	v13 =	vmul.f32 v14, v13;
	v20 =	vadd.f32 v12, v18  }
0x162: {  	v17 =	vadd.f32 v19, v17;
	v12 =	vsub.f32 v12, v18;
	v18 =	vmax.f32 v21, $0.0e+00  }
0x163: {  	v11 =	vmul.f32 $5.000000000e-01, v11;
	v10 =	vadd.f32 v16, v10;
	v19 =	vld [tilespmem:s12+$0xFFFFFFE0];
	v20 =	vmax.f32 v20, $0.0e+00  }
0x164: {  	v13 =	vadd.f32 v17, v13;
	v12 =	vmax.f32 v12, $0.0e+00;
	v21 =	vmin.f32 v20, $4.160000000e+02  }
0x165: {  	v16 =	vmax.f32 v10, $0.0e+00;
	v20 =	vmin.f32 v12, $4.160000000e+02;
	v12 =	vsub.f32 v15, v11;
	v23 =	vld [tilespmem:s12+$0xFFFFFFF0]  }
0x166: {  	v15 =	vadd.f32 v15, v11;
	v17 =	vsub.f32 v21, v20  }
0x167: {  	v10 =	vmin.f32 v18, $4.160000000e+02;
	v11 =	vmin.f32 v16, $4.160000000e+02;
	v18 =	vmax.f32 v12, $0.0e+00  }
0x168: {  	v12 =	vmul.f32 v14, v22;
	v14 =	vsub.f32 v11, v10;
	vm0 =	vgt.f32 v17, $3.000000000e+00  }
0x169: {  	v15 =	vmax.f32 v15, $0.0e+00;
	vm1 =	vgt.f32 v19, $9.999999770e-03  }
0x16a: {  	v16 =	vmul.f32 $5.000000000e-01, v12;
	vm3 =	vmand vm1, vm0;
	vm0 =	vgt.f32 v14, $3.000000000e+00  }
0x16b: {  	vm1 =	vgt.f32 v23, $9.999999770e-03;
	v14 =	vsel vm3, $0x1, v0;
	v12 =	vld [tilespmem:s12+$0x0]  }
0x16c: {  	v17 =	vsub.f32 v13, v16;
	v16 =	vadd.f32 v13, v16;
	vm1 =	vmand vm1, vm0;
	(xrf0) =	vadd.scan.msk.s32 $0xffff, v14  }
0x16d: {  	v13 =	vmin.f32 v15, $4.160000000e+02;
	v14 =	vmin.f32 v18, $4.160000000e+02;
	v18 =	vsel vm1, $0x1, v0  }
0x16e: {  	v17 =	vmax.f32 v17, $0.0e+00;
	v16 =	vmax.f32 v16, $0.0e+00;
	v22 =	vsub.f32 v13, v14;
	v15 =	vld [tilespmem:s12+$0x10]  }
0x16f: {  	v17 =	vmin.f32 v17, $4.160000000e+02;
	v16 =	vmin.f32 v16, $4.160000000e+02;
	(xrf0) =	vadd.scan.msk.s32 $0xffff, v18  }
0x170: {  	vm2 =	vgt.f32 v22, $3.000000000e+00;
	v18 =	vsub.f32 v16, v17;
	vm0 =	vgt.f32 v12, $9.999999770e-03  }
0x171: {  	vm0 =	vmand vm0, vm2  }
0x172: {  	v22 =	vmpcnt.ones.xlane vm3;
	vm2 =	vgt.f32 v18, $3.000000000e+00;
	v18 =	vsel vm0, $0x1, v0;
	v24, _, _ =	vpop (xrf0)  }
0x173: {  	v25 =	vmpcnt.ones.xlane vm0;
	vm4 =	vgt.f32 v15, $9.999999770e-03;
	v24 =	vadd.s32 v9, v24;
	(xrf0) =	vadd.scan.msk.s32 $0xffff, v18  }
0x174: {  	vm2 =	vmand vm4, vm2  }
0x175: {  	v9 =	vadd.s32 v9, v22;
	v26 =	vsel vm2, $0x1, v0;
	v18, _, _ =	vpop (xrf0)  }
0x176: {  	v22 =	vmpcnt.ones.xlane vm2;
	v18 =	vadd.s32 v9, v18;
	(xrf0) =	vadd.scan.msk.s32 $0xffff, v26  }
.Ltmp1:
0x177: {  	v26 =	vmpcnt.ones.xlane vm1;
	(pc) =	sbr.rel @p0 .LBB2_3-.Ltmp1, $4  }
0x178: {  	[tilespmem:v24+s7+$0x0] =	vst.idx.msk vm3, v19  }
0x179: {  	v9 =	vadd.s32 v26, v9;
	[tilespmem:v24+s8+$0x0] =	vst.idx.msk vm3, v20;
	v19, _, _ =	vpop (xrf0)  }
0x17a: {  	v20 =	vadd.s32 v25, v9;
	v19 =	vadd.s32 v9, v19;
	[tilespmem:v24+s9+$0x0] =	vst.idx.msk vm3, v21  }
0x17b: {  	v9 =	vadd.s32 v22, v20;
	[tilespmem:v18+s7+$0x0] =	vst.idx.msk vm1, v23  }
0x17c: {  	_ =	sdelay $0x3  }
0x17d: {  	v21, _, _ =	vpop (xrf0)  }
0x17e: {  	[tilespmem:v18+s8+$0x0] =	vst.idx.msk vm1, v10;
	v20 =	vadd.s32 v20, v21  }
0x17f: {  	[tilespmem:v18+s9+$0x0] =	vst.idx.msk vm1, v11  }
0x180: {  	[tilespmem:v19+s7+$0x0] =	vst.idx.msk vm0, v12  }
0x181: {  	v2 =	vor.u32 s13, v2;
	[tilespmem:v19+s8+$0x0] =	vst.idx.msk vm0, v14  }
0x182: {  	v3 =	vor.u32 s13, v3;
	[tilespmem:v19+s9+$0x0] =	vst.idx.msk vm0, v13  }
0x183: {  	v4 =	vor.u32 s13, v4;
	[tilespmem:v20+s7+$0x0] =	vst.idx.msk vm2, v15  }
0x184: {  	v1 =	vor.u32 s13, v1;
	[tilespmem:v20+s8+$0x0] =	vst.idx.msk vm2, v17  }
0x185: {  	[tilespmem:v20+s9+$0x0] =	vst.idx.msk vm2, v16  }
0x186: {  	v5 =	vor.u32 s13, v5;
	v10 =	vld.idx.msk [tilespmem:v2+s10+$0x0], $0xffff  }
0x187: {  	v11 =	vld.idx.msk [tilespmem:v3+s10+$0x0], $0xffff  }
0x188: {  	v6 =	vor.u32 s13, v6;
	v12 =	vld.idx.msk [tilespmem:v4+s10+$0x0], $0xffff  }
0x189: {  	v13 =	vld.idx.msk [tilespmem:v1+s11+$0x0], $0xffff  }
0x18a: {  	v3 =	vld.idx.msk [tilespmem:v3+s11+$0x0], $0xffff  }
0x18b: {  	v14 =	vld.idx.msk [tilespmem:v5+s10+$0x0], $0xffff  }
0x18c: {  	v8 =	vor.u32 s13, v8;
	v2 =	vld.idx.msk [tilespmem:v2+s11+$0x0], $0xffff  }
0x18d: {  	v7 =	vor.u32 s13, v7;
	v15 =	vld.idx.msk [tilespmem:v6+s11+$0x0], $0xffff;
	v10 =	vmul.f32 $1.442695020e+00, v10  }
0x18e: {  	v1 =	vld.idx.msk [tilespmem:v1+s10+$0x0], $0xffff;
	v11 =	vmul.f32 $1.442695020e+00, v11  }
0x18f: {  	v4 =	vld.idx.msk [tilespmem:v4+s11+$0x0], $0xffff;
	(erf) = vpow2.f32 v10  }
0x190: {  	v5 =	vld.idx.msk [tilespmem:v5+s11+$0x0], $0xffff;
	v10 =	vmul.f32 $1.442695020e+00, v12;
	(erf) = vpow2.f32 v11  }
0x191: {  	v12 =	vld.idx.msk [tilespmem:v8+s11+$0x0], $0xffff  }
0x192: {  	v3 =	vsub.f32 v3, v13;
	v11 =	vld.idx.msk [tilespmem:v7+s11+$0x0], $0xffff;
	(erf) = vpow2.f32 v10  }
0x193: {  	v6 =	vld.idx.msk [tilespmem:v6+s10+$0x0], $0xffff  }
0x194: {  	v10 =	vmul.f32 $1.442695020e+00, v14;
	v14 =	vmul.f32 $5.000000000e-01, v3  }
0x195: {  	v2 =	vsub.f32 v2, v15;
	v7 =	vld.idx.msk [tilespmem:v7+s10+$0x0], $0xffff  }
0x196: {  	v1 =	vmul.f32 v3, v1;
	v13 =	vadd.f32 v14, v13;
	v5 =	vsub.f32 v5, v12  }
0x197: {  	(erf) = vpow2.f32 v10;
	v10 =	vmul.f32 $5.000000000e-01, v2;
	v4 =	vsub.f32 v4, v11  }
0x198: {  	v6 =	vmul.f32 v2, v6;
	v8 =	vld.idx.msk [tilespmem:v8+s10+$0x0], $0xffff;
	v1 =	vadd.f32 v13, v1;
	v13 =	vmul.f32 $5.000000000e-01, v5;
	v14 =	vpop (erf)  }
0x199: {  	v10 =	vadd.f32 v10, v15;
	v15 =	vmul.f32 $5.000000000e-01, v4;
	v2 =	vmul.f32 v2, v14;
	v14 =	vpop (erf)  }
0x19a: {  	v7 =	vmul.f32 v4, v7;
	v3 =	vmul.f32 v3, v14  }
0x19b: {  	v6 =	vadd.f32 v10, v6;
	v10 =	vadd.f32 v15, v11;
	v11 =	vpop (erf);
	v2 =	vmul.f32 $5.000000000e-01, v2  }
0x19c: {  	v4 =	vmul.f32 v4, v11;
	v3 =	vmul.f32 $5.000000000e-01, v3  }
0x19d: {  	v8 =	vmul.f32 v5, v8;
	v7 =	vadd.f32 v10, v7;
	v11 =	vsub.f32 v6, v2  }
0x19e: {  	v4 =	vmul.f32 $5.000000000e-01, v4;
	v2 =	vadd.f32 v6, v2;
	v10 =	vadd.f32 v1, v3  }
0x19f: {  	s23 =	sadd.s32 $0x40, s12;
	v1 =	vsub.f32 v1, v3;
	v3 =	vadd.f32 v13, v12  }
0x1a0: {  	v12 =	vld [tilespmem:s23+$0xFFFFFFE0];
	v11 =	vmax.f32 v11, $0.0e+00;
	v13 =	vsub.f32 v7, v4;
	v2 =	vmax.f32 v2, $0.0e+00  }
0x1a1: {  	v10 =	vmax.f32 v10, $0.0e+00;
	v1 =	vmax.f32 v1, $0.0e+00;
	v3 =	vadd.f32 v3, v8  }
0x1a2: {  	v8 =	vpop (erf);
	v11 =	vmin.f32 v11, $4.160000000e+02;
	v6 =	vmin.f32 v10, $4.160000000e+02;
	v1 =	vmin.f32 v1, $4.160000000e+02  }
0x1a3: {  	v2 =	vmin.f32 v2, $4.160000000e+02;
	v5 =	vmul.f32 v5, v8;
	v14 =	vsub.f32 v6, v1  }
0x1a4: {  	v4 =	vadd.f32 v7, v4;
	v8 =	vsub.f32 v2, v11  }
0x1a5: {  	v10 =	vld [tilespmem:s23+$0xFFFFFFF0];
	vm1 =	vgt.f32 v12, $9.999999770e-03;
	v5 =	vmul.f32 $5.000000000e-01, v5;
	vm0 =	vgt.f32 v14, $3.000000000e+00  }
0x1a6: {  	v7 =	vmax.f32 v13, $0.0e+00;
	v4 =	vmax.f32 v4, $0.0e+00;
	vm1 =	vmand vm1, vm0  }
0x1a7: {  	vm0 =	vgt.f32 v8, $3.000000000e+00;
	v8 =	vld [tilespmem:s23+$0x0];
	v14 =	vsub.f32 v3, v5;
	v3 =	vadd.f32 v3, v5  }
0x1a8: {  	v4 =	vmin.f32 v4, $4.160000000e+02;
	v5 =	vmin.f32 v7, $4.160000000e+02;
	v13 =	vsel vm1, $0x1, v0  }
0x1a9: {  	(xrf0) =	vadd.scan.msk.s32 $0xffff, v13;
	v13 =	vmax.f32 v14, $0.0e+00;
	v14 =	vsub.f32 v4, v5;
	v3 =	vmax.f32 v3, $0.0e+00  }
0x1aa: {  	vm2 =	vgt.f32 v10, $9.999999770e-03;
	v13 =	vmin.f32 v13, $4.160000000e+02;
	v3 =	vmin.f32 v3, $4.160000000e+02  }
0x1ab: {  	v7 =	vld [tilespmem:s23+$0x10];
	vm2 =	vmand vm2, vm0;
	vm3 =	vgt.f32 v14, $3.000000000e+00;
	v14 =	vsub.f32 v3, v13  }
0x1ac: {  	v15 =	vsel vm2, $0x1, v0;
	vm0 =	vgt.f32 v8, $9.999999770e-03  }
0x1ad: {  	(xrf0) =	vadd.scan.msk.s32 $0xffff, v15;
	vm3 =	vmand vm0, vm3  }
0x1ae: {  	v15 =	vsel vm3, $0x1, v0  }
0x1af: {  	vm0 =	vgt.f32 v14, $3.000000000e+00;
	v14, _, _ =	vpop (xrf0);
	(xrf0) =	vadd.scan.msk.s32 $0xffff, v15;
	v15 =	vmpcnt.ones.xlane vm1  }
0x1b0: {  	vm4 =	vgt.f32 v7, $9.999999770e-03  }
0x1b1: {  	vm0 =	vmand vm4, vm0;
	v14 =	vadd.s32 v9, v14  }
0x1b2: {  	v0 =	vsel vm0, $0x1, v0  }
0x1b3: {  	v9 =	vadd.s32 v9, v15;
	v15, _, _ =	vpop (xrf0);
	(xrf0) =	vadd.scan.msk.s32 $0xffff, v0  }
0x1b4: {  	v0 =	vadd.s32 v9, v15;
	v15 =	vmpcnt.ones.xlane vm2;
	_ =	sdelay $0x1  }
0x1b5: {  	[tilespmem:v14+s7+$0x0] =	vst.idx.msk vm1, v12;
	v12, _, _ =	vpop (xrf0);
	v9 =	vadd.s32 v15, v9  }
0x1b6: {  	v15 =	vmpcnt.ones.xlane vm3;
	[tilespmem:v14+s8+$0x0] =	vst.idx.msk vm1, v1;
	v12 =	vadd.s32 v9, v12  }
0x1b7: {  	[tilespmem:v14+s9+$0x0] =	vst.idx.msk vm1, v6  }
0x1b8: {  	v6 =	vadd.s32 v15, v9;
	[tilespmem:v0+s7+$0x0] =	vst.idx.msk vm2, v10;
	v1, _, _ =	vpop (xrf0)  }
0x1b9: {  	v9 =	vadd.s32 v6, v1;
	[tilespmem:v0+s8+$0x0] =	vst.idx.msk vm2, v11;
	v1 =	vlaneseq.u32  }
0x1ba: {  	[tilespmem:v0+s9+$0x0] =	vst.idx.msk vm2, v2;
	v1 =	vmul.u32 $0x2, v1  }
0x1bb: {  	[tilespmem:v12+s7+$0x0] =	vst.idx.msk vm3, v8  }
0x1bc: {  	[tilespmem:v12+s8+$0x0] =	vst.idx.msk vm3, v5;
	v0 =	vor.u32 $0x1F01, v1  }
0x1bd: {  	[tilespmem:v12+s9+$0x0] =	vst.idx.msk vm3, v4  }
0x1be: {  	[tilespmem:v9+s7+$0x0] =	vst.idx.msk vm0, v7  }
0x1bf: {  	[tilespmem:v9+s8+$0x0] =	vst.idx.msk vm0, v13  }
0x1c0: {  	s24 =	simm.s32 $0x5F00;
	[tilespmem:v9+s9+$0x0] =	vst.idx.msk vm0, v3  }
0x1c1: {  	v2 =	vld.idx.msk [tilespmem:v0+s24+$0x0], $0xffff;
	_ =	sdelay $0x2  }
0x1c2: {  	v3 =	vor.u32 $0x1F00, v1;
	_ =	sdelay $0x1  }
0x1c3: {  	v2 =	vmul.f32 $1.442695020e+00, v2  }
0x1c4: {  	s25 =	simm.s32 $0x7E80  }
0x1c5: {  	v0 =	vld.idx.msk [tilespmem:v0+s25+$0x0], $0xffff;
	(erf) = vpow2.f32 v2  }
0x1c6: {  	v4 =	vld.idx.msk [tilespmem:v3+s25+$0x0], $0xffff;
	_ =	sdelay $0x3  }
0x1c7: {  	v2 =	vld.idx.msk [tilespmem:v3+s24+$0x0], $0xffff  }
0x1c8: {  	v0 =	vsub.f32 v0, v4;
	_ =	sdelay $0x1  }
0x1c9: {  	v3 =	vmul.f32 $5.000000000e-01, v0  }
0x1ca: {  	v5 =	vpop (erf)  }
0x1cb: {  	v2 =	vmul.f32 v0, v2;
	v3 =	vadd.f32 v3, v4;
	v0 =	vmul.f32 v0, v5;
	_ =	sdelay $0x1  }
0x1cc: {  	v2 =	vadd.f32 v3, v2;
	v0 =	vmul.f32 $5.000000000e-01, v0;
	_ =	sdelay $0x1  }
0x1cd: {  	v3 =	vsub.f32 v2, v0;
	v0 =	vadd.f32 v2, v0  }
0x1ce: {  	v2 =	vld [tilespmem:$0x5E80]  }
0x1cf: {  	v3 =	vmax.f32 v3, $0.0e+00;
	v0 =	vmax.f32 v0, $0.0e+00  }
0x1d0: {  	v3 =	vmin.f32 v3, $4.160000000e+02;
	v4 =	vmin.f32 v0, $4.160000000e+02  }
0x1d1: {  	v0 =	vsub.f32 v4, v3;
	_ =	sdelay $0x1  }
0x1d2: {  	vm1 =	vgt.f32 v2, $9.999999770e-03;
	vm2 =	vgt.f32 v0, $3.000000000e+00  }
0x1d3: {  	v0 =	vimm.s32 $0x0;
	vm1 =	vmand vm1, vm2  }
0x1d4: {  	v5 =	vsel vm1, $0x1, v0  }
0x1d5: {  	(xrf0) =	vadd.scan.msk.s32 $0xffff, v5;
	_ =	sdelay $0x3  }
0x1d6: {  	v5 =	vmpcnt.ones.xlane vm0;
	_ =	sdelay $0x1  }
0x1d7: {  	v5 =	vadd.s32 v5, v6;
	v6, _, _ =	vpop (xrf0)  }
0x1d8: {  	v6 =	vadd.s32 v5, v6;
	_ =	sdelay $0x2  }
0x1d9: {  	v7 =	vor.u32 $0x1F21, v1  }
0x1da: {  	s7 =	simm.s32 $0x9E00  }
0x1db: {  	s8 =	simm.s32 $0xEC80;
	[tilespmem:v6+s7+$0x0] =	vst.idx.msk vm1, v2  }
0x1dc: {  	s9 =	simm.s32 $0x13B00;
	[tilespmem:v6+s8+$0x0] =	vst.idx.msk vm1, v3  }
0x1dd: {  	[tilespmem:v6+s9+$0x0] =	vst.idx.msk vm1, v4  }
0x1de: {  	v2 =	vld.idx.msk [tilespmem:v7+s24+$0x0], $0xffff;
	_ =	sdelay $0x1  }
0x1df: {  	v3 =	vor.u32 $0x1F20, v1;
	_ =	sdelay $0x2  }
0x1e0: {  	v2 =	vmul.f32 $1.442695020e+00, v2;
	_ =	sdelay $0x1  }
0x1e1: {  	v4 =	vld.idx.msk [tilespmem:v3+s25+$0x0], $0xffff;
	(erf) = vpow2.f32 v2  }
0x1e2: {  	v2 =	vld.idx.msk [tilespmem:v7+s25+$0x0], $0xffff;
	_ =	sdelay $0x3  }
0x1e3: {  	v3 =	vld.idx.msk [tilespmem:v3+s24+$0x0], $0xffff  }
0x1e4: {  	v2 =	vsub.f32 v2, v4;
	_ =	sdelay $0x1  }
0x1e5: {  	v6 =	vmul.f32 $5.000000000e-01, v2  }
0x1e6: {  	v7 =	vpop (erf)  }
0x1e7: {  	v3 =	vmul.f32 v2, v3;
	v4 =	vadd.f32 v6, v4;
	v2 =	vmul.f32 v2, v7;
	_ =	sdelay $0x1  }
0x1e8: {  	v3 =	vadd.f32 v4, v3;
	v2 =	vmul.f32 $5.000000000e-01, v2;
	_ =	sdelay $0x1  }
0x1e9: {  	v4 =	vsub.f32 v3, v2;
	v2 =	vadd.f32 v3, v2  }
0x1ea: {  	v3 =	vld [tilespmem:$0x5E90]  }
0x1eb: {  	v4 =	vmax.f32 v4, $0.0e+00;
	v2 =	vmax.f32 v2, $0.0e+00  }
0x1ec: {  	v4 =	vmin.f32 v4, $4.160000000e+02;
	v2 =	vmin.f32 v2, $4.160000000e+02  }
0x1ed: {  	v6 =	vsub.f32 v2, v4;
	_ =	sdelay $0x1  }
0x1ee: {  	vm0 =	vgt.f32 v3, $9.999999770e-03;
	vm2 =	vgt.f32 v6, $3.000000000e+00  }
0x1ef: {  	vm0 =	vmand vm0, vm2  }
0x1f0: {  	v6 =	vsel vm0, $0x1, v0  }
0x1f1: {  	(xrf0) =	vadd.scan.msk.s32 $0xffff, v6;
	_ =	sdelay $0x3  }
0x1f2: {  	v6 =	vmpcnt.ones.xlane vm1;
	_ =	sdelay $0x1  }
0x1f3: {  	v9 =	vadd.s32 v5, v6;
	v5, _, _ =	vpop (xrf0)  }
0x1f4: {  	v5 =	vadd.s32 v9, v5;
	_ =	sdelay $0x4  }
0x1f5: {  	s26 =	sadd.s32 $0x2EE0, s6;
	[tilespmem:v5+s7+$0x0] =	vst.idx.msk vm0, v3  }
0x1f6: {  	s14 =	simm.s32 $0x0;
	s28 =	sshrl.u32 s26, $0x3;
	[tilespmem:v5+s8+$0x0] =	vst.idx.msk vm0, v4  }
0x1f7: {  	s15 =	simm.s32 $0x4F00;
	s12 =	sshrl.u32 s26, $0x2;
	s13 =	sadd.s32 s5, s28;
	[tilespmem:v5+s9+$0x0] =	vst.idx.msk vm0, v2  }
0x1f8: {  	[tilespmem:s15], [sflag:$0x2] =	stream.linear.gather [hbm4b:s13+s14], $0xFA0, $0x38;
	[tilespmem:$0x18A00] =	vst v63  }
0x1f9: {  	s29 =	sadd.s32 s3, s12  }
0x1fa: {  	[tilespmem:s24], [sflag:$0x2] =	stream.linear.gather [hbm4b:s29+s14], $0x1F40, $0x38;
	[tilespmem:$0x18A00] =	vst v63  }
0x1fb: {  	s31 =	simm.s32 $0x1;
	s30 =	sadd.s32 s4, s12  }
0x1fc: {  	[tilespmem:s25], [sflag:$0x2] =	stream.linear.gather [hbm4b:s30+s14], $0x1F40, $0x38;
	[tilespmem:$0x18A00] =	vst v63  }
0x1fd: {  	_ =	swait.ge [sflag:s31], $0xFA0  }
0x1fe: {  	[sflag:s31] =	ssyncset.done $0x0  }
0x1ff: {  	[sflag:s31] =	ssyncadd.s32 $0xFFFFF060  }
0x200: {  	v2 =	vor.u32 $0x21, v1;
	_ =	swait.ge [sflag:s31], $0x1F40  }
0x201: {  	v3 =	vor.u32 $0x1, v1;
	v8 =	vor.u32 s14, v2;
	[sflag:s31] =	ssyncset.done $0x0  }
0x202: {  	v10 =	vor.u32 s14, v3;
	v4 =	vor.u32 $0x41, v1;
	[sflag:s31] =	ssyncadd.s32 $0xFFFFE0C0  }
0x203: {  	v11 =	vor.u32 s14, v4;
	_ =	swait.ge [sflag:s31], $0x1F40  }
0x204: {  	v12 =	vor.u32 s14, v1;
	[sflag:s31] =	ssyncset.done $0x0  }
0x205: {  	s10 =	simm.s32 $0x1000;
	v5 =	vor.u32 $0x61, v1;
	[sflag:s31] =	ssyncadd.s32 $0xFFFFE0C0  }
0x206: {  	v14 =	vor.u32 s14, v5;
	v13 =	vld.idx.msk [tilespmem:v8+s10+$0x0], $0xffff  }
0x207: {  	v6 =	vor.u32 $0x20, v1;
	v15 =	vld.idx.msk [tilespmem:v10+s10+$0x0], $0xffff  }
0x208: {  	s11 =	simm.s32 $0x2F80;
	v16 =	vor.u32 s14, v6;
	v17 =	vld.idx.msk [tilespmem:v11+s10+$0x0], $0xffff  }
0x209: {  	v18 =	vld.idx.msk [tilespmem:v12+s11+$0x0], $0xffff  }
0x20a: {  	v10 =	vld.idx.msk [tilespmem:v10+s11+$0x0], $0xffff  }
0x20b: {  	v7 =	vor.u32 $0x40, v1;
	v20 =	vld.idx.msk [tilespmem:v14+s10+$0x0], $0xffff;
	v13 =	vmul.f32 $1.442695020e+00, v13  }
0x20c: {  	v19 =	vor.u32 s14, v7;
	v21 =	vld.idx.msk [tilespmem:v8+s11+$0x0], $0xffff;
	v15 =	vmul.f32 $1.442695020e+00, v15  }
0x20d: {  	v22 =	vld.idx.msk [tilespmem:v16+s11+$0x0], $0xffff;
	(erf) = vpow2.f32 v13  }
0x20e: {  	v12 =	vld.idx.msk [tilespmem:v12+s10+$0x0], $0xffff;
	v8 =	vor.u32 $0x60, v1;
	(erf) = vpow2.f32 v15  }
0x20f: {  	v11 =	vld.idx.msk [tilespmem:v11+s11+$0x0], $0xffff;
	v13 =	vor.u32 s14, v8  }
0x210: {  	v16 =	vld.idx.msk [tilespmem:v16+s10+$0x0], $0xffff;
	v15 =	vmul.f32 $1.442695020e+00, v17  }
0x211: {  	v10 =	vsub.f32 v10, v18;
	v17 =	vld.idx.msk [tilespmem:v19+s11+$0x0], $0xffff  }
0x212: {  	v14 =	vld.idx.msk [tilespmem:v14+s11+$0x0], $0xffff;
	(erf) = vpow2.f32 v15  }
0x213: {  	v23 =	vmul.f32 $5.000000000e-01, v10;
	v15 =	vld.idx.msk [tilespmem:v19+s10+$0x0], $0xffff  }
0x214: {  	v19 =	vmul.f32 $1.442695020e+00, v20;
	v20 =	vsub.f32 v21, v22;
	v21 =	vld.idx.msk [tilespmem:v13+s11+$0x0], $0xffff  }
0x215: {  	v12 =	vmul.f32 v10, v12;
	v18 =	vadd.f32 v23, v18  }
0x216: {  	(erf) = vpow2.f32 v19;
	v19 =	vmul.f32 $5.000000000e-01, v20;
	v11 =	vsub.f32 v11, v17;
	v24 =	vpop (erf)  }
0x217: {  	v12 =	vadd.f32 v18, v12;
	v23 =	vpop (erf)  }
0x218: {  	v13 =	vld.idx.msk [tilespmem:v13+s10+$0x0], $0xffff;
	v19 =	vadd.f32 v19, v22;
	v22 =	vmul.f32 $5.000000000e-01, v11;
	v10 =	vmul.f32 v10, v23  }
0x219: {  	s12 =	simm.s32 $0x20;
	v16 =	vmul.f32 v20, v16;
	v20 =	vmul.f32 v20, v24;
	v14 =	vsub.f32 v14, v21  }
0x21a: {  	v15 =	vmul.f32 v11, v15;
	v17 =	vadd.f32 v22, v17;
	v22 =	vld [tilespmem:s12+$0xFFFFFFE0];
	v10 =	vmul.f32 $5.000000000e-01, v10  }
0x21b: {  	v16 =	vadd.f32 v19, v16;
	v18 =	vpop (erf);
	v19 =	vmul.f32 $5.000000000e-01, v20;
	v20 =	vmul.f32 $5.000000000e-01, v14  }
0x21c: {  	v15 =	vadd.f32 v17, v15;
	v11 =	vmul.f32 v11, v18;
	v18 =	vadd.f32 v12, v10  }
0x21d: {  	v13 =	vmul.f32 v14, v13;
	v17 =	vadd.f32 v20, v21;
	v10 =	vsub.f32 v12, v10  }
0x21e: {  	v12 =	vsub.f32 v16, v19;
	v16 =	vadd.f32 v16, v19;
	v18 =	vmax.f32 v18, $0.0e+00  }
0x21f: {  	vm2 =	vgt.f32 v22, $9.999999770e-03;
	v10 =	vmax.f32 v10, $0.0e+00;
	v19 =	vmin.f32 v18, $4.160000000e+02  }
0x220: {  	v20 =	vmin.f32 v10, $4.160000000e+02;
	v10 =	vmax.f32 v12, $0.0e+00;
	v12 =	vmul.f32 $5.000000000e-01, v11  }
0x221: {  	v17 =	vadd.f32 v17, v13;
	v11 =	vmax.f32 v16, $0.0e+00;
	v18 =	vsub.f32 v19, v20  }
0x222: {  	v10 =	vmin.f32 v10, $4.160000000e+02;
	v11 =	vmin.f32 v11, $4.160000000e+02;
	v16 =	vsub.f32 v15, v12  }
0x223: {  	v21 =	vld [tilespmem:s12+$0xFFFFFFF0];
	v13 =	vpop (erf);
	v15 =	vadd.f32 v15, v12;
	vm1 =	vgt.f32 v18, $3.000000000e+00;
	v18 =	vsub.f32 v11, v10  }
0x224: {  	v13 =	vmul.f32 v14, v13;
	vm3 =	vmand vm2, vm1;
	v16 =	vmax.f32 v16, $0.0e+00  }
0x225: {  	v12 =	vld [tilespmem:s12+$0x0];
	v15 =	vmax.f32 v15, $0.0e+00;
	v14 =	vsel vm3, $0x1, v0;
	vm1 =	vgt.f32 v18, $3.000000000e+00  }
0x226: {  	v18 =	vmul.f32 $5.000000000e-01, v13;
	v13 =	vmin.f32 v15, $4.160000000e+02;
	(xrf0) =	vadd.scan.msk.s32 $0xffff, v14;
	v14 =	vmin.f32 v16, $4.160000000e+02  }
0x227: {  	v23 =	vsub.f32 v13, v14  }
0x228: {  	vm2 =	vgt.f32 v21, $9.999999770e-03;
	v61 =	vsub.f32 v17, v18;
	v17 =	vadd.f32 v17, v18  }
0x229: {  	vm1 =	vmand vm2, vm1;
	v16 =	vmpcnt.ones.xlane vm0  }
0x22a: {  	v15 =	vsel vm1, $0x1, v0;
	vm0 =	vgt.f32 v12, $9.999999770e-03;
	vm2 =	vgt.f32 v23, $3.000000000e+00  }
0x22b: {  	(xrf0) =	vadd.scan.msk.s32 $0xffff, v15;
	v9 =	vadd.s32 v9, v16;
	v15 =	vld [tilespmem:s12+$0x10];
	vm0 =	vmand vm0, vm2  }
0x22c: {  	v16 =	vmax.f32 v61, $0.0e+00;
	v18 =	vmax.f32 v17, $0.0e+00;
	v23 =	vsel vm0, $0x1, v0;
	v17, _, _ =	vpop (xrf0)  }
0x22d: {  	(xrf0) =	vadd.scan.msk.s32 $0xffff, v23;
	v25 =	vadd.s32 v9, v17;
	v17 =	vmin.f32 v16, $4.160000000e+02;
	v16 =	vmin.f32 v18, $4.160000000e+02  }
0x22e: {  	v23 =	vsub.f32 v16, v17  }
0x22f: {  	v62 =	vmpcnt.ones.xlane vm3  }
0x230: {  	vm15 =	vgt.f32 v15, $9.999999770e-03;
	vm2 =	vgt.f32 v23, $3.000000000e+00;
	v23 =	vmpcnt.ones.xlane vm1  }
0x231: {  	v9 =	vadd.s32 v9, v62;
	v18, _, _ =	vpop (xrf0);
	vm2 =	vmand vm15, vm2  }
0x232: {  	v18 =	vadd.s32 v9, v18;
	v9 =	vadd.s32 v23, v9;
	v23 =	vsel vm2, $0x1, v0  }
0x233: {  	v26, _, _ =	vpop (xrf0);
	(xrf0) =	vadd.scan.msk.s32 $0xffff, v23  }
0x234: {  	v63 =	vmpcnt.ones.xlane vm0;
	[tilespmem:v25+s7+$0x0] =	vst.idx.msk vm3, v22  }
0x235: {  	v22 =	vmpcnt.ones.xlane vm2;
	[tilespmem:v25+s8+$0x0] =	vst.idx.msk vm3, v20  }
0x236: {  	v20 =	vadd.s32 v63, v9;
	[tilespmem:v25+s9+$0x0] =	vst.idx.msk vm3, v19  }
0x237: {  	s13 =	simm.s32 $0x80;
	s14 =	simm.s32 $0x100;
	v19 =	vadd.s32 v9, v26;
	v9 =	vadd.s32 v22, v20;
	[tilespmem:v18+s7+$0x0] =	vst.idx.msk vm1, v21  }
.LBB2_5:
0x238: {  	p0 =	sne.s32 s14, $0x1E80  }
0x239: {  	v21 =	vor.u32 s13, v3;
	s12 =	sadd.s32 $0x40, s12;
	v22, _, _ =	vpop (xrf0);
	s15 =	smov.u32 s14;
	s14 =	sadd.s32 $0x80, s14  }
0x23a: {  	v20 =	vadd.s32 v20, v22;
	[tilespmem:v18+s8+$0x0] =	vst.idx.msk vm1, v10  }
0x23b: {  	[tilespmem:v18+s9+$0x0] =	vst.idx.msk vm1, v11  }
0x23c: {  	[tilespmem:v19+s7+$0x0] =	vst.idx.msk vm0, v12  }
0x23d: {  	v10 =	vor.u32 s13, v2;
	[tilespmem:v19+s8+$0x0] =	vst.idx.msk vm0, v14  }
0x23e: {  	[tilespmem:v19+s9+$0x0] =	vst.idx.msk vm0, v13  }
0x23f: {  	v11 =	vor.u32 s13, v4;
	[tilespmem:v20+s7+$0x0] =	vst.idx.msk vm2, v15  }
0x240: {  	v12 =	vor.u32 s13, v1;
	[tilespmem:v20+s8+$0x0] =	vst.idx.msk vm2, v17  }
0x241: {  	[tilespmem:v20+s9+$0x0] =	vst.idx.msk vm2, v16  }
0x242: {  	v14 =	vor.u32 s13, v5;
	v13 =	vld.idx.msk [tilespmem:v10+s10+$0x0], $0xffff  }
0x243: {  	v15 =	vld.idx.msk [tilespmem:v21+s10+$0x0], $0xffff  }
0x244: {  	v16 =	vor.u32 s13, v6;
	v17 =	vld.idx.msk [tilespmem:v11+s10+$0x0], $0xffff  }
0x245: {  	v18 =	vld.idx.msk [tilespmem:v12+s11+$0x0], $0xffff  }
0x246: {  	v19 =	vld.idx.msk [tilespmem:v21+s11+$0x0], $0xffff  }
0x247: {  	v20 =	vor.u32 s13, v7;
	v21 =	vld.idx.msk [tilespmem:v14+s10+$0x0], $0xffff  }
0x248: {  	v13 =	vmul.f32 $1.442695020e+00, v13;
	v10 =	vld.idx.msk [tilespmem:v10+s11+$0x0], $0xffff  }
0x249: {  	v15 =	vmul.f32 $1.442695020e+00, v15;
	v22 =	vld.idx.msk [tilespmem:v16+s11+$0x0], $0xffff  }
0x24a: {  	v17 =	vmul.f32 $1.442695020e+00, v17;
	v12 =	vld.idx.msk [tilespmem:v12+s10+$0x0], $0xffff;
	(erf) = vpow2.f32 v13  }
0x24b: {  	v13 =	vor.u32 s13, v8;
	s13 =	smov.u32 s15;
	v11 =	vld.idx.msk [tilespmem:v11+s11+$0x0], $0xffff;
	(erf) = vpow2.f32 v15  }
0x24c: {  	v19 =	vsub.f32 v19, v18;
	v15 =	vld.idx.msk [tilespmem:v20+s11+$0x0], $0xffff;
	(erf) = vpow2.f32 v17  }
0x24d: {  	v17 =	vmul.f32 $1.442695020e+00, v21;
	v16 =	vld.idx.msk [tilespmem:v16+s10+$0x0], $0xffff  }
0x24e: {  	v21 =	vmul.f32 $5.000000000e-01, v19;
	v14 =	vld.idx.msk [tilespmem:v14+s11+$0x0], $0xffff  }
0x24f: {  	v10 =	vsub.f32 v10, v22;
	v20 =	vld.idx.msk [tilespmem:v20+s10+$0x0], $0xffff;
	(erf) = vpow2.f32 v17  }
0x250: {  	v18 =	vadd.f32 v21, v18;
	v12 =	vmul.f32 v19, v12;
	v17 =	vld.idx.msk [tilespmem:v13+s11+$0x0], $0xffff  }
0x251: {  	v21 =	vmul.f32 $5.000000000e-01, v10  }
0x252: {  	v11 =	vsub.f32 v11, v15  }
0x253: {  	v21 =	vadd.f32 v21, v22;
	v16 =	vmul.f32 v10, v16;
	v13 =	vld.idx.msk [tilespmem:v13+s10+$0x0], $0xffff;
	v22 =	vpop (erf)  }
0x254: {  	v23 =	vmul.f32 $5.000000000e-01, v11;
	v10 =	vmul.f32 v10, v22;
	v22 =	vpop (erf)  }
0x255: {  	v20 =	vmul.f32 v11, v20;
	v19 =	vmul.f32 v19, v22;
	v22 =	vpop (erf)  }
0x256: {  	v16 =	vadd.f32 v21, v16;
	v14 =	vsub.f32 v14, v17;
	v10 =	vmul.f32 $5.000000000e-01, v10  }
0x257: {  	v12 =	vadd.f32 v18, v12;
	v15 =	vadd.f32 v23, v15;
	v18 =	vmul.f32 $5.000000000e-01, v19  }
0x258: {  	v11 =	vmul.f32 v11, v22;
	v19 =	vmul.f32 $5.000000000e-01, v14;
	v21 =	vsub.f32 v16, v10;
	v22 =	vpop (erf)  }
0x259: {  	v15 =	vadd.f32 v15, v20;
	v13 =	vmul.f32 v14, v13;
	v20 =	vadd.f32 v12, v18  }
0x25a: {  	v17 =	vadd.f32 v19, v17;
	v12 =	vsub.f32 v12, v18;
	v18 =	vmax.f32 v21, $0.0e+00  }
0x25b: {  	v11 =	vmul.f32 $5.000000000e-01, v11;
	v10 =	vadd.f32 v16, v10;
	v19 =	vld [tilespmem:s12+$0xFFFFFFE0];
	v20 =	vmax.f32 v20, $0.0e+00  }
0x25c: {  	v13 =	vadd.f32 v17, v13;
	v12 =	vmax.f32 v12, $0.0e+00;
	v21 =	vmin.f32 v20, $4.160000000e+02  }
0x25d: {  	v16 =	vmax.f32 v10, $0.0e+00;
	v20 =	vmin.f32 v12, $4.160000000e+02;
	v12 =	vsub.f32 v15, v11;
	v23 =	vld [tilespmem:s12+$0xFFFFFFF0]  }
0x25e: {  	v15 =	vadd.f32 v15, v11;
	v17 =	vsub.f32 v21, v20  }
0x25f: {  	v10 =	vmin.f32 v18, $4.160000000e+02;
	v11 =	vmin.f32 v16, $4.160000000e+02;
	v18 =	vmax.f32 v12, $0.0e+00  }
0x260: {  	v12 =	vmul.f32 v14, v22;
	v14 =	vsub.f32 v11, v10;
	vm0 =	vgt.f32 v17, $3.000000000e+00  }
0x261: {  	v15 =	vmax.f32 v15, $0.0e+00;
	vm1 =	vgt.f32 v19, $9.999999770e-03  }
0x262: {  	v16 =	vmul.f32 $5.000000000e-01, v12;
	vm3 =	vmand vm1, vm0;
	vm0 =	vgt.f32 v14, $3.000000000e+00  }
0x263: {  	vm1 =	vgt.f32 v23, $9.999999770e-03;
	v14 =	vsel vm3, $0x1, v0;
	v12 =	vld [tilespmem:s12+$0x0]  }
0x264: {  	v17 =	vsub.f32 v13, v16;
	v16 =	vadd.f32 v13, v16;
	vm1 =	vmand vm1, vm0;
	(xrf0) =	vadd.scan.msk.s32 $0xffff, v14  }
0x265: {  	v13 =	vmin.f32 v15, $4.160000000e+02;
	v14 =	vmin.f32 v18, $4.160000000e+02;
	v18 =	vsel vm1, $0x1, v0  }
0x266: {  	v17 =	vmax.f32 v17, $0.0e+00;
	v16 =	vmax.f32 v16, $0.0e+00;
	v22 =	vsub.f32 v13, v14;
	v15 =	vld [tilespmem:s12+$0x10]  }
0x267: {  	v17 =	vmin.f32 v17, $4.160000000e+02;
	v16 =	vmin.f32 v16, $4.160000000e+02;
	(xrf0) =	vadd.scan.msk.s32 $0xffff, v18  }
0x268: {  	vm2 =	vgt.f32 v22, $3.000000000e+00;
	v18 =	vsub.f32 v16, v17;
	vm0 =	vgt.f32 v12, $9.999999770e-03  }
0x269: {  	vm0 =	vmand vm0, vm2  }
0x26a: {  	v22 =	vmpcnt.ones.xlane vm3;
	vm2 =	vgt.f32 v18, $3.000000000e+00;
	v18 =	vsel vm0, $0x1, v0;
	v24, _, _ =	vpop (xrf0)  }
0x26b: {  	v25 =	vmpcnt.ones.xlane vm0;
	vm4 =	vgt.f32 v15, $9.999999770e-03;
	v24 =	vadd.s32 v9, v24;
	(xrf0) =	vadd.scan.msk.s32 $0xffff, v18  }
0x26c: {  	vm2 =	vmand vm4, vm2  }
0x26d: {  	v9 =	vadd.s32 v9, v22;
	v26 =	vsel vm2, $0x1, v0;
	v18, _, _ =	vpop (xrf0)  }
0x26e: {  	v22 =	vmpcnt.ones.xlane vm2;
	v18 =	vadd.s32 v9, v18;
	(xrf0) =	vadd.scan.msk.s32 $0xffff, v26  }
.Ltmp2:
0x26f: {  	v26 =	vmpcnt.ones.xlane vm1;
	(pc) =	sbr.rel @p0 .LBB2_5-.Ltmp2, $4  }
0x270: {  	[tilespmem:v24+s7+$0x0] =	vst.idx.msk vm3, v19  }
0x271: {  	v9 =	vadd.s32 v26, v9;
	[tilespmem:v24+s8+$0x0] =	vst.idx.msk vm3, v20;
	v19, _, _ =	vpop (xrf0)  }
0x272: {  	v20 =	vadd.s32 v25, v9;
	v19 =	vadd.s32 v9, v19;
	[tilespmem:v24+s9+$0x0] =	vst.idx.msk vm3, v21  }
0x273: {  	v9 =	vadd.s32 v22, v20;
	[tilespmem:v18+s7+$0x0] =	vst.idx.msk vm1, v23  }
0x274: {  	_ =	sdelay $0x3  }
0x275: {  	v21, _, _ =	vpop (xrf0)  }
0x276: {  	[tilespmem:v18+s8+$0x0] =	vst.idx.msk vm1, v10;
	v20 =	vadd.s32 v20, v21  }
0x277: {  	[tilespmem:v18+s9+$0x0] =	vst.idx.msk vm1, v11  }
0x278: {  	[tilespmem:v19+s7+$0x0] =	vst.idx.msk vm0, v12  }
0x279: {  	v2 =	vor.u32 s13, v2;
	[tilespmem:v19+s8+$0x0] =	vst.idx.msk vm0, v14  }
0x27a: {  	v3 =	vor.u32 s13, v3;
	[tilespmem:v19+s9+$0x0] =	vst.idx.msk vm0, v13  }
0x27b: {  	v4 =	vor.u32 s13, v4;
	[tilespmem:v20+s7+$0x0] =	vst.idx.msk vm2, v15  }
0x27c: {  	v1 =	vor.u32 s13, v1;
	[tilespmem:v20+s8+$0x0] =	vst.idx.msk vm2, v17  }
0x27d: {  	[tilespmem:v20+s9+$0x0] =	vst.idx.msk vm2, v16  }
0x27e: {  	v5 =	vor.u32 s13, v5;
	v10 =	vld.idx.msk [tilespmem:v2+s10+$0x0], $0xffff  }
0x27f: {  	v11 =	vld.idx.msk [tilespmem:v3+s10+$0x0], $0xffff  }
0x280: {  	v6 =	vor.u32 s13, v6;
	v12 =	vld.idx.msk [tilespmem:v4+s10+$0x0], $0xffff  }
0x281: {  	v13 =	vld.idx.msk [tilespmem:v1+s11+$0x0], $0xffff  }
0x282: {  	v3 =	vld.idx.msk [tilespmem:v3+s11+$0x0], $0xffff  }
0x283: {  	v14 =	vld.idx.msk [tilespmem:v5+s10+$0x0], $0xffff  }
0x284: {  	v8 =	vor.u32 s13, v8;
	v2 =	vld.idx.msk [tilespmem:v2+s11+$0x0], $0xffff  }
0x285: {  	v7 =	vor.u32 s13, v7;
	v15 =	vld.idx.msk [tilespmem:v6+s11+$0x0], $0xffff;
	v10 =	vmul.f32 $1.442695020e+00, v10  }
0x286: {  	v1 =	vld.idx.msk [tilespmem:v1+s10+$0x0], $0xffff;
	v11 =	vmul.f32 $1.442695020e+00, v11  }
0x287: {  	v4 =	vld.idx.msk [tilespmem:v4+s11+$0x0], $0xffff;
	(erf) = vpow2.f32 v10  }
0x288: {  	v5 =	vld.idx.msk [tilespmem:v5+s11+$0x0], $0xffff;
	v10 =	vmul.f32 $1.442695020e+00, v12;
	(erf) = vpow2.f32 v11  }
0x289: {  	v12 =	vld.idx.msk [tilespmem:v8+s11+$0x0], $0xffff  }
0x28a: {  	v3 =	vsub.f32 v3, v13;
	v11 =	vld.idx.msk [tilespmem:v7+s11+$0x0], $0xffff;
	(erf) = vpow2.f32 v10  }
0x28b: {  	v6 =	vld.idx.msk [tilespmem:v6+s10+$0x0], $0xffff  }
0x28c: {  	v10 =	vmul.f32 $1.442695020e+00, v14;
	v14 =	vmul.f32 $5.000000000e-01, v3  }
0x28d: {  	v2 =	vsub.f32 v2, v15;
	v7 =	vld.idx.msk [tilespmem:v7+s10+$0x0], $0xffff  }
0x28e: {  	v1 =	vmul.f32 v3, v1;
	v13 =	vadd.f32 v14, v13;
	v5 =	vsub.f32 v5, v12  }
0x28f: {  	(erf) = vpow2.f32 v10;
	v10 =	vmul.f32 $5.000000000e-01, v2;
	v4 =	vsub.f32 v4, v11  }
0x290: {  	v6 =	vmul.f32 v2, v6;
	v8 =	vld.idx.msk [tilespmem:v8+s10+$0x0], $0xffff;
	v1 =	vadd.f32 v13, v1;
	v13 =	vmul.f32 $5.000000000e-01, v5;
	v14 =	vpop (erf)  }
0x291: {  	v10 =	vadd.f32 v10, v15;
	v15 =	vmul.f32 $5.000000000e-01, v4;
	v2 =	vmul.f32 v2, v14;
	v14 =	vpop (erf)  }
0x292: {  	v7 =	vmul.f32 v4, v7;
	v3 =	vmul.f32 v3, v14  }
0x293: {  	v6 =	vadd.f32 v10, v6;
	v10 =	vadd.f32 v15, v11;
	v11 =	vpop (erf);
	v2 =	vmul.f32 $5.000000000e-01, v2  }
0x294: {  	v4 =	vmul.f32 v4, v11;
	v3 =	vmul.f32 $5.000000000e-01, v3  }
0x295: {  	v8 =	vmul.f32 v5, v8;
	v7 =	vadd.f32 v10, v7;
	v11 =	vsub.f32 v6, v2  }
0x296: {  	v4 =	vmul.f32 $5.000000000e-01, v4;
	v2 =	vadd.f32 v6, v2;
	v10 =	vadd.f32 v1, v3  }
0x297: {  	s24 =	sadd.s32 $0x40, s12;
	v1 =	vsub.f32 v1, v3;
	v3 =	vadd.f32 v13, v12  }
0x298: {  	v12 =	vld [tilespmem:s24+$0xFFFFFFE0];
	v11 =	vmax.f32 v11, $0.0e+00;
	v13 =	vsub.f32 v7, v4;
	v2 =	vmax.f32 v2, $0.0e+00  }
0x299: {  	v10 =	vmax.f32 v10, $0.0e+00;
	v1 =	vmax.f32 v1, $0.0e+00;
	v3 =	vadd.f32 v3, v8  }
0x29a: {  	v8 =	vpop (erf);
	v11 =	vmin.f32 v11, $4.160000000e+02;
	v6 =	vmin.f32 v10, $4.160000000e+02;
	v1 =	vmin.f32 v1, $4.160000000e+02  }
0x29b: {  	v2 =	vmin.f32 v2, $4.160000000e+02;
	v5 =	vmul.f32 v5, v8;
	v14 =	vsub.f32 v6, v1  }
0x29c: {  	v4 =	vadd.f32 v7, v4;
	v8 =	vsub.f32 v2, v11  }
0x29d: {  	v10 =	vld [tilespmem:s24+$0xFFFFFFF0];
	vm1 =	vgt.f32 v12, $9.999999770e-03;
	v5 =	vmul.f32 $5.000000000e-01, v5;
	vm0 =	vgt.f32 v14, $3.000000000e+00  }
0x29e: {  	v7 =	vmax.f32 v13, $0.0e+00;
	v4 =	vmax.f32 v4, $0.0e+00;
	vm1 =	vmand vm1, vm0  }
0x29f: {  	vm0 =	vgt.f32 v8, $3.000000000e+00;
	v8 =	vld [tilespmem:s24+$0x0];
	v14 =	vsub.f32 v3, v5;
	v3 =	vadd.f32 v3, v5  }
0x2a0: {  	v4 =	vmin.f32 v4, $4.160000000e+02;
	v5 =	vmin.f32 v7, $4.160000000e+02;
	v13 =	vsel vm1, $0x1, v0  }
0x2a1: {  	(xrf0) =	vadd.scan.msk.s32 $0xffff, v13;
	v13 =	vmax.f32 v14, $0.0e+00;
	v14 =	vsub.f32 v4, v5;
	v3 =	vmax.f32 v3, $0.0e+00  }
0x2a2: {  	vm2 =	vgt.f32 v10, $9.999999770e-03;
	v13 =	vmin.f32 v13, $4.160000000e+02;
	v3 =	vmin.f32 v3, $4.160000000e+02  }
0x2a3: {  	v7 =	vld [tilespmem:s24+$0x10];
	vm2 =	vmand vm2, vm0;
	vm3 =	vgt.f32 v14, $3.000000000e+00;
	v14 =	vsub.f32 v3, v13  }
0x2a4: {  	v15 =	vsel vm2, $0x1, v0;
	vm0 =	vgt.f32 v8, $9.999999770e-03  }
0x2a5: {  	(xrf0) =	vadd.scan.msk.s32 $0xffff, v15;
	vm3 =	vmand vm0, vm3  }
0x2a6: {  	v15 =	vsel vm3, $0x1, v0  }
0x2a7: {  	vm0 =	vgt.f32 v14, $3.000000000e+00;
	v14, _, _ =	vpop (xrf0);
	(xrf0) =	vadd.scan.msk.s32 $0xffff, v15;
	v15 =	vmpcnt.ones.xlane vm1  }
0x2a8: {  	vm4 =	vgt.f32 v7, $9.999999770e-03  }
0x2a9: {  	vm0 =	vmand vm4, vm0;
	v14 =	vadd.s32 v9, v14  }
0x2aa: {  	v0 =	vsel vm0, $0x1, v0  }
0x2ab: {  	v9 =	vadd.s32 v9, v15;
	v15, _, _ =	vpop (xrf0);
	(xrf0) =	vadd.scan.msk.s32 $0xffff, v0  }
0x2ac: {  	v0 =	vadd.s32 v9, v15;
	v15 =	vmpcnt.ones.xlane vm2;
	_ =	sdelay $0x1  }
0x2ad: {  	[tilespmem:v14+s7+$0x0] =	vst.idx.msk vm1, v12;
	v12, _, _ =	vpop (xrf0);
	v9 =	vadd.s32 v15, v9  }
0x2ae: {  	v15 =	vmpcnt.ones.xlane vm3;
	[tilespmem:v14+s8+$0x0] =	vst.idx.msk vm1, v1;
	v12 =	vadd.s32 v9, v12  }
0x2af: {  	[tilespmem:v14+s9+$0x0] =	vst.idx.msk vm1, v6  }
0x2b0: {  	v6 =	vadd.s32 v15, v9;
	[tilespmem:v0+s7+$0x0] =	vst.idx.msk vm2, v10;
	v1, _, _ =	vpop (xrf0)  }
0x2b1: {  	v9 =	vadd.s32 v6, v1;
	[tilespmem:v0+s8+$0x0] =	vst.idx.msk vm2, v11;
	v1 =	vlaneseq.u32  }
0x2b2: {  	[tilespmem:v0+s9+$0x0] =	vst.idx.msk vm2, v2;
	v1 =	vmul.u32 $0x2, v1  }
0x2b3: {  	[tilespmem:v12+s7+$0x0] =	vst.idx.msk vm3, v8  }
0x2b4: {  	[tilespmem:v12+s8+$0x0] =	vst.idx.msk vm3, v5;
	v0 =	vor.u32 $0x1F01, v1  }
0x2b5: {  	[tilespmem:v12+s9+$0x0] =	vst.idx.msk vm3, v4  }
0x2b6: {  	[tilespmem:v9+s7+$0x0] =	vst.idx.msk vm0, v7  }
0x2b7: {  	[tilespmem:v9+s8+$0x0] =	vst.idx.msk vm0, v13  }
0x2b8: {  	s25 =	simm.s32 $0x1000;
	[tilespmem:v9+s9+$0x0] =	vst.idx.msk vm0, v3  }
0x2b9: {  	v2 =	vld.idx.msk [tilespmem:v0+s25+$0x0], $0xffff;
	_ =	sdelay $0x2  }
0x2ba: {  	v3 =	vor.u32 $0x1F00, v1;
	_ =	sdelay $0x1  }
0x2bb: {  	v2 =	vmul.f32 $1.442695020e+00, v2  }
0x2bc: {  	s26 =	simm.s32 $0x2F80  }
0x2bd: {  	v0 =	vld.idx.msk [tilespmem:v0+s26+$0x0], $0xffff;
	(erf) = vpow2.f32 v2  }
0x2be: {  	v4 =	vld.idx.msk [tilespmem:v3+s26+$0x0], $0xffff;
	_ =	sdelay $0x3  }
0x2bf: {  	v2 =	vld.idx.msk [tilespmem:v3+s25+$0x0], $0xffff  }
0x2c0: {  	v0 =	vsub.f32 v0, v4;
	_ =	sdelay $0x1  }
0x2c1: {  	v3 =	vmul.f32 $5.000000000e-01, v0  }
0x2c2: {  	v5 =	vpop (erf)  }
0x2c3: {  	v2 =	vmul.f32 v0, v2;
	v3 =	vadd.f32 v3, v4;
	v0 =	vmul.f32 v0, v5;
	_ =	sdelay $0x1  }
0x2c4: {  	v2 =	vadd.f32 v3, v2;
	v0 =	vmul.f32 $5.000000000e-01, v0;
	_ =	sdelay $0x1  }
0x2c5: {  	v3 =	vsub.f32 v2, v0;
	v0 =	vadd.f32 v2, v0  }
0x2c6: {  	v2 =	vld [tilespmem:$0xF80]  }
0x2c7: {  	v3 =	vmax.f32 v3, $0.0e+00;
	v0 =	vmax.f32 v0, $0.0e+00  }
0x2c8: {  	v3 =	vmin.f32 v3, $4.160000000e+02;
	v4 =	vmin.f32 v0, $4.160000000e+02  }
0x2c9: {  	v0 =	vsub.f32 v4, v3;
	_ =	sdelay $0x1  }
0x2ca: {  	vm1 =	vgt.f32 v2, $9.999999770e-03;
	vm2 =	vgt.f32 v0, $3.000000000e+00  }
0x2cb: {  	v0 =	vimm.s32 $0x0;
	vm1 =	vmand vm1, vm2  }
0x2cc: {  	v5 =	vsel vm1, $0x1, v0  }
0x2cd: {  	(xrf0) =	vadd.scan.msk.s32 $0xffff, v5;
	_ =	sdelay $0x3  }
0x2ce: {  	v5 =	vmpcnt.ones.xlane vm0;
	_ =	sdelay $0x1  }
0x2cf: {  	v5 =	vadd.s32 v5, v6;
	v6, _, _ =	vpop (xrf0)  }
0x2d0: {  	v6 =	vadd.s32 v5, v6;
	_ =	sdelay $0x2  }
0x2d1: {  	v7 =	vor.u32 $0x1F21, v1  }
0x2d2: {  	s7 =	simm.s32 $0x9E00  }
0x2d3: {  	s8 =	simm.s32 $0xEC80;
	[tilespmem:v6+s7+$0x0] =	vst.idx.msk vm1, v2  }
0x2d4: {  	s9 =	simm.s32 $0x13B00;
	[tilespmem:v6+s8+$0x0] =	vst.idx.msk vm1, v3  }
0x2d5: {  	[tilespmem:v6+s9+$0x0] =	vst.idx.msk vm1, v4  }
0x2d6: {  	v2 =	vld.idx.msk [tilespmem:v7+s25+$0x0], $0xffff;
	_ =	sdelay $0x1  }
0x2d7: {  	v3 =	vor.u32 $0x1F20, v1;
	_ =	sdelay $0x2  }
0x2d8: {  	v2 =	vmul.f32 $1.442695020e+00, v2;
	_ =	sdelay $0x1  }
0x2d9: {  	v4 =	vld.idx.msk [tilespmem:v3+s26+$0x0], $0xffff;
	(erf) = vpow2.f32 v2  }
0x2da: {  	v2 =	vld.idx.msk [tilespmem:v7+s26+$0x0], $0xffff;
	_ =	sdelay $0x3  }
0x2db: {  	v3 =	vld.idx.msk [tilespmem:v3+s25+$0x0], $0xffff  }
0x2dc: {  	v2 =	vsub.f32 v2, v4;
	_ =	sdelay $0x1  }
0x2dd: {  	v6 =	vmul.f32 $5.000000000e-01, v2  }
0x2de: {  	v7 =	vpop (erf)  }
0x2df: {  	v3 =	vmul.f32 v2, v3;
	v4 =	vadd.f32 v6, v4;
	v2 =	vmul.f32 v2, v7;
	_ =	sdelay $0x1  }
0x2e0: {  	v3 =	vadd.f32 v4, v3;
	v2 =	vmul.f32 $5.000000000e-01, v2;
	_ =	sdelay $0x1  }
0x2e1: {  	v4 =	vsub.f32 v3, v2;
	v2 =	vadd.f32 v3, v2  }
0x2e2: {  	v3 =	vld [tilespmem:$0xF90]  }
0x2e3: {  	v4 =	vmax.f32 v4, $0.0e+00;
	v2 =	vmax.f32 v2, $0.0e+00  }
0x2e4: {  	v4 =	vmin.f32 v4, $4.160000000e+02;
	v2 =	vmin.f32 v2, $4.160000000e+02  }
0x2e5: {  	v6 =	vsub.f32 v2, v4;
	_ =	sdelay $0x1  }
0x2e6: {  	vm0 =	vgt.f32 v3, $9.999999770e-03;
	vm2 =	vgt.f32 v6, $3.000000000e+00  }
0x2e7: {  	vm0 =	vmand vm0, vm2  }
0x2e8: {  	v6 =	vsel vm0, $0x1, v0  }
0x2e9: {  	(xrf0) =	vadd.scan.msk.s32 $0xffff, v6;
	_ =	sdelay $0x3  }
0x2ea: {  	v6 =	vmpcnt.ones.xlane vm1;
	_ =	sdelay $0x1  }
0x2eb: {  	v9 =	vadd.s32 v5, v6;
	v5, _, _ =	vpop (xrf0)  }
0x2ec: {  	v5 =	vadd.s32 v9, v5;
	_ =	sdelay $0x4  }
0x2ed: {  	s6 =	sadd.s32 $0x3E80, s6;
	[tilespmem:v5+s7+$0x0] =	vst.idx.msk vm0, v3  }
0x2ee: {  	s28 =	sshrl.u32 s6, $0x3;
	[tilespmem:v5+s8+$0x0] =	vst.idx.msk vm0, v4  }
0x2ef: {  	s29 =	simm.s32 $0x0;
	s6 =	sshrl.u32 s6, $0x2;
	s5 =	sadd.s32 s5, s28;
	[tilespmem:v5+s9+$0x0] =	vst.idx.msk vm0, v2  }
0x2f0: {  	[tilespmem:s29], [sflag:$0x1] =	stream.linear.gather [hbm4b:s5+s29], $0xFA0, $0x38;
	[tilespmem:$0x18A00] =	vst v63  }
0x2f1: {  	s3 =	sadd.s32 s3, s6  }
0x2f2: {  	[tilespmem:s25], [sflag:$0x1] =	stream.linear.gather [hbm4b:s3+s29], $0x1F40, $0x38;
	[tilespmem:$0x18A00] =	vst v63  }
0x2f3: {  	s31 =	simm.s32 $0x2;
	s30 =	sadd.s32 s4, s6  }
0x2f4: {  	[tilespmem:s26], [sflag:$0x1] =	stream.linear.gather [hbm4b:s30+s29], $0x1F40, $0x38;
	[tilespmem:$0x18A00] =	vst v63  }
0x2f5: {  	_ =	swait.ge [sflag:s31], $0xFA0  }
0x2f6: {  	[sflag:s31] =	ssyncset.done $0x0  }
0x2f7: {  	[sflag:s31] =	ssyncadd.s32 $0xFFFFF060  }
0x2f8: {  	v2 =	vor.u32 $0x21, v1;
	_ =	swait.ge [sflag:s31], $0x1F40  }
0x2f9: {  	v3 =	vor.u32 $0x1, v1;
	v8 =	vor.u32 s29, v2;
	[sflag:s31] =	ssyncset.done $0x0  }
0x2fa: {  	v10 =	vor.u32 s29, v3;
	v4 =	vor.u32 $0x41, v1;
	[sflag:s31] =	ssyncadd.s32 $0xFFFFE0C0  }
0x2fb: {  	v11 =	vor.u32 s29, v4;
	_ =	swait.ge [sflag:s31], $0x1F40  }
0x2fc: {  	v12 =	vor.u32 s29, v1;
	[sflag:s31] =	ssyncset.done $0x0  }
0x2fd: {  	v5 =	vor.u32 $0x61, v1;
	s3 =	simm.s32 $0x5F00;
	[sflag:s31] =	ssyncadd.s32 $0xFFFFE0C0  }
0x2fe: {  	v14 =	vor.u32 s29, v5;
	v13 =	vld.idx.msk [tilespmem:v8+s3+$0x0], $0xffff  }
0x2ff: {  	v6 =	vor.u32 $0x20, v1;
	v15 =	vld.idx.msk [tilespmem:v10+s3+$0x0], $0xffff  }
0x300: {  	s4 =	simm.s32 $0x7E80;
	v16 =	vor.u32 s29, v6;
	v17 =	vld.idx.msk [tilespmem:v11+s3+$0x0], $0xffff  }
0x301: {  	v18 =	vld.idx.msk [tilespmem:v12+s4+$0x0], $0xffff  }
0x302: {  	v10 =	vld.idx.msk [tilespmem:v10+s4+$0x0], $0xffff  }
0x303: {  	v7 =	vor.u32 $0x40, v1;
	v20 =	vld.idx.msk [tilespmem:v14+s3+$0x0], $0xffff;
	v13 =	vmul.f32 $1.442695020e+00, v13  }
0x304: {  	v19 =	vor.u32 s29, v7;
	v21 =	vld.idx.msk [tilespmem:v8+s4+$0x0], $0xffff;
	v15 =	vmul.f32 $1.442695020e+00, v15  }
0x305: {  	v22 =	vld.idx.msk [tilespmem:v16+s4+$0x0], $0xffff;
	(erf) = vpow2.f32 v13  }
0x306: {  	v12 =	vld.idx.msk [tilespmem:v12+s3+$0x0], $0xffff;
	v8 =	vor.u32 $0x60, v1;
	(erf) = vpow2.f32 v15  }
0x307: {  	v11 =	vld.idx.msk [tilespmem:v11+s4+$0x0], $0xffff;
	v13 =	vor.u32 s29, v8  }
0x308: {  	v16 =	vld.idx.msk [tilespmem:v16+s3+$0x0], $0xffff;
	v15 =	vmul.f32 $1.442695020e+00, v17  }
0x309: {  	v10 =	vsub.f32 v10, v18;
	v17 =	vld.idx.msk [tilespmem:v19+s4+$0x0], $0xffff  }
0x30a: {  	v14 =	vld.idx.msk [tilespmem:v14+s4+$0x0], $0xffff;
	(erf) = vpow2.f32 v15  }
0x30b: {  	v23 =	vmul.f32 $5.000000000e-01, v10;
	v15 =	vld.idx.msk [tilespmem:v19+s3+$0x0], $0xffff  }
0x30c: {  	v19 =	vmul.f32 $1.442695020e+00, v20;
	v20 =	vsub.f32 v21, v22;
	v21 =	vld.idx.msk [tilespmem:v13+s4+$0x0], $0xffff  }
0x30d: {  	v12 =	vmul.f32 v10, v12;
	v18 =	vadd.f32 v23, v18  }
0x30e: {  	(erf) = vpow2.f32 v19;
	v19 =	vmul.f32 $5.000000000e-01, v20;
	v11 =	vsub.f32 v11, v17;
	v24 =	vpop (erf)  }
0x30f: {  	v12 =	vadd.f32 v18, v12;
	v23 =	vpop (erf)  }
0x310: {  	v13 =	vld.idx.msk [tilespmem:v13+s3+$0x0], $0xffff;
	v19 =	vadd.f32 v19, v22;
	v22 =	vmul.f32 $5.000000000e-01, v11;
	v10 =	vmul.f32 v10, v23  }
0x311: {  	s5 =	simm.s32 $0x4F20;
	v16 =	vmul.f32 v20, v16;
	v20 =	vmul.f32 v20, v24;
	v14 =	vsub.f32 v14, v21  }
0x312: {  	v15 =	vmul.f32 v11, v15;
	v17 =	vadd.f32 v22, v17;
	v22 =	vld [tilespmem:s5+$0xFFFFFFE0];
	v10 =	vmul.f32 $5.000000000e-01, v10  }
0x313: {  	v16 =	vadd.f32 v19, v16;
	v18 =	vpop (erf);
	v19 =	vmul.f32 $5.000000000e-01, v20;
	v20 =	vmul.f32 $5.000000000e-01, v14  }
0x314: {  	v15 =	vadd.f32 v17, v15;
	v11 =	vmul.f32 v11, v18;
	v18 =	vadd.f32 v12, v10  }
0x315: {  	v13 =	vmul.f32 v14, v13;
	v17 =	vadd.f32 v20, v21;
	v10 =	vsub.f32 v12, v10  }
0x316: {  	v12 =	vsub.f32 v16, v19;
	v16 =	vadd.f32 v16, v19;
	v18 =	vmax.f32 v18, $0.0e+00  }
0x317: {  	vm2 =	vgt.f32 v22, $9.999999770e-03;
	v10 =	vmax.f32 v10, $0.0e+00;
	v19 =	vmin.f32 v18, $4.160000000e+02  }
0x318: {  	v20 =	vmin.f32 v10, $4.160000000e+02;
	v10 =	vmax.f32 v12, $0.0e+00;
	v12 =	vmul.f32 $5.000000000e-01, v11  }
0x319: {  	v17 =	vadd.f32 v17, v13;
	v11 =	vmax.f32 v16, $0.0e+00;
	v18 =	vsub.f32 v19, v20  }
0x31a: {  	v10 =	vmin.f32 v10, $4.160000000e+02;
	v11 =	vmin.f32 v11, $4.160000000e+02;
	v16 =	vsub.f32 v15, v12  }
0x31b: {  	v21 =	vld [tilespmem:s5+$0xFFFFFFF0];
	v13 =	vpop (erf);
	v15 =	vadd.f32 v15, v12;
	vm1 =	vgt.f32 v18, $3.000000000e+00;
	v18 =	vsub.f32 v11, v10  }
0x31c: {  	v13 =	vmul.f32 v14, v13;
	vm3 =	vmand vm2, vm1;
	v16 =	vmax.f32 v16, $0.0e+00  }
0x31d: {  	v12 =	vld [tilespmem:s5+$0x0];
	v15 =	vmax.f32 v15, $0.0e+00;
	v14 =	vsel vm3, $0x1, v0;
	vm1 =	vgt.f32 v18, $3.000000000e+00  }
0x31e: {  	v18 =	vmul.f32 $5.000000000e-01, v13;
	v13 =	vmin.f32 v15, $4.160000000e+02;
	(xrf0) =	vadd.scan.msk.s32 $0xffff, v14;
	v14 =	vmin.f32 v16, $4.160000000e+02  }
0x31f: {  	v23 =	vsub.f32 v13, v14  }
0x320: {  	vm2 =	vgt.f32 v21, $9.999999770e-03;
	v61 =	vsub.f32 v17, v18;
	v17 =	vadd.f32 v17, v18  }
0x321: {  	vm1 =	vmand vm2, vm1;
	v16 =	vmpcnt.ones.xlane vm0  }
0x322: {  	v15 =	vsel vm1, $0x1, v0;
	vm0 =	vgt.f32 v12, $9.999999770e-03;
	vm2 =	vgt.f32 v23, $3.000000000e+00  }
0x323: {  	(xrf0) =	vadd.scan.msk.s32 $0xffff, v15;
	v9 =	vadd.s32 v9, v16;
	v15 =	vld [tilespmem:s5+$0x10];
	vm0 =	vmand vm0, vm2  }
0x324: {  	v16 =	vmax.f32 v61, $0.0e+00;
	v18 =	vmax.f32 v17, $0.0e+00;
	v23 =	vsel vm0, $0x1, v0;
	v17, _, _ =	vpop (xrf0)  }
0x325: {  	(xrf0) =	vadd.scan.msk.s32 $0xffff, v23;
	v25 =	vadd.s32 v9, v17;
	v17 =	vmin.f32 v16, $4.160000000e+02;
	v16 =	vmin.f32 v18, $4.160000000e+02  }
0x326: {  	v23 =	vsub.f32 v16, v17  }
0x327: {  	v62 =	vmpcnt.ones.xlane vm3  }
0x328: {  	vm15 =	vgt.f32 v15, $9.999999770e-03;
	vm2 =	vgt.f32 v23, $3.000000000e+00;
	v23 =	vmpcnt.ones.xlane vm1  }
0x329: {  	v9 =	vadd.s32 v9, v62;
	v18, _, _ =	vpop (xrf0);
	vm2 =	vmand vm15, vm2  }
0x32a: {  	v18 =	vadd.s32 v9, v18;
	v9 =	vadd.s32 v23, v9;
	v23 =	vsel vm2, $0x1, v0  }
0x32b: {  	v26, _, _ =	vpop (xrf0);
	(xrf0) =	vadd.scan.msk.s32 $0xffff, v23  }
0x32c: {  	v63 =	vmpcnt.ones.xlane vm0;
	[tilespmem:v25+s7+$0x0] =	vst.idx.msk vm3, v22  }
0x32d: {  	v22 =	vmpcnt.ones.xlane vm2;
	[tilespmem:v25+s8+$0x0] =	vst.idx.msk vm3, v20  }
0x32e: {  	v20 =	vadd.s32 v63, v9;
	[tilespmem:v25+s9+$0x0] =	vst.idx.msk vm3, v19  }
0x32f: {  	s6 =	simm.s32 $0x80;
	s10 =	simm.s32 $0x100;
	v19 =	vadd.s32 v9, v26;
	v9 =	vadd.s32 v22, v20;
	[tilespmem:v18+s7+$0x0] =	vst.idx.msk vm1, v21  }
.LBB2_7:
0x330: {  	p0 =	sne.s32 s10, $0x1E80  }
0x331: {  	v21 =	vor.u32 s6, v3;
	s5 =	sadd.s32 $0x40, s5;
	v22, _, _ =	vpop (xrf0);
	s11 =	smov.u32 s10;
	s10 =	sadd.s32 $0x80, s10  }
0x332: {  	v20 =	vadd.s32 v20, v22;
	[tilespmem:v18+s8+$0x0] =	vst.idx.msk vm1, v10  }
0x333: {  	[tilespmem:v18+s9+$0x0] =	vst.idx.msk vm1, v11  }
0x334: {  	[tilespmem:v19+s7+$0x0] =	vst.idx.msk vm0, v12  }
0x335: {  	v10 =	vor.u32 s6, v2;
	[tilespmem:v19+s8+$0x0] =	vst.idx.msk vm0, v14  }
0x336: {  	[tilespmem:v19+s9+$0x0] =	vst.idx.msk vm0, v13  }
0x337: {  	v11 =	vor.u32 s6, v4;
	[tilespmem:v20+s7+$0x0] =	vst.idx.msk vm2, v15  }
0x338: {  	v12 =	vor.u32 s6, v1;
	[tilespmem:v20+s8+$0x0] =	vst.idx.msk vm2, v17  }
0x339: {  	[tilespmem:v20+s9+$0x0] =	vst.idx.msk vm2, v16  }
0x33a: {  	v14 =	vor.u32 s6, v5;
	v13 =	vld.idx.msk [tilespmem:v10+s3+$0x0], $0xffff  }
0x33b: {  	v15 =	vld.idx.msk [tilespmem:v21+s3+$0x0], $0xffff  }
0x33c: {  	v16 =	vor.u32 s6, v6;
	v17 =	vld.idx.msk [tilespmem:v11+s3+$0x0], $0xffff  }
0x33d: {  	v18 =	vld.idx.msk [tilespmem:v12+s4+$0x0], $0xffff  }
0x33e: {  	v19 =	vld.idx.msk [tilespmem:v21+s4+$0x0], $0xffff  }
0x33f: {  	v20 =	vor.u32 s6, v7;
	v21 =	vld.idx.msk [tilespmem:v14+s3+$0x0], $0xffff  }
0x340: {  	v13 =	vmul.f32 $1.442695020e+00, v13;
	v10 =	vld.idx.msk [tilespmem:v10+s4+$0x0], $0xffff  }
0x341: {  	v15 =	vmul.f32 $1.442695020e+00, v15;
	v22 =	vld.idx.msk [tilespmem:v16+s4+$0x0], $0xffff  }
0x342: {  	v17 =	vmul.f32 $1.442695020e+00, v17;
	v12 =	vld.idx.msk [tilespmem:v12+s3+$0x0], $0xffff;
	(erf) = vpow2.f32 v13  }
0x343: {  	v13 =	vor.u32 s6, v8;
	s6 =	smov.u32 s11;
	v11 =	vld.idx.msk [tilespmem:v11+s4+$0x0], $0xffff;
	(erf) = vpow2.f32 v15  }
0x344: {  	v19 =	vsub.f32 v19, v18;
	v15 =	vld.idx.msk [tilespmem:v20+s4+$0x0], $0xffff;
	(erf) = vpow2.f32 v17  }
0x345: {  	v17 =	vmul.f32 $1.442695020e+00, v21;
	v16 =	vld.idx.msk [tilespmem:v16+s3+$0x0], $0xffff  }
0x346: {  	v21 =	vmul.f32 $5.000000000e-01, v19;
	v14 =	vld.idx.msk [tilespmem:v14+s4+$0x0], $0xffff  }
0x347: {  	v10 =	vsub.f32 v10, v22;
	v20 =	vld.idx.msk [tilespmem:v20+s3+$0x0], $0xffff;
	(erf) = vpow2.f32 v17  }
0x348: {  	v18 =	vadd.f32 v21, v18;
	v12 =	vmul.f32 v19, v12;
	v17 =	vld.idx.msk [tilespmem:v13+s4+$0x0], $0xffff  }
0x349: {  	v21 =	vmul.f32 $5.000000000e-01, v10  }
0x34a: {  	v11 =	vsub.f32 v11, v15  }
0x34b: {  	v21 =	vadd.f32 v21, v22;
	v16 =	vmul.f32 v10, v16;
	v13 =	vld.idx.msk [tilespmem:v13+s3+$0x0], $0xffff;
	v22 =	vpop (erf)  }
0x34c: {  	v23 =	vmul.f32 $5.000000000e-01, v11;
	v10 =	vmul.f32 v10, v22;
	v22 =	vpop (erf)  }
0x34d: {  	v20 =	vmul.f32 v11, v20;
	v19 =	vmul.f32 v19, v22;
	v22 =	vpop (erf)  }
0x34e: {  	v16 =	vadd.f32 v21, v16;
	v14 =	vsub.f32 v14, v17;
	v10 =	vmul.f32 $5.000000000e-01, v10  }
0x34f: {  	v12 =	vadd.f32 v18, v12;
	v15 =	vadd.f32 v23, v15;
	v18 =	vmul.f32 $5.000000000e-01, v19  }
0x350: {  	v11 =	vmul.f32 v11, v22;
	v19 =	vmul.f32 $5.000000000e-01, v14;
	v21 =	vsub.f32 v16, v10;
	v22 =	vpop (erf)  }
0x351: {  	v15 =	vadd.f32 v15, v20;
	v13 =	vmul.f32 v14, v13;
	v20 =	vadd.f32 v12, v18  }
0x352: {  	v17 =	vadd.f32 v19, v17;
	v12 =	vsub.f32 v12, v18;
	v18 =	vmax.f32 v21, $0.0e+00  }
0x353: {  	v11 =	vmul.f32 $5.000000000e-01, v11;
	v10 =	vadd.f32 v16, v10;
	v19 =	vld [tilespmem:s5+$0xFFFFFFE0];
	v20 =	vmax.f32 v20, $0.0e+00  }
0x354: {  	v13 =	vadd.f32 v17, v13;
	v12 =	vmax.f32 v12, $0.0e+00;
	v21 =	vmin.f32 v20, $4.160000000e+02  }
0x355: {  	v16 =	vmax.f32 v10, $0.0e+00;
	v20 =	vmin.f32 v12, $4.160000000e+02;
	v12 =	vsub.f32 v15, v11;
	v23 =	vld [tilespmem:s5+$0xFFFFFFF0]  }
0x356: {  	v15 =	vadd.f32 v15, v11;
	v17 =	vsub.f32 v21, v20  }
0x357: {  	v10 =	vmin.f32 v18, $4.160000000e+02;
	v11 =	vmin.f32 v16, $4.160000000e+02;
	v18 =	vmax.f32 v12, $0.0e+00  }
0x358: {  	v12 =	vmul.f32 v14, v22;
	v14 =	vsub.f32 v11, v10;
	vm0 =	vgt.f32 v17, $3.000000000e+00  }
0x359: {  	v15 =	vmax.f32 v15, $0.0e+00;
	vm1 =	vgt.f32 v19, $9.999999770e-03  }
0x35a: {  	v16 =	vmul.f32 $5.000000000e-01, v12;
	vm3 =	vmand vm1, vm0;
	vm0 =	vgt.f32 v14, $3.000000000e+00  }
0x35b: {  	vm1 =	vgt.f32 v23, $9.999999770e-03;
	v14 =	vsel vm3, $0x1, v0;
	v12 =	vld [tilespmem:s5+$0x0]  }
0x35c: {  	v17 =	vsub.f32 v13, v16;
	v16 =	vadd.f32 v13, v16;
	vm1 =	vmand vm1, vm0;
	(xrf0) =	vadd.scan.msk.s32 $0xffff, v14  }
0x35d: {  	v13 =	vmin.f32 v15, $4.160000000e+02;
	v14 =	vmin.f32 v18, $4.160000000e+02;
	v18 =	vsel vm1, $0x1, v0  }
0x35e: {  	v17 =	vmax.f32 v17, $0.0e+00;
	v16 =	vmax.f32 v16, $0.0e+00;
	v22 =	vsub.f32 v13, v14;
	v15 =	vld [tilespmem:s5+$0x10]  }
0x35f: {  	v17 =	vmin.f32 v17, $4.160000000e+02;
	v16 =	vmin.f32 v16, $4.160000000e+02;
	(xrf0) =	vadd.scan.msk.s32 $0xffff, v18  }
0x360: {  	vm2 =	vgt.f32 v22, $3.000000000e+00;
	v18 =	vsub.f32 v16, v17;
	vm0 =	vgt.f32 v12, $9.999999770e-03  }
0x361: {  	vm0 =	vmand vm0, vm2  }
0x362: {  	v22 =	vmpcnt.ones.xlane vm3;
	vm2 =	vgt.f32 v18, $3.000000000e+00;
	v18 =	vsel vm0, $0x1, v0;
	v24, _, _ =	vpop (xrf0)  }
0x363: {  	v25 =	vmpcnt.ones.xlane vm0;
	vm4 =	vgt.f32 v15, $9.999999770e-03;
	v24 =	vadd.s32 v9, v24;
	(xrf0) =	vadd.scan.msk.s32 $0xffff, v18  }
0x364: {  	vm2 =	vmand vm4, vm2  }
0x365: {  	v9 =	vadd.s32 v9, v22;
	v26 =	vsel vm2, $0x1, v0;
	v18, _, _ =	vpop (xrf0)  }
0x366: {  	v22 =	vmpcnt.ones.xlane vm2;
	v18 =	vadd.s32 v9, v18;
	(xrf0) =	vadd.scan.msk.s32 $0xffff, v26  }
.Ltmp3:
0x367: {  	v26 =	vmpcnt.ones.xlane vm1;
	(pc) =	sbr.rel @p0 .LBB2_7-.Ltmp3, $4  }
0x368: {  	[tilespmem:v24+s7+$0x0] =	vst.idx.msk vm3, v19  }
0x369: {  	v9 =	vadd.s32 v26, v9;
	[tilespmem:v24+s8+$0x0] =	vst.idx.msk vm3, v20;
	v19, _, _ =	vpop (xrf0)  }
0x36a: {  	v20 =	vadd.s32 v25, v9;
	v19 =	vadd.s32 v9, v19;
	[tilespmem:v24+s9+$0x0] =	vst.idx.msk vm3, v21  }
0x36b: {  	v9 =	vadd.s32 v22, v20;
	[tilespmem:v18+s7+$0x0] =	vst.idx.msk vm1, v23  }
0x36c: {  	_ =	sdelay $0x3  }
0x36d: {  	v21, _, _ =	vpop (xrf0)  }
0x36e: {  	[tilespmem:v18+s8+$0x0] =	vst.idx.msk vm1, v10;
	v20 =	vadd.s32 v20, v21  }
0x36f: {  	[tilespmem:v18+s9+$0x0] =	vst.idx.msk vm1, v11  }
0x370: {  	[tilespmem:v19+s7+$0x0] =	vst.idx.msk vm0, v12  }
0x371: {  	v2 =	vor.u32 s6, v2;
	[tilespmem:v19+s8+$0x0] =	vst.idx.msk vm0, v14  }
0x372: {  	v3 =	vor.u32 s6, v3;
	[tilespmem:v19+s9+$0x0] =	vst.idx.msk vm0, v13  }
0x373: {  	v4 =	vor.u32 s6, v4;
	[tilespmem:v20+s7+$0x0] =	vst.idx.msk vm2, v15  }
0x374: {  	v1 =	vor.u32 s6, v1;
	[tilespmem:v20+s8+$0x0] =	vst.idx.msk vm2, v17  }
0x375: {  	[tilespmem:v20+s9+$0x0] =	vst.idx.msk vm2, v16  }
0x376: {  	v5 =	vor.u32 s6, v5;
	v10 =	vld.idx.msk [tilespmem:v2+s3+$0x0], $0xffff  }
0x377: {  	v11 =	vld.idx.msk [tilespmem:v3+s3+$0x0], $0xffff  }
0x378: {  	v6 =	vor.u32 s6, v6;
	v12 =	vld.idx.msk [tilespmem:v4+s3+$0x0], $0xffff  }
0x379: {  	v13 =	vld.idx.msk [tilespmem:v1+s4+$0x0], $0xffff  }
0x37a: {  	v3 =	vld.idx.msk [tilespmem:v3+s4+$0x0], $0xffff  }
0x37b: {  	v14 =	vld.idx.msk [tilespmem:v5+s3+$0x0], $0xffff  }
0x37c: {  	v8 =	vor.u32 s6, v8;
	v2 =	vld.idx.msk [tilespmem:v2+s4+$0x0], $0xffff  }
0x37d: {  	v7 =	vor.u32 s6, v7;
	v15 =	vld.idx.msk [tilespmem:v6+s4+$0x0], $0xffff;
	v10 =	vmul.f32 $1.442695020e+00, v10  }
0x37e: {  	v1 =	vld.idx.msk [tilespmem:v1+s3+$0x0], $0xffff;
	v11 =	vmul.f32 $1.442695020e+00, v11  }
0x37f: {  	v4 =	vld.idx.msk [tilespmem:v4+s4+$0x0], $0xffff;
	(erf) = vpow2.f32 v10  }
0x380: {  	v5 =	vld.idx.msk [tilespmem:v5+s4+$0x0], $0xffff;
	v10 =	vmul.f32 $1.442695020e+00, v12;
	(erf) = vpow2.f32 v11  }
0x381: {  	v12 =	vld.idx.msk [tilespmem:v8+s4+$0x0], $0xffff  }
0x382: {  	v3 =	vsub.f32 v3, v13;
	v11 =	vld.idx.msk [tilespmem:v7+s4+$0x0], $0xffff;
	(erf) = vpow2.f32 v10  }
0x383: {  	v6 =	vld.idx.msk [tilespmem:v6+s3+$0x0], $0xffff  }
0x384: {  	v10 =	vmul.f32 $1.442695020e+00, v14;
	v14 =	vmul.f32 $5.000000000e-01, v3  }
0x385: {  	v2 =	vsub.f32 v2, v15;
	v7 =	vld.idx.msk [tilespmem:v7+s3+$0x0], $0xffff  }
0x386: {  	v1 =	vmul.f32 v3, v1;
	v13 =	vadd.f32 v14, v13;
	v5 =	vsub.f32 v5, v12  }
0x387: {  	(erf) = vpow2.f32 v10;
	v10 =	vmul.f32 $5.000000000e-01, v2;
	v4 =	vsub.f32 v4, v11  }
0x388: {  	v6 =	vmul.f32 v2, v6;
	v8 =	vld.idx.msk [tilespmem:v8+s3+$0x0], $0xffff;
	v1 =	vadd.f32 v13, v1;
	v13 =	vmul.f32 $5.000000000e-01, v5;
	v14 =	vpop (erf)  }
0x389: {  	v10 =	vadd.f32 v10, v15;
	v15 =	vmul.f32 $5.000000000e-01, v4;
	v2 =	vmul.f32 v2, v14;
	v14 =	vpop (erf)  }
0x38a: {  	v7 =	vmul.f32 v4, v7;
	v3 =	vmul.f32 v3, v14  }
0x38b: {  	v6 =	vadd.f32 v10, v6;
	v10 =	vadd.f32 v15, v11;
	v11 =	vpop (erf);
	v2 =	vmul.f32 $5.000000000e-01, v2  }
0x38c: {  	v4 =	vmul.f32 v4, v11;
	v3 =	vmul.f32 $5.000000000e-01, v3  }
0x38d: {  	v8 =	vmul.f32 v5, v8;
	v7 =	vadd.f32 v10, v7;
	v11 =	vsub.f32 v6, v2  }
0x38e: {  	v4 =	vmul.f32 $5.000000000e-01, v4;
	v2 =	vadd.f32 v6, v2;
	v10 =	vadd.f32 v1, v3  }
0x38f: {  	s26 =	sadd.s32 $0x40, s5;
	v1 =	vsub.f32 v1, v3;
	v3 =	vadd.f32 v13, v12  }
0x390: {  	v12 =	vld [tilespmem:s26+$0xFFFFFFE0];
	v11 =	vmax.f32 v11, $0.0e+00;
	v13 =	vsub.f32 v7, v4;
	v2 =	vmax.f32 v2, $0.0e+00  }
0x391: {  	v10 =	vmax.f32 v10, $0.0e+00;
	v1 =	vmax.f32 v1, $0.0e+00;
	v3 =	vadd.f32 v3, v8  }
0x392: {  	v8 =	vpop (erf);
	v11 =	vmin.f32 v11, $4.160000000e+02;
	v6 =	vmin.f32 v10, $4.160000000e+02;
	v1 =	vmin.f32 v1, $4.160000000e+02  }
0x393: {  	v2 =	vmin.f32 v2, $4.160000000e+02;
	v5 =	vmul.f32 v5, v8;
	v14 =	vsub.f32 v6, v1  }
0x394: {  	v4 =	vadd.f32 v7, v4;
	v8 =	vsub.f32 v2, v11  }
0x395: {  	v10 =	vld [tilespmem:s26+$0xFFFFFFF0];
	vm1 =	vgt.f32 v12, $9.999999770e-03;
	v5 =	vmul.f32 $5.000000000e-01, v5;
	vm0 =	vgt.f32 v14, $3.000000000e+00  }
0x396: {  	v7 =	vmax.f32 v13, $0.0e+00;
	v4 =	vmax.f32 v4, $0.0e+00;
	vm1 =	vmand vm1, vm0  }
0x397: {  	vm0 =	vgt.f32 v8, $3.000000000e+00;
	v8 =	vld [tilespmem:s26+$0x0];
	v14 =	vsub.f32 v3, v5;
	v3 =	vadd.f32 v3, v5  }
0x398: {  	v4 =	vmin.f32 v4, $4.160000000e+02;
	v5 =	vmin.f32 v7, $4.160000000e+02;
	v13 =	vsel vm1, $0x1, v0  }
0x399: {  	(xrf0) =	vadd.scan.msk.s32 $0xffff, v13;
	v13 =	vmax.f32 v14, $0.0e+00;
	v14 =	vsub.f32 v4, v5;
	v3 =	vmax.f32 v3, $0.0e+00  }
0x39a: {  	vm2 =	vgt.f32 v10, $9.999999770e-03;
	v13 =	vmin.f32 v13, $4.160000000e+02;
	v3 =	vmin.f32 v3, $4.160000000e+02  }
0x39b: {  	v7 =	vld [tilespmem:s26+$0x10];
	vm2 =	vmand vm2, vm0;
	vm3 =	vgt.f32 v14, $3.000000000e+00;
	v14 =	vsub.f32 v3, v13  }
0x39c: {  	v15 =	vsel vm2, $0x1, v0;
	vm0 =	vgt.f32 v8, $9.999999770e-03  }
0x39d: {  	(xrf0) =	vadd.scan.msk.s32 $0xffff, v15;
	vm3 =	vmand vm0, vm3  }
0x39e: {  	v15 =	vsel vm3, $0x1, v0  }
0x39f: {  	vm0 =	vgt.f32 v14, $3.000000000e+00;
	v14, _, _ =	vpop (xrf0);
	(xrf0) =	vadd.scan.msk.s32 $0xffff, v15;
	v15 =	vmpcnt.ones.xlane vm1  }
0x3a0: {  	vm4 =	vgt.f32 v7, $9.999999770e-03  }
0x3a1: {  	vm0 =	vmand vm4, vm0;
	v14 =	vadd.s32 v9, v14  }
0x3a2: {  	v0 =	vsel vm0, $0x1, v0  }
0x3a3: {  	v9 =	vadd.s32 v9, v15;
	v15, _, _ =	vpop (xrf0);
	(xrf0) =	vadd.scan.msk.s32 $0xffff, v0  }
0x3a4: {  	v0 =	vadd.s32 v9, v15;
	v15 =	vmpcnt.ones.xlane vm2;
	_ =	sdelay $0x1  }
0x3a5: {  	[tilespmem:v14+s7+$0x0] =	vst.idx.msk vm1, v12;
	v12, _, _ =	vpop (xrf0);
	v9 =	vadd.s32 v15, v9  }
0x3a6: {  	v15 =	vmpcnt.ones.xlane vm3;
	[tilespmem:v14+s8+$0x0] =	vst.idx.msk vm1, v1;
	v12 =	vadd.s32 v9, v12  }
0x3a7: {  	[tilespmem:v14+s9+$0x0] =	vst.idx.msk vm1, v6  }
0x3a8: {  	v6 =	vadd.s32 v15, v9;
	[tilespmem:v0+s7+$0x0] =	vst.idx.msk vm2, v10;
	v1, _, _ =	vpop (xrf0)  }
0x3a9: {  	v9 =	vadd.s32 v6, v1;
	[tilespmem:v0+s8+$0x0] =	vst.idx.msk vm2, v11;
	v1 =	vlaneseq.u32  }
0x3aa: {  	[tilespmem:v0+s9+$0x0] =	vst.idx.msk vm2, v2;
	v1 =	vmul.u32 $0x2, v1  }
0x3ab: {  	[tilespmem:v12+s7+$0x0] =	vst.idx.msk vm3, v8  }
0x3ac: {  	[tilespmem:v12+s8+$0x0] =	vst.idx.msk vm3, v5;
	v0 =	vor.u32 $0x1F01, v1  }
0x3ad: {  	[tilespmem:v12+s9+$0x0] =	vst.idx.msk vm3, v4  }
0x3ae: {  	[tilespmem:v9+s7+$0x0] =	vst.idx.msk vm0, v7  }
0x3af: {  	[tilespmem:v9+s8+$0x0] =	vst.idx.msk vm0, v13  }
0x3b0: {  	s28 =	simm.s32 $0x5F00;
	[tilespmem:v9+s9+$0x0] =	vst.idx.msk vm0, v3  }
0x3b1: {  	v2 =	vld.idx.msk [tilespmem:v0+s28+$0x0], $0xffff;
	_ =	sdelay $0x2  }
0x3b2: {  	v3 =	vor.u32 $0x1F00, v1;
	_ =	sdelay $0x1  }
0x3b3: {  	v2 =	vmul.f32 $1.442695020e+00, v2  }
0x3b4: {  	s29 =	simm.s32 $0x7E80  }
0x3b5: {  	v0 =	vld.idx.msk [tilespmem:v0+s29+$0x0], $0xffff;
	(erf) = vpow2.f32 v2  }
0x3b6: {  	v4 =	vld.idx.msk [tilespmem:v3+s29+$0x0], $0xffff;
	_ =	sdelay $0x3  }
0x3b7: {  	v2 =	vld.idx.msk [tilespmem:v3+s28+$0x0], $0xffff  }
0x3b8: {  	v0 =	vsub.f32 v0, v4;
	_ =	sdelay $0x1  }
0x3b9: {  	v3 =	vmul.f32 $5.000000000e-01, v0  }
0x3ba: {  	v5 =	vpop (erf)  }
0x3bb: {  	v2 =	vmul.f32 v0, v2;
	v3 =	vadd.f32 v3, v4;
	v0 =	vmul.f32 v0, v5;
	_ =	sdelay $0x1  }
0x3bc: {  	v2 =	vadd.f32 v3, v2;
	v0 =	vmul.f32 $5.000000000e-01, v0;
	_ =	sdelay $0x1  }
0x3bd: {  	v3 =	vsub.f32 v2, v0;
	v0 =	vadd.f32 v2, v0  }
0x3be: {  	v2 =	vld [tilespmem:$0x5E80]  }
0x3bf: {  	v3 =	vmax.f32 v3, $0.0e+00;
	v0 =	vmax.f32 v0, $0.0e+00  }
0x3c0: {  	v3 =	vmin.f32 v3, $4.160000000e+02;
	v4 =	vmin.f32 v0, $4.160000000e+02  }
0x3c1: {  	v0 =	vsub.f32 v4, v3;
	_ =	sdelay $0x1  }
0x3c2: {  	vm1 =	vgt.f32 v2, $9.999999770e-03;
	vm2 =	vgt.f32 v0, $3.000000000e+00  }
0x3c3: {  	v0 =	vimm.s32 $0x0;
	vm1 =	vmand vm1, vm2  }
0x3c4: {  	v5 =	vsel vm1, $0x1, v0  }
0x3c5: {  	(xrf0) =	vadd.scan.msk.s32 $0xffff, v5;
	_ =	sdelay $0x3  }
0x3c6: {  	v5 =	vmpcnt.ones.xlane vm0;
	_ =	sdelay $0x1  }
0x3c7: {  	v5 =	vadd.s32 v5, v6;
	v6, _, _ =	vpop (xrf0)  }
0x3c8: {  	v6 =	vadd.s32 v5, v6;
	_ =	sdelay $0x2  }
0x3c9: {  	v7 =	vor.u32 $0x1F21, v1  }
0x3ca: {  	s3 =	simm.s32 $0x9E00  }
0x3cb: {  	s4 =	simm.s32 $0xEC80;
	[tilespmem:v6+s3+$0x0] =	vst.idx.msk vm1, v2  }
0x3cc: {  	s5 =	simm.s32 $0x13B00;
	[tilespmem:v6+s4+$0x0] =	vst.idx.msk vm1, v3  }
0x3cd: {  	[tilespmem:v6+s5+$0x0] =	vst.idx.msk vm1, v4  }
0x3ce: {  	v2 =	vld.idx.msk [tilespmem:v7+s28+$0x0], $0xffff;
	_ =	sdelay $0x1  }
0x3cf: {  	v3 =	vor.u32 $0x1F20, v1;
	_ =	sdelay $0x2  }
0x3d0: {  	v2 =	vmul.f32 $1.442695020e+00, v2;
	_ =	sdelay $0x1  }
0x3d1: {  	v4 =	vld.idx.msk [tilespmem:v3+s29+$0x0], $0xffff;
	(erf) = vpow2.f32 v2  }
0x3d2: {  	v2 =	vld.idx.msk [tilespmem:v7+s29+$0x0], $0xffff;
	_ =	sdelay $0x3  }
0x3d3: {  	v3 =	vld.idx.msk [tilespmem:v3+s28+$0x0], $0xffff  }
0x3d4: {  	v2 =	vsub.f32 v2, v4;
	_ =	sdelay $0x1  }
0x3d5: {  	v6 =	vmul.f32 $5.000000000e-01, v2  }
0x3d6: {  	v7 =	vpop (erf)  }
0x3d7: {  	v3 =	vmul.f32 v2, v3;
	v4 =	vadd.f32 v6, v4;
	v2 =	vmul.f32 v2, v7;
	_ =	sdelay $0x1  }
0x3d8: {  	v3 =	vadd.f32 v4, v3;
	v2 =	vmul.f32 $5.000000000e-01, v2;
	_ =	sdelay $0x1  }
0x3d9: {  	v4 =	vsub.f32 v3, v2;
	v2 =	vadd.f32 v3, v2  }
0x3da: {  	v3 =	vld [tilespmem:$0x5E90]  }
0x3db: {  	v4 =	vmax.f32 v4, $0.0e+00;
	v2 =	vmax.f32 v2, $0.0e+00  }
0x3dc: {  	v4 =	vmin.f32 v4, $4.160000000e+02;
	v2 =	vmin.f32 v2, $4.160000000e+02  }
0x3dd: {  	v6 =	vsub.f32 v2, v4;
	_ =	sdelay $0x1  }
0x3de: {  	vm0 =	vgt.f32 v3, $9.999999770e-03;
	vm2 =	vgt.f32 v6, $3.000000000e+00  }
0x3df: {  	vm0 =	vmand vm0, vm2  }
0x3e0: {  	v6 =	vsel vm0, $0x1, v0  }
0x3e1: {  	(xrf0) =	vadd.scan.msk.s32 $0xffff, v6;
	_ =	sdelay $0x3  }
0x3e2: {  	v6 =	vmpcnt.ones.xlane vm1;
	_ =	sdelay $0x1  }
0x3e3: {  	v9 =	vadd.s32 v5, v6;
	v5, _, _ =	vpop (xrf0)  }
0x3e4: {  	v5 =	vadd.s32 v9, v5;
	_ =	sdelay $0x4  }
0x3e5: {  	[tilespmem:v5+s3+$0x0] =	vst.idx.msk vm0, v3  }
0x3e6: {  	[tilespmem:v5+s4+$0x0] =	vst.idx.msk vm0, v4  }
0x3e7: {  	s30 =	simm.s32 $0x1;
	[tilespmem:v5+s5+$0x0] =	vst.idx.msk vm0, v2  }
0x3e8: {  	_ =	swait.ge [sflag:s30], $0xFA0  }
0x3e9: {  	[sflag:s30] =	ssyncset.done $0x0  }
0x3ea: {  	[sflag:s30] =	ssyncadd.s32 $0xFFFFF060  }
0x3eb: {  	s31 =	simm.s32 $0x0;
	v2 =	vor.u32 $0x21, v1;
	_ =	swait.ge [sflag:s30], $0x1F40  }
0x3ec: {  	v3 =	vor.u32 $0x1, v1;
	v8 =	vor.u32 s31, v2;
	[sflag:s30] =	ssyncset.done $0x0  }
0x3ed: {  	v10 =	vor.u32 s31, v3;
	v4 =	vor.u32 $0x41, v1;
	[sflag:s30] =	ssyncadd.s32 $0xFFFFE0C0  }
0x3ee: {  	v11 =	vor.u32 s31, v4;
	_ =	swait.ge [sflag:s30], $0x1F40  }
0x3ef: {  	v12 =	vor.u32 s31, v1;
	[sflag:s30] =	ssyncset.done $0x0  }
0x3f0: {  	s6 =	simm.s32 $0x1000;
	v5 =	vor.u32 $0x61, v1;
	[sflag:s30] =	ssyncadd.s32 $0xFFFFE0C0  }
0x3f1: {  	v14 =	vor.u32 s31, v5;
	v13 =	vld.idx.msk [tilespmem:v8+s6+$0x0], $0xffff  }
0x3f2: {  	v6 =	vor.u32 $0x20, v1;
	v15 =	vld.idx.msk [tilespmem:v10+s6+$0x0], $0xffff  }
0x3f3: {  	s7 =	simm.s32 $0x2F80;
	v16 =	vor.u32 s31, v6;
	v17 =	vld.idx.msk [tilespmem:v11+s6+$0x0], $0xffff  }
0x3f4: {  	v18 =	vld.idx.msk [tilespmem:v12+s7+$0x0], $0xffff  }
0x3f5: {  	v10 =	vld.idx.msk [tilespmem:v10+s7+$0x0], $0xffff  }
0x3f6: {  	v7 =	vor.u32 $0x40, v1;
	v20 =	vld.idx.msk [tilespmem:v14+s6+$0x0], $0xffff;
	v13 =	vmul.f32 $1.442695020e+00, v13  }
0x3f7: {  	v19 =	vor.u32 s31, v7;
	v21 =	vld.idx.msk [tilespmem:v8+s7+$0x0], $0xffff;
	v15 =	vmul.f32 $1.442695020e+00, v15  }
0x3f8: {  	v22 =	vld.idx.msk [tilespmem:v16+s7+$0x0], $0xffff;
	(erf) = vpow2.f32 v13  }
0x3f9: {  	v12 =	vld.idx.msk [tilespmem:v12+s6+$0x0], $0xffff;
	v8 =	vor.u32 $0x60, v1;
	(erf) = vpow2.f32 v15  }
0x3fa: {  	v11 =	vld.idx.msk [tilespmem:v11+s7+$0x0], $0xffff;
	v13 =	vor.u32 s31, v8  }
0x3fb: {  	v16 =	vld.idx.msk [tilespmem:v16+s6+$0x0], $0xffff;
	v15 =	vmul.f32 $1.442695020e+00, v17  }
0x3fc: {  	v10 =	vsub.f32 v10, v18;
	v17 =	vld.idx.msk [tilespmem:v19+s7+$0x0], $0xffff  }
0x3fd: {  	v14 =	vld.idx.msk [tilespmem:v14+s7+$0x0], $0xffff;
	(erf) = vpow2.f32 v15  }
0x3fe: {  	v23 =	vmul.f32 $5.000000000e-01, v10;
	v15 =	vld.idx.msk [tilespmem:v19+s6+$0x0], $0xffff  }
0x3ff: {  	v19 =	vmul.f32 $1.442695020e+00, v20;
	v20 =	vsub.f32 v21, v22;
	v21 =	vld.idx.msk [tilespmem:v13+s7+$0x0], $0xffff  }
0x400: {  	v12 =	vmul.f32 v10, v12;
	v18 =	vadd.f32 v23, v18  }
0x401: {  	(erf) = vpow2.f32 v19;
	v19 =	vmul.f32 $5.000000000e-01, v20;
	v11 =	vsub.f32 v11, v17;
	v24 =	vpop (erf)  }
0x402: {  	v12 =	vadd.f32 v18, v12;
	v23 =	vpop (erf)  }
0x403: {  	v13 =	vld.idx.msk [tilespmem:v13+s6+$0x0], $0xffff;
	v19 =	vadd.f32 v19, v22;
	v22 =	vmul.f32 $5.000000000e-01, v11;
	v10 =	vmul.f32 v10, v23  }
0x404: {  	s8 =	simm.s32 $0x20;
	v16 =	vmul.f32 v20, v16;
	v20 =	vmul.f32 v20, v24;
	v14 =	vsub.f32 v14, v21  }
0x405: {  	v15 =	vmul.f32 v11, v15;
	v17 =	vadd.f32 v22, v17;
	v22 =	vld [tilespmem:s8+$0xFFFFFFE0];
	v10 =	vmul.f32 $5.000000000e-01, v10  }
0x406: {  	v16 =	vadd.f32 v19, v16;
	v18 =	vpop (erf);
	v19 =	vmul.f32 $5.000000000e-01, v20;
	v20 =	vmul.f32 $5.000000000e-01, v14  }
0x407: {  	v15 =	vadd.f32 v17, v15;
	v11 =	vmul.f32 v11, v18;
	v18 =	vadd.f32 v12, v10  }
0x408: {  	v13 =	vmul.f32 v14, v13;
	v17 =	vadd.f32 v20, v21;
	v10 =	vsub.f32 v12, v10  }
0x409: {  	v12 =	vsub.f32 v16, v19;
	v16 =	vadd.f32 v16, v19;
	v18 =	vmax.f32 v18, $0.0e+00  }
0x40a: {  	vm2 =	vgt.f32 v22, $9.999999770e-03;
	v10 =	vmax.f32 v10, $0.0e+00;
	v19 =	vmin.f32 v18, $4.160000000e+02  }
0x40b: {  	v20 =	vmin.f32 v10, $4.160000000e+02;
	v10 =	vmax.f32 v12, $0.0e+00;
	v12 =	vmul.f32 $5.000000000e-01, v11  }
0x40c: {  	v17 =	vadd.f32 v17, v13;
	v11 =	vmax.f32 v16, $0.0e+00;
	v18 =	vsub.f32 v19, v20  }
0x40d: {  	v10 =	vmin.f32 v10, $4.160000000e+02;
	v11 =	vmin.f32 v11, $4.160000000e+02;
	v16 =	vsub.f32 v15, v12  }
0x40e: {  	v21 =	vld [tilespmem:s8+$0xFFFFFFF0];
	v13 =	vpop (erf);
	v15 =	vadd.f32 v15, v12;
	vm1 =	vgt.f32 v18, $3.000000000e+00;
	v18 =	vsub.f32 v11, v10  }
0x40f: {  	v13 =	vmul.f32 v14, v13;
	vm3 =	vmand vm2, vm1;
	v16 =	vmax.f32 v16, $0.0e+00  }
0x410: {  	v12 =	vld [tilespmem:s8+$0x0];
	v15 =	vmax.f32 v15, $0.0e+00;
	v14 =	vsel vm3, $0x1, v0;
	vm1 =	vgt.f32 v18, $3.000000000e+00  }
0x411: {  	v18 =	vmul.f32 $5.000000000e-01, v13;
	v13 =	vmin.f32 v15, $4.160000000e+02;
	(xrf0) =	vadd.scan.msk.s32 $0xffff, v14;
	v14 =	vmin.f32 v16, $4.160000000e+02  }
0x412: {  	v23 =	vsub.f32 v13, v14  }
0x413: {  	vm2 =	vgt.f32 v21, $9.999999770e-03;
	v61 =	vsub.f32 v17, v18;
	v17 =	vadd.f32 v17, v18  }
0x414: {  	vm1 =	vmand vm2, vm1;
	v16 =	vmpcnt.ones.xlane vm0  }
0x415: {  	v15 =	vsel vm1, $0x1, v0;
	vm0 =	vgt.f32 v12, $9.999999770e-03;
	vm2 =	vgt.f32 v23, $3.000000000e+00  }
0x416: {  	(xrf0) =	vadd.scan.msk.s32 $0xffff, v15;
	v9 =	vadd.s32 v9, v16;
	v15 =	vld [tilespmem:s8+$0x10];
	vm0 =	vmand vm0, vm2  }
0x417: {  	v16 =	vmax.f32 v61, $0.0e+00;
	v18 =	vmax.f32 v17, $0.0e+00;
	v23 =	vsel vm0, $0x1, v0;
	v17, _, _ =	vpop (xrf0)  }
0x418: {  	(xrf0) =	vadd.scan.msk.s32 $0xffff, v23;
	v25 =	vadd.s32 v9, v17;
	v17 =	vmin.f32 v16, $4.160000000e+02;
	v16 =	vmin.f32 v18, $4.160000000e+02  }
0x419: {  	v23 =	vsub.f32 v16, v17  }
0x41a: {  	v62 =	vmpcnt.ones.xlane vm3  }
0x41b: {  	vm15 =	vgt.f32 v15, $9.999999770e-03;
	vm2 =	vgt.f32 v23, $3.000000000e+00;
	v23 =	vmpcnt.ones.xlane vm1  }
0x41c: {  	v9 =	vadd.s32 v9, v62;
	v18, _, _ =	vpop (xrf0);
	vm2 =	vmand vm15, vm2  }
0x41d: {  	v18 =	vadd.s32 v9, v18;
	v9 =	vadd.s32 v23, v9;
	v23 =	vsel vm2, $0x1, v0  }
0x41e: {  	v26, _, _ =	vpop (xrf0);
	(xrf0) =	vadd.scan.msk.s32 $0xffff, v23  }
0x41f: {  	v63 =	vmpcnt.ones.xlane vm0;
	[tilespmem:v25+s3+$0x0] =	vst.idx.msk vm3, v22  }
0x420: {  	v22 =	vmpcnt.ones.xlane vm2;
	[tilespmem:v25+s4+$0x0] =	vst.idx.msk vm3, v20  }
0x421: {  	v20 =	vadd.s32 v63, v9;
	[tilespmem:v25+s5+$0x0] =	vst.idx.msk vm3, v19  }
0x422: {  	s10 =	simm.s32 $0x100;
	s9 =	simm.s32 $0x80;
	v19 =	vadd.s32 v9, v26;
	v9 =	vadd.s32 v22, v20;
	[tilespmem:v18+s3+$0x0] =	vst.idx.msk vm1, v21  }
.LBB2_9:
0x423: {  	p0 =	sne.s32 s10, $0x1E80  }
0x424: {  	v21 =	vor.u32 s9, v3;
	s8 =	sadd.s32 $0x40, s8;
	v22, _, _ =	vpop (xrf0);
	s11 =	smov.u32 s10;
	s10 =	sadd.s32 $0x80, s10  }
0x425: {  	v20 =	vadd.s32 v20, v22;
	[tilespmem:v18+s4+$0x0] =	vst.idx.msk vm1, v10  }
0x426: {  	[tilespmem:v18+s5+$0x0] =	vst.idx.msk vm1, v11  }
0x427: {  	[tilespmem:v19+s3+$0x0] =	vst.idx.msk vm0, v12  }
0x428: {  	v10 =	vor.u32 s9, v2;
	[tilespmem:v19+s4+$0x0] =	vst.idx.msk vm0, v14  }
0x429: {  	[tilespmem:v19+s5+$0x0] =	vst.idx.msk vm0, v13  }
0x42a: {  	v11 =	vor.u32 s9, v4;
	[tilespmem:v20+s3+$0x0] =	vst.idx.msk vm2, v15  }
0x42b: {  	v12 =	vor.u32 s9, v1;
	[tilespmem:v20+s4+$0x0] =	vst.idx.msk vm2, v17  }
0x42c: {  	[tilespmem:v20+s5+$0x0] =	vst.idx.msk vm2, v16  }
0x42d: {  	v14 =	vor.u32 s9, v5;
	v13 =	vld.idx.msk [tilespmem:v10+s6+$0x0], $0xffff  }
0x42e: {  	v15 =	vld.idx.msk [tilespmem:v21+s6+$0x0], $0xffff  }
0x42f: {  	v16 =	vor.u32 s9, v6;
	v17 =	vld.idx.msk [tilespmem:v11+s6+$0x0], $0xffff  }
0x430: {  	v18 =	vld.idx.msk [tilespmem:v12+s7+$0x0], $0xffff  }
0x431: {  	v19 =	vld.idx.msk [tilespmem:v21+s7+$0x0], $0xffff  }
0x432: {  	v20 =	vor.u32 s9, v7;
	v21 =	vld.idx.msk [tilespmem:v14+s6+$0x0], $0xffff  }
0x433: {  	v13 =	vmul.f32 $1.442695020e+00, v13;
	v10 =	vld.idx.msk [tilespmem:v10+s7+$0x0], $0xffff  }
0x434: {  	v15 =	vmul.f32 $1.442695020e+00, v15;
	v22 =	vld.idx.msk [tilespmem:v16+s7+$0x0], $0xffff  }
0x435: {  	v17 =	vmul.f32 $1.442695020e+00, v17;
	v12 =	vld.idx.msk [tilespmem:v12+s6+$0x0], $0xffff;
	(erf) = vpow2.f32 v13  }
0x436: {  	v13 =	vor.u32 s9, v8;
	s9 =	smov.u32 s11;
	v11 =	vld.idx.msk [tilespmem:v11+s7+$0x0], $0xffff;
	(erf) = vpow2.f32 v15  }
0x437: {  	v19 =	vsub.f32 v19, v18;
	v15 =	vld.idx.msk [tilespmem:v20+s7+$0x0], $0xffff;
	(erf) = vpow2.f32 v17  }
0x438: {  	v17 =	vmul.f32 $1.442695020e+00, v21;
	v16 =	vld.idx.msk [tilespmem:v16+s6+$0x0], $0xffff  }
0x439: {  	v21 =	vmul.f32 $5.000000000e-01, v19;
	v14 =	vld.idx.msk [tilespmem:v14+s7+$0x0], $0xffff  }
0x43a: {  	v10 =	vsub.f32 v10, v22;
	v20 =	vld.idx.msk [tilespmem:v20+s6+$0x0], $0xffff;
	(erf) = vpow2.f32 v17  }
0x43b: {  	v18 =	vadd.f32 v21, v18;
	v12 =	vmul.f32 v19, v12;
	v17 =	vld.idx.msk [tilespmem:v13+s7+$0x0], $0xffff  }
0x43c: {  	v21 =	vmul.f32 $5.000000000e-01, v10  }
0x43d: {  	v11 =	vsub.f32 v11, v15  }
0x43e: {  	v21 =	vadd.f32 v21, v22;
	v16 =	vmul.f32 v10, v16;
	v13 =	vld.idx.msk [tilespmem:v13+s6+$0x0], $0xffff;
	v22 =	vpop (erf)  }
0x43f: {  	v23 =	vmul.f32 $5.000000000e-01, v11;
	v10 =	vmul.f32 v10, v22;
	v22 =	vpop (erf)  }
0x440: {  	v20 =	vmul.f32 v11, v20;
	v19 =	vmul.f32 v19, v22;
	v22 =	vpop (erf)  }
0x441: {  	v16 =	vadd.f32 v21, v16;
	v14 =	vsub.f32 v14, v17;
	v10 =	vmul.f32 $5.000000000e-01, v10  }
0x442: {  	v12 =	vadd.f32 v18, v12;
	v15 =	vadd.f32 v23, v15;
	v18 =	vmul.f32 $5.000000000e-01, v19  }
0x443: {  	v11 =	vmul.f32 v11, v22;
	v19 =	vmul.f32 $5.000000000e-01, v14;
	v21 =	vsub.f32 v16, v10;
	v22 =	vpop (erf)  }
0x444: {  	v15 =	vadd.f32 v15, v20;
	v13 =	vmul.f32 v14, v13;
	v20 =	vadd.f32 v12, v18  }
0x445: {  	v17 =	vadd.f32 v19, v17;
	v12 =	vsub.f32 v12, v18;
	v18 =	vmax.f32 v21, $0.0e+00  }
0x446: {  	v11 =	vmul.f32 $5.000000000e-01, v11;
	v10 =	vadd.f32 v16, v10;
	v19 =	vld [tilespmem:s8+$0xFFFFFFE0];
	v20 =	vmax.f32 v20, $0.0e+00  }
0x447: {  	v13 =	vadd.f32 v17, v13;
	v12 =	vmax.f32 v12, $0.0e+00;
	v21 =	vmin.f32 v20, $4.160000000e+02  }
0x448: {  	v16 =	vmax.f32 v10, $0.0e+00;
	v20 =	vmin.f32 v12, $4.160000000e+02;
	v12 =	vsub.f32 v15, v11;
	v23 =	vld [tilespmem:s8+$0xFFFFFFF0]  }
0x449: {  	v15 =	vadd.f32 v15, v11;
	v17 =	vsub.f32 v21, v20  }
0x44a: {  	v10 =	vmin.f32 v18, $4.160000000e+02;
	v11 =	vmin.f32 v16, $4.160000000e+02;
	v18 =	vmax.f32 v12, $0.0e+00  }
0x44b: {  	v12 =	vmul.f32 v14, v22;
	v14 =	vsub.f32 v11, v10;
	vm0 =	vgt.f32 v17, $3.000000000e+00  }
0x44c: {  	v15 =	vmax.f32 v15, $0.0e+00;
	vm1 =	vgt.f32 v19, $9.999999770e-03  }
0x44d: {  	v16 =	vmul.f32 $5.000000000e-01, v12;
	vm3 =	vmand vm1, vm0;
	vm0 =	vgt.f32 v14, $3.000000000e+00  }
0x44e: {  	vm1 =	vgt.f32 v23, $9.999999770e-03;
	v14 =	vsel vm3, $0x1, v0;
	v12 =	vld [tilespmem:s8+$0x0]  }
0x44f: {  	v17 =	vsub.f32 v13, v16;
	v16 =	vadd.f32 v13, v16;
	vm1 =	vmand vm1, vm0;
	(xrf0) =	vadd.scan.msk.s32 $0xffff, v14  }
0x450: {  	v13 =	vmin.f32 v15, $4.160000000e+02;
	v14 =	vmin.f32 v18, $4.160000000e+02;
	v18 =	vsel vm1, $0x1, v0  }
0x451: {  	v17 =	vmax.f32 v17, $0.0e+00;
	v16 =	vmax.f32 v16, $0.0e+00;
	v22 =	vsub.f32 v13, v14;
	v15 =	vld [tilespmem:s8+$0x10]  }
0x452: {  	v17 =	vmin.f32 v17, $4.160000000e+02;
	v16 =	vmin.f32 v16, $4.160000000e+02;
	(xrf0) =	vadd.scan.msk.s32 $0xffff, v18  }
0x453: {  	vm2 =	vgt.f32 v22, $3.000000000e+00;
	v18 =	vsub.f32 v16, v17;
	vm0 =	vgt.f32 v12, $9.999999770e-03  }
0x454: {  	vm0 =	vmand vm0, vm2  }
0x455: {  	v22 =	vmpcnt.ones.xlane vm3;
	vm2 =	vgt.f32 v18, $3.000000000e+00;
	v18 =	vsel vm0, $0x1, v0;
	v24, _, _ =	vpop (xrf0)  }
0x456: {  	v25 =	vmpcnt.ones.xlane vm0;
	vm4 =	vgt.f32 v15, $9.999999770e-03;
	v24 =	vadd.s32 v9, v24;
	(xrf0) =	vadd.scan.msk.s32 $0xffff, v18  }
0x457: {  	vm2 =	vmand vm4, vm2  }
0x458: {  	v9 =	vadd.s32 v9, v22;
	v26 =	vsel vm2, $0x1, v0;
	v18, _, _ =	vpop (xrf0)  }
0x459: {  	v22 =	vmpcnt.ones.xlane vm2;
	v18 =	vadd.s32 v9, v18;
	(xrf0) =	vadd.scan.msk.s32 $0xffff, v26  }
.Ltmp4:
0x45a: {  	v26 =	vmpcnt.ones.xlane vm1;
	(pc) =	sbr.rel @p0 .LBB2_9-.Ltmp4, $4  }
0x45b: {  	[tilespmem:v24+s3+$0x0] =	vst.idx.msk vm3, v19  }
0x45c: {  	v9 =	vadd.s32 v26, v9;
	[tilespmem:v24+s4+$0x0] =	vst.idx.msk vm3, v20;
	v19, _, _ =	vpop (xrf0)  }
0x45d: {  	v20 =	vadd.s32 v25, v9;
	v19 =	vadd.s32 v9, v19;
	[tilespmem:v24+s5+$0x0] =	vst.idx.msk vm3, v21  }
0x45e: {  	v9 =	vadd.s32 v22, v20;
	[tilespmem:v18+s3+$0x0] =	vst.idx.msk vm1, v23  }
0x45f: {  	_ =	sdelay $0x3  }
0x460: {  	v21, _, _ =	vpop (xrf0)  }
0x461: {  	[tilespmem:v18+s4+$0x0] =	vst.idx.msk vm1, v10;
	v20 =	vadd.s32 v20, v21  }
0x462: {  	[tilespmem:v18+s5+$0x0] =	vst.idx.msk vm1, v11  }
0x463: {  	[tilespmem:v19+s3+$0x0] =	vst.idx.msk vm0, v12  }
0x464: {  	v2 =	vor.u32 s9, v2;
	[tilespmem:v19+s4+$0x0] =	vst.idx.msk vm0, v14  }
0x465: {  	v3 =	vor.u32 s9, v3;
	[tilespmem:v19+s5+$0x0] =	vst.idx.msk vm0, v13  }
0x466: {  	v4 =	vor.u32 s9, v4;
	[tilespmem:v20+s3+$0x0] =	vst.idx.msk vm2, v15  }
0x467: {  	v1 =	vor.u32 s9, v1;
	[tilespmem:v20+s4+$0x0] =	vst.idx.msk vm2, v17  }
0x468: {  	[tilespmem:v20+s5+$0x0] =	vst.idx.msk vm2, v16  }
0x469: {  	v5 =	vor.u32 s9, v5;
	v10 =	vld.idx.msk [tilespmem:v2+s6+$0x0], $0xffff  }
0x46a: {  	v11 =	vld.idx.msk [tilespmem:v3+s6+$0x0], $0xffff  }
0x46b: {  	v6 =	vor.u32 s9, v6;
	v12 =	vld.idx.msk [tilespmem:v4+s6+$0x0], $0xffff  }
0x46c: {  	v13 =	vld.idx.msk [tilespmem:v1+s7+$0x0], $0xffff  }
0x46d: {  	v3 =	vld.idx.msk [tilespmem:v3+s7+$0x0], $0xffff  }
0x46e: {  	v7 =	vor.u32 s9, v7;
	v14 =	vld.idx.msk [tilespmem:v5+s6+$0x0], $0xffff  }
0x46f: {  	v2 =	vld.idx.msk [tilespmem:v2+s7+$0x0], $0xffff  }
0x470: {  	v15 =	vld.idx.msk [tilespmem:v6+s7+$0x0], $0xffff  }
0x471: {  	v8 =	vor.u32 s9, v8;
	v1 =	vld.idx.msk [tilespmem:v1+s6+$0x0], $0xffff  }
0x472: {  	v4 =	vld.idx.msk [tilespmem:v4+s7+$0x0], $0xffff;
	v10 =	vmul.f32 $1.442695020e+00, v10  }
0x473: {  	v55 =	vld.idx.msk [tilespmem:v7+s7+$0x0], $0xffff;
	v11 =	vmul.f32 $1.442695020e+00, v11  }
0x474: {  	v6 =	vld.idx.msk [tilespmem:v6+s6+$0x0], $0xffff;
	(erf) = vpow2.f32 v10  }
0x475: {  	v5 =	vld.idx.msk [tilespmem:v5+s7+$0x0], $0xffff;
	(erf) = vpow2.f32 v11  }
0x476: {  	s23 =	sadd.s32 $0x40, s8;
	v57 =	vld.idx.msk [tilespmem:v8+s7+$0x0], $0xffff;
	v54 =	vmul.f32 $1.442695020e+00, v12  }
0x477: {  	v20 =	vld [tilespmem:s23+$0xFFFFFFE0];
	v56 =	vmul.f32 $1.442695020e+00, v14  }
0x478: {  	v23 =	vld [tilespmem:s23+$0xFFFFFFF0];
	(erf) = vpow2.f32 v54  }
0x479: {  	v7 =	vld.idx.msk [tilespmem:v7+s6+$0x0], $0xffff;
	v3 =	vsub.f32 v3, v13;
	(erf) = vpow2.f32 v56  }
0x47a: {  	v2 =	vsub.f32 v2, v15  }
0x47b: {  	v4 =	vsub.f32 v4, v55;
	v5 =	vsub.f32 v5, v57;
	v58 =	vmul.f32 $5.000000000e-01, v3  }
0x47c: {  	v8 =	vld.idx.msk [tilespmem:v8+s6+$0x0], $0xffff;
	vm7 =	vgt.f32 v20, $9.999999770e-03;
	v59 =	vmul.f32 $5.000000000e-01, v2;
	v1 =	vmul.f32 v3, v1  }
0x47d: {  	vm9 =	vgt.f32 v23, $9.999999770e-03;
	v6 =	vmul.f32 v2, v6;
	v61 =	vmul.f32 $5.000000000e-01, v4;
	v60 =	vpop (erf)  }
0x47e: {  	v7 =	vmul.f32 v4, v7;
	v10 =	vadd.f32 v59, v15;
	v2 =	vmul.f32 v2, v60;
	v62 =	vpop (erf)  }
0x47f: {  	v17 =	vmul.f32 $5.000000000e-01, v5;
	v13 =	vadd.f32 v58, v13;
	v3 =	vmul.f32 v3, v62  }
0x480: {  	v63 =	vadd.f32 v61, v55;
	v6 =	vadd.f32 v10, v6;
	v2 =	vmul.f32 $5.000000000e-01, v2  }
0x481: {  	v8 =	vmul.f32 v5, v8;
	v1 =	vadd.f32 v13, v1;
	v16 =	vpop (erf);
	v3 =	vmul.f32 $5.000000000e-01, v3  }
0x482: {  	v7 =	vadd.f32 v63, v7;
	v4 =	vmul.f32 v4, v16;
	v22 =	vpop (erf);
	v18 =	vsub.f32 v6, v2  }
0x483: {  	v5 =	vmul.f32 v5, v22;
	v19 =	vadd.f32 v1, v3;
	v1 =	vsub.f32 v1, v3  }
0x484: {  	v4 =	vmul.f32 $5.000000000e-01, v4;
	v2 =	vadd.f32 v6, v2;
	v3 =	vadd.f32 v17, v57  }
0x485: {  	v5 =	vmul.f32 $5.000000000e-01, v5;
	v10 =	vmax.f32 v19, $0.0e+00;
	v1 =	vmax.f32 v1, $0.0e+00  }
0x486: {  	v11 =	vmax.f32 v18, $0.0e+00;
	v21 =	vmin.f32 v10, $4.160000000e+02;
	v1 =	vmin.f32 v1, $4.160000000e+02  }
0x487: {  	v24 =	vsub.f32 v7, v4;
	v2 =	vmax.f32 v2, $0.0e+00;
	v25 =	vsub.f32 v21, v1  }
0x488: {  	v28 =	vld [tilespmem:s23+$0x0];
	v4 =	vadd.f32 v7, v4;
	v3 =	vadd.f32 v3, v8;
	v11 =	vmin.f32 v11, $4.160000000e+02  }
0x489: {  	v2 =	vmin.f32 v2, $4.160000000e+02;
	v26 =	vmax.f32 v24, $0.0e+00;
	vm6 =	vgt.f32 v25, $3.000000000e+00  }
0x48a: {  	v27 =	vsub.f32 v2, v11;
	v4 =	vmax.f32 v4, $0.0e+00;
	vm1 =	vmand vm7, vm6  }
0x48b: {  	v30 =	vsub.f32 v3, v5;
	v3 =	vadd.f32 v3, v5;
	v29 =	vsel vm1, $0x1, v0  }
0x48c: {  	v31 =	vmin.f32 v26, $4.160000000e+02;
	v4 =	vmin.f32 v4, $4.160000000e+02;
	vm8 =	vgt.f32 v27, $3.000000000e+00;
	(xrf0) =	vadd.scan.msk.s32 $0xffff, v29  }
0x48d: {  	v32 =	vld [tilespmem:s23+$0x10];
	vm10 =	vgt.f32 v28, $9.999999770e-03;
	v34 =	vsub.f32 v4, v31;
	vm2 =	vmand vm9, vm8  }
0x48e: {  	v33 =	vmax.f32 v30, $0.0e+00;
	v3 =	vmax.f32 v3, $0.0e+00;
	v35 =	vsel vm2, $0x1, v0  }
0x48f: {  	v13 =	vmin.f32 v33, $4.160000000e+02;
	v3 =	vmin.f32 v3, $4.160000000e+02;
	vm3 =	vgt.f32 v34, $3.000000000e+00;
	(xrf0) =	vadd.scan.msk.s32 $0xffff, v35  }
0x490: {  	v36 =	vsub.f32 v3, v13;
	vm3 =	vmand vm10, vm3  }
0x491: {  	v37 =	vsel vm3, $0x1, v0  }
0x492: {  	vm4 =	vgt.f32 v32, $9.999999770e-03;
	vm11 =	vgt.f32 v36, $3.000000000e+00;
	v38, _, _ =	vpop (xrf0);
	(xrf0) =	vadd.scan.msk.s32 $0xffff, v37  }
0x493: {  	v39 =	vmpcnt.ones.xlane vm1;
	vm0 =	vmand vm4, vm11;
	v14 =	vadd.s32 v9, v38  }
0x494: {  	v0 =	vsel vm0, $0x1, v0  }
0x495: {  	v40 =	vadd.s32 v9, v39;
	v41, _, _ =	vpop (xrf0);
	(xrf0) =	vadd.scan.msk.s32 $0xffff, v0  }
0x496: {  	v0 =	vmpcnt.ones.xlane vm2;
	v15 =	vadd.s32 v40, v41;
	_ =	sdelay $0x1  }
0x497: {  	v0 =	vadd.s32 v0, v40;
	[tilespmem:v14+s3+$0x0] =	vst.idx.msk vm1, v20;
	v42, _, _ =	vpop (xrf0)  }
0x498: {  	v43 =	vmpcnt.ones.xlane vm3;
	[tilespmem:v14+s4+$0x0] =	vst.idx.msk vm1, v1;
	v1 =	vadd.s32 v0, v42  }
0x499: {  	[tilespmem:v14+s5+$0x0] =	vst.idx.msk vm1, v21  }
0x49a: {  	v44 =	vadd.s32 v43, v0;
	v0, _, _ =	vpop (xrf0);
	[tilespmem:v15+s3+$0x0] =	vst.idx.msk vm2, v23  }
0x49b: {  	v45 =	vadd.s32 v44, v0;
	v0 =	vlaneseq.u32;
	[tilespmem:v15+s4+$0x0] =	vst.idx.msk vm2, v11  }
0x49c: {  	[tilespmem:v15+s5+$0x0] =	vst.idx.msk vm2, v2;
	v2 =	vmul.u32 $0x2, v0  }
0x49d: {  	[tilespmem:v1+s3+$0x0] =	vst.idx.msk vm3, v28  }
0x49e: {  	[tilespmem:v1+s4+$0x0] =	vst.idx.msk vm3, v31;
	v46 =	vor.u32 $0x1F01, v2  }
0x49f: {  	[tilespmem:v1+s5+$0x0] =	vst.idx.msk vm3, v4  }
0x4a0: {  	[tilespmem:v45+s3+$0x0] =	vst.idx.msk vm0, v32  }
0x4a1: {  	[tilespmem:v45+s4+$0x0] =	vst.idx.msk vm0, v13  }
0x4a2: {  	s24 =	simm.s32 $0x1000;
	[tilespmem:v45+s5+$0x0] =	vst.idx.msk vm0, v3  }
0x4a3: {  	v1 =	vld.idx.msk [tilespmem:v46+s24+$0x0], $0xffff;
	_ =	sdelay $0x1  }
0x4a4: {  	v3 =	vor.u32 $0x1F00, v2;
	_ =	sdelay $0x2  }
0x4a5: {  	v1 =	vmul.f32 $1.442695020e+00, v1  }
0x4a6: {  	s25 =	simm.s32 $0x2F80  }
0x4a7: {  	v4 =	vld.idx.msk [tilespmem:v3+s25+$0x0], $0xffff;
	(erf) = vpow2.f32 v1  }
0x4a8: {  	v1 =	vld.idx.msk [tilespmem:v46+s25+$0x0], $0xffff;
	_ =	sdelay $0x3  }
0x4a9: {  	v3 =	vld.idx.msk [tilespmem:v3+s24+$0x0], $0xffff  }
0x4aa: {  	v1 =	vsub.f32 v1, v4;
	_ =	sdelay $0x1  }
0x4ab: {  	v47 =	vmul.f32 $5.000000000e-01, v1  }
0x4ac: {  	v48 =	vpop (erf)  }
0x4ad: {  	v3 =	vmul.f32 v1, v3;
	v4 =	vadd.f32 v47, v4;
	v1 =	vmul.f32 v1, v48;
	_ =	sdelay $0x1  }
0x4ae: {  	v3 =	vadd.f32 v4, v3;
	v1 =	vmul.f32 $5.000000000e-01, v1;
	_ =	sdelay $0x1  }
0x4af: {  	v4 =	vsub.f32 v3, v1;
	v1 =	vadd.f32 v3, v1  }
0x4b0: {  	v3 =	vld [tilespmem:$0xF80]  }
0x4b1: {  	v4 =	vmax.f32 v4, $0.0e+00;
	v1 =	vmax.f32 v1, $0.0e+00  }
0x4b2: {  	v4 =	vmin.f32 v4, $4.160000000e+02;
	v49 =	vmin.f32 v1, $4.160000000e+02  }
0x4b3: {  	v1 =	vsub.f32 v49, v4;
	_ =	sdelay $0x1  }
0x4b4: {  	vm12 =	vgt.f32 v3, $9.999999770e-03;
	vm13 =	vgt.f32 v1, $3.000000000e+00  }
0x4b5: {  	v1 =	vimm.s32 $0x0;
	vm1 =	vmand vm12, vm13  }
0x4b6: {  	v50 =	vsel vm1, $0x1, v1  }
0x4b7: {  	(xrf0) =	vadd.scan.msk.s32 $0xffff, v50;
	_ =	sdelay $0x3  }
0x4b8: {  	v51 =	vmpcnt.ones.xlane vm0;
	_ =	sdelay $0x1  }
0x4b9: {  	v6 =	vadd.s32 v51, v44;
	v52, _, _ =	vpop (xrf0)  }
0x4ba: {  	v7 =	vadd.s32 v6, v52;
	_ =	sdelay $0x2  }
0x4bb: {  	v53 =	vor.u32 $0x1F21, v2  }
0x4bc: {  	s3 =	simm.s32 $0x9E00  }
0x4bd: {  	s4 =	simm.s32 $0xEC80;
	[tilespmem:v7+s3+$0x0] =	vst.idx.msk vm1, v3  }
0x4be: {  	s5 =	simm.s32 $0x13B00;
	[tilespmem:v7+s4+$0x0] =	vst.idx.msk vm1, v4  }
0x4bf: {  	[tilespmem:v7+s5+$0x0] =	vst.idx.msk vm1, v49  }
0x4c0: {  	v3 =	vld.idx.msk [tilespmem:v53+s24+$0x0], $0xffff;
	_ =	sdelay $0x1  }
0x4c1: {  	v2 =	vor.u32 $0x1F20, v2;
	_ =	sdelay $0x2  }
0x4c2: {  	v3 =	vmul.f32 $1.442695020e+00, v3;
	_ =	sdelay $0x1  }
0x4c3: {  	v4 =	vld.idx.msk [tilespmem:v2+s25+$0x0], $0xffff;
	(erf) = vpow2.f32 v3  }
0x4c4: {  	v3 =	vld.idx.msk [tilespmem:v53+s25+$0x0], $0xffff;
	_ =	sdelay $0x3  }
0x4c5: {  	v2 =	vld.idx.msk [tilespmem:v2+s24+$0x0], $0xffff  }
0x4c6: {  	v3 =	vsub.f32 v3, v4;
	_ =	sdelay $0x1  }
0x4c7: {  	v54 =	vmul.f32 $5.000000000e-01, v3  }
0x4c8: {  	v55 =	vpop (erf)  }
0x4c9: {  	v2 =	vmul.f32 v3, v2;
	v4 =	vadd.f32 v54, v4;
	v3 =	vmul.f32 v3, v55;
	_ =	sdelay $0x1  }
0x4ca: {  	v2 =	vadd.f32 v4, v2;
	v3 =	vmul.f32 $5.000000000e-01, v3;
	_ =	sdelay $0x1  }
0x4cb: {  	v4 =	vsub.f32 v2, v3;
	v2 =	vadd.f32 v2, v3  }
0x4cc: {  	v3 =	vld [tilespmem:$0xF90]  }
0x4cd: {  	v4 =	vmax.f32 v4, $0.0e+00;
	v2 =	vmax.f32 v2, $0.0e+00  }
0x4ce: {  	v4 =	vmin.f32 v4, $4.160000000e+02;
	v2 =	vmin.f32 v2, $4.160000000e+02  }
0x4cf: {  	v56 =	vsub.f32 v2, v4;
	_ =	sdelay $0x1  }
0x4d0: {  	vm14 =	vgt.f32 v3, $9.999999770e-03;
	vm15 =	vgt.f32 v56, $3.000000000e+00  }
0x4d1: {  	v57 =	vmpcnt.ones.xlane vm1;
	vm0 =	vmand vm14, vm15  }
0x4d2: {  	v58 =	vmpcnt.ones.xlane vm0  }
0x4d3: {  	v5 =	vadd.s32 v6, v57  }
0x4d4: {  	v59 =	vsel vm0, $0x1, v1;
	v7 =	vadd.s32 v5, v58  }
0x4d5: {  	(xrf0) =	vadd.scan.msk.s32 $0xffff, v59;
	v60 =	vxor.u32 $0x80000000, v7  }
0x4d6: {  	(xrf0) =	vmax.scan.msk.u32 $0xffff, v60;
	_ =	sdelay $0x4  }
0x4d7: {  	v61, _, _ =	vpop (xrf0)  }
0x4d8: {  	v62, _, _ =	vpop (xrf0)  }
0x4d9: {  	(v2sf) =	vpush v62, $0xF;
	_ =	sdelay $0xe  }
0x4da: {  	v5 =	vadd.s32 v5, v61;
	s26 =	spop (v2sf)  }
0x4db: {  	s28 =	sadd.s32 $0x80000001, s26  }
0x4dc: {  	s29 =	sadd.s32 $0x80000010, s26;
	s6 =	sand.u32 $0xF, s26  }
0x4dd: {  	s30 =	sshra.s32 s29, $0x1F;
	p0 =	slt.s32 s29, $0x1;
	p1 =	sne.s32 s6, $0x0;
	v63 =	vadd.s32 s28, v0  }
.Ltmp5:
0x4de: {  	s31 =	sshrl.u32 s30, $0x1C;
	p0 =	por !p0, !p1;
	(pc) =	sbr.rel .LBB2_11-.Ltmp5, $4  }
0x4df: {  	s7 =	simm.s32 $0x1;
	[tilespmem:v5+s3+$0x0] =	vst.idx.msk vm0, v3;
	s6 =	sadd.s32 s31, s29;
	p0 =	por !p0, !p0  }
0x4e0: {  	s9 =	simm.s32 $0xFFFFFFFF;
	[tilespmem:v5+s4+$0x0] =	vst.idx.msk vm0, v4;
	s6 =	sshra.s32 s6, $0x4;
	s7 =	simm.s32 @!p0 $0x0  }
0x4e1: {  	s11 =	simm.f32 $0.0e+00;
	s10 =	simm.f32 $0.0e+00;
	[tilespmem:v5+s5+$0x0] =	vst.idx.msk vm0, v2;
	v2 =	vimm.f32 $-1.000000000e+00;
	s6 =	ssub.s32 s6, s7  }
0x4e2: {  	s8 =	simm.s32 $0x0;
	s7 =	simm.s32 $0x0;
	[tilespmem:v63+s3+$0x0] =	vst.idx.msk $0xffff, v2;
	p0 =	slt.s32 s6, $0x1  }
.LBB2_20:
0x4e3: {  	v3 =	vimm.s32 $0x80000000;
	v4 =	vimm.f32 $-1.000000000e+00  }
.LBB2_18:
0x4e4: {  	(xrf0) =	vmax.scan.msk.f32 $0xffff, v4;
	_ =	sdelay $0x5  }
0x4e5: {  	v5, _, _ =	vpop (xrf0)  }
0x4e6: {  	v6 =	vbroadcast v5, $0xF;
	_ =	sdelay $0x1  }
0x4e7: {  	vm0 =	veq.f32 v4, v6  }
0x4e8: {  	v3 =	vnsel vm0, $0xC0000000, v3  }
0x4e9: {  	(xrf0) =	vmin.scan.msk.u32 $0xffff, v3;
	_ =	sdelay $0x5  }
0x4ea: {  	(v2sf) =	vpush v5, $0xF;
	v3, _, _ =	vpop (xrf0)  }
0x4eb: {  	(v2sf) =	vpush v3, $0xF;
	_ =	sdelay $0xd  }
0x4ec: {  	s9 =	spop (v2sf)  }
0x4ed: {  	p1 =	sgt.f32 s9, $0.0e+00;
	s10 =	spop (v2sf)  }
0x4ee: {  	s9 =	sxor.u32 $0x80000000, s10  }
0x4ef: {  	v3 =	vmov @p1 s9;
	_ =	sdelay $0x3  }
0x4f0: {  	s10 =	simm.s32 @p1 $0xEC80  }
0x4f1: {  	v4 =	vld.idx.msk @p1 [tilespmem:v3+s10+$0x0], $0xffff;
	s10 =	simm.s32 @p1 $0x13B00  }
0x4f2: {  	v5 =	vld.idx.msk @p1 [tilespmem:v3+s10+$0x0], $0xffff;
	_ =	sdelay $0x3  }
0x4f3: {  	(xrf0) =	vmax.scan.msk.f32 @p1 $0xffff, v4  }
0x4f4: {  	(xrf0) =	vmax.scan.msk.f32 @p1 $0xffff, v5;
	_ =	sdelay $0x4  }
0x4f5: {  	v6, _, _ =	vpop @p1 (xrf0)  }
0x4f6: {  	(v2sf) =	vpush @p1 v6, $0xF;
	v6, _, _ =	vpop @p1 (xrf0)  }
0x4f7: {  	(v2sf) =	vpush @p1 v6, $0xF;
	_ =	sdelay $0x7  }
0x4f8: {  	s10 =	simm.s32 @p1 $0x9E00  }
0x4f9: {  	v3 =	vld.idx.msk @p1 [tilespmem:v3+s10+$0x0], $0xffff;
	s10 =	smul.u32 @p1 $0x3, s8  }
0x4fa: {  	s8 =	sadd.s32 $0x1, s8;
	v6 =	vlaneseq.u32 @p1  }
0x4fb: {  	p2 =	sne.s32 s8, $0xA;
	v6 =	vadd.s32 @p1 s10, v6  }
.Ltmp6:
0x4fc: {  	_ = 	snop;
	(pc) =	sbr.rel @!p2 .LBB2_19-.Ltmp6, $4  }
0x4fd: {  	vm0 =	vcmask @p1 $0x3F08  }
0x4fe: {  	v3 =	vsel @p1 vm0, v3, v5;
	vm0 =	vmmov @p1 $0x1;
	s10 =	spop @p1 (v2sf)  }
0x4ff: {  	s12 =	simm.s32 @p1 $0x18980;
	v3 =	vsel @p1 vm0, v4, v3;
	s11 =	spop @p1 (v2sf)  }
0x500: {  	s9 =	simm.s32 @!p1 $0xFFFFFFFF;
	[tilespmem:v6+s12+$0x0] =	vst.idx.msk @p1 $0x7, v3;
	s10 =	simm.f32 @!p1 $0.0e+00;
	s11 =	simm.f32 @!p1 $0.0e+00  }
.LBB2_11:
.Ltmp7:
0x501: {  	(pc) =	sbr.rel @p0 .LBB2_20-.Ltmp7, $1  }
0x502: {  	_ =	sdelay $0x3  }
0x503: {  	p2 =	sne.s32 s6, $0x1  }
.Ltmp8:
0x504: {  	_ = 	snop;
	(pc) =	sbr.rel @!p2 .LBB2_13-.Ltmp8, $3  }
0x505: {  	_ =	sdelay $0x1  }
0x506: {  	v4 =	vmov s10  }
0x507: {  	v3 =	vmov s9;
	v6 =	vmov s11;
	v9 =	vld [tilespmem:s5+$0x0];
	s9 =	sadd.s32 $0xFFFFFFFF, s6;
	p1 =	por $0x0, $0x0;
	v5 =	vsub.f32 s11, v4  }
0x508: {  	v7 =	vld [tilespmem:s4+$0x0];
	_ =	sdelay $0x4  }
0x509: {  	v8 =	vmin.f32 v6, v9;
	v10 =	vmax.f32 v4, v7;
	v7 =	vsub.f32 v9, v7  }
0x50a: {  	v8 =	vsub.f32 v8, v10  }
0x50b: {  	v7 =	vadd.f32 v7, v5  }
0x50c: {  	v8 =	vmax.f32 v8, $0.0e+00  }
0x50d: {  	v7 =	vsub.f32 v7, v8;
	_ =	sdelay $0x1  }
0x50e: {  	v7 =	vmax.f32 v7, $9.999999960e-13  }
0x50f: {  	(erf) = vrcp.f32 v7;
	_ =	sdelay $0x8  }
0x510: {  	v7 =	vld [tilespmem:s3+$0x0];
	v9 =	vpop (erf)  }
0x511: {  	v8 =	vmul.f32 v9, v8  }
0x512: {  	p2 =	sne.s32 s9, $0x1;
	v10 =	vor.u32 s7, v0  }
.Ltmp9:
0x513: {  	vm1 =	veq.s32 v10, v3;
	vm0 =	vgt.f32 v8, $5.000000000e-01;
	(pc) =	sbr.rel @!p2 .LBB2_15-.Ltmp9, $4  }
0x514: {  	vm0 =	vmor vm1, vm0  }
0x515: {  	v7 =	vsel vm0, $0xBF800000, v7  }
0x516: {  	s12 =	simm.s32 $0x13B10;
	s13 =	sadd.s32 $0xFFFFFFFF, s9;
	s11 =	simm.s32 $0xEC90;
	[tilespmem:s3+$0x0] =	vst v7;
	vm0 =	vgt.f32 v7, v2  }
0x517: {  	p1 =	por $0x1, $0x1;
	s10 =	simm.s32 $0x9E00;
	s9 =	simm.s32 $0x0;
	v9 =	vld [tilespmem:s12+$0x0];
	v7 =	vsel vm0, v7, v2;
	v8 =	vsel vm0, v10, v1  }
.LBB2_16:
0x518: {  	p2 =	sne.s32 s13, $0x1;
	v10 =	vld [tilespmem:s11+$0x0];
	_ =	sdelay $0x4  }
0x519: {  	v11 =	vmin.f32 v6, v9;
	v12 =	vmax.f32 v4, v10;
	v9 =	vsub.f32 v9, v10  }
0x51a: {  	v10 =	vsub.f32 v11, v12  }
0x51b: {  	v9 =	vadd.f32 v9, v5  }
0x51c: {  	v10 =	vmax.f32 v10, $0.0e+00  }
0x51d: {  	v9 =	vsub.f32 v9, v10;
	_ =	sdelay $0x1  }
0x51e: {  	v9 =	vmax.f32 v9, $9.999999960e-13  }
0x51f: {  	(erf) = vrcp.f32 v9;
	_ =	sdelay $0x7  }
0x520: {  	s10 =	sadd.s32 $0x10, s10  }
0x521: {  	v9 =	vld [tilespmem:s10+$0x0];
	v11 =	vpop (erf)  }
0x522: {  	s9 =	sadd.s32 $0x10, s9;
	v10 =	vmul.f32 v11, v10  }
0x523: {  	v11 =	vor.u32 s9, v0  }
.Ltmp10:
0x524: {  	vm1 =	veq.s32 v11, v3;
	vm0 =	vgt.f32 v10, $5.000000000e-01;
	(pc) =	sbr.rel @p2 .LBB2_16-.Ltmp10, $4  }
0x525: {  	vm0 =	vmor vm1, vm0  }
0x526: {  	v10 =	vsel vm0, $0xBF800000, v9  }
0x527: {  	s12 =	sadd.s32 $0x10, s12;
	[tilespmem:s10+$0x0] =	vst v10;
	vm0 =	vgt.f32 v10, v7  }
0x528: {  	s13 =	sadd.s32 $0xFFFFFFFF, s13;
	s11 =	sadd.s32 $0x10, s11;
	v9 =	vld [tilespmem:s12+$0x0];
	v7 =	vsel vm0, v10, v7;
	v8 =	vsel vm0, v11, v8  }
.LBB2_17:
0x529: {  	v10 =	vld [tilespmem:s11+$0x0];
	_ =	sdelay $0x4  }
0x52a: {  	v6 =	vmin.f32 v6, v9;
	v4 =	vmax.f32 v4, v10;
	v63 =	vsub.f32 v9, v10  }
0x52b: {  	v4 =	vsub.f32 v6, v4  }
0x52c: {  	v5 =	vadd.f32 v63, v5  }
0x52d: {  	v4 =	vmax.f32 v4, $0.0e+00  }
0x52e: {  	v5 =	vsub.f32 v5, v4;
	_ =	sdelay $0x1  }
0x52f: {  	v5 =	vmax.f32 v5, $9.999999960e-13  }
0x530: {  	(erf) = vrcp.f32 v5;
	_ =	sdelay $0x6  }
0x531: {  	s10 =	sadd.s32 @p1 $0x10, s10;
	s11 =	simm.s32 $0x9E00  }
0x532: {  	s11 =	smov.u32 @p1 s10  }
0x533: {  	s9 =	sadd.s32 @p1 $0x10, s9;
	s10 =	simm.s32 $0x0;
	v5 =	vld [tilespmem:s11+$0x0];
	v6 =	vpop (erf)  }
0x534: {  	s10 =	smov.u32 @p1 s9;
	v4 =	vmul.f32 v6, v4  }
0x535: {  	v6 =	vor.u32 s10, v0  }
0x536: {  	vm1 =	veq.s32 v6, v3;
	vm0 =	vgt.f32 v4, $5.000000000e-01  }
.Ltmp11:
0x537: {  	vm0 =	vmor vm1, vm0;
	(pc) =	sbr.rel .LBB2_18-.Ltmp11, $4  }
0x538: {  	v3 =	vsel vm0, $0xBF800000, v5  }
0x539: {  	vm0 =	vgt.f32 v3, v7  }
0x53a: {  	v5 =	vsel vm0, v6, v8  }
0x53b: {  	[tilespmem:s11+$0x0] =	vst v3;
	v4 =	vsel vm0, v3, v7;
	v3 =	vxor.u32 $0x80000000, v5  }
.LBB2_13:
.Ltmp12:
0x53c: {  	(pc) =	sbr.rel .LBB2_17-.Ltmp12, $2  }
0x53d: {  	_ =	sdelay $0x2  }
0x53e: {  	s11 =	simm.s32 $0xEC80;
	s10 =	simm.s32 $0x9E00;
	s9 =	simm.s32 $0x0;
	v7 =	vimm.f32 $-1.000000000e+00;
	v8 =	vimm.s32 $0x0  }
.LBB2_15:
.Ltmp13:
0x53f: {  	(pc) =	sbr.rel .LBB2_17-.Ltmp13, $2  }
0x540: {  	_ =	sdelay $0x2  }
0x541: {  	s10 =	simm.s32 $0x9E00;
	s9 =	simm.s32 $0x0  }
.LBB2_19:
0x542: {  	s3 =	sshll.u32 s1, $0x2;
	s30 =	simm.s32 $0x0  }
0x543: {  	s4 =	simm.s32 $0x18980;
	s31 =	simm.s32 $0x3;
	s2 =	sadd.s32 s2, s3  }
0x544: {  	[hbm4b:s2+s30] =	stream.linear.scatter [tilespmem:s4], [sflag:$0x3], $0x20, $0x38;
	[tilespmem:$0x18A00] =	vst v63  }
0x545: {  	_ =	swait.ge [sflag:s31], $0x20  }
0x546: {  	[sflag:s31] =	ssyncset.done $0x0  }
0x547: {  	[sflag:s31] =	ssyncadd.s32 $0xFFFFFFE0  }
0x548: {  	_ =	sfence.sel $0x180000  }
0x549: {  	[bflag:$0x0] =	sbarrier.arrive $0xFFFF  }
0x54a: {  	p0 =	sne.s32 s1, $0x0;
	_ =	strace $0x90000047  }
0x54b: {  	s0 =	sadd.s32 @!p0 $0x100000, s0;
	[bflag:$0x2] =	sbarrier.arrive $0xFFFF  }
0x54c: {  	[sflag:s0] =	ssyncadd.tile.s32 @!p0 $0x1;
	_ =	shalt  }
.Lfunc_end2:
_tile_overlayer_lowered:
.L_overlay_start_2:
0x54d: {  	(tag) =	ssettag $0x2  }
0x54e: {  	s0 =	rddreg [dreg:$0x0];
	s2 =	stileid.u32  }
0x54f: {  	s1 =	rddreg [dreg:$0x1];
	p0 =	sne.s32 s2, $0x0  }
0x550: {  	s3 =	rddreg [dreg:$0x2];
	[bflag:$0x3] =	sbarrier.arrive $0xFFFF;
	s2 =	simm.s32 @!p0 $0x1C03  }
0x551: {  	[timem:s3], [sflag:s2] =	dma.local @!p0 [hbm:s0], s1  }
0x552: {  	s0 =	simm.s32 @!p0 $0x3  }
0x553: {  	_ =	swait.ge @!p0 [sflag:s0], s1  }
0x554: {  	s1 =	ssub.s32 @!p0 $0x0, s1;
	[sflag:s0] =	ssyncset.done @!p0 $0x0  }
0x555: {  	[sflag:s0] =	ssyncadd.s32 @!p0 s1  }
0x556: {  	[bflag:$0x3] =	sbarrier.arrive $0xFFFF  }
0x557: {  	_ =	shalt  }

</sc_bundles>
